<compile_context>
chip_gen: v7x
topology: tpu7x:2x2x1
jax: 0.10.2.dev20260603
libtpu: 0.0.44.dev20260713+nightly
codegen_flags: <defaults>
</compile_context>

<pallas_src>
import functools

import jax
import jax.numpy as jnp
from jax import lax
from jax.experimental import pallas as pl
from jax.experimental.pallas import tpu as pltpu
from jax.experimental.pallas import tpu_sc as plsc

D = 64
B = 4096
L = 50
NC = 2
NS = 16
NW = NC * NS
BPW = B // NW
NCH = BPW * L // 128
RPI = 8
NBUF = 4


def _body(ids_hbm, table_hbm, pat_hbm, out_hbm,
          idx_v, trx_v, buf0, buf1, buf2, buf3, obuf, zbuf, acc_sh,
          g0, g1, g2, g3, s0, s1, s2, s3):
    cid = lax.axis_index("c")
    sid = lax.axis_index("s")
    wid = sid * NC + cid

    pltpu.sync_copy(ids_hbm.at[pl.ds(wid * NCH, NCH)], idx_v)

    bufs = (buf0, buf1, buf2, buf3)
    gsems = (g0, g1, g2, g3)
    ssems = (s0, s1, s2, s3)
    copies = [
        pltpu.async_copy(table_hbm.at[idx_v.at[j]], bufs[j], gsems[j])
        for j in range(NBUF)
    ]

    pltpu.sync_copy(pat_hbm, trx_v)
    base = sid * BPW

    def off_loop(j, carry):
        for c in range(128 // 16):
            sl = pl.ds(c * 16, 16)
            trx_v[j, sl] = trx_v[j, sl] + base
        return carry

    lax.fori_loop(0, NCH, off_loop, None)

    def zero_loop(i, carry):
        r0 = i * RPI
        z = jnp.zeros((16,), jnp.float32)
        for dr in range(RPI):
            for j in range(D // 16):
                zbuf[r0 + dr, pl.ds(j * 16, 16)] = z
        return carry

    lax.fori_loop(0, BPW // RPI, zero_loop, None)
    pltpu.sync_copy(zbuf, acc_sh.at[pl.ds(base, BPW)])

    scats = [None] * NBUF
    for j in range(NCH):
        b = j % NBUF
        copies[b].wait()
        if j >= 1 and j - 1 + NBUF < NCH:
            pb = (j - 1) % NBUF
            scats[pb].wait()
            scats[pb] = None
            copies[pb] = pltpu.async_copy(
                table_hbm.at[idx_v.at[j - 1 + NBUF]], bufs[pb], gsems[pb])
        scats[b] = pltpu.async_copy(
            bufs[b], acc_sh.at[trx_v.at[j]], ssems[b], add=True)
    for b in range(NBUF):
        if scats[b] is not None:
            scats[b].wait()

    pltpu.sync_copy(acc_sh.at[pl.ds(base, BPW)], zbuf)
    inv = jnp.float32(1.0 / L)

    def scale_loop(i, carry):
        r0 = i * RPI
        z = jnp.zeros((16,), jnp.float32)
        for dr in range(RPI):
            for j in range(D // 16):
                sl = pl.ds(j * 16, 16)
                obuf[r0 + dr, sl] = zbuf[r0 + dr, sl] * inv
                obuf[r0 + dr, pl.ds(D + j * 16, 16)] = z
        return carry

    lax.fori_loop(0, BPW // RPI, scale_loop, None)

    pltpu.sync_copy(obuf, out_hbm.at[pl.ds(wid * BPW, BPW), :])


@jax.jit
def kernel(input_ids, table):
    ids = input_ids.astype(jnp.int32).reshape(B * L // 128, 128)
    pat = (jnp.arange(BPW * L, dtype=jnp.int32) // L).reshape(NCH, 128)
    mesh = plsc.VectorSubcoreMesh(core_axis_name="c", subcore_axis_name="s")
    k = functools.partial(
        pl.kernel,
        mesh=mesh,
        out_type=jax.ShapeDtypeStruct((B, 128), jnp.float32),
        scratch_types=[
            pltpu.VMEM((NCH, 128), jnp.int32),
            pltpu.VMEM((NCH, 128), jnp.int32),
            pltpu.VMEM((BPW, D), jnp.float32),
            pltpu.VMEM((BPW, D), jnp.float32),
            pltpu.VMEM((BPW, D), jnp.float32),
            pltpu.VMEM((BPW, D), jnp.float32),
            pltpu.VMEM((BPW, 128), jnp.float32),
            pltpu.VMEM((BPW, D), jnp.float32),
            pltpu.VMEM_SHARED((NS * BPW, D), jnp.float32),
        ] + [pltpu.SemaphoreType.DMA] * (2 * NBUF),
        compiler_params=pltpu.CompilerParams(use_tc_tiling_on_sc=False),
    )(_body)
    return k(ids, table, pat)[:, :D]

# --- scband reference (transcript-rebuilt; emitter-appended) ---
"""Pipeline reference for scband-related-embeddings-9904194584811 (READ-ONLY COPY).

The authoritative reference and input builder live on the scoring server;
editing this copy changes nothing except your own understanding.
"""

import jax, jax.numpy as jnp
import numpy as np

VOCAB = 100000
EMBED_DIM = 64
BATCH = 4096
HIST_LEN = 50

def setup_inputs(seed: int = 0) -> dict:
    key = jax.random.key(seed)
    k1, k2 = jax.random.split(key)
    input_ids = jax.random.randint(k1, (BATCH, HIST_LEN), 0, VOCAB, dtype=jnp.int64 if jax.config.jax_enable_x64 else jnp.int32)
    table = jax.random.normal(k2, (VOCAB, EMBED_DIM), dtype=jnp.float32)
    return {"input_ids": input_ids, "table": table}

def reference(input_ids, table):
    # Embedding lookup: gather rows of the relatedness table, then mean over the sequence dim
    emb = jnp.take(table, input_ids, axis=0)  # [B, L, D]
    relatedness = jnp.mean(emb, axis=1)       # [B, D]
    return relatedness

if __name__ == "__main__":
    import jax
    _d = setup_inputs()
    print(jax.jit(kernel)(*tuple(_d.values())))

</pallas_src>

<mosaic_0001>
#map = affine_map<(d0, d1) -> (0, 0)>
module attributes {stable_mosaic.version = 14 : i64} {
  func.func @_body(%arg0: i32, %arg1: i32, %arg2: memref<1600x128xi32, #tpu.memory_space<hbm>>, %arg3: memref<100000x64xf32, #tpu.memory_space<hbm>>, %arg4: memref<50x128xi32, #tpu.memory_space<hbm>>, %arg5: memref<4096x128xf32, #tpu.memory_space<hbm>>, %arg6: memref<50x128xi32, #tpu.memory_space<vmem>>, %arg7: memref<50x128xi32, #tpu.memory_space<vmem>>, %arg8: memref<128x64xf32, #tpu.memory_space<vmem>>, %arg9: memref<128x64xf32, #tpu.memory_space<vmem>>, %arg10: memref<128x64xf32, #tpu.memory_space<vmem>>, %arg11: memref<128x64xf32, #tpu.memory_space<vmem>>, %arg12: memref<128x128xf32, #tpu.memory_space<vmem>>, %arg13: memref<128x64xf32, #tpu.memory_space<vmem>>, %arg14: memref<2048x64xf32, #tpu.memory_space<vmem_shared>>, %arg15: memref<!tpu.dma_semaphore, #tpu.memory_space<semaphore_mem>>, %arg16: memref<!tpu.dma_semaphore, #tpu.memory_space<semaphore_mem>>, %arg17: memref<!tpu.dma_semaphore, #tpu.memory_space<semaphore_mem>>, %arg18: memref<!tpu.dma_semaphore, #tpu.memory_space<semaphore_mem>>, %arg19: memref<!tpu.dma_semaphore, #tpu.memory_space<semaphore_mem>>, %arg20: memref<!tpu.dma_semaphore, #tpu.memory_space<semaphore_mem>>, %arg21: memref<!tpu.dma_semaphore, #tpu.memory_space<semaphore_mem>>, %arg22: memref<!tpu.dma_semaphore, #tpu.memory_space<semaphore_mem>>) attributes {dimension_semantics = [#tpu.dimension_semantics<core_parallel>, #tpu.dimension_semantics<subcore_parallel>], iteration_bounds = array<i64: 2, 16>, scalar_prefetch = 0 : i64, scratch_operands = 17 : i64, tpu.core_type = #tpu.core_type<sc_vector_subcore>, window_params = [{transform_indices = #map}, {transform_indices = #map}, {transform_indices = #map}, {transform_indices = #map}]} {
    %mul3A = arith.constant 2 : i32
    %mul3A_0 = arith.muli %arg1, %mul3A : i32
    %add3A = arith.addi %mul3A_0, %arg0 : i32
    %mul3A_1 = arith.constant 50 : i32
    %mul3A_2 = arith.muli %add3A, %mul3A_1 : i32
    "tpu.region"() ({
      %run_scoped3A = tpu.sem_alloc : memref<!tpu.dma_semaphore, #tpu.memory_space<semaphore_mem>>
      %dma_start3A_1420 = arith.constant 0 : i32
      %dma_start3A_1421 = tpu.memref_slice %arg2[%mul3A_2, %dma_start3A_1420] : memref<1600x128xi32, #tpu.memory_space<hbm>> -> memref<50x128xi32, #tpu.memory_space<hbm>>
      %dma_start3A_1422 = arith.constant 0 : i32
      %dma_start3A_1423 = tpu.memref_slice %arg2[%mul3A_2, %dma_start3A_1422] : memref<1600x128xi32, #tpu.memory_space<hbm>> -> memref<50x128xi32, #tpu.memory_space<hbm>>
      tpu.enqueue_dma source(%dma_start3A_1423 : memref<50x128xi32, #tpu.memory_space<hbm>>) target(%arg6 : memref<50x128xi32, #tpu.memory_space<vmem>>) target_semaphore(%run_scoped3A : memref<!tpu.dma_semaphore, #tpu.memory_space<semaphore_mem>>)
      %dma_wait3A_1424 = arith.constant 0 : i32
      %dma_wait3A_1425 = tpu.memref_slice %arg2[%mul3A_2, %dma_wait3A_1424] : memref<1600x128xi32, #tpu.memory_space<hbm>> -> memref<50x128xi32, #tpu.memory_space<hbm>>
      %dma_wait3A_1426 = arith.constant 0 : i32
      %dma_wait3A_1427 = tpu.memref_slice %arg2[%mul3A_2, %dma_wait3A_1426] : memref<1600x128xi32, #tpu.memory_space<hbm>> -> memref<50x128xi32, #tpu.memory_space<hbm>>
      tpu.wait_dma2 semaphore(%run_scoped3A : memref<!tpu.dma_semaphore, #tpu.memory_space<semaphore_mem>>) src(%dma_wait3A_1427 : memref<50x128xi32, #tpu.memory_space<hbm>>) dst(%arg6 : memref<50x128xi32, #tpu.memory_space<vmem>>)
      tpu.yield
    }) : () -> ()
    %dma_start3A = arith.constant 0 : i32
    %dma_start3A_3 = arith.constant 0 : i32
    %dma_start3A_4 = tpu.memref_slice %arg6[%dma_start3A, %dma_start3A_3] : memref<50x128xi32, #tpu.memory_space<vmem>> -> memref<1x128xi32, #tpu.memory_space<vmem>>
    %dma_start3A_5 = tpu.memref_squeeze %dma_start3A_4 : memref<1x128xi32, #tpu.memory_space<vmem>> -> memref<128xi32, #tpu.memory_space<vmem>>
    %dma_start3A_6 = arith.constant 0 : i32
    %dma_start3A_7 = arith.constant 0 : i32
    %dma_start3A_8 = tpu.memref_slice %arg3[%dma_start3A_6, %dma_start3A_7] : memref<100000x64xf32, #tpu.memory_space<hbm>> -> memref<100000x64xf32, #tpu.memory_space<hbm>>
    tpu.enqueue_indirect_dma source(%dma_start3A_8 : memref<100000x64xf32, #tpu.memory_space<hbm>>) target(%arg8 : memref<128x64xf32, #tpu.memory_space<vmem>>) offsets(%dma_start3A_5 : memref<128xi32, #tpu.memory_space<vmem>>) semaphore(%arg15 : memref<!tpu.dma_semaphore, #tpu.memory_space<semaphore_mem>>)
    %dma_start3A_9 = arith.constant 1 : i32
    %dma_start3A_10 = arith.constant 0 : i32
    %dma_start3A_11 = tpu.memref_slice %arg6[%dma_start3A_9, %dma_start3A_10] : memref<50x128xi32, #tpu.memory_space<vmem>> -> memref<1x128xi32, #tpu.memory_space<vmem>>
    %dma_start3A_12 = tpu.memref_squeeze %dma_start3A_11 : memref<1x128xi32, #tpu.memory_space<vmem>> -> memref<128xi32, #tpu.memory_space<vmem>>
    %dma_start3A_13 = arith.constant 0 : i32
    %dma_start3A_14 = arith.constant 0 : i32
    %dma_start3A_15 = tpu.memref_slice %arg3[%dma_start3A_13, %dma_start3A_14] : memref<100000x64xf32, #tpu.memory_space<hbm>> -> memref<100000x64xf32, #tpu.memory_space<hbm>>
    tpu.enqueue_indirect_dma source(%dma_start3A_15 : memref<100000x64xf32, #tpu.memory_space<hbm>>) target(%arg9 : memref<128x64xf32, #tpu.memory_space<vmem>>) offsets(%dma_start3A_12 : memref<128xi32, #tpu.memory_space<vmem>>) semaphore(%arg16 : memref<!tpu.dma_semaphore, #tpu.memory_space<semaphore_mem>>)
    %dma_start3A_16 = arith.constant 2 : i32
    %dma_start3A_17 = arith.constant 0 : i32
    %dma_start3A_18 = tpu.memref_slice %arg6[%dma_start3A_16, %dma_start3A_17] : memref<50x128xi32, #tpu.memory_space<vmem>> -> memref<1x128xi32, #tpu.memory_space<vmem>>
    %dma_start3A_19 = tpu.memref_squeeze %dma_start3A_18 : memref<1x128xi32, #tpu.memory_space<vmem>> -> memref<128xi32, #tpu.memory_space<vmem>>
    %dma_start3A_20 = arith.constant 0 : i32
    %dma_start3A_21 = arith.constant 0 : i32
    %dma_start3A_22 = tpu.memref_slice %arg3[%dma_start3A_20, %dma_start3A_21] : memref<100000x64xf32, #tpu.memory_space<hbm>> -> memref<100000x64xf32, #tpu.memory_space<hbm>>
    tpu.enqueue_indirect_dma source(%dma_start3A_22 : memref<100000x64xf32, #tpu.memory_space<hbm>>) target(%arg10 : memref<128x64xf32, #tpu.memory_space<vmem>>) offsets(%dma_start3A_19 : memref<128xi32, #tpu.memory_space<vmem>>) semaphore(%arg17 : memref<!tpu.dma_semaphore, #tpu.memory_space<semaphore_mem>>)
    %dma_start3A_23 = arith.constant 3 : i32
    %dma_start3A_24 = arith.constant 0 : i32
    %dma_start3A_25 = tpu.memref_slice %arg6[%dma_start3A_23, %dma_start3A_24] : memref<50x128xi32, #tpu.memory_space<vmem>> -> memref<1x128xi32, #tpu.memory_space<vmem>>
    %dma_start3A_26 = tpu.memref_squeeze %dma_start3A_25 : memref<1x128xi32, #tpu.memory_space<vmem>> -> memref<128xi32, #tpu.memory_space<vmem>>
    %dma_start3A_27 = arith.constant 0 : i32
    %dma_start3A_28 = arith.constant 0 : i32
    %dma_start3A_29 = tpu.memref_slice %arg3[%dma_start3A_27, %dma_start3A_28] : memref<100000x64xf32, #tpu.memory_space<hbm>> -> memref<100000x64xf32, #tpu.memory_space<hbm>>
    tpu.enqueue_indirect_dma source(%dma_start3A_29 : memref<100000x64xf32, #tpu.memory_space<hbm>>) target(%arg11 : memref<128x64xf32, #tpu.memory_space<vmem>>) offsets(%dma_start3A_26 : memref<128xi32, #tpu.memory_space<vmem>>) semaphore(%arg18 : memref<!tpu.dma_semaphore, #tpu.memory_space<semaphore_mem>>)
    "tpu.region"() ({
      %run_scoped3A = tpu.sem_alloc : memref<!tpu.dma_semaphore, #tpu.memory_space<semaphore_mem>>
      tpu.enqueue_dma source(%arg4 : memref<50x128xi32, #tpu.memory_space<hbm>>) target(%arg7 : memref<50x128xi32, #tpu.memory_space<vmem>>) target_semaphore(%run_scoped3A : memref<!tpu.dma_semaphore, #tpu.memory_space<semaphore_mem>>)
      tpu.wait_dma2 semaphore(%run_scoped3A : memref<!tpu.dma_semaphore, #tpu.memory_space<semaphore_mem>>) src(%arg4 : memref<50x128xi32, #tpu.memory_space<hbm>>) dst(%arg7 : memref<50x128xi32, #tpu.memory_space<vmem>>)
      tpu.yield
    }) : () -> ()
    %mul3A_30 = arith.constant 128 : i32
    %mul3A_31 = arith.muli %arg1, %mul3A_30 : i32
    %scan3A = arith.constant 0 : i32
    %scan3A_32 = arith.constant 50 : i32
    %scan3A_33 = arith.addi %scan3A, %scan3A_32 : i32
    %scan3A_34 = arith.constant 1 : i32
    scf.for %scan3A_1420 = %scan3A to %scan3A_33 step %scan3A_34  : i32 {
      %get3A = arith.index_cast %scan3A_1420 : i32 to index
      %get3A_1421 = arith.constant 0 : index
      %get3A_1422 = tpu.vector_load %arg7[%get3A, %get3A_1421] {strides = array<i32>} : memref<50x128xi32, #tpu.memory_space<vmem>>, vector<1x16xi32>,
      %get3A_1423 = vector.shape_cast %get3A_1422 : vector<1x16xi32> to vector<16xi32>
      %add3A_1424 = vector.broadcast %mul3A_31 : i32 to vector<16xi32>
      %add3A_1425 = arith.addi %get3A_1423, %add3A_1424 : vector<16xi32>
      %swap3A = arith.index_cast %scan3A_1420 : i32 to index
      %swap3A_1426 = arith.constant 0 : index
      %swap3A_1427 = tpu.vector_load %arg7[%swap3A, %swap3A_1426] {strides = array<i32>} : memref<50x128xi32, #tpu.memory_space<vmem>>, vector<1x16xi32>,
      %swap3A_1428 = vector.shape_cast %swap3A_1427 : vector<1x16xi32> to vector<16xi32>
      %swap3A_1429 = vector.shape_cast %add3A_1425 : vector<16xi32> to vector<1x16xi32>
      tpu.vector_store %arg7[%swap3A, %swap3A_1426], %swap3A_1429 {strides = array<i32>} : memref<50x128xi32, #tpu.memory_space<vmem>>, vector<1x16xi32>,
      %get3A_1430 = arith.index_cast %scan3A_1420 : i32 to index
      %get3A_1431 = arith.constant 16 : index
      %get3A_1432 = tpu.vector_load %arg7[%get3A_1430, %get3A_1431] {strides = array<i32>} : memref<50x128xi32, #tpu.memory_space<vmem>>, vector<1x16xi32>,
      %get3A_1433 = vector.shape_cast %get3A_1432 : vector<1x16xi32> to vector<16xi32>
      %add3A_1434 = vector.broadcast %mul3A_31 : i32 to vector<16xi32>
      %add3A_1435 = arith.addi %get3A_1433, %add3A_1434 : vector<16xi32>
      %swap3A_1436 = arith.index_cast %scan3A_1420 : i32 to index
      %swap3A_1437 = arith.constant 16 : index
      %swap3A_1438 = tpu.vector_load %arg7[%swap3A_1436, %swap3A_1437] {strides = array<i32>} : memref<50x128xi32, #tpu.memory_space<vmem>>, vector<1x16xi32>,
      %swap3A_1439 = vector.shape_cast %swap3A_1438 : vector<1x16xi32> to vector<16xi32>
      %swap3A_1440 = vector.shape_cast %add3A_1435 : vector<16xi32> to vector<1x16xi32>
      tpu.vector_store %arg7[%swap3A_1436, %swap3A_1437], %swap3A_1440 {strides = array<i32>} : memref<50x128xi32, #tpu.memory_space<vmem>>, vector<1x16xi32>,
      %get3A_1441 = arith.index_cast %scan3A_1420 : i32 to index
      %get3A_1442 = arith.constant 32 : index
      %get3A_1443 = tpu.vector_load %arg7[%get3A_1441, %get3A_1442] {strides = array<i32>} : memref<50x128xi32, #tpu.memory_space<vmem>>, vector<1x16xi32>,
      %get3A_1444 = vector.shape_cast %get3A_1443 : vector<1x16xi32> to vector<16xi32>
      %add3A_1445 = vector.broadcast %mul3A_31 : i32 to vector<16xi32>
      %add3A_1446 = arith.addi %get3A_1444, %add3A_1445 : vector<16xi32>
      %swap3A_1447 = arith.index_cast %scan3A_1420 : i32 to index
      %swap3A_1448 = arith.constant 32 : index
      %swap3A_1449 = tpu.vector_load %arg7[%swap3A_1447, %swap3A_1448] {strides = array<i32>} : memref<50x128xi32, #tpu.memory_space<vmem>>, vector<1x16xi32>,
      %swap3A_1450 = vector.shape_cast %swap3A_1449 : vector<1x16xi32> to vector<16xi32>
      %swap3A_1451 = vector.shape_cast %add3A_1446 : vector<16xi32> to vector<1x16xi32>
      tpu.vector_store %arg7[%swap3A_1447, %swap3A_1448], %swap3A_1451 {strides = array<i32>} : memref<50x128xi32, #tpu.memory_space<vmem>>, vector<1x16xi32>,
      %get3A_1452 = arith.index_cast %scan3A_1420 : i32 to index
      %get3A_1453 = arith.constant 48 : index
      %get3A_1454 = tpu.vector_load %arg7[%get3A_1452, %get3A_1453] {strides = array<i32>} : memref<50x128xi32, #tpu.memory_space<vmem>>, vector<1x16xi32>,
      %get3A_1455 = vector.shape_cast %get3A_1454 : vector<1x16xi32> to vector<16xi32>
      %add3A_1456 = vector.broadcast %mul3A_31 : i32 to vector<16xi32>
      %add3A_1457 = arith.addi %get3A_1455, %add3A_1456 : vector<16xi32>
      %swap3A_1458 = arith.index_cast %scan3A_1420 : i32 to index
      %swap3A_1459 = arith.constant 48 : index
      %swap3A_1460 = tpu.vector_load %arg7[%swap3A_1458, %swap3A_1459] {strides = array<i32>} : memref<50x128xi32, #tpu.memory_space<vmem>>, vector<1x16xi32>,
      %swap3A_1461 = vector.shape_cast %swap3A_1460 : vector<1x16xi32> to vector<16xi32>
      %swap3A_1462 = vector.shape_cast %add3A_1457 : vector<16xi32> to vector<1x16xi32>
      tpu.vector_store %arg7[%swap3A_1458, %swap3A_1459], %swap3A_1462 {strides = array<i32>} : memref<50x128xi32, #tpu.memory_space<vmem>>, vector<1x16xi32>,
      %get3A_1463 = arith.index_cast %scan3A_1420 : i32 to index
      %get3A_1464 = arith.constant 64 : index
      %get3A_1465 = tpu.vector_load %arg7[%get3A_1463, %get3A_1464] {strides = array<i32>} : memref<50x128xi32, #tpu.memory_space<vmem>>, vector<1x16xi32>,
      %get3A_1466 = vector.shape_cast %get3A_1465 : vector<1x16xi32> to vector<16xi32>
      %add3A_1467 = vector.broadcast %mul3A_31 : i32 to vector<16xi32>
      %add3A_1468 = arith.addi %get3A_1466, %add3A_1467 : vector<16xi32>
      %swap3A_1469 = arith.index_cast %scan3A_1420 : i32 to index
      %swap3A_1470 = arith.constant 64 : index
      %swap3A_1471 = tpu.vector_load %arg7[%swap3A_1469, %swap3A_1470] {strides = array<i32>} : memref<50x128xi32, #tpu.memory_space<vmem>>, vector<1x16xi32>,
      %swap3A_1472 = vector.shape_cast %swap3A_1471 : vector<1x16xi32> to vector<16xi32>
      %swap3A_1473 = vector.shape_cast %add3A_1468 : vector<16xi32> to vector<1x16xi32>
      tpu.vector_store %arg7[%swap3A_1469, %swap3A_1470], %swap3A_1473 {strides = array<i32>} : memref<50x128xi32, #tpu.memory_space<vmem>>, vector<1x16xi32>,
      %get3A_1474 = arith.index_cast %scan3A_1420 : i32 to index
      %get3A_1475 = arith.constant 80 : index
      %get3A_1476 = tpu.vector_load %arg7[%get3A_1474, %get3A_1475] {strides = array<i32>} : memref<50x128xi32, #tpu.memory_space<vmem>>, vector<1x16xi32>,
      %get3A_1477 = vector.shape_cast %get3A_1476 : vector<1x16xi32> to vector<16xi32>
      %add3A_1478 = vector.broadcast %mul3A_31 : i32 to vector<16xi32>
      %add3A_1479 = arith.addi %get3A_1477, %add3A_1478 : vector<16xi32>
      %swap3A_1480 = arith.index_cast %scan3A_1420 : i32 to index
      %swap3A_1481 = arith.constant 80 : index
      %swap3A_1482 = tpu.vector_load %arg7[%swap3A_1480, %swap3A_1481] {strides = array<i32>} : memref<50x128xi32, #tpu.memory_space<vmem>>, vector<1x16xi32>,
      %swap3A_1483 = vector.shape_cast %swap3A_1482 : vector<1x16xi32> to vector<16xi32>
      %swap3A_1484 = vector.shape_cast %add3A_1479 : vector<16xi32> to vector<1x16xi32>
      tpu.vector_store %arg7[%swap3A_1480, %swap3A_1481], %swap3A_1484 {strides = array<i32>} : memref<50x128xi32, #tpu.memory_space<vmem>>, vector<1x16xi32>,
      %get3A_1485 = arith.index_cast %scan3A_1420 : i32 to index
      %get3A_1486 = arith.constant 96 : index
      %get3A_1487 = tpu.vector_load %arg7[%get3A_1485, %get3A_1486] {strides = array<i32>} : memref<50x128xi32, #tpu.memory_space<vmem>>, vector<1x16xi32>,
      %get3A_1488 = vector.shape_cast %get3A_1487 : vector<1x16xi32> to vector<16xi32>
      %add3A_1489 = vector.broadcast %mul3A_31 : i32 to vector<16xi32>
      %add3A_1490 = arith.addi %get3A_1488, %add3A_1489 : vector<16xi32>
      %swap3A_1491 = arith.index_cast %scan3A_1420 : i32 to index
      %swap3A_1492 = arith.constant 96 : index
      %swap3A_1493 = tpu.vector_load %arg7[%swap3A_1491, %swap3A_1492] {strides = array<i32>} : memref<50x128xi32, #tpu.memory_space<vmem>>, vector<1x16xi32>,
      %swap3A_1494 = vector.shape_cast %swap3A_1493 : vector<1x16xi32> to vector<16xi32>
      %swap3A_1495 = vector.shape_cast %add3A_1490 : vector<16xi32> to vector<1x16xi32>
      tpu.vector_store %arg7[%swap3A_1491, %swap3A_1492], %swap3A_1495 {strides = array<i32>} : memref<50x128xi32, #tpu.memory_space<vmem>>, vector<1x16xi32>,
      %get3A_1496 = arith.index_cast %scan3A_1420 : i32 to index
      %get3A_1497 = arith.constant 112 : index
      %get3A_1498 = tpu.vector_load %arg7[%get3A_1496, %get3A_1497] {strides = array<i32>} : memref<50x128xi32, #tpu.memory_space<vmem>>, vector<1x16xi32>,
      %get3A_1499 = vector.shape_cast %get3A_1498 : vector<1x16xi32> to vector<16xi32>
      %add3A_1500 = vector.broadcast %mul3A_31 : i32 to vector<16xi32>
      %add3A_1501 = arith.addi %get3A_1499, %add3A_1500 : vector<16xi32>
      %swap3A_1502 = arith.index_cast %scan3A_1420 : i32 to index
      %swap3A_1503 = arith.constant 112 : index
      %swap3A_1504 = tpu.vector_load %arg7[%swap3A_1502, %swap3A_1503] {strides = array<i32>} : memref<50x128xi32, #tpu.memory_space<vmem>>, vector<1x16xi32>,
      %swap3A_1505 = vector.shape_cast %swap3A_1504 : vector<1x16xi32> to vector<16xi32>
      %swap3A_1506 = vector.shape_cast %add3A_1501 : vector<16xi32> to vector<1x16xi32>
      tpu.vector_store %arg7[%swap3A_1502, %swap3A_1503], %swap3A_1506 {strides = array<i32>} : memref<50x128xi32, #tpu.memory_space<vmem>>, vector<1x16xi32>,
    }
    %scan3A_35 = arith.constant 50 : i32
    %scan3A_36 = arith.constant 0 : i32
    %scan3A_37 = arith.constant 16 : i32
    %scan3A_38 = arith.addi %scan3A_36, %scan3A_37 : i32
    %scan3A_39 = arith.constant 1 : i32
    scf.for %scan3A_1420 = %scan3A_36 to %scan3A_38 step %scan3A_39  : i32 {
      %mul3A_1421 = arith.constant 8 : i32
      %mul3A_1422 = arith.muli %scan3A_1420, %mul3A_1421 : i32
      %broadcast_in_dim3A = arith.constant 0.000000e+00 : f32
      %broadcast_in_dim3A_1423 = vector.broadcast %broadcast_in_dim3A : f32 to vector<16xf32>
      %add3A_1424 = arith.constant 0 : i32
      %add3A_1425 = arith.addi %mul3A_1422, %add3A_1424 : i32
      %swap3A = arith.index_cast %add3A_1425 : i32 to index
      %swap3A_1426 = arith.constant 0 : index
      %swap3A_1427 = tpu.vector_load %arg13[%swap3A, %swap3A_1426] {strides = array<i32>} : memref<128x64xf32, #tpu.memory_space<vmem>>, vector<1x16xf32>,
      %swap3A_1428 = vector.shape_cast %swap3A_1427 : vector<1x16xf32> to vector<16xf32>
      %swap3A_1429 = vector.shape_cast %broadcast_in_dim3A_1423 : vector<16xf32> to vector<1x16xf32>
      tpu.vector_store %arg13[%swap3A, %swap3A_1426], %swap3A_1429 {strides = array<i32>} : memref<128x64xf32, #tpu.memory_space<vmem>>, vector<1x16xf32>,
      %add3A_1430 = arith.constant 0 : i32
      %add3A_1431 = arith.addi %mul3A_1422, %add3A_1430 : i32
      %swap3A_1432 = arith.index_cast %add3A_1431 : i32 to index
      %swap3A_1433 = arith.constant 16 : index
      %swap3A_1434 = tpu.vector_load %arg13[%swap3A_1432, %swap3A_1433] {strides = array<i32>} : memref<128x64xf32, #tpu.memory_space<vmem>>, vector<1x16xf32>,
      %swap3A_1435 = vector.shape_cast %swap3A_1434 : vector<1x16xf32> to vector<16xf32>
      %swap3A_1436 = vector.shape_cast %broadcast_in_dim3A_1423 : vector<16xf32> to vector<1x16xf32>
      tpu.vector_store %arg13[%swap3A_1432, %swap3A_1433], %swap3A_1436 {strides = array<i32>} : memref<128x64xf32, #tpu.memory_space<vmem>>, vector<1x16xf32>,
      %add3A_1437 = arith.constant 0 : i32
      %add3A_1438 = arith.addi %mul3A_1422, %add3A_1437 : i32
      %swap3A_1439 = arith.index_cast %add3A_1438 : i32 to index
      %swap3A_1440 = arith.constant 32 : index
      %swap3A_1441 = tpu.vector_load %arg13[%swap3A_1439, %swap3A_1440] {strides = array<i32>} : memref<128x64xf32, #tpu.memory_space<vmem>>, vector<1x16xf32>,
      %swap3A_1442 = vector.shape_cast %swap3A_1441 : vector<1x16xf32> to vector<16xf32>
      %swap3A_1443 = vector.shape_cast %broadcast_in_dim3A_1423 : vector<16xf32> to vector<1x16xf32>
      tpu.vector_store %arg13[%swap3A_1439, %swap3A_1440], %swap3A_1443 {strides = array<i32>} : memref<128x64xf32, #tpu.memory_space<vmem>>, vector<1x16xf32>,
      %add3A_1444 = arith.constant 0 : i32
      %add3A_1445 = arith.addi %mul3A_1422, %add3A_1444 : i32
      %swap3A_1446 = arith.index_cast %add3A_1445 : i32 to index
      %swap3A_1447 = arith.constant 48 : index
      %swap3A_1448 = tpu.vector_load %arg13[%swap3A_1446, %swap3A_1447] {strides = array<i32>} : memref<128x64xf32, #tpu.memory_space<vmem>>, vector<1x16xf32>,
      %swap3A_1449 = vector.shape_cast %swap3A_1448 : vector<1x16xf32> to vector<16xf32>
      %swap3A_1450 = vector.shape_cast %broadcast_in_dim3A_1423 : vector<16xf32> to vector<1x16xf32>
      tpu.vector_store %arg13[%swap3A_1446, %swap3A_1447], %swap3A_1450 {strides = array<i32>} : memref<128x64xf32, #tpu.memory_space<vmem>>, vector<1x16xf32>,
      %add3A_1451 = arith.constant 1 : i32
      %add3A_1452 = arith.addi %mul3A_1422, %add3A_1451 : i32
      %swap3A_1453 = arith.index_cast %add3A_1452 : i32 to index
      %swap3A_1454 = arith.constant 0 : index
      %swap3A_1455 = tpu.vector_load %arg13[%swap3A_1453, %swap3A_1454] {strides = array<i32>} : memref<128x64xf32, #tpu.memory_space<vmem>>, vector<1x16xf32>,
      %swap3A_1456 = vector.shape_cast %swap3A_1455 : vector<1x16xf32> to vector<16xf32>
      %swap3A_1457 = vector.shape_cast %broadcast_in_dim3A_1423 : vector<16xf32> to vector<1x16xf32>
      tpu.vector_store %arg13[%swap3A_1453, %swap3A_1454], %swap3A_1457 {strides = array<i32>} : memref<128x64xf32, #tpu.memory_space<vmem>>, vector<1x16xf32>,
      %add3A_1458 = arith.constant 1 : i32
      %add3A_1459 = arith.addi %mul3A_1422, %add3A_1458 : i32
      %swap3A_1460 = arith.index_cast %add3A_1459 : i32 to index
      %swap3A_1461 = arith.constant 16 : index
      %swap3A_1462 = tpu.vector_load %arg13[%swap3A_1460, %swap3A_1461] {strides = array<i32>} : memref<128x64xf32, #tpu.memory_space<vmem>>, vector<1x16xf32>,
      %swap3A_1463 = vector.shape_cast %swap3A_1462 : vector<1x16xf32> to vector<16xf32>
      %swap3A_1464 = vector.shape_cast %broadcast_in_dim3A_1423 : vector<16xf32> to vector<1x16xf32>
      tpu.vector_store %arg13[%swap3A_1460, %swap3A_1461], %swap3A_1464 {strides = array<i32>} : memref<128x64xf32, #tpu.memory_space<vmem>>, vector<1x16xf32>,
      %add3A_1465 = arith.constant 1 : i32
      %add3A_1466 = arith.addi %mul3A_1422, %add3A_1465 : i32
      %swap3A_1467 = arith.index_cast %add3A_1466 : i32 to index
      %swap3A_1468 = arith.constant 32 : index
      %swap3A_1469 = tpu.vector_load %arg13[%swap3A_1467, %swap3A_1468] {strides = array<i32>} : memref<128x64xf32, #tpu.memory_space<vmem>>, vector<1x16xf32>,
      %swap3A_1470 = vector.shape_cast %swap3A_1469 : vector<1x16xf32> to vector<16xf32>
      %swap3A_1471 = vector.shape_cast %broadcast_in_dim3A_1423 : vector<16xf32> to vector<1x16xf32>
      tpu.vector_store %arg13[%swap3A_1467, %swap3A_1468], %swap3A_1471 {strides = array<i32>} : memref<128x64xf32, #tpu.memory_space<vmem>>, vector<1x16xf32>,
      %add3A_1472 = arith.constant 1 : i32
      %add3A_1473 = arith.addi %mul3A_1422, %add3A_1472 : i32
      %swap3A_1474 = arith.index_cast %add3A_1473 : i32 to index
      %swap3A_1475 = arith.constant 48 : index
      %swap3A_1476 = tpu.vector_load %arg13[%swap3A_1474, %swap3A_1475] {strides = array<i32>} : memref<128x64xf32, #tpu.memory_space<vmem>>, vector<1x16xf32>,
      %swap3A_1477 = vector.shape_cast %swap3A_1476 : vector<1x16xf32> to vector<16xf32>
      %swap3A_1478 = vector.shape_cast %broadcast_in_dim3A_1423 : vector<16xf32> to vector<1x16xf32>
      tpu.vector_store %arg13[%swap3A_1474, %swap3A_1475], %swap3A_1478 {strides = array<i32>} : memref<128x64xf32, #tpu.memory_space<vmem>>, vector<1x16xf32>,
      %add3A_1479 = arith.constant 2 : i32
      %add3A_1480 = arith.addi %mul3A_1422, %add3A_1479 : i32
      %swap3A_1481 = arith.index_cast %add3A_1480 : i32 to index
      %swap3A_1482 = arith.constant 0 : index
      %swap3A_1483 = tpu.vector_load %arg13[%swap3A_1481, %swap3A_1482] {strides = array<i32>} : memref<128x64xf32, #tpu.memory_space<vmem>>, vector<1x16xf32>,
      %swap3A_1484 = vector.shape_cast %swap3A_1483 : vector<1x16xf32> to vector<16xf32>
      %swap3A_1485 = vector.shape_cast %broadcast_in_dim3A_1423 : vector<16xf32> to vector<1x16xf32>
      tpu.vector_store %arg13[%swap3A_1481, %swap3A_1482], %swap3A_1485 {strides = array<i32>} : memref<128x64xf32, #tpu.memory_space<vmem>>, vector<1x16xf32>,
      %add3A_1486 = arith.constant 2 : i32
      %add3A_1487 = arith.addi %mul3A_1422, %add3A_1486 : i32
      %swap3A_1488 = arith.index_cast %add3A_1487 : i32 to index
      %swap3A_1489 = arith.constant 16 : index
      %swap3A_1490 = tpu.vector_load %arg13[%swap3A_1488, %swap3A_1489] {strides = array<i32>} : memref<128x64xf32, #tpu.memory_space<vmem>>, vector<1x16xf32>,
      %swap3A_1491 = vector.shape_cast %swap3A_1490 : vector<1x16xf32> to vector<16xf32>
      %swap3A_1492 = vector.shape_cast %broadcast_in_dim3A_1423 : vector<16xf32> to vector<1x16xf32>
      tpu.vector_store %arg13[%swap3A_1488, %swap3A_1489], %swap3A_1492 {strides = array<i32>} : memref<128x64xf32, #tpu.memory_space<vmem>>, vector<1x16xf32>,
      %add3A_1493 = arith.constant 2 : i32
      %add3A_1494 = arith.addi %mul3A_1422, %add3A_1493 : i32
      %swap3A_1495 = arith.index_cast %add3A_1494 : i32 to index
      %swap3A_1496 = arith.constant 32 : index
      %swap3A_1497 = tpu.vector_load %arg13[%swap3A_1495, %swap3A_1496] {strides = array<i32>} : memref<128x64xf32, #tpu.memory_space<vmem>>, vector<1x16xf32>,
      %swap3A_1498 = vector.shape_cast %swap3A_1497 : vector<1x16xf32> to vector<16xf32>
      %swap3A_1499 = vector.shape_cast %broadcast_in_dim3A_1423 : vector<16xf32> to vector<1x16xf32>
      tpu.vector_store %arg13[%swap3A_1495, %swap3A_1496], %swap3A_1499 {strides = array<i32>} : memref<128x64xf32, #tpu.memory_space<vmem>>, vector<1x16xf32>,
      %add3A_1500 = arith.constant 2 : i32
      %add3A_1501 = arith.addi %mul3A_1422, %add3A_1500 : i32
      %swap3A_1502 = arith.index_cast %add3A_1501 : i32 to index
      %swap3A_1503 = arith.constant 48 : index
      %swap3A_1504 = tpu.vector_load %arg13[%swap3A_1502, %swap3A_1503] {strides = array<i32>} : memref<128x64xf32, #tpu.memory_space<vmem>>, vector<1x16xf32>,
      %swap3A_1505 = vector.shape_cast %swap3A_1504 : vector<1x16xf32> to vector<16xf32>
      %swap3A_1506 = vector.shape_cast %broadcast_in_dim3A_1423 : vector<16xf32> to vector<1x16xf32>
      tpu.vector_store %arg13[%swap3A_1502, %swap3A_1503], %swap3A_1506 {strides = array<i32>} : memref<128x64xf32, #tpu.memory_space<vmem>>, vector<1x16xf32>,
      %add3A_1507 = arith.constant 3 : i32
      %add3A_1508 = arith.addi %mul3A_1422, %add3A_1507 : i32
      %swap3A_1509 = arith.index_cast %add3A_1508 : i32 to index
      %swap3A_1510 = arith.constant 0 : index
      %swap3A_1511 = tpu.vector_load %arg13[%swap3A_1509, %swap3A_1510] {strides = array<i32>} : memref<128x64xf32, #tpu.memory_space<vmem>>, vector<1x16xf32>,
      %swap3A_1512 = vector.shape_cast %swap3A_1511 : vector<1x16xf32> to vector<16xf32>
      %swap3A_1513 = vector.shape_cast %broadcast_in_dim3A_1423 : vector<16xf32> to vector<1x16xf32>
      tpu.vector_store %arg13[%swap3A_1509, %swap3A_1510], %swap3A_1513 {strides = array<i32>} : memref<128x64xf32, #tpu.memory_space<vmem>>, vector<1x16xf32>,
      %add3A_1514 = arith.constant 3 : i32
      %add3A_1515 = arith.addi %mul3A_1422, %add3A_1514 : i32
      %swap3A_1516 = arith.index_cast %add3A_1515 : i32 to index
      %swap3A_1517 = arith.constant 16 : index
      %swap3A_1518 = tpu.vector_load %arg13[%swap3A_1516, %swap3A_1517] {strides = array<i32>} : memref<128x64xf32, #tpu.memory_space<vmem>>, vector<1x16xf32>,
      %swap3A_1519 = vector.shape_cast %swap3A_1518 : vector<1x16xf32> to vector<16xf32>
      %swap3A_1520 = vector.shape_cast %broadcast_in_dim3A_1423 : vector<16xf32> to vector<1x16xf32>
      tpu.vector_store %arg13[%swap3A_1516, %swap3A_1517], %swap3A_1520 {strides = array<i32>} : memref<128x64xf32, #tpu.memory_space<vmem>>, vector<1x16xf32>,
      %add3A_1521 = arith.constant 3 : i32
      %add3A_1522 = arith.addi %mul3A_1422, %add3A_1521 : i32
      %swap3A_1523 = arith.index_cast %add3A_1522 : i32 to index
      %swap3A_1524 = arith.constant 32 : index
      %swap3A_1525 = tpu.vector_load %arg13[%swap3A_1523, %swap3A_1524] {strides = array<i32>} : memref<128x64xf32, #tpu.memory_space<vmem>>, vector<1x16xf32>,
      %swap3A_1526 = vector.shape_cast %swap3A_1525 : vector<1x16xf32> to vector<16xf32>
      %swap3A_1527 = vector.shape_cast %broadcast_in_dim3A_1423 : vector<16xf32> to vector<1x16xf32>
      tpu.vector_store %arg13[%swap3A_1523, %swap3A_1524], %swap3A_1527 {strides = array<i32>} : memref<128x64xf32, #tpu.memory_space<vmem>>, vector<1x16xf32>,
      %add3A_1528 = arith.constant 3 : i32
      %add3A_1529 = arith.addi %mul3A_1422, %add3A_1528 : i32
      %swap3A_1530 = arith.index_cast %add3A_1529 : i32 to index
      %swap3A_1531 = arith.constant 48 : index
      %swap3A_1532 = tpu.vector_load %arg13[%swap3A_1530, %swap3A_1531] {strides = array<i32>} : memref<128x64xf32, #tpu.memory_space<vmem>>, vector<1x16xf32>,
      %swap3A_1533 = vector.shape_cast %swap3A_1532 : vector<1x16xf32> to vector<16xf32>
      %swap3A_1534 = vector.shape_cast %broadcast_in_dim3A_1423 : vector<16xf32> to vector<1x16xf32>
      tpu.vector_store %arg13[%swap3A_1530, %swap3A_1531], %swap3A_1534 {strides = array<i32>} : memref<128x64xf32, #tpu.memory_space<vmem>>, vector<1x16xf32>,
      %add3A_1535 = arith.constant 4 : i32
      %add3A_1536 = arith.addi %mul3A_1422, %add3A_1535 : i32
      %swap3A_1537 = arith.index_cast %add3A_1536 : i32 to index
      %swap3A_1538 = arith.constant 0 : index
      %swap3A_1539 = tpu.vector_load %arg13[%swap3A_1537, %swap3A_1538] {strides = array<i32>} : memref<128x64xf32, #tpu.memory_space<vmem>>, vector<1x16xf32>,
      %swap3A_1540 = vector.shape_cast %swap3A_1539 : vector<1x16xf32> to vector<16xf32>
      %swap3A_1541 = vector.shape_cast %broadcast_in_dim3A_1423 : vector<16xf32> to vector<1x16xf32>
      tpu.vector_store %arg13[%swap3A_1537, %swap3A_1538], %swap3A_1541 {strides = array<i32>} : memref<128x64xf32, #tpu.memory_space<vmem>>, vector<1x16xf32>,
      %add3A_1542 = arith.constant 4 : i32
      %add3A_1543 = arith.addi %mul3A_1422, %add3A_1542 : i32
      %swap3A_1544 = arith.index_cast %add3A_1543 : i32 to index
      %swap3A_1545 = arith.constant 16 : index
      %swap3A_1546 = tpu.vector_load %arg13[%swap3A_1544, %swap3A_1545] {strides = array<i32>} : memref<128x64xf32, #tpu.memory_space<vmem>>, vector<1x16xf32>,
      %swap3A_1547 = vector.shape_cast %swap3A_1546 : vector<1x16xf32> to vector<16xf32>
      %swap3A_1548 = vector.shape_cast %broadcast_in_dim3A_1423 : vector<16xf32> to vector<1x16xf32>
      tpu.vector_store %arg13[%swap3A_1544, %swap3A_1545], %swap3A_1548 {strides = array<i32>} : memref<128x64xf32, #tpu.memory_space<vmem>>, vector<1x16xf32>,
      %add3A_1549 = arith.constant 4 : i32
      %add3A_1550 = arith.addi %mul3A_1422, %add3A_1549 : i32
      %swap3A_1551 = arith.index_cast %add3A_1550 : i32 to index
      %swap3A_1552 = arith.constant 32 : index
      %swap3A_1553 = tpu.vector_load %arg13[%swap3A_1551, %swap3A_1552] {strides = array<i32>} : memref<128x64xf32, #tpu.memory_space<vmem>>, vector<1x16xf32>,
      %swap3A_1554 = vector.shape_cast %swap3A_1553 : vector<1x16xf32> to vector<16xf32>
      %swap3A_1555 = vector.shape_cast %broadcast_in_dim3A_1423 : vector<16xf32> to vector<1x16xf32>
      tpu.vector_store %arg13[%swap3A_1551, %swap3A_1552], %swap3A_1555 {strides = array<i32>} : memref<128x64xf32, #tpu.memory_space<vmem>>, vector<1x16xf32>,
      %add3A_1556 = arith.constant 4 : i32
      %add3A_1557 = arith.addi %mul3A_1422, %add3A_1556 : i32
      %swap3A_1558 = arith.index_cast %add3A_1557 : i32 to index
      %swap3A_1559 = arith.constant 48 : index
      %swap3A_1560 = tpu.vector_load %arg13[%swap3A_1558, %swap3A_1559] {strides = array<i32>} : memref<128x64xf32, #tpu.memory_space<vmem>>, vector<1x16xf32>,
      %swap3A_1561 = vector.shape_cast %swap3A_1560 : vector<1x16xf32> to vector<16xf32>
      %swap3A_1562 = vector.shape_cast %broadcast_in_dim3A_1423 : vector<16xf32> to vector<1x16xf32>
      tpu.vector_store %arg13[%swap3A_1558, %swap3A_1559], %swap3A_1562 {strides = array<i32>} : memref<128x64xf32, #tpu.memory_space<vmem>>, vector<1x16xf32>,
      %add3A_1563 = arith.constant 5 : i32
      %add3A_1564 = arith.addi %mul3A_1422, %add3A_1563 : i32
      %swap3A_1565 = arith.index_cast %add3A_1564 : i32 to index
      %swap3A_1566 = arith.constant 0 : index
      %swap3A_1567 = tpu.vector_load %arg13[%swap3A_1565, %swap3A_1566] {strides = array<i32>} : memref<128x64xf32, #tpu.memory_space<vmem>>, vector<1x16xf32>,
      %swap3A_1568 = vector.shape_cast %swap3A_1567 : vector<1x16xf32> to vector<16xf32>
      %swap3A_1569 = vector.shape_cast %broadcast_in_dim3A_1423 : vector<16xf32> to vector<1x16xf32>
      tpu.vector_store %arg13[%swap3A_1565, %swap3A_1566], %swap3A_1569 {strides = array<i32>} : memref<128x64xf32, #tpu.memory_space<vmem>>, vector<1x16xf32>,
      %add3A_1570 = arith.constant 5 : i32
      %add3A_1571 = arith.addi %mul3A_1422, %add3A_1570 : i32
      %swap3A_1572 = arith.index_cast %add3A_1571 : i32 to index
      %swap3A_1573 = arith.constant 16 : index
      %swap3A_1574 = tpu.vector_load %arg13[%swap3A_1572, %swap3A_1573] {strides = array<i32>} : memref<128x64xf32, #tpu.memory_space<vmem>>, vector<1x16xf32>,
      %swap3A_1575 = vector.shape_cast %swap3A_1574 : vector<1x16xf32> to vector<16xf32>
      %swap3A_1576 = vector.shape_cast %broadcast_in_dim3A_1423 : vector<16xf32> to vector<1x16xf32>
      tpu.vector_store %arg13[%swap3A_1572, %swap3A_1573], %swap3A_1576 {strides = array<i32>} : memref<128x64xf32, #tpu.memory_space<vmem>>, vector<1x16xf32>,
      %add3A_1577 = arith.constant 5 : i32
      %add3A_1578 = arith.addi %mul3A_1422, %add3A_1577 : i32
      %swap3A_1579 = arith.index_cast %add3A_1578 : i32 to index
      %swap3A_1580 = arith.constant 32 : index
      %swap3A_1581 = tpu.vector_load %arg13[%swap3A_1579, %swap3A_1580] {strides = array<i32>} : memref<128x64xf32, #tpu.memory_space<vmem>>, vector<1x16xf32>,
      %swap3A_1582 = vector.shape_cast %swap3A_1581 : vector<1x16xf32> to vector<16xf32>
      %swap3A_1583 = vector.shape_cast %broadcast_in_dim3A_1423 : vector<16xf32> to vector<1x16xf32>
      tpu.vector_store %arg13[%swap3A_1579, %swap3A_1580], %swap3A_1583 {strides = array<i32>} : memref<128x64xf32, #tpu.memory_space<vmem>>, vector<1x16xf32>,
      %add3A_1584 = arith.constant 5 : i32
      %add3A_1585 = arith.addi %mul3A_1422, %add3A_1584 : i32
      %swap3A_1586 = arith.index_cast %add3A_1585 : i32 to index
      %swap3A_1587 = arith.constant 48 : index
      %swap3A_1588 = tpu.vector_load %arg13[%swap3A_1586, %swap3A_1587] {strides = array<i32>} : memref<128x64xf32, #tpu.memory_space<vmem>>, vector<1x16xf32>,
      %swap3A_1589 = vector.shape_cast %swap3A_1588 : vector<1x16xf32> to vector<16xf32>
      %swap3A_1590 = vector.shape_cast %broadcast_in_dim3A_1423 : vector<16xf32> to vector<1x16xf32>
      tpu.vector_store %arg13[%swap3A_1586, %swap3A_1587], %swap3A_1590 {strides = array<i32>} : memref<128x64xf32, #tpu.memory_space<vmem>>, vector<1x16xf32>,
      %add3A_1591 = arith.constant 6 : i32
      %add3A_1592 = arith.addi %mul3A_1422, %add3A_1591 : i32
      %swap3A_1593 = arith.index_cast %add3A_1592 : i32 to index
      %swap3A_1594 = arith.constant 0 : index
      %swap3A_1595 = tpu.vector_load %arg13[%swap3A_1593, %swap3A_1594] {strides = array<i32>} : memref<128x64xf32, #tpu.memory_space<vmem>>, vector<1x16xf32>,
      %swap3A_1596 = vector.shape_cast %swap3A_1595 : vector<1x16xf32> to vector<16xf32>
      %swap3A_1597 = vector.shape_cast %broadcast_in_dim3A_1423 : vector<16xf32> to vector<1x16xf32>
      tpu.vector_store %arg13[%swap3A_1593, %swap3A_1594], %swap3A_1597 {strides = array<i32>} : memref<128x64xf32, #tpu.memory_space<vmem>>, vector<1x16xf32>,
      %add3A_1598 = arith.constant 6 : i32
      %add3A_1599 = arith.addi %mul3A_1422, %add3A_1598 : i32
      %swap3A_1600 = arith.index_cast %add3A_1599 : i32 to index
      %swap3A_1601 = arith.constant 16 : index
      %swap3A_1602 = tpu.vector_load %arg13[%swap3A_1600, %swap3A_1601] {strides = array<i32>} : memref<128x64xf32, #tpu.memory_space<vmem>>, vector<1x16xf32>,
      %swap3A_1603 = vector.shape_cast %swap3A_1602 : vector<1x16xf32> to vector<16xf32>
      %swap3A_1604 = vector.shape_cast %broadcast_in_dim3A_1423 : vector<16xf32> to vector<1x16xf32>
      tpu.vector_store %arg13[%swap3A_1600, %swap3A_1601], %swap3A_1604 {strides = array<i32>} : memref<128x64xf32, #tpu.memory_space<vmem>>, vector<1x16xf32>,
      %add3A_1605 = arith.constant 6 : i32
      %add3A_1606 = arith.addi %mul3A_1422, %add3A_1605 : i32
      %swap3A_1607 = arith.index_cast %add3A_1606 : i32 to index
      %swap3A_1608 = arith.constant 32 : index
      %swap3A_1609 = tpu.vector_load %arg13[%swap3A_1607, %swap3A_1608] {strides = array<i32>} : memref<128x64xf32, #tpu.memory_space<vmem>>, vector<1x16xf32>,
      %swap3A_1610 = vector.shape_cast %swap3A_1609 : vector<1x16xf32> to vector<16xf32>
      %swap3A_1611 = vector.shape_cast %broadcast_in_dim3A_1423 : vector<16xf32> to vector<1x16xf32>
      tpu.vector_store %arg13[%swap3A_1607, %swap3A_1608], %swap3A_1611 {strides = array<i32>} : memref<128x64xf32, #tpu.memory_space<vmem>>, vector<1x16xf32>,
      %add3A_1612 = arith.constant 6 : i32
      %add3A_1613 = arith.addi %mul3A_1422, %add3A_1612 : i32
      %swap3A_1614 = arith.index_cast %add3A_1613 : i32 to index
      %swap3A_1615 = arith.constant 48 : index
      %swap3A_1616 = tpu.vector_load %arg13[%swap3A_1614, %swap3A_1615] {strides = array<i32>} : memref<128x64xf32, #tpu.memory_space<vmem>>, vector<1x16xf32>,
      %swap3A_1617 = vector.shape_cast %swap3A_1616 : vector<1x16xf32> to vector<16xf32>
      %swap3A_1618 = vector.shape_cast %broadcast_in_dim3A_1423 : vector<16xf32> to vector<1x16xf32>
      tpu.vector_store %arg13[%swap3A_1614, %swap3A_1615], %swap3A_1618 {strides = array<i32>} : memref<128x64xf32, #tpu.memory_space<vmem>>, vector<1x16xf32>,
      %add3A_1619 = arith.constant 7 : i32
      %add3A_1620 = arith.addi %mul3A_1422, %add3A_1619 : i32
      %swap3A_1621 = arith.index_cast %add3A_1620 : i32 to index
      %swap3A_1622 = arith.constant 0 : index
      %swap3A_1623 = tpu.vector_load %arg13[%swap3A_1621, %swap3A_1622] {strides = array<i32>} : memref<128x64xf32, #tpu.memory_space<vmem>>, vector<1x16xf32>,
      %swap3A_1624 = vector.shape_cast %swap3A_1623 : vector<1x16xf32> to vector<16xf32>
      %swap3A_1625 = vector.shape_cast %broadcast_in_dim3A_1423 : vector<16xf32> to vector<1x16xf32>
      tpu.vector_store %arg13[%swap3A_1621, %swap3A_1622], %swap3A_1625 {strides = array<i32>} : memref<128x64xf32, #tpu.memory_space<vmem>>, vector<1x16xf32>,
      %add3A_1626 = arith.constant 7 : i32
      %add3A_1627 = arith.addi %mul3A_1422, %add3A_1626 : i32
      %swap3A_1628 = arith.index_cast %add3A_1627 : i32 to index
      %swap3A_1629 = arith.constant 16 : index
      %swap3A_1630 = tpu.vector_load %arg13[%swap3A_1628, %swap3A_1629] {strides = array<i32>} : memref<128x64xf32, #tpu.memory_space<vmem>>, vector<1x16xf32>,
      %swap3A_1631 = vector.shape_cast %swap3A_1630 : vector<1x16xf32> to vector<16xf32>
      %swap3A_1632 = vector.shape_cast %broadcast_in_dim3A_1423 : vector<16xf32> to vector<1x16xf32>
      tpu.vector_store %arg13[%swap3A_1628, %swap3A_1629], %swap3A_1632 {strides = array<i32>} : memref<128x64xf32, #tpu.memory_space<vmem>>, vector<1x16xf32>,
      %add3A_1633 = arith.constant 7 : i32
      %add3A_1634 = arith.addi %mul3A_1422, %add3A_1633 : i32
      %swap3A_1635 = arith.index_cast %add3A_1634 : i32 to index
      %swap3A_1636 = arith.constant 32 : index
      %swap3A_1637 = tpu.vector_load %arg13[%swap3A_1635, %swap3A_1636] {strides = array<i32>} : memref<128x64xf32, #tpu.memory_space<vmem>>, vector<1x16xf32>,
      %swap3A_1638 = vector.shape_cast %swap3A_1637 : vector<1x16xf32> to vector<16xf32>
      %swap3A_1639 = vector.shape_cast %broadcast_in_dim3A_1423 : vector<16xf32> to vector<1x16xf32>
      tpu.vector_store %arg13[%swap3A_1635, %swap3A_1636], %swap3A_1639 {strides = array<i32>} : memref<128x64xf32, #tpu.memory_space<vmem>>, vector<1x16xf32>,
      %add3A_1640 = arith.constant 7 : i32
      %add3A_1641 = arith.addi %mul3A_1422, %add3A_1640 : i32
      %swap3A_1642 = arith.index_cast %add3A_1641 : i32 to index
      %swap3A_1643 = arith.constant 48 : index
      %swap3A_1644 = tpu.vector_load %arg13[%swap3A_1642, %swap3A_1643] {strides = array<i32>} : memref<128x64xf32, #tpu.memory_space<vmem>>, vector<1x16xf32>,
      %swap3A_1645 = vector.shape_cast %swap3A_1644 : vector<1x16xf32> to vector<16xf32>
      %swap3A_1646 = vector.shape_cast %broadcast_in_dim3A_1423 : vector<16xf32> to vector<1x16xf32>
      tpu.vector_store %arg13[%swap3A_1642, %swap3A_1643], %swap3A_1646 {strides = array<i32>} : memref<128x64xf32, #tpu.memory_space<vmem>>, vector<1x16xf32>,
    }
    %scan3A_40 = arith.constant 16 : i32
    "tpu.region"() ({
      %run_scoped3A = tpu.sem_alloc : memref<!tpu.dma_semaphore, #tpu.memory_space<semaphore_mem>>
      %dma_start3A_1420 = arith.constant 0 : i32
      %dma_start3A_1421 = tpu.memref_slice %arg14[%mul3A_31, %dma_start3A_1420] : memref<2048x64xf32, #tpu.memory_space<vmem_shared>> -> memref<128x64xf32, #tpu.memory_space<vmem_shared>>
      %dma_start3A_1422 = arith.constant 0 : i32
      %dma_start3A_1423 = tpu.memref_slice %arg14[%mul3A_31, %dma_start3A_1422] : memref<2048x64xf32, #tpu.memory_space<vmem_shared>> -> memref<128x64xf32, #tpu.memory_space<vmem_shared>>
      tpu.enqueue_dma source(%arg13 : memref<128x64xf32, #tpu.memory_space<vmem>>) target(%dma_start3A_1423 : memref<128x64xf32, #tpu.memory_space<vmem_shared>>) target_semaphore(%run_scoped3A : memref<!tpu.dma_semaphore, #tpu.memory_space<semaphore_mem>>)
      %dma_wait3A_1424 = arith.constant 0 : i32
      %dma_wait3A_1425 = tpu.memref_slice %arg14[%mul3A_31, %dma_wait3A_1424] : memref<2048x64xf32, #tpu.memory_space<vmem_shared>> -> memref<128x64xf32, #tpu.memory_space<vmem_shared>>
      %dma_wait3A_1426 = arith.constant 0 : i32
      %dma_wait3A_1427 = tpu.memref_slice %arg14[%mul3A_31, %dma_wait3A_1426] : memref<2048x64xf32, #tpu.memory_space<vmem_shared>> -> memref<128x64xf32, #tpu.memory_space<vmem_shared>>
      tpu.wait_dma2 semaphore(%run_scoped3A : memref<!tpu.dma_semaphore, #tpu.memory_space<semaphore_mem>>) src(%arg13 : memref<128x64xf32, #tpu.memory_space<vmem>>) dst(%dma_wait3A_1427 : memref<128x64xf32, #tpu.memory_space<vmem_shared>>)
      tpu.yield
    }) : () -> ()
    %dma_wait3A = arith.constant 0 : i32
    %dma_wait3A_41 = arith.constant 0 : i32
    %dma_wait3A_42 = tpu.memref_slice %arg6[%dma_wait3A, %dma_wait3A_41] : memref<50x128xi32, #tpu.memory_space<vmem>> -> memref<1x128xi32, #tpu.memory_space<vmem>>
    %dma_wait3A_43 = tpu.memref_squeeze %dma_wait3A_42 : memref<1x128xi32, #tpu.memory_space<vmem>> -> memref<128xi32, #tpu.memory_space<vmem>>
    %dma_wait3A_44 = arith.constant 0 : i32
    %dma_wait3A_45 = arith.constant 0 : i32
    %dma_wait3A_46 = tpu.memref_slice %arg3[%dma_wait3A_44, %dma_wait3A_45] : memref<100000x64xf32, #tpu.memory_space<hbm>> -> memref<100000x64xf32, #tpu.memory_space<hbm>>
    tpu.wait_indirect_dma semaphore(%arg15 : memref<!tpu.dma_semaphore, #tpu.memory_space<semaphore_mem>>) src(%dma_wait3A_46 : memref<100000x64xf32, #tpu.memory_space<hbm>>) dst(%arg8 : memref<128x64xf32, #tpu.memory_space<vmem>>)
    %dma_start3A_47 = arith.constant 0 : i32
    %dma_start3A_48 = arith.constant 0 : i32
    %dma_start3A_49 = tpu.memref_slice %arg7[%dma_start3A_47, %dma_start3A_48] : memref<50x128xi32, #tpu.memory_space<vmem>> -> memref<1x128xi32, #tpu.memory_space<vmem>>
    %dma_start3A_50 = tpu.memref_squeeze %dma_start3A_49 : memref<1x128xi32, #tpu.memory_space<vmem>> -> memref<128xi32, #tpu.memory_space<vmem>>
    %dma_start3A_51 = arith.constant 0 : i32
    %dma_start3A_52 = arith.constant 0 : i32
    %dma_start3A_53 = tpu.memref_slice %arg14[%dma_start3A_51, %dma_start3A_52] : memref<2048x64xf32, #tpu.memory_space<vmem_shared>> -> memref<2048x64xf32, #tpu.memory_space<vmem_shared>>
    tpu.enqueue_indirect_dma source(%arg8 : memref<128x64xf32, #tpu.memory_space<vmem>>) target(%dma_start3A_53 : memref<2048x64xf32, #tpu.memory_space<vmem_shared>>) offsets(%dma_start3A_50 : memref<128xi32, #tpu.memory_space<vmem>>) semaphore(%arg19 : memref<!tpu.dma_semaphore, #tpu.memory_space<semaphore_mem>>) {add = true}
    %dma_wait3A_54 = arith.constant 1 : i32
    %dma_wait3A_55 = arith.constant 0 : i32
    %dma_wait3A_56 = tpu.memref_slice %arg6[%dma_wait3A_54, %dma_wait3A_55] : memref<50x128xi32, #tpu.memory_space<vmem>> -> memref<1x128xi32, #tpu.memory_space<vmem>>
    %dma_wait3A_57 = tpu.memref_squeeze %dma_wait3A_56 : memref<1x128xi32, #tpu.memory_space<vmem>> -> memref<128xi32, #tpu.memory_space<vmem>>
    %dma_wait3A_58 = arith.constant 0 : i32
    %dma_wait3A_59 = arith.constant 0 : i32
    %dma_wait3A_60 = tpu.memref_slice %arg3[%dma_wait3A_58, %dma_wait3A_59] : memref<100000x64xf32, #tpu.memory_space<hbm>> -> memref<100000x64xf32, #tpu.memory_space<hbm>>
    tpu.wait_indirect_dma semaphore(%arg16 : memref<!tpu.dma_semaphore, #tpu.memory_space<semaphore_mem>>) src(%dma_wait3A_60 : memref<100000x64xf32, #tpu.memory_space<hbm>>) dst(%arg9 : memref<128x64xf32, #tpu.memory_space<vmem>>)
    %dma_wait3A_61 = arith.constant 0 : i32
    %dma_wait3A_62 = arith.constant 0 : i32
    %dma_wait3A_63 = tpu.memref_slice %arg7[%dma_wait3A_61, %dma_wait3A_62] : memref<50x128xi32, #tpu.memory_space<vmem>> -> memref<1x128xi32, #tpu.memory_space<vmem>>
    %dma_wait3A_64 = tpu.memref_squeeze %dma_wait3A_63 : memref<1x128xi32, #tpu.memory_space<vmem>> -> memref<128xi32, #tpu.memory_space<vmem>>
    %dma_wait3A_65 = arith.constant 0 : i32
    %dma_wait3A_66 = arith.constant 0 : i32
    %dma_wait3A_67 = tpu.memref_slice %arg14[%dma_wait3A_65, %dma_wait3A_66] : memref<2048x64xf32, #tpu.memory_space<vmem_shared>> -> memref<2048x64xf32, #tpu.memory_space<vmem_shared>>
    tpu.wait_indirect_dma semaphore(%arg19 : memref<!tpu.dma_semaphore, #tpu.memory_space<semaphore_mem>>) src(%arg8 : memref<128x64xf32, #tpu.memory_space<vmem>>) dst(%dma_wait3A_67 : memref<2048x64xf32, #tpu.memory_space<vmem_shared>>)
    %dma_start3A_68 = arith.constant 4 : i32
    %dma_start3A_69 = arith.constant 0 : i32
    %dma_start3A_70 = tpu.memref_slice %arg6[%dma_start3A_68, %dma_start3A_69] : memref<50x128xi32, #tpu.memory_space<vmem>> -> memref<1x128xi32, #tpu.memory_space<vmem>>
    %dma_start3A_71 = tpu.memref_squeeze %dma_start3A_70 : memref<1x128xi32, #tpu.memory_space<vmem>> -> memref<128xi32, #tpu.memory_space<vmem>>
    %dma_start3A_72 = arith.constant 0 : i32
    %dma_start3A_73 = arith.constant 0 : i32
    %dma_start3A_74 = tpu.memref_slice %arg3[%dma_start3A_72, %dma_start3A_73] : memref<100000x64xf32, #tpu.memory_space<hbm>> -> memref<100000x64xf32, #tpu.memory_space<hbm>>
    tpu.enqueue_indirect_dma source(%dma_start3A_74 : memref<100000x64xf32, #tpu.memory_space<hbm>>) target(%arg8 : memref<128x64xf32, #tpu.memory_space<vmem>>) offsets(%dma_start3A_71 : memref<128xi32, #tpu.memory_space<vmem>>) semaphore(%arg15 : memref<!tpu.dma_semaphore, #tpu.memory_space<semaphore_mem>>)
    %dma_start3A_75 = arith.constant 1 : i32
    %dma_start3A_76 = arith.constant 0 : i32
    %dma_start3A_77 = tpu.memref_slice %arg7[%dma_start3A_75, %dma_start3A_76] : memref<50x128xi32, #tpu.memory_space<vmem>> -> memref<1x128xi32, #tpu.memory_space<vmem>>
    %dma_start3A_78 = tpu.memref_squeeze %dma_start3A_77 : memref<1x128xi32, #tpu.memory_space<vmem>> -> memref<128xi32, #tpu.memory_space<vmem>>
    %dma_start3A_79 = arith.constant 0 : i32
    %dma_start3A_80 = arith.constant 0 : i32
    %dma_start3A_81 = tpu.memref_slice %arg14[%dma_start3A_79, %dma_start3A_80] : memref<2048x64xf32, #tpu.memory_space<vmem_shared>> -> memref<2048x64xf32, #tpu.memory_space<vmem_shared>>
    tpu.enqueue_indirect_dma source(%arg9 : memref<128x64xf32, #tpu.memory_space<vmem>>) target(%dma_start3A_81 : memref<2048x64xf32, #tpu.memory_space<vmem_shared>>) offsets(%dma_start3A_78 : memref<128xi32, #tpu.memory_space<vmem>>) semaphore(%arg20 : memref<!tpu.dma_semaphore, #tpu.memory_space<semaphore_mem>>) {add = true}
    %dma_wait3A_82 = arith.constant 2 : i32
    %dma_wait3A_83 = arith.constant 0 : i32
    %dma_wait3A_84 = tpu.memref_slice %arg6[%dma_wait3A_82, %dma_wait3A_83] : memref<50x128xi32, #tpu.memory_space<vmem>> -> memref<1x128xi32, #tpu.memory_space<vmem>>
    %dma_wait3A_85 = tpu.memref_squeeze %dma_wait3A_84 : memref<1x128xi32, #tpu.memory_space<vmem>> -> memref<128xi32, #tpu.memory_space<vmem>>
    %dma_wait3A_86 = arith.constant 0 : i32
    %dma_wait3A_87 = arith.constant 0 : i32
    %dma_wait3A_88 = tpu.memref_slice %arg3[%dma_wait3A_86, %dma_wait3A_87] : memref<100000x64xf32, #tpu.memory_space<hbm>> -> memref<100000x64xf32, #tpu.memory_space<hbm>>
    tpu.wait_indirect_dma semaphore(%arg17 : memref<!tpu.dma_semaphore, #tpu.memory_space<semaphore_mem>>) src(%dma_wait3A_88 : memref<100000x64xf32, #tpu.memory_space<hbm>>) dst(%arg10 : memref<128x64xf32, #tpu.memory_space<vmem>>)
    %dma_wait3A_89 = arith.constant 1 : i32
    %dma_wait3A_90 = arith.constant 0 : i32
    %dma_wait3A_91 = tpu.memref_slice %arg7[%dma_wait3A_89, %dma_wait3A_90] : memref<50x128xi32, #tpu.memory_space<vmem>> -> memref<1x128xi32, #tpu.memory_space<vmem>>
    %dma_wait3A_92 = tpu.memref_squeeze %dma_wait3A_91 : memref<1x128xi32, #tpu.memory_space<vmem>> -> memref<128xi32, #tpu.memory_space<vmem>>
    %dma_wait3A_93 = arith.constant 0 : i32
    %dma_wait3A_94 = arith.constant 0 : i32
    %dma_wait3A_95 = tpu.memref_slice %arg14[%dma_wait3A_93, %dma_wait3A_94] : memref<2048x64xf32, #tpu.memory_space<vmem_shared>> -> memref<2048x64xf32, #tpu.memory_space<vmem_shared>>
    tpu.wait_indirect_dma semaphore(%arg20 : memref<!tpu.dma_semaphore, #tpu.memory_space<semaphore_mem>>) src(%arg9 : memref<128x64xf32, #tpu.memory_space<vmem>>) dst(%dma_wait3A_95 : memref<2048x64xf32, #tpu.memory_space<vmem_shared>>)
    %dma_start3A_96 = arith.constant 5 : i32
    %dma_start3A_97 = arith.constant 0 : i32
    %dma_start3A_98 = tpu.memref_slice %arg6[%dma_start3A_96, %dma_start3A_97] : memref<50x128xi32, #tpu.memory_space<vmem>> -> memref<1x128xi32, #tpu.memory_space<vmem>>
    %dma_start3A_99 = tpu.memref_squeeze %dma_start3A_98 : memref<1x128xi32, #tpu.memory_space<vmem>> -> memref<128xi32, #tpu.memory_space<vmem>>
    %dma_start3A_100 = arith.constant 0 : i32
    %dma_start3A_101 = arith.constant 0 : i32
    %dma_start3A_102 = tpu.memref_slice %arg3[%dma_start3A_100, %dma_start3A_101] : memref<100000x64xf32, #tpu.memory_space<hbm>> -> memref<100000x64xf32, #tpu.memory_space<hbm>>
    tpu.enqueue_indirect_dma source(%dma_start3A_102 : memref<100000x64xf32, #tpu.memory_space<hbm>>) target(%arg9 : memref<128x64xf32, #tpu.memory_space<vmem>>) offsets(%dma_start3A_99 : memref<128xi32, #tpu.memory_space<vmem>>) semaphore(%arg16 : memref<!tpu.dma_semaphore, #tpu.memory_space<semaphore_mem>>)
    %dma_start3A_103 = arith.constant 2 : i32
    %dma_start3A_104 = arith.constant 0 : i32
    %dma_start3A_105 = tpu.memref_slice %arg7[%dma_start3A_103, %dma_start3A_104] : memref<50x128xi32, #tpu.memory_space<vmem>> -> memref<1x128xi32, #tpu.memory_space<vmem>>
    %dma_start3A_106 = tpu.memref_squeeze %dma_start3A_105 : memref<1x128xi32, #tpu.memory_space<vmem>> -> memref<128xi32, #tpu.memory_space<vmem>>
    %dma_start3A_107 = arith.constant 0 : i32
    %dma_start3A_108 = arith.constant 0 : i32
    %dma_start3A_109 = tpu.memref_slice %arg14[%dma_start3A_107, %dma_start3A_108] : memref<2048x64xf32, #tpu.memory_space<vmem_shared>> -> memref<2048x64xf32, #tpu.memory_space<vmem_shared>>
    tpu.enqueue_indirect_dma source(%arg10 : memref<128x64xf32, #tpu.memory_space<vmem>>) target(%dma_start3A_109 : memref<2048x64xf32, #tpu.memory_space<vmem_shared>>) offsets(%dma_start3A_106 : memref<128xi32, #tpu.memory_space<vmem>>) semaphore(%arg21 : memref<!tpu.dma_semaphore, #tpu.memory_space<semaphore_mem>>) {add = true}
    %dma_wait3A_110 = arith.constant 3 : i32
    %dma_wait3A_111 = arith.constant 0 : i32
    %dma_wait3A_112 = tpu.memref_slice %arg6[%dma_wait3A_110, %dma_wait3A_111] : memref<50x128xi32, #tpu.memory_space<vmem>> -> memref<1x128xi32, #tpu.memory_space<vmem>>
    %dma_wait3A_113 = tpu.memref_squeeze %dma_wait3A_112 : memref<1x128xi32, #tpu.memory_space<vmem>> -> memref<128xi32, #tpu.memory_space<vmem>>
    %dma_wait3A_114 = arith.constant 0 : i32
    %dma_wait3A_115 = arith.constant 0 : i32
    %dma_wait3A_116 = tpu.memref_slice %arg3[%dma_wait3A_114, %dma_wait3A_115] : memref<100000x64xf32, #tpu.memory_space<hbm>> -> memref<100000x64xf32, #tpu.memory_space<hbm>>
    tpu.wait_indirect_dma semaphore(%arg18 : memref<!tpu.dma_semaphore, #tpu.memory_space<semaphore_mem>>) src(%dma_wait3A_116 : memref<100000x64xf32, #tpu.memory_space<hbm>>) dst(%arg11 : memref<128x64xf32, #tpu.memory_space<vmem>>)
    %dma_wait3A_117 = arith.constant 2 : i32
    %dma_wait3A_118 = arith.constant 0 : i32
    %dma_wait3A_119 = tpu.memref_slice %arg7[%dma_wait3A_117, %dma_wait3A_118] : memref<50x128xi32, #tpu.memory_space<vmem>> -> memref<1x128xi32, #tpu.memory_space<vmem>>
    %dma_wait3A_120 = tpu.memref_squeeze %dma_wait3A_119 : memref<1x128xi32, #tpu.memory_space<vmem>> -> memref<128xi32, #tpu.memory_space<vmem>>
    %dma_wait3A_121 = arith.constant 0 : i32
    %dma_wait3A_122 = arith.constant 0 : i32
    %dma_wait3A_123 = tpu.memref_slice %arg14[%dma_wait3A_121, %dma_wait3A_122] : memref<2048x64xf32, #tpu.memory_space<vmem_shared>> -> memref<2048x64xf32, #tpu.memory_space<vmem_shared>>
    tpu.wait_indirect_dma semaphore(%arg21 : memref<!tpu.dma_semaphore, #tpu.memory_space<semaphore_mem>>) src(%arg10 : memref<128x64xf32, #tpu.memory_space<vmem>>) dst(%dma_wait3A_123 : memref<2048x64xf32, #tpu.memory_space<vmem_shared>>)
    %dma_start3A_124 = arith.constant 6 : i32
    %dma_start3A_125 = arith.constant 0 : i32
    %dma_start3A_126 = tpu.memref_slice %arg6[%dma_start3A_124, %dma_start3A_125] : memref<50x128xi32, #tpu.memory_space<vmem>> -> memref<1x128xi32, #tpu.memory_space<vmem>>
    %dma_start3A_127 = tpu.memref_squeeze %dma_start3A_126 : memref<1x128xi32, #tpu.memory_space<vmem>> -> memref<128xi32, #tpu.memory_space<vmem>>
    %dma_start3A_128 = arith.constant 0 : i32
    %dma_start3A_129 = arith.constant 0 : i32
    %dma_start3A_130 = tpu.memref_slice %arg3[%dma_start3A_128, %dma_start3A_129] : memref<100000x64xf32, #tpu.memory_space<hbm>> -> memref<100000x64xf32, #tpu.memory_space<hbm>>
    tpu.enqueue_indirect_dma source(%dma_start3A_130 : memref<100000x64xf32, #tpu.memory_space<hbm>>) target(%arg10 : memref<128x64xf32, #tpu.memory_space<vmem>>) offsets(%dma_start3A_127 : memref<128xi32, #tpu.memory_space<vmem>>) semaphore(%arg17 : memref<!tpu.dma_semaphore, #tpu.memory_space<semaphore_mem>>)
    %dma_start3A_131 = arith.constant 3 : i32
    %dma_start3A_132 = arith.constant 0 : i32
    %dma_start3A_133 = tpu.memref_slice %arg7[%dma_start3A_131, %dma_start3A_132] : memref<50x128xi32, #tpu.memory_space<vmem>> -> memref<1x128xi32, #tpu.memory_space<vmem>>
    %dma_start3A_134 = tpu.memref_squeeze %dma_start3A_133 : memref<1x128xi32, #tpu.memory_space<vmem>> -> memref<128xi32, #tpu.memory_space<vmem>>
    %dma_start3A_135 = arith.constant 0 : i32
    %dma_start3A_136 = arith.constant 0 : i32
    %dma_start3A_137 = tpu.memref_slice %arg14[%dma_start3A_135, %dma_start3A_136] : memref<2048x64xf32, #tpu.memory_space<vmem_shared>> -> memref<2048x64xf32, #tpu.memory_space<vmem_shared>>
    tpu.enqueue_indirect_dma source(%arg11 : memref<128x64xf32, #tpu.memory_space<vmem>>) target(%dma_start3A_137 : memref<2048x64xf32, #tpu.memory_space<vmem_shared>>) offsets(%dma_start3A_134 : memref<128xi32, #tpu.memory_space<vmem>>) semaphore(%arg22 : memref<!tpu.dma_semaphore, #tpu.memory_space<semaphore_mem>>) {add = true}
    %dma_wait3A_138 = arith.constant 4 : i32
    %dma_wait3A_139 = arith.constant 0 : i32
    %dma_wait3A_140 = tpu.memref_slice %arg6[%dma_wait3A_138, %dma_wait3A_139] : memref<50x128xi32, #tpu.memory_space<vmem>> -> memref<1x128xi32, #tpu.memory_space<vmem>>
    %dma_wait3A_141 = tpu.memref_squeeze %dma_wait3A_140 : memref<1x128xi32, #tpu.memory_space<vmem>> -> memref<128xi32, #tpu.memory_space<vmem>>
    %dma_wait3A_142 = arith.constant 0 : i32
    %dma_wait3A_143 = arith.constant 0 : i32
    %dma_wait3A_144 = tpu.memref_slice %arg3[%dma_wait3A_142, %dma_wait3A_143] : memref<100000x64xf32, #tpu.memory_space<hbm>> -> memref<100000x64xf32, #tpu.memory_space<hbm>>
    tpu.wait_indirect_dma semaphore(%arg15 : memref<!tpu.dma_semaphore, #tpu.memory_space<semaphore_mem>>) src(%dma_wait3A_144 : memref<100000x64xf32, #tpu.memory_space<hbm>>) dst(%arg8 : memref<128x64xf32, #tpu.memory_space<vmem>>)
    %dma_wait3A_145 = arith.constant 3 : i32
    %dma_wait3A_146 = arith.constant 0 : i32
    %dma_wait3A_147 = tpu.memref_slice %arg7[%dma_wait3A_145, %dma_wait3A_146] : memref<50x128xi32, #tpu.memory_space<vmem>> -> memref<1x128xi32, #tpu.memory_space<vmem>>
    %dma_wait3A_148 = tpu.memref_squeeze %dma_wait3A_147 : memref<1x128xi32, #tpu.memory_space<vmem>> -> memref<128xi32, #tpu.memory_space<vmem>>
    %dma_wait3A_149 = arith.constant 0 : i32
    %dma_wait3A_150 = arith.constant 0 : i32
    %dma_wait3A_151 = tpu.memref_slice %arg14[%dma_wait3A_149, %dma_wait3A_150] : memref<2048x64xf32, #tpu.memory_space<vmem_shared>> -> memref<2048x64xf32, #tpu.memory_space<vmem_shared>>
    tpu.wait_indirect_dma semaphore(%arg22 : memref<!tpu.dma_semaphore, #tpu.memory_space<semaphore_mem>>) src(%arg11 : memref<128x64xf32, #tpu.memory_space<vmem>>) dst(%dma_wait3A_151 : memref<2048x64xf32, #tpu.memory_space<vmem_shared>>)
    %dma_start3A_152 = arith.constant 7 : i32
    %dma_start3A_153 = arith.constant 0 : i32
    %dma_start3A_154 = tpu.memref_slice %arg6[%dma_start3A_152, %dma_start3A_153] : memref<50x128xi32, #tpu.memory_space<vmem>> -> memref<1x128xi32, #tpu.memory_space<vmem>>
    %dma_start3A_155 = tpu.memref_squeeze %dma_start3A_154 : memref<1x128xi32, #tpu.memory_space<vmem>> -> memref<128xi32, #tpu.memory_space<vmem>>
    %dma_start3A_156 = arith.constant 0 : i32
    %dma_start3A_157 = arith.constant 0 : i32
    %dma_start3A_158 = tpu.memref_slice %arg3[%dma_start3A_156, %dma_start3A_157] : memref<100000x64xf32, #tpu.memory_space<hbm>> -> memref<100000x64xf32, #tpu.memory_space<hbm>>
    tpu.enqueue_indirect_dma source(%dma_start3A_158 : memref<100000x64xf32, #tpu.memory_space<hbm>>) target(%arg11 : memref<128x64xf32, #tpu.memory_space<vmem>>) offsets(%dma_start3A_155 : memref<128xi32, #tpu.memory_space<vmem>>) semaphore(%arg18 : memref<!tpu.dma_semaphore, #tpu.memory_space<semaphore_mem>>)
    %dma_start3A_159 = arith.constant 4 : i32
    %dma_start3A_160 = arith.constant 0 : i32
    %dma_start3A_161 = tpu.memref_slice %arg7[%dma_start3A_159, %dma_start3A_160] : memref<50x128xi32, #tpu.memory_space<vmem>> -> memref<1x128xi32, #tpu.memory_space<vmem>>
    %dma_start3A_162 = tpu.memref_squeeze %dma_start3A_161 : memref<1x128xi32, #tpu.memory_space<vmem>> -> memref<128xi32, #tpu.memory_space<vmem>>
    %dma_start3A_163 = arith.constant 0 : i32
    %dma_start3A_164 = arith.constant 0 : i32
    %dma_start3A_165 = tpu.memref_slice %arg14[%dma_start3A_163, %dma_start3A_164] : memref<2048x64xf32, #tpu.memory_space<vmem_shared>> -> memref<2048x64xf32, #tpu.memory_space<vmem_shared>>
    tpu.enqueue_indirect_dma source(%arg8 : memref<128x64xf32, #tpu.memory_space<vmem>>) target(%dma_start3A_165 : memref<2048x64xf32, #tpu.memory_space<vmem_shared>>) offsets(%dma_start3A_162 : memref<128xi32, #tpu.memory_space<vmem>>) semaphore(%arg19 : memref<!tpu.dma_semaphore, #tpu.memory_space<semaphore_mem>>) {add = true}
    %dma_wait3A_166 = arith.constant 5 : i32
    %dma_wait3A_167 = arith.constant 0 : i32
    %dma_wait3A_168 = tpu.memref_slice %arg6[%dma_wait3A_166, %dma_wait3A_167] : memref<50x128xi32, #tpu.memory_space<vmem>> -> memref<1x128xi32, #tpu.memory_space<vmem>>
    %dma_wait3A_169 = tpu.memref_squeeze %dma_wait3A_168 : memref<1x128xi32, #tpu.memory_space<vmem>> -> memref<128xi32, #tpu.memory_space<vmem>>
    %dma_wait3A_170 = arith.constant 0 : i32
    %dma_wait3A_171 = arith.constant 0 : i32
    %dma_wait3A_172 = tpu.memref_slice %arg3[%dma_wait3A_170, %dma_wait3A_171] : memref<100000x64xf32, #tpu.memory_space<hbm>> -> memref<100000x64xf32, #tpu.memory_space<hbm>>
    tpu.wait_indirect_dma semaphore(%arg16 : memref<!tpu.dma_semaphore, #tpu.memory_space<semaphore_mem>>) src(%dma_wait3A_172 : memref<100000x64xf32, #tpu.memory_space<hbm>>) dst(%arg9 : memref<128x64xf32, #tpu.memory_space<vmem>>)
    %dma_wait3A_173 = arith.constant 4 : i32
    %dma_wait3A_174 = arith.constant 0 : i32
    %dma_wait3A_175 = tpu.memref_slice %arg7[%dma_wait3A_173, %dma_wait3A_174] : memref<50x128xi32, #tpu.memory_space<vmem>> -> memref<1x128xi32, #tpu.memory_space<vmem>>
    %dma_wait3A_176 = tpu.memref_squeeze %dma_wait3A_175 : memref<1x128xi32, #tpu.memory_space<vmem>> -> memref<128xi32, #tpu.memory_space<vmem>>
    %dma_wait3A_177 = arith.constant 0 : i32
    %dma_wait3A_178 = arith.constant 0 : i32
    %dma_wait3A_179 = tpu.memref_slice %arg14[%dma_wait3A_177, %dma_wait3A_178] : memref<2048x64xf32, #tpu.memory_space<vmem_shared>> -> memref<2048x64xf32, #tpu.memory_space<vmem_shared>>
    tpu.wait_indirect_dma semaphore(%arg19 : memref<!tpu.dma_semaphore, #tpu.memory_space<semaphore_mem>>) src(%arg8 : memref<128x64xf32, #tpu.memory_space<vmem>>) dst(%dma_wait3A_179 : memref<2048x64xf32, #tpu.memory_space<vmem_shared>>)
    %dma_start3A_180 = arith.constant 8 : i32
    %dma_start3A_181 = arith.constant 0 : i32
    %dma_start3A_182 = tpu.memref_slice %arg6[%dma_start3A_180, %dma_start3A_181] : memref<50x128xi32, #tpu.memory_space<vmem>> -> memref<1x128xi32, #tpu.memory_space<vmem>>
    %dma_start3A_183 = tpu.memref_squeeze %dma_start3A_182 : memref<1x128xi32, #tpu.memory_space<vmem>> -> memref<128xi32, #tpu.memory_space<vmem>>
    %dma_start3A_184 = arith.constant 0 : i32
    %dma_start3A_185 = arith.constant 0 : i32
    %dma_start3A_186 = tpu.memref_slice %arg3[%dma_start3A_184, %dma_start3A_185] : memref<100000x64xf32, #tpu.memory_space<hbm>> -> memref<100000x64xf32, #tpu.memory_space<hbm>>
    tpu.enqueue_indirect_dma source(%dma_start3A_186 : memref<100000x64xf32, #tpu.memory_space<hbm>>) target(%arg8 : memref<128x64xf32, #tpu.memory_space<vmem>>) offsets(%dma_start3A_183 : memref<128xi32, #tpu.memory_space<vmem>>) semaphore(%arg15 : memref<!tpu.dma_semaphore, #tpu.memory_space<semaphore_mem>>)
    %dma_start3A_187 = arith.constant 5 : i32
    %dma_start3A_188 = arith.constant 0 : i32
    %dma_start3A_189 = tpu.memref_slice %arg7[%dma_start3A_187, %dma_start3A_188] : memref<50x128xi32, #tpu.memory_space<vmem>> -> memref<1x128xi32, #tpu.memory_space<vmem>>
    %dma_start3A_190 = tpu.memref_squeeze %dma_start3A_189 : memref<1x128xi32, #tpu.memory_space<vmem>> -> memref<128xi32, #tpu.memory_space<vmem>>
    %dma_start3A_191 = arith.constant 0 : i32
    %dma_start3A_192 = arith.constant 0 : i32
    %dma_start3A_193 = tpu.memref_slice %arg14[%dma_start3A_191, %dma_start3A_192] : memref<2048x64xf32, #tpu.memory_space<vmem_shared>> -> memref<2048x64xf32, #tpu.memory_space<vmem_shared>>
    tpu.enqueue_indirect_dma source(%arg9 : memref<128x64xf32, #tpu.memory_space<vmem>>) target(%dma_start3A_193 : memref<2048x64xf32, #tpu.memory_space<vmem_shared>>) offsets(%dma_start3A_190 : memref<128xi32, #tpu.memory_space<vmem>>) semaphore(%arg20 : memref<!tpu.dma_semaphore, #tpu.memory_space<semaphore_mem>>) {add = true}
    %dma_wait3A_194 = arith.constant 6 : i32
    %dma_wait3A_195 = arith.constant 0 : i32
    %dma_wait3A_196 = tpu.memref_slice %arg6[%dma_wait3A_194, %dma_wait3A_195] : memref<50x128xi32, #tpu.memory_space<vmem>> -> memref<1x128xi32, #tpu.memory_space<vmem>>
    %dma_wait3A_197 = tpu.memref_squeeze %dma_wait3A_196 : memref<1x128xi32, #tpu.memory_space<vmem>> -> memref<128xi32, #tpu.memory_space<vmem>>
    %dma_wait3A_198 = arith.constant 0 : i32
    %dma_wait3A_199 = arith.constant 0 : i32
    %dma_wait3A_200 = tpu.memref_slice %arg3[%dma_wait3A_198, %dma_wait3A_199] : memref<100000x64xf32, #tpu.memory_space<hbm>> -> memref<100000x64xf32, #tpu.memory_space<hbm>>
    tpu.wait_indirect_dma semaphore(%arg17 : memref<!tpu.dma_semaphore, #tpu.memory_space<semaphore_mem>>) src(%dma_wait3A_200 : memref<100000x64xf32, #tpu.memory_space<hbm>>) dst(%arg10 : memref<128x64xf32, #tpu.memory_space<vmem>>)
    %dma_wait3A_201 = arith.constant 5 : i32
    %dma_wait3A_202 = arith.constant 0 : i32
    %dma_wait3A_203 = tpu.memref_slice %arg7[%dma_wait3A_201, %dma_wait3A_202] : memref<50x128xi32, #tpu.memory_space<vmem>> -> memref<1x128xi32, #tpu.memory_space<vmem>>
    %dma_wait3A_204 = tpu.memref_squeeze %dma_wait3A_203 : memref<1x128xi32, #tpu.memory_space<vmem>> -> memref<128xi32, #tpu.memory_space<vmem>>
    %dma_wait3A_205 = arith.constant 0 : i32
    %dma_wait3A_206 = arith.constant 0 : i32
    %dma_wait3A_207 = tpu.memref_slice %arg14[%dma_wait3A_205, %dma_wait3A_206] : memref<2048x64xf32, #tpu.memory_space<vmem_shared>> -> memref<2048x64xf32, #tpu.memory_space<vmem_shared>>
    tpu.wait_indirect_dma semaphore(%arg20 : memref<!tpu.dma_semaphore, #tpu.memory_space<semaphore_mem>>) src(%arg9 : memref<128x64xf32, #tpu.memory_space<vmem>>) dst(%dma_wait3A_207 : memref<2048x64xf32, #tpu.memory_space<vmem_shared>>)
    %dma_start3A_208 = arith.constant 9 : i32
    %dma_start3A_209 = arith.constant 0 : i32
    %dma_start3A_210 = tpu.memref_slice %arg6[%dma_start3A_208, %dma_start3A_209] : memref<50x128xi32, #tpu.memory_space<vmem>> -> memref<1x128xi32, #tpu.memory_space<vmem>>
    %dma_start3A_211 = tpu.memref_squeeze %dma_start3A_210 : memref<1x128xi32, #tpu.memory_space<vmem>> -> memref<128xi32, #tpu.memory_space<vmem>>
    %dma_start3A_212 = arith.constant 0 : i32
    %dma_start3A_213 = arith.constant 0 : i32
    %dma_start3A_214 = tpu.memref_slice %arg3[%dma_start3A_212, %dma_start3A_213] : memref<100000x64xf32, #tpu.memory_space<hbm>> -> memref<100000x64xf32, #tpu.memory_space<hbm>>
    tpu.enqueue_indirect_dma source(%dma_start3A_214 : memref<100000x64xf32, #tpu.memory_space<hbm>>) target(%arg9 : memref<128x64xf32, #tpu.memory_space<vmem>>) offsets(%dma_start3A_211 : memref<128xi32, #tpu.memory_space<vmem>>) semaphore(%arg16 : memref<!tpu.dma_semaphore, #tpu.memory_space<semaphore_mem>>)
    %dma_start3A_215 = arith.constant 6 : i32
    %dma_start3A_216 = arith.constant 0 : i32
    %dma_start3A_217 = tpu.memref_slice %arg7[%dma_start3A_215, %dma_start3A_216] : memref<50x128xi32, #tpu.memory_space<vmem>> -> memref<1x128xi32, #tpu.memory_space<vmem>>
    %dma_start3A_218 = tpu.memref_squeeze %dma_start3A_217 : memref<1x128xi32, #tpu.memory_space<vmem>> -> memref<128xi32, #tpu.memory_space<vmem>>
    %dma_start3A_219 = arith.constant 0 : i32
    %dma_start3A_220 = arith.constant 0 : i32
    %dma_start3A_221 = tpu.memref_slice %arg14[%dma_start3A_219, %dma_start3A_220] : memref<2048x64xf32, #tpu.memory_space<vmem_shared>> -> memref<2048x64xf32, #tpu.memory_space<vmem_shared>>
    tpu.enqueue_indirect_dma source(%arg10 : memref<128x64xf32, #tpu.memory_space<vmem>>) target(%dma_start3A_221 : memref<2048x64xf32, #tpu.memory_space<vmem_shared>>) offsets(%dma_start3A_218 : memref<128xi32, #tpu.memory_space<vmem>>) semaphore(%arg21 : memref<!tpu.dma_semaphore, #tpu.memory_space<semaphore_mem>>) {add = true}
    %dma_wait3A_222 = arith.constant 7 : i32
    %dma_wait3A_223 = arith.constant 0 : i32
    %dma_wait3A_224 = tpu.memref_slice %arg6[%dma_wait3A_222, %dma_wait3A_223] : memref<50x128xi32, #tpu.memory_space<vmem>> -> memref<1x128xi32, #tpu.memory_space<vmem>>
    %dma_wait3A_225 = tpu.memref_squeeze %dma_wait3A_224 : memref<1x128xi32, #tpu.memory_space<vmem>> -> memref<128xi32, #tpu.memory_space<vmem>>
    %dma_wait3A_226 = arith.constant 0 : i32
    %dma_wait3A_227 = arith.constant 0 : i32
    %dma_wait3A_228 = tpu.memref_slice %arg3[%dma_wait3A_226, %dma_wait3A_227] : memref<100000x64xf32, #tpu.memory_space<hbm>> -> memref<100000x64xf32, #tpu.memory_space<hbm>>
    tpu.wait_indirect_dma semaphore(%arg18 : memref<!tpu.dma_semaphore, #tpu.memory_space<semaphore_mem>>) src(%dma_wait3A_228 : memref<100000x64xf32, #tpu.memory_space<hbm>>) dst(%arg11 : memref<128x64xf32, #tpu.memory_space<vmem>>)
    %dma_wait3A_229 = arith.constant 6 : i32
    %dma_wait3A_230 = arith.constant 0 : i32
    %dma_wait3A_231 = tpu.memref_slice %arg7[%dma_wait3A_229, %dma_wait3A_230] : memref<50x128xi32, #tpu.memory_space<vmem>> -> memref<1x128xi32, #tpu.memory_space<vmem>>
    %dma_wait3A_232 = tpu.memref_squeeze %dma_wait3A_231 : memref<1x128xi32, #tpu.memory_space<vmem>> -> memref<128xi32, #tpu.memory_space<vmem>>
    %dma_wait3A_233 = arith.constant 0 : i32
    %dma_wait3A_234 = arith.constant 0 : i32
    %dma_wait3A_235 = tpu.memref_slice %arg14[%dma_wait3A_233, %dma_wait3A_234] : memref<2048x64xf32, #tpu.memory_space<vmem_shared>> -> memref<2048x64xf32, #tpu.memory_space<vmem_shared>>
    tpu.wait_indirect_dma semaphore(%arg21 : memref<!tpu.dma_semaphore, #tpu.memory_space<semaphore_mem>>) src(%arg10 : memref<128x64xf32, #tpu.memory_space<vmem>>) dst(%dma_wait3A_235 : memref<2048x64xf32, #tpu.memory_space<vmem_shared>>)
    %dma_start3A_236 = arith.constant 10 : i32
    %dma_start3A_237 = arith.constant 0 : i32
    %dma_start3A_238 = tpu.memref_slice %arg6[%dma_start3A_236, %dma_start3A_237] : memref<50x128xi32, #tpu.memory_space<vmem>> -> memref<1x128xi32, #tpu.memory_space<vmem>>
    %dma_start3A_239 = tpu.memref_squeeze %dma_start3A_238 : memref<1x128xi32, #tpu.memory_space<vmem>> -> memref<128xi32, #tpu.memory_space<vmem>>
    %dma_start3A_240 = arith.constant 0 : i32
    %dma_start3A_241 = arith.constant 0 : i32
    %dma_start3A_242 = tpu.memref_slice %arg3[%dma_start3A_240, %dma_start3A_241] : memref<100000x64xf32, #tpu.memory_space<hbm>> -> memref<100000x64xf32, #tpu.memory_space<hbm>>
    tpu.enqueue_indirect_dma source(%dma_start3A_242 : memref<100000x64xf32, #tpu.memory_space<hbm>>) target(%arg10 : memref<128x64xf32, #tpu.memory_space<vmem>>) offsets(%dma_start3A_239 : memref<128xi32, #tpu.memory_space<vmem>>) semaphore(%arg17 : memref<!tpu.dma_semaphore, #tpu.memory_space<semaphore_mem>>)
    %dma_start3A_243 = arith.constant 7 : i32
    %dma_start3A_244 = arith.constant 0 : i32
    %dma_start3A_245 = tpu.memref_slice %arg7[%dma_start3A_243, %dma_start3A_244] : memref<50x128xi32, #tpu.memory_space<vmem>> -> memref<1x128xi32, #tpu.memory_space<vmem>>
    %dma_start3A_246 = tpu.memref_squeeze %dma_start3A_245 : memref<1x128xi32, #tpu.memory_space<vmem>> -> memref<128xi32, #tpu.memory_space<vmem>>
    %dma_start3A_247 = arith.constant 0 : i32
    %dma_start3A_248 = arith.constant 0 : i32
    %dma_start3A_249 = tpu.memref_slice %arg14[%dma_start3A_247, %dma_start3A_248] : memref<2048x64xf32, #tpu.memory_space<vmem_shared>> -> memref<2048x64xf32, #tpu.memory_space<vmem_shared>>
    tpu.enqueue_indirect_dma source(%arg11 : memref<128x64xf32, #tpu.memory_space<vmem>>) target(%dma_start3A_249 : memref<2048x64xf32, #tpu.memory_space<vmem_shared>>) offsets(%dma_start3A_246 : memref<128xi32, #tpu.memory_space<vmem>>) semaphore(%arg22 : memref<!tpu.dma_semaphore, #tpu.memory_space<semaphore_mem>>) {add = true}
    %dma_wait3A_250 = arith.constant 8 : i32
    %dma_wait3A_251 = arith.constant 0 : i32
    %dma_wait3A_252 = tpu.memref_slice %arg6[%dma_wait3A_250, %dma_wait3A_251] : memref<50x128xi32, #tpu.memory_space<vmem>> -> memref<1x128xi32, #tpu.memory_space<vmem>>
    %dma_wait3A_253 = tpu.memref_squeeze %dma_wait3A_252 : memref<1x128xi32, #tpu.memory_space<vmem>> -> memref<128xi32, #tpu.memory_space<vmem>>
    %dma_wait3A_254 = arith.constant 0 : i32
    %dma_wait3A_255 = arith.constant 0 : i32
    %dma_wait3A_256 = tpu.memref_slice %arg3[%dma_wait3A_254, %dma_wait3A_255] : memref<100000x64xf32, #tpu.memory_space<hbm>> -> memref<100000x64xf32, #tpu.memory_space<hbm>>
    tpu.wait_indirect_dma semaphore(%arg15 : memref<!tpu.dma_semaphore, #tpu.memory_space<semaphore_mem>>) src(%dma_wait3A_256 : memref<100000x64xf32, #tpu.memory_space<hbm>>) dst(%arg8 : memref<128x64xf32, #tpu.memory_space<vmem>>)
    %dma_wait3A_257 = arith.constant 7 : i32
    %dma_wait3A_258 = arith.constant 0 : i32
    %dma_wait3A_259 = tpu.memref_slice %arg7[%dma_wait3A_257, %dma_wait3A_258] : memref<50x128xi32, #tpu.memory_space<vmem>> -> memref<1x128xi32, #tpu.memory_space<vmem>>
    %dma_wait3A_260 = tpu.memref_squeeze %dma_wait3A_259 : memref<1x128xi32, #tpu.memory_space<vmem>> -> memref<128xi32, #tpu.memory_space<vmem>>
    %dma_wait3A_261 = arith.constant 0 : i32
    %dma_wait3A_262 = arith.constant 0 : i32
    %dma_wait3A_263 = tpu.memref_slice %arg14[%dma_wait3A_261, %dma_wait3A_262] : memref<2048x64xf32, #tpu.memory_space<vmem_shared>> -> memref<2048x64xf32, #tpu.memory_space<vmem_shared>>
    tpu.wait_indirect_dma semaphore(%arg22 : memref<!tpu.dma_semaphore, #tpu.memory_space<semaphore_mem>>) src(%arg11 : memref<128x64xf32, #tpu.memory_space<vmem>>) dst(%dma_wait3A_263 : memref<2048x64xf32, #tpu.memory_space<vmem_shared>>)
    %dma_start3A_264 = arith.constant 11 : i32
    %dma_start3A_265 = arith.constant 0 : i32
    %dma_start3A_266 = tpu.memref_slice %arg6[%dma_start3A_264, %dma_start3A_265] : memref<50x128xi32, #tpu.memory_space<vmem>> -> memref<1x128xi32, #tpu.memory_space<vmem>>
    %dma_start3A_267 = tpu.memref_squeeze %dma_start3A_266 : memref<1x128xi32, #tpu.memory_space<vmem>> -> memref<128xi32, #tpu.memory_space<vmem>>
    %dma_start3A_268 = arith.constant 0 : i32
    %dma_start3A_269 = arith.constant 0 : i32
    %dma_start3A_270 = tpu.memref_slice %arg3[%dma_start3A_268, %dma_start3A_269] : memref<100000x64xf32, #tpu.memory_space<hbm>> -> memref<100000x64xf32, #tpu.memory_space<hbm>>
    tpu.enqueue_indirect_dma source(%dma_start3A_270 : memref<100000x64xf32, #tpu.memory_space<hbm>>) target(%arg11 : memref<128x64xf32, #tpu.memory_space<vmem>>) offsets(%dma_start3A_267 : memref<128xi32, #tpu.memory_space<vmem>>) semaphore(%arg18 : memref<!tpu.dma_semaphore, #tpu.memory_space<semaphore_mem>>)
    %dma_start3A_271 = arith.constant 8 : i32
    %dma_start3A_272 = arith.constant 0 : i32
    %dma_start3A_273 = tpu.memref_slice %arg7[%dma_start3A_271, %dma_start3A_272] : memref<50x128xi32, #tpu.memory_space<vmem>> -> memref<1x128xi32, #tpu.memory_space<vmem>>
    %dma_start3A_274 = tpu.memref_squeeze %dma_start3A_273 : memref<1x128xi32, #tpu.memory_space<vmem>> -> memref<128xi32, #tpu.memory_space<vmem>>
    %dma_start3A_275 = arith.constant 0 : i32
    %dma_start3A_276 = arith.constant 0 : i32
    %dma_start3A_277 = tpu.memref_slice %arg14[%dma_start3A_275, %dma_start3A_276] : memref<2048x64xf32, #tpu.memory_space<vmem_shared>> -> memref<2048x64xf32, #tpu.memory_space<vmem_shared>>
    tpu.enqueue_indirect_dma source(%arg8 : memref<128x64xf32, #tpu.memory_space<vmem>>) target(%dma_start3A_277 : memref<2048x64xf32, #tpu.memory_space<vmem_shared>>) offsets(%dma_start3A_274 : memref<128xi32, #tpu.memory_space<vmem>>) semaphore(%arg19 : memref<!tpu.dma_semaphore, #tpu.memory_space<semaphore_mem>>) {add = true}
    %dma_wait3A_278 = arith.constant 9 : i32
    %dma_wait3A_279 = arith.constant 0 : i32
    %dma_wait3A_280 = tpu.memref_slice %arg6[%dma_wait3A_278, %dma_wait3A_279] : memref<50x128xi32, #tpu.memory_space<vmem>> -> memref<1x128xi32, #tpu.memory_space<vmem>>
    %dma_wait3A_281 = tpu.memref_squeeze %dma_wait3A_280 : memref<1x128xi32, #tpu.memory_space<vmem>> -> memref<128xi32, #tpu.memory_space<vmem>>
    %dma_wait3A_282 = arith.constant 0 : i32
    %dma_wait3A_283 = arith.constant 0 : i32
    %dma_wait3A_284 = tpu.memref_slice %arg3[%dma_wait3A_282, %dma_wait3A_283] : memref<100000x64xf32, #tpu.memory_space<hbm>> -> memref<100000x64xf32, #tpu.memory_space<hbm>>
    tpu.wait_indirect_dma semaphore(%arg16 : memref<!tpu.dma_semaphore, #tpu.memory_space<semaphore_mem>>) src(%dma_wait3A_284 : memref<100000x64xf32, #tpu.memory_space<hbm>>) dst(%arg9 : memref<128x64xf32, #tpu.memory_space<vmem>>)
    %dma_wait3A_285 = arith.constant 8 : i32
    %dma_wait3A_286 = arith.constant 0 : i32
    %dma_wait3A_287 = tpu.memref_slice %arg7[%dma_wait3A_285, %dma_wait3A_286] : memref<50x128xi32, #tpu.memory_space<vmem>> -> memref<1x128xi32, #tpu.memory_space<vmem>>
    %dma_wait3A_288 = tpu.memref_squeeze %dma_wait3A_287 : memref<1x128xi32, #tpu.memory_space<vmem>> -> memref<128xi32, #tpu.memory_space<vmem>>
    %dma_wait3A_289 = arith.constant 0 : i32
    %dma_wait3A_290 = arith.constant 0 : i32
    %dma_wait3A_291 = tpu.memref_slice %arg14[%dma_wait3A_289, %dma_wait3A_290] : memref<2048x64xf32, #tpu.memory_space<vmem_shared>> -> memref<2048x64xf32, #tpu.memory_space<vmem_shared>>
    tpu.wait_indirect_dma semaphore(%arg19 : memref<!tpu.dma_semaphore, #tpu.memory_space<semaphore_mem>>) src(%arg8 : memref<128x64xf32, #tpu.memory_space<vmem>>) dst(%dma_wait3A_291 : memref<2048x64xf32, #tpu.memory_space<vmem_shared>>)
    %dma_start3A_292 = arith.constant 12 : i32
    %dma_start3A_293 = arith.constant 0 : i32
    %dma_start3A_294 = tpu.memref_slice %arg6[%dma_start3A_292, %dma_start3A_293] : memref<50x128xi32, #tpu.memory_space<vmem>> -> memref<1x128xi32, #tpu.memory_space<vmem>>
    %dma_start3A_295 = tpu.memref_squeeze %dma_start3A_294 : memref<1x128xi32, #tpu.memory_space<vmem>> -> memref<128xi32, #tpu.memory_space<vmem>>
    %dma_start3A_296 = arith.constant 0 : i32
    %dma_start3A_297 = arith.constant 0 : i32
    %dma_start3A_298 = tpu.memref_slice %arg3[%dma_start3A_296, %dma_start3A_297] : memref<100000x64xf32, #tpu.memory_space<hbm>> -> memref<100000x64xf32, #tpu.memory_space<hbm>>
    tpu.enqueue_indirect_dma source(%dma_start3A_298 : memref<100000x64xf32, #tpu.memory_space<hbm>>) target(%arg8 : memref<128x64xf32, #tpu.memory_space<vmem>>) offsets(%dma_start3A_295 : memref<128xi32, #tpu.memory_space<vmem>>) semaphore(%arg15 : memref<!tpu.dma_semaphore, #tpu.memory_space<semaphore_mem>>)
    %dma_start3A_299 = arith.constant 9 : i32
    %dma_start3A_300 = arith.constant 0 : i32
    %dma_start3A_301 = tpu.memref_slice %arg7[%dma_start3A_299, %dma_start3A_300] : memref<50x128xi32, #tpu.memory_space<vmem>> -> memref<1x128xi32, #tpu.memory_space<vmem>>
    %dma_start3A_302 = tpu.memref_squeeze %dma_start3A_301 : memref<1x128xi32, #tpu.memory_space<vmem>> -> memref<128xi32, #tpu.memory_space<vmem>>
    %dma_start3A_303 = arith.constant 0 : i32
    %dma_start3A_304 = arith.constant 0 : i32
    %dma_start3A_305 = tpu.memref_slice %arg14[%dma_start3A_303, %dma_start3A_304] : memref<2048x64xf32, #tpu.memory_space<vmem_shared>> -> memref<2048x64xf32, #tpu.memory_space<vmem_shared>>
    tpu.enqueue_indirect_dma source(%arg9 : memref<128x64xf32, #tpu.memory_space<vmem>>) target(%dma_start3A_305 : memref<2048x64xf32, #tpu.memory_space<vmem_shared>>) offsets(%dma_start3A_302 : memref<128xi32, #tpu.memory_space<vmem>>) semaphore(%arg20 : memref<!tpu.dma_semaphore, #tpu.memory_space<semaphore_mem>>) {add = true}
    %dma_wait3A_306 = arith.constant 10 : i32
    %dma_wait3A_307 = arith.constant 0 : i32
    %dma_wait3A_308 = tpu.memref_slice %arg6[%dma_wait3A_306, %dma_wait3A_307] : memref<50x128xi32, #tpu.memory_space<vmem>> -> memref<1x128xi32, #tpu.memory_space<vmem>>
    %dma_wait3A_309 = tpu.memref_squeeze %dma_wait3A_308 : memref<1x128xi32, #tpu.memory_space<vmem>> -> memref<128xi32, #tpu.memory_space<vmem>>
    %dma_wait3A_310 = arith.constant 0 : i32
    %dma_wait3A_311 = arith.constant 0 : i32
    %dma_wait3A_312 = tpu.memref_slice %arg3[%dma_wait3A_310, %dma_wait3A_311] : memref<100000x64xf32, #tpu.memory_space<hbm>> -> memref<100000x64xf32, #tpu.memory_space<hbm>>
    tpu.wait_indirect_dma semaphore(%arg17 : memref<!tpu.dma_semaphore, #tpu.memory_space<semaphore_mem>>) src(%dma_wait3A_312 : memref<100000x64xf32, #tpu.memory_space<hbm>>) dst(%arg10 : memref<128x64xf32, #tpu.memory_space<vmem>>)
    %dma_wait3A_313 = arith.constant 9 : i32
    %dma_wait3A_314 = arith.constant 0 : i32
    %dma_wait3A_315 = tpu.memref_slice %arg7[%dma_wait3A_313, %dma_wait3A_314] : memref<50x128xi32, #tpu.memory_space<vmem>> -> memref<1x128xi32, #tpu.memory_space<vmem>>
    %dma_wait3A_316 = tpu.memref_squeeze %dma_wait3A_315 : memref<1x128xi32, #tpu.memory_space<vmem>> -> memref<128xi32, #tpu.memory_space<vmem>>
    %dma_wait3A_317 = arith.constant 0 : i32
    %dma_wait3A_318 = arith.constant 0 : i32
    %dma_wait3A_319 = tpu.memref_slice %arg14[%dma_wait3A_317, %dma_wait3A_318] : memref<2048x64xf32, #tpu.memory_space<vmem_shared>> -> memref<2048x64xf32, #tpu.memory_space<vmem_shared>>
    tpu.wait_indirect_dma semaphore(%arg20 : memref<!tpu.dma_semaphore, #tpu.memory_space<semaphore_mem>>) src(%arg9 : memref<128x64xf32, #tpu.memory_space<vmem>>) dst(%dma_wait3A_319 : memref<2048x64xf32, #tpu.memory_space<vmem_shared>>)
    %dma_start3A_320 = arith.constant 13 : i32
    %dma_start3A_321 = arith.constant 0 : i32
    %dma_start3A_322 = tpu.memref_slice %arg6[%dma_start3A_320, %dma_start3A_321] : memref<50x128xi32, #tpu.memory_space<vmem>> -> memref<1x128xi32, #tpu.memory_space<vmem>>
    %dma_start3A_323 = tpu.memref_squeeze %dma_start3A_322 : memref<1x128xi32, #tpu.memory_space<vmem>> -> memref<128xi32, #tpu.memory_space<vmem>>
    %dma_start3A_324 = arith.constant 0 : i32
    %dma_start3A_325 = arith.constant 0 : i32
    %dma_start3A_326 = tpu.memref_slice %arg3[%dma_start3A_324, %dma_start3A_325] : memref<100000x64xf32, #tpu.memory_space<hbm>> -> memref<100000x64xf32, #tpu.memory_space<hbm>>
    tpu.enqueue_indirect_dma source(%dma_start3A_326 : memref<100000x64xf32, #tpu.memory_space<hbm>>) target(%arg9 : memref<128x64xf32, #tpu.memory_space<vmem>>) offsets(%dma_start3A_323 : memref<128xi32, #tpu.memory_space<vmem>>) semaphore(%arg16 : memref<!tpu.dma_semaphore, #tpu.memory_space<semaphore_mem>>)
    %dma_start3A_327 = arith.constant 10 : i32
    %dma_start3A_328 = arith.constant 0 : i32
    %dma_start3A_329 = tpu.memref_slice %arg7[%dma_start3A_327, %dma_start3A_328] : memref<50x128xi32, #tpu.memory_space<vmem>> -> memref<1x128xi32, #tpu.memory_space<vmem>>
    %dma_start3A_330 = tpu.memref_squeeze %dma_start3A_329 : memref<1x128xi32, #tpu.memory_space<vmem>> -> memref<128xi32, #tpu.memory_space<vmem>>
    %dma_start3A_331 = arith.constant 0 : i32
    %dma_start3A_332 = arith.constant 0 : i32
    %dma_start3A_333 = tpu.memref_slice %arg14[%dma_start3A_331, %dma_start3A_332] : memref<2048x64xf32, #tpu.memory_space<vmem_shared>> -> memref<2048x64xf32, #tpu.memory_space<vmem_shared>>
    tpu.enqueue_indirect_dma source(%arg10 : memref<128x64xf32, #tpu.memory_space<vmem>>) target(%dma_start3A_333 : memref<2048x64xf32, #tpu.memory_space<vmem_shared>>) offsets(%dma_start3A_330 : memref<128xi32, #tpu.memory_space<vmem>>) semaphore(%arg21 : memref<!tpu.dma_semaphore, #tpu.memory_space<semaphore_mem>>) {add = true}
    %dma_wait3A_334 = arith.constant 11 : i32
    %dma_wait3A_335 = arith.constant 0 : i32
    %dma_wait3A_336 = tpu.memref_slice %arg6[%dma_wait3A_334, %dma_wait3A_335] : memref<50x128xi32, #tpu.memory_space<vmem>> -> memref<1x128xi32, #tpu.memory_space<vmem>>
    %dma_wait3A_337 = tpu.memref_squeeze %dma_wait3A_336 : memref<1x128xi32, #tpu.memory_space<vmem>> -> memref<128xi32, #tpu.memory_space<vmem>>
    %dma_wait3A_338 = arith.constant 0 : i32
    %dma_wait3A_339 = arith.constant 0 : i32
    %dma_wait3A_340 = tpu.memref_slice %arg3[%dma_wait3A_338, %dma_wait3A_339] : memref<100000x64xf32, #tpu.memory_space<hbm>> -> memref<100000x64xf32, #tpu.memory_space<hbm>>
    tpu.wait_indirect_dma semaphore(%arg18 : memref<!tpu.dma_semaphore, #tpu.memory_space<semaphore_mem>>) src(%dma_wait3A_340 : memref<100000x64xf32, #tpu.memory_space<hbm>>) dst(%arg11 : memref<128x64xf32, #tpu.memory_space<vmem>>)
    %dma_wait3A_341 = arith.constant 10 : i32
    %dma_wait3A_342 = arith.constant 0 : i32
    %dma_wait3A_343 = tpu.memref_slice %arg7[%dma_wait3A_341, %dma_wait3A_342] : memref<50x128xi32, #tpu.memory_space<vmem>> -> memref<1x128xi32, #tpu.memory_space<vmem>>
    %dma_wait3A_344 = tpu.memref_squeeze %dma_wait3A_343 : memref<1x128xi32, #tpu.memory_space<vmem>> -> memref<128xi32, #tpu.memory_space<vmem>>
    %dma_wait3A_345 = arith.constant 0 : i32
    %dma_wait3A_346 = arith.constant 0 : i32
    %dma_wait3A_347 = tpu.memref_slice %arg14[%dma_wait3A_345, %dma_wait3A_346] : memref<2048x64xf32, #tpu.memory_space<vmem_shared>> -> memref<2048x64xf32, #tpu.memory_space<vmem_shared>>
    tpu.wait_indirect_dma semaphore(%arg21 : memref<!tpu.dma_semaphore, #tpu.memory_space<semaphore_mem>>) src(%arg10 : memref<128x64xf32, #tpu.memory_space<vmem>>) dst(%dma_wait3A_347 : memref<2048x64xf32, #tpu.memory_space<vmem_shared>>)
    %dma_start3A_348 = arith.constant 14 : i32
    %dma_start3A_349 = arith.constant 0 : i32
    %dma_start3A_350 = tpu.memref_slice %arg6[%dma_start3A_348, %dma_start3A_349] : memref<50x128xi32, #tpu.memory_space<vmem>> -> memref<1x128xi32, #tpu.memory_space<vmem>>
    %dma_start3A_351 = tpu.memref_squeeze %dma_start3A_350 : memref<1x128xi32, #tpu.memory_space<vmem>> -> memref<128xi32, #tpu.memory_space<vmem>>
    %dma_start3A_352 = arith.constant 0 : i32
    %dma_start3A_353 = arith.constant 0 : i32
    %dma_start3A_354 = tpu.memref_slice %arg3[%dma_start3A_352, %dma_start3A_353] : memref<100000x64xf32, #tpu.memory_space<hbm>> -> memref<100000x64xf32, #tpu.memory_space<hbm>>
    tpu.enqueue_indirect_dma source(%dma_start3A_354 : memref<100000x64xf32, #tpu.memory_space<hbm>>) target(%arg10 : memref<128x64xf32, #tpu.memory_space<vmem>>) offsets(%dma_start3A_351 : memref<128xi32, #tpu.memory_space<vmem>>) semaphore(%arg17 : memref<!tpu.dma_semaphore, #tpu.memory_space<semaphore_mem>>)
    %dma_start3A_355 = arith.constant 11 : i32
    %dma_start3A_356 = arith.constant 0 : i32
    %dma_start3A_357 = tpu.memref_slice %arg7[%dma_start3A_355, %dma_start3A_356] : memref<50x128xi32, #tpu.memory_space<vmem>> -> memref<1x128xi32, #tpu.memory_space<vmem>>
    %dma_start3A_358 = tpu.memref_squeeze %dma_start3A_357 : memref<1x128xi32, #tpu.memory_space<vmem>> -> memref<128xi32, #tpu.memory_space<vmem>>
    %dma_start3A_359 = arith.constant 0 : i32
    %dma_start3A_360 = arith.constant 0 : i32
    %dma_start3A_361 = tpu.memref_slice %arg14[%dma_start3A_359, %dma_start3A_360] : memref<2048x64xf32, #tpu.memory_space<vmem_shared>> -> memref<2048x64xf32, #tpu.memory_space<vmem_shared>>
    tpu.enqueue_indirect_dma source(%arg11 : memref<128x64xf32, #tpu.memory_space<vmem>>) target(%dma_start3A_361 : memref<2048x64xf32, #tpu.memory_space<vmem_shared>>) offsets(%dma_start3A_358 : memref<128xi32, #tpu.memory_space<vmem>>) semaphore(%arg22 : memref<!tpu.dma_semaphore, #tpu.memory_space<semaphore_mem>>) {add = true}
    %dma_wait3A_362 = arith.constant 12 : i32
    %dma_wait3A_363 = arith.constant 0 : i32
    %dma_wait3A_364 = tpu.memref_slice %arg6[%dma_wait3A_362, %dma_wait3A_363] : memref<50x128xi32, #tpu.memory_space<vmem>> -> memref<1x128xi32, #tpu.memory_space<vmem>>
    %dma_wait3A_365 = tpu.memref_squeeze %dma_wait3A_364 : memref<1x128xi32, #tpu.memory_space<vmem>> -> memref<128xi32, #tpu.memory_space<vmem>>
    %dma_wait3A_366 = arith.constant 0 : i32
    %dma_wait3A_367 = arith.constant 0 : i32
    %dma_wait3A_368 = tpu.memref_slice %arg3[%dma_wait3A_366, %dma_wait3A_367] : memref<100000x64xf32, #tpu.memory_space<hbm>> -> memref<100000x64xf32, #tpu.memory_space<hbm>>
    tpu.wait_indirect_dma semaphore(%arg15 : memref<!tpu.dma_semaphore, #tpu.memory_space<semaphore_mem>>) src(%dma_wait3A_368 : memref<100000x64xf32, #tpu.memory_space<hbm>>) dst(%arg8 : memref<128x64xf32, #tpu.memory_space<vmem>>)
    %dma_wait3A_369 = arith.constant 11 : i32
    %dma_wait3A_370 = arith.constant 0 : i32
    %dma_wait3A_371 = tpu.memref_slice %arg7[%dma_wait3A_369, %dma_wait3A_370] : memref<50x128xi32, #tpu.memory_space<vmem>> -> memref<1x128xi32, #tpu.memory_space<vmem>>
    %dma_wait3A_372 = tpu.memref_squeeze %dma_wait3A_371 : memref<1x128xi32, #tpu.memory_space<vmem>> -> memref<128xi32, #tpu.memory_space<vmem>>
    %dma_wait3A_373 = arith.constant 0 : i32
    %dma_wait3A_374 = arith.constant 0 : i32
    %dma_wait3A_375 = tpu.memref_slice %arg14[%dma_wait3A_373, %dma_wait3A_374] : memref<2048x64xf32, #tpu.memory_space<vmem_shared>> -> memref<2048x64xf32, #tpu.memory_space<vmem_shared>>
    tpu.wait_indirect_dma semaphore(%arg22 : memref<!tpu.dma_semaphore, #tpu.memory_space<semaphore_mem>>) src(%arg11 : memref<128x64xf32, #tpu.memory_space<vmem>>) dst(%dma_wait3A_375 : memref<2048x64xf32, #tpu.memory_space<vmem_shared>>)
    %dma_start3A_376 = arith.constant 15 : i32
    %dma_start3A_377 = arith.constant 0 : i32
    %dma_start3A_378 = tpu.memref_slice %arg6[%dma_start3A_376, %dma_start3A_377] : memref<50x128xi32, #tpu.memory_space<vmem>> -> memref<1x128xi32, #tpu.memory_space<vmem>>
    %dma_start3A_379 = tpu.memref_squeeze %dma_start3A_378 : memref<1x128xi32, #tpu.memory_space<vmem>> -> memref<128xi32, #tpu.memory_space<vmem>>
    %dma_start3A_380 = arith.constant 0 : i32
    %dma_start3A_381 = arith.constant 0 : i32
    %dma_start3A_382 = tpu.memref_slice %arg3[%dma_start3A_380, %dma_start3A_381] : memref<100000x64xf32, #tpu.memory_space<hbm>> -> memref<100000x64xf32, #tpu.memory_space<hbm>>
    tpu.enqueue_indirect_dma source(%dma_start3A_382 : memref<100000x64xf32, #tpu.memory_space<hbm>>) target(%arg11 : memref<128x64xf32, #tpu.memory_space<vmem>>) offsets(%dma_start3A_379 : memref<128xi32, #tpu.memory_space<vmem>>) semaphore(%arg18 : memref<!tpu.dma_semaphore, #tpu.memory_space<semaphore_mem>>)
    %dma_start3A_383 = arith.constant 12 : i32
    %dma_start3A_384 = arith.constant 0 : i32
    %dma_start3A_385 = tpu.memref_slice %arg7[%dma_start3A_383, %dma_start3A_384] : memref<50x128xi32, #tpu.memory_space<vmem>> -> memref<1x128xi32, #tpu.memory_space<vmem>>
    %dma_start3A_386 = tpu.memref_squeeze %dma_start3A_385 : memref<1x128xi32, #tpu.memory_space<vmem>> -> memref<128xi32, #tpu.memory_space<vmem>>
    %dma_start3A_387 = arith.constant 0 : i32
    %dma_start3A_388 = arith.constant 0 : i32
    %dma_start3A_389 = tpu.memref_slice %arg14[%dma_start3A_387, %dma_start3A_388] : memref<2048x64xf32, #tpu.memory_space<vmem_shared>> -> memref<2048x64xf32, #tpu.memory_space<vmem_shared>>
    tpu.enqueue_indirect_dma source(%arg8 : memref<128x64xf32, #tpu.memory_space<vmem>>) target(%dma_start3A_389 : memref<2048x64xf32, #tpu.memory_space<vmem_shared>>) offsets(%dma_start3A_386 : memref<128xi32, #tpu.memory_space<vmem>>) semaphore(%arg19 : memref<!tpu.dma_semaphore, #tpu.memory_space<semaphore_mem>>) {add = true}
    %dma_wait3A_390 = arith.constant 13 : i32
    %dma_wait3A_391 = arith.constant 0 : i32
    %dma_wait3A_392 = tpu.memref_slice %arg6[%dma_wait3A_390, %dma_wait3A_391] : memref<50x128xi32, #tpu.memory_space<vmem>> -> memref<1x128xi32, #tpu.memory_space<vmem>>
    %dma_wait3A_393 = tpu.memref_squeeze %dma_wait3A_392 : memref<1x128xi32, #tpu.memory_space<vmem>> -> memref<128xi32, #tpu.memory_space<vmem>>
    %dma_wait3A_394 = arith.constant 0 : i32
    %dma_wait3A_395 = arith.constant 0 : i32
    %dma_wait3A_396 = tpu.memref_slice %arg3[%dma_wait3A_394, %dma_wait3A_395] : memref<100000x64xf32, #tpu.memory_space<hbm>> -> memref<100000x64xf32, #tpu.memory_space<hbm>>
    tpu.wait_indirect_dma semaphore(%arg16 : memref<!tpu.dma_semaphore, #tpu.memory_space<semaphore_mem>>) src(%dma_wait3A_396 : memref<100000x64xf32, #tpu.memory_space<hbm>>) dst(%arg9 : memref<128x64xf32, #tpu.memory_space<vmem>>)
    %dma_wait3A_397 = arith.constant 12 : i32
    %dma_wait3A_398 = arith.constant 0 : i32
    %dma_wait3A_399 = tpu.memref_slice %arg7[%dma_wait3A_397, %dma_wait3A_398] : memref<50x128xi32, #tpu.memory_space<vmem>> -> memref<1x128xi32, #tpu.memory_space<vmem>>
    %dma_wait3A_400 = tpu.memref_squeeze %dma_wait3A_399 : memref<1x128xi32, #tpu.memory_space<vmem>> -> memref<128xi32, #tpu.memory_space<vmem>>
    %dma_wait3A_401 = arith.constant 0 : i32
    %dma_wait3A_402 = arith.constant 0 : i32
    %dma_wait3A_403 = tpu.memref_slice %arg14[%dma_wait3A_401, %dma_wait3A_402] : memref<2048x64xf32, #tpu.memory_space<vmem_shared>> -> memref<2048x64xf32, #tpu.memory_space<vmem_shared>>
    tpu.wait_indirect_dma semaphore(%arg19 : memref<!tpu.dma_semaphore, #tpu.memory_space<semaphore_mem>>) src(%arg8 : memref<128x64xf32, #tpu.memory_space<vmem>>) dst(%dma_wait3A_403 : memref<2048x64xf32, #tpu.memory_space<vmem_shared>>)
    %dma_start3A_404 = arith.constant 16 : i32
    %dma_start3A_405 = arith.constant 0 : i32
    %dma_start3A_406 = tpu.memref_slice %arg6[%dma_start3A_404, %dma_start3A_405] : memref<50x128xi32, #tpu.memory_space<vmem>> -> memref<1x128xi32, #tpu.memory_space<vmem>>
    %dma_start3A_407 = tpu.memref_squeeze %dma_start3A_406 : memref<1x128xi32, #tpu.memory_space<vmem>> -> memref<128xi32, #tpu.memory_space<vmem>>
    %dma_start3A_408 = arith.constant 0 : i32
    %dma_start3A_409 = arith.constant 0 : i32
    %dma_start3A_410 = tpu.memref_slice %arg3[%dma_start3A_408, %dma_start3A_409] : memref<100000x64xf32, #tpu.memory_space<hbm>> -> memref<100000x64xf32, #tpu.memory_space<hbm>>
    tpu.enqueue_indirect_dma source(%dma_start3A_410 : memref<100000x64xf32, #tpu.memory_space<hbm>>) target(%arg8 : memref<128x64xf32, #tpu.memory_space<vmem>>) offsets(%dma_start3A_407 : memref<128xi32, #tpu.memory_space<vmem>>) semaphore(%arg15 : memref<!tpu.dma_semaphore, #tpu.memory_space<semaphore_mem>>)
    %dma_start3A_411 = arith.constant 13 : i32
    %dma_start3A_412 = arith.constant 0 : i32
    %dma_start3A_413 = tpu.memref_slice %arg7[%dma_start3A_411, %dma_start3A_412] : memref<50x128xi32, #tpu.memory_space<vmem>> -> memref<1x128xi32, #tpu.memory_space<vmem>>
    %dma_start3A_414 = tpu.memref_squeeze %dma_start3A_413 : memref<1x128xi32, #tpu.memory_space<vmem>> -> memref<128xi32, #tpu.memory_space<vmem>>
    %dma_start3A_415 = arith.constant 0 : i32
    %dma_start3A_416 = arith.constant 0 : i32
    %dma_start3A_417 = tpu.memref_slice %arg14[%dma_start3A_415, %dma_start3A_416] : memref<2048x64xf32, #tpu.memory_space<vmem_shared>> -> memref<2048x64xf32, #tpu.memory_space<vmem_shared>>
    tpu.enqueue_indirect_dma source(%arg9 : memref<128x64xf32, #tpu.memory_space<vmem>>) target(%dma_start3A_417 : memref<2048x64xf32, #tpu.memory_space<vmem_shared>>) offsets(%dma_start3A_414 : memref<128xi32, #tpu.memory_space<vmem>>) semaphore(%arg20 : memref<!tpu.dma_semaphore, #tpu.memory_space<semaphore_mem>>) {add = true}
    %dma_wait3A_418 = arith.constant 14 : i32
    %dma_wait3A_419 = arith.constant 0 : i32
    %dma_wait3A_420 = tpu.memref_slice %arg6[%dma_wait3A_418, %dma_wait3A_419] : memref<50x128xi32, #tpu.memory_space<vmem>> -> memref<1x128xi32, #tpu.memory_space<vmem>>
    %dma_wait3A_421 = tpu.memref_squeeze %dma_wait3A_420 : memref<1x128xi32, #tpu.memory_space<vmem>> -> memref<128xi32, #tpu.memory_space<vmem>>
    %dma_wait3A_422 = arith.constant 0 : i32
    %dma_wait3A_423 = arith.constant 0 : i32
    %dma_wait3A_424 = tpu.memref_slice %arg3[%dma_wait3A_422, %dma_wait3A_423] : memref<100000x64xf32, #tpu.memory_space<hbm>> -> memref<100000x64xf32, #tpu.memory_space<hbm>>
    tpu.wait_indirect_dma semaphore(%arg17 : memref<!tpu.dma_semaphore, #tpu.memory_space<semaphore_mem>>) src(%dma_wait3A_424 : memref<100000x64xf32, #tpu.memory_space<hbm>>) dst(%arg10 : memref<128x64xf32, #tpu.memory_space<vmem>>)
    %dma_wait3A_425 = arith.constant 13 : i32
    %dma_wait3A_426 = arith.constant 0 : i32
    %dma_wait3A_427 = tpu.memref_slice %arg7[%dma_wait3A_425, %dma_wait3A_426] : memref<50x128xi32, #tpu.memory_space<vmem>> -> memref<1x128xi32, #tpu.memory_space<vmem>>
    %dma_wait3A_428 = tpu.memref_squeeze %dma_wait3A_427 : memref<1x128xi32, #tpu.memory_space<vmem>> -> memref<128xi32, #tpu.memory_space<vmem>>
    %dma_wait3A_429 = arith.constant 0 : i32
    %dma_wait3A_430 = arith.constant 0 : i32
    %dma_wait3A_431 = tpu.memref_slice %arg14[%dma_wait3A_429, %dma_wait3A_430] : memref<2048x64xf32, #tpu.memory_space<vmem_shared>> -> memref<2048x64xf32, #tpu.memory_space<vmem_shared>>
    tpu.wait_indirect_dma semaphore(%arg20 : memref<!tpu.dma_semaphore, #tpu.memory_space<semaphore_mem>>) src(%arg9 : memref<128x64xf32, #tpu.memory_space<vmem>>) dst(%dma_wait3A_431 : memref<2048x64xf32, #tpu.memory_space<vmem_shared>>)
    %dma_start3A_432 = arith.constant 17 : i32
    %dma_start3A_433 = arith.constant 0 : i32
    %dma_start3A_434 = tpu.memref_slice %arg6[%dma_start3A_432, %dma_start3A_433] : memref<50x128xi32, #tpu.memory_space<vmem>> -> memref<1x128xi32, #tpu.memory_space<vmem>>
    %dma_start3A_435 = tpu.memref_squeeze %dma_start3A_434 : memref<1x128xi32, #tpu.memory_space<vmem>> -> memref<128xi32, #tpu.memory_space<vmem>>
    %dma_start3A_436 = arith.constant 0 : i32
    %dma_start3A_437 = arith.constant 0 : i32
    %dma_start3A_438 = tpu.memref_slice %arg3[%dma_start3A_436, %dma_start3A_437] : memref<100000x64xf32, #tpu.memory_space<hbm>> -> memref<100000x64xf32, #tpu.memory_space<hbm>>
    tpu.enqueue_indirect_dma source(%dma_start3A_438 : memref<100000x64xf32, #tpu.memory_space<hbm>>) target(%arg9 : memref<128x64xf32, #tpu.memory_space<vmem>>) offsets(%dma_start3A_435 : memref<128xi32, #tpu.memory_space<vmem>>) semaphore(%arg16 : memref<!tpu.dma_semaphore, #tpu.memory_space<semaphore_mem>>)
    %dma_start3A_439 = arith.constant 14 : i32
    %dma_start3A_440 = arith.constant 0 : i32
    %dma_start3A_441 = tpu.memref_slice %arg7[%dma_start3A_439, %dma_start3A_440] : memref<50x128xi32, #tpu.memory_space<vmem>> -> memref<1x128xi32, #tpu.memory_space<vmem>>
    %dma_start3A_442 = tpu.memref_squeeze %dma_start3A_441 : memref<1x128xi32, #tpu.memory_space<vmem>> -> memref<128xi32, #tpu.memory_space<vmem>>
    %dma_start3A_443 = arith.constant 0 : i32
    %dma_start3A_444 = arith.constant 0 : i32
    %dma_start3A_445 = tpu.memref_slice %arg14[%dma_start3A_443, %dma_start3A_444] : memref<2048x64xf32, #tpu.memory_space<vmem_shared>> -> memref<2048x64xf32, #tpu.memory_space<vmem_shared>>
    tpu.enqueue_indirect_dma source(%arg10 : memref<128x64xf32, #tpu.memory_space<vmem>>) target(%dma_start3A_445 : memref<2048x64xf32, #tpu.memory_space<vmem_shared>>) offsets(%dma_start3A_442 : memref<128xi32, #tpu.memory_space<vmem>>) semaphore(%arg21 : memref<!tpu.dma_semaphore, #tpu.memory_space<semaphore_mem>>) {add = true}
    %dma_wait3A_446 = arith.constant 15 : i32
    %dma_wait3A_447 = arith.constant 0 : i32
    %dma_wait3A_448 = tpu.memref_slice %arg6[%dma_wait3A_446, %dma_wait3A_447] : memref<50x128xi32, #tpu.memory_space<vmem>> -> memref<1x128xi32, #tpu.memory_space<vmem>>
    %dma_wait3A_449 = tpu.memref_squeeze %dma_wait3A_448 : memref<1x128xi32, #tpu.memory_space<vmem>> -> memref<128xi32, #tpu.memory_space<vmem>>
    %dma_wait3A_450 = arith.constant 0 : i32
    %dma_wait3A_451 = arith.constant 0 : i32
    %dma_wait3A_452 = tpu.memref_slice %arg3[%dma_wait3A_450, %dma_wait3A_451] : memref<100000x64xf32, #tpu.memory_space<hbm>> -> memref<100000x64xf32, #tpu.memory_space<hbm>>
    tpu.wait_indirect_dma semaphore(%arg18 : memref<!tpu.dma_semaphore, #tpu.memory_space<semaphore_mem>>) src(%dma_wait3A_452 : memref<100000x64xf32, #tpu.memory_space<hbm>>) dst(%arg11 : memref<128x64xf32, #tpu.memory_space<vmem>>)
    %dma_wait3A_453 = arith.constant 14 : i32
    %dma_wait3A_454 = arith.constant 0 : i32
    %dma_wait3A_455 = tpu.memref_slice %arg7[%dma_wait3A_453, %dma_wait3A_454] : memref<50x128xi32, #tpu.memory_space<vmem>> -> memref<1x128xi32, #tpu.memory_space<vmem>>
    %dma_wait3A_456 = tpu.memref_squeeze %dma_wait3A_455 : memref<1x128xi32, #tpu.memory_space<vmem>> -> memref<128xi32, #tpu.memory_space<vmem>>
    %dma_wait3A_457 = arith.constant 0 : i32
    %dma_wait3A_458 = arith.constant 0 : i32
    %dma_wait3A_459 = tpu.memref_slice %arg14[%dma_wait3A_457, %dma_wait3A_458] : memref<2048x64xf32, #tpu.memory_space<vmem_shared>> -> memref<2048x64xf32, #tpu.memory_space<vmem_shared>>
    tpu.wait_indirect_dma semaphore(%arg21 : memref<!tpu.dma_semaphore, #tpu.memory_space<semaphore_mem>>) src(%arg10 : memref<128x64xf32, #tpu.memory_space<vmem>>) dst(%dma_wait3A_459 : memref<2048x64xf32, #tpu.memory_space<vmem_shared>>)
    %dma_start3A_460 = arith.constant 18 : i32
    %dma_start3A_461 = arith.constant 0 : i32
    %dma_start3A_462 = tpu.memref_slice %arg6[%dma_start3A_460, %dma_start3A_461] : memref<50x128xi32, #tpu.memory_space<vmem>> -> memref<1x128xi32, #tpu.memory_space<vmem>>
    %dma_start3A_463 = tpu.memref_squeeze %dma_start3A_462 : memref<1x128xi32, #tpu.memory_space<vmem>> -> memref<128xi32, #tpu.memory_space<vmem>>
    %dma_start3A_464 = arith.constant 0 : i32
    %dma_start3A_465 = arith.constant 0 : i32
    %dma_start3A_466 = tpu.memref_slice %arg3[%dma_start3A_464, %dma_start3A_465] : memref<100000x64xf32, #tpu.memory_space<hbm>> -> memref<100000x64xf32, #tpu.memory_space<hbm>>
    tpu.enqueue_indirect_dma source(%dma_start3A_466 : memref<100000x64xf32, #tpu.memory_space<hbm>>) target(%arg10 : memref<128x64xf32, #tpu.memory_space<vmem>>) offsets(%dma_start3A_463 : memref<128xi32, #tpu.memory_space<vmem>>) semaphore(%arg17 : memref<!tpu.dma_semaphore, #tpu.memory_space<semaphore_mem>>)
    %dma_start3A_467 = arith.constant 15 : i32
    %dma_start3A_468 = arith.constant 0 : i32
    %dma_start3A_469 = tpu.memref_slice %arg7[%dma_start3A_467, %dma_start3A_468] : memref<50x128xi32, #tpu.memory_space<vmem>> -> memref<1x128xi32, #tpu.memory_space<vmem>>
    %dma_start3A_470 = tpu.memref_squeeze %dma_start3A_469 : memref<1x128xi32, #tpu.memory_space<vmem>> -> memref<128xi32, #tpu.memory_space<vmem>>
    %dma_start3A_471 = arith.constant 0 : i32
    %dma_start3A_472 = arith.constant 0 : i32
    %dma_start3A_473 = tpu.memref_slice %arg14[%dma_start3A_471, %dma_start3A_472] : memref<2048x64xf32, #tpu.memory_space<vmem_shared>> -> memref<2048x64xf32, #tpu.memory_space<vmem_shared>>
    tpu.enqueue_indirect_dma source(%arg11 : memref<128x64xf32, #tpu.memory_space<vmem>>) target(%dma_start3A_473 : memref<2048x64xf32, #tpu.memory_space<vmem_shared>>) offsets(%dma_start3A_470 : memref<128xi32, #tpu.memory_space<vmem>>) semaphore(%arg22 : memref<!tpu.dma_semaphore, #tpu.memory_space<semaphore_mem>>) {add = true}
    %dma_wait3A_474 = arith.constant 16 : i32
    %dma_wait3A_475 = arith.constant 0 : i32
    %dma_wait3A_476 = tpu.memref_slice %arg6[%dma_wait3A_474, %dma_wait3A_475] : memref<50x128xi32, #tpu.memory_space<vmem>> -> memref<1x128xi32, #tpu.memory_space<vmem>>
    %dma_wait3A_477 = tpu.memref_squeeze %dma_wait3A_476 : memref<1x128xi32, #tpu.memory_space<vmem>> -> memref<128xi32, #tpu.memory_space<vmem>>
    %dma_wait3A_478 = arith.constant 0 : i32
    %dma_wait3A_479 = arith.constant 0 : i32
    %dma_wait3A_480 = tpu.memref_slice %arg3[%dma_wait3A_478, %dma_wait3A_479] : memref<100000x64xf32, #tpu.memory_space<hbm>> -> memref<100000x64xf32, #tpu.memory_space<hbm>>
    tpu.wait_indirect_dma semaphore(%arg15 : memref<!tpu.dma_semaphore, #tpu.memory_space<semaphore_mem>>) src(%dma_wait3A_480 : memref<100000x64xf32, #tpu.memory_space<hbm>>) dst(%arg8 : memref<128x64xf32, #tpu.memory_space<vmem>>)
    %dma_wait3A_481 = arith.constant 15 : i32
    %dma_wait3A_482 = arith.constant 0 : i32
    %dma_wait3A_483 = tpu.memref_slice %arg7[%dma_wait3A_481, %dma_wait3A_482] : memref<50x128xi32, #tpu.memory_space<vmem>> -> memref<1x128xi32, #tpu.memory_space<vmem>>
    %dma_wait3A_484 = tpu.memref_squeeze %dma_wait3A_483 : memref<1x128xi32, #tpu.memory_space<vmem>> -> memref<128xi32, #tpu.memory_space<vmem>>
    %dma_wait3A_485 = arith.constant 0 : i32
    %dma_wait3A_486 = arith.constant 0 : i32
    %dma_wait3A_487 = tpu.memref_slice %arg14[%dma_wait3A_485, %dma_wait3A_486] : memref<2048x64xf32, #tpu.memory_space<vmem_shared>> -> memref<2048x64xf32, #tpu.memory_space<vmem_shared>>
    tpu.wait_indirect_dma semaphore(%arg22 : memref<!tpu.dma_semaphore, #tpu.memory_space<semaphore_mem>>) src(%arg11 : memref<128x64xf32, #tpu.memory_space<vmem>>) dst(%dma_wait3A_487 : memref<2048x64xf32, #tpu.memory_space<vmem_shared>>)
    %dma_start3A_488 = arith.constant 19 : i32
    %dma_start3A_489 = arith.constant 0 : i32
    %dma_start3A_490 = tpu.memref_slice %arg6[%dma_start3A_488, %dma_start3A_489] : memref<50x128xi32, #tpu.memory_space<vmem>> -> memref<1x128xi32, #tpu.memory_space<vmem>>
    %dma_start3A_491 = tpu.memref_squeeze %dma_start3A_490 : memref<1x128xi32, #tpu.memory_space<vmem>> -> memref<128xi32, #tpu.memory_space<vmem>>
    %dma_start3A_492 = arith.constant 0 : i32
    %dma_start3A_493 = arith.constant 0 : i32
    %dma_start3A_494 = tpu.memref_slice %arg3[%dma_start3A_492, %dma_start3A_493] : memref<100000x64xf32, #tpu.memory_space<hbm>> -> memref<100000x64xf32, #tpu.memory_space<hbm>>
    tpu.enqueue_indirect_dma source(%dma_start3A_494 : memref<100000x64xf32, #tpu.memory_space<hbm>>) target(%arg11 : memref<128x64xf32, #tpu.memory_space<vmem>>) offsets(%dma_start3A_491 : memref<128xi32, #tpu.memory_space<vmem>>) semaphore(%arg18 : memref<!tpu.dma_semaphore, #tpu.memory_space<semaphore_mem>>)
    %dma_start3A_495 = arith.constant 16 : i32
    %dma_start3A_496 = arith.constant 0 : i32
    %dma_start3A_497 = tpu.memref_slice %arg7[%dma_start3A_495, %dma_start3A_496] : memref<50x128xi32, #tpu.memory_space<vmem>> -> memref<1x128xi32, #tpu.memory_space<vmem>>
    %dma_start3A_498 = tpu.memref_squeeze %dma_start3A_497 : memref<1x128xi32, #tpu.memory_space<vmem>> -> memref<128xi32, #tpu.memory_space<vmem>>
    %dma_start3A_499 = arith.constant 0 : i32
    %dma_start3A_500 = arith.constant 0 : i32
    %dma_start3A_501 = tpu.memref_slice %arg14[%dma_start3A_499, %dma_start3A_500] : memref<2048x64xf32, #tpu.memory_space<vmem_shared>> -> memref<2048x64xf32, #tpu.memory_space<vmem_shared>>
    tpu.enqueue_indirect_dma source(%arg8 : memref<128x64xf32, #tpu.memory_space<vmem>>) target(%dma_start3A_501 : memref<2048x64xf32, #tpu.memory_space<vmem_shared>>) offsets(%dma_start3A_498 : memref<128xi32, #tpu.memory_space<vmem>>) semaphore(%arg19 : memref<!tpu.dma_semaphore, #tpu.memory_space<semaphore_mem>>) {add = true}
    %dma_wait3A_502 = arith.constant 17 : i32
    %dma_wait3A_503 = arith.constant 0 : i32
    %dma_wait3A_504 = tpu.memref_slice %arg6[%dma_wait3A_502, %dma_wait3A_503] : memref<50x128xi32, #tpu.memory_space<vmem>> -> memref<1x128xi32, #tpu.memory_space<vmem>>
    %dma_wait3A_505 = tpu.memref_squeeze %dma_wait3A_504 : memref<1x128xi32, #tpu.memory_space<vmem>> -> memref<128xi32, #tpu.memory_space<vmem>>
    %dma_wait3A_506 = arith.constant 0 : i32
    %dma_wait3A_507 = arith.constant 0 : i32
    %dma_wait3A_508 = tpu.memref_slice %arg3[%dma_wait3A_506, %dma_wait3A_507] : memref<100000x64xf32, #tpu.memory_space<hbm>> -> memref<100000x64xf32, #tpu.memory_space<hbm>>
    tpu.wait_indirect_dma semaphore(%arg16 : memref<!tpu.dma_semaphore, #tpu.memory_space<semaphore_mem>>) src(%dma_wait3A_508 : memref<100000x64xf32, #tpu.memory_space<hbm>>) dst(%arg9 : memref<128x64xf32, #tpu.memory_space<vmem>>)
    %dma_wait3A_509 = arith.constant 16 : i32
    %dma_wait3A_510 = arith.constant 0 : i32
    %dma_wait3A_511 = tpu.memref_slice %arg7[%dma_wait3A_509, %dma_wait3A_510] : memref<50x128xi32, #tpu.memory_space<vmem>> -> memref<1x128xi32, #tpu.memory_space<vmem>>
    %dma_wait3A_512 = tpu.memref_squeeze %dma_wait3A_511 : memref<1x128xi32, #tpu.memory_space<vmem>> -> memref<128xi32, #tpu.memory_space<vmem>>
    %dma_wait3A_513 = arith.constant 0 : i32
    %dma_wait3A_514 = arith.constant 0 : i32
    %dma_wait3A_515 = tpu.memref_slice %arg14[%dma_wait3A_513, %dma_wait3A_514] : memref<2048x64xf32, #tpu.memory_space<vmem_shared>> -> memref<2048x64xf32, #tpu.memory_space<vmem_shared>>
    tpu.wait_indirect_dma semaphore(%arg19 : memref<!tpu.dma_semaphore, #tpu.memory_space<semaphore_mem>>) src(%arg8 : memref<128x64xf32, #tpu.memory_space<vmem>>) dst(%dma_wait3A_515 : memref<2048x64xf32, #tpu.memory_space<vmem_shared>>)
    %dma_start3A_516 = arith.constant 20 : i32
    %dma_start3A_517 = arith.constant 0 : i32
    %dma_start3A_518 = tpu.memref_slice %arg6[%dma_start3A_516, %dma_start3A_517] : memref<50x128xi32, #tpu.memory_space<vmem>> -> memref<1x128xi32, #tpu.memory_space<vmem>>
    %dma_start3A_519 = tpu.memref_squeeze %dma_start3A_518 : memref<1x128xi32, #tpu.memory_space<vmem>> -> memref<128xi32, #tpu.memory_space<vmem>>
    %dma_start3A_520 = arith.constant 0 : i32
    %dma_start3A_521 = arith.constant 0 : i32
    %dma_start3A_522 = tpu.memref_slice %arg3[%dma_start3A_520, %dma_start3A_521] : memref<100000x64xf32, #tpu.memory_space<hbm>> -> memref<100000x64xf32, #tpu.memory_space<hbm>>
    tpu.enqueue_indirect_dma source(%dma_start3A_522 : memref<100000x64xf32, #tpu.memory_space<hbm>>) target(%arg8 : memref<128x64xf32, #tpu.memory_space<vmem>>) offsets(%dma_start3A_519 : memref<128xi32, #tpu.memory_space<vmem>>) semaphore(%arg15 : memref<!tpu.dma_semaphore, #tpu.memory_space<semaphore_mem>>)
    %dma_start3A_523 = arith.constant 17 : i32
    %dma_start3A_524 = arith.constant 0 : i32
    %dma_start3A_525 = tpu.memref_slice %arg7[%dma_start3A_523, %dma_start3A_524] : memref<50x128xi32, #tpu.memory_space<vmem>> -> memref<1x128xi32, #tpu.memory_space<vmem>>
    %dma_start3A_526 = tpu.memref_squeeze %dma_start3A_525 : memref<1x128xi32, #tpu.memory_space<vmem>> -> memref<128xi32, #tpu.memory_space<vmem>>
    %dma_start3A_527 = arith.constant 0 : i32
    %dma_start3A_528 = arith.constant 0 : i32
    %dma_start3A_529 = tpu.memref_slice %arg14[%dma_start3A_527, %dma_start3A_528] : memref<2048x64xf32, #tpu.memory_space<vmem_shared>> -> memref<2048x64xf32, #tpu.memory_space<vmem_shared>>
    tpu.enqueue_indirect_dma source(%arg9 : memref<128x64xf32, #tpu.memory_space<vmem>>) target(%dma_start3A_529 : memref<2048x64xf32, #tpu.memory_space<vmem_shared>>) offsets(%dma_start3A_526 : memref<128xi32, #tpu.memory_space<vmem>>) semaphore(%arg20 : memref<!tpu.dma_semaphore, #tpu.memory_space<semaphore_mem>>) {add = true}
    %dma_wait3A_530 = arith.constant 18 : i32
    %dma_wait3A_531 = arith.constant 0 : i32
    %dma_wait3A_532 = tpu.memref_slice %arg6[%dma_wait3A_530, %dma_wait3A_531] : memref<50x128xi32, #tpu.memory_space<vmem>> -> memref<1x128xi32, #tpu.memory_space<vmem>>
    %dma_wait3A_533 = tpu.memref_squeeze %dma_wait3A_532 : memref<1x128xi32, #tpu.memory_space<vmem>> -> memref<128xi32, #tpu.memory_space<vmem>>
    %dma_wait3A_534 = arith.constant 0 : i32
    %dma_wait3A_535 = arith.constant 0 : i32
    %dma_wait3A_536 = tpu.memref_slice %arg3[%dma_wait3A_534, %dma_wait3A_535] : memref<100000x64xf32, #tpu.memory_space<hbm>> -> memref<100000x64xf32, #tpu.memory_space<hbm>>
    tpu.wait_indirect_dma semaphore(%arg17 : memref<!tpu.dma_semaphore, #tpu.memory_space<semaphore_mem>>) src(%dma_wait3A_536 : memref<100000x64xf32, #tpu.memory_space<hbm>>) dst(%arg10 : memref<128x64xf32, #tpu.memory_space<vmem>>)
    %dma_wait3A_537 = arith.constant 17 : i32
    %dma_wait3A_538 = arith.constant 0 : i32
    %dma_wait3A_539 = tpu.memref_slice %arg7[%dma_wait3A_537, %dma_wait3A_538] : memref<50x128xi32, #tpu.memory_space<vmem>> -> memref<1x128xi32, #tpu.memory_space<vmem>>
    %dma_wait3A_540 = tpu.memref_squeeze %dma_wait3A_539 : memref<1x128xi32, #tpu.memory_space<vmem>> -> memref<128xi32, #tpu.memory_space<vmem>>
    %dma_wait3A_541 = arith.constant 0 : i32
    %dma_wait3A_542 = arith.constant 0 : i32
    %dma_wait3A_543 = tpu.memref_slice %arg14[%dma_wait3A_541, %dma_wait3A_542] : memref<2048x64xf32, #tpu.memory_space<vmem_shared>> -> memref<2048x64xf32, #tpu.memory_space<vmem_shared>>
    tpu.wait_indirect_dma semaphore(%arg20 : memref<!tpu.dma_semaphore, #tpu.memory_space<semaphore_mem>>) src(%arg9 : memref<128x64xf32, #tpu.memory_space<vmem>>) dst(%dma_wait3A_543 : memref<2048x64xf32, #tpu.memory_space<vmem_shared>>)
    %dma_start3A_544 = arith.constant 21 : i32
    %dma_start3A_545 = arith.constant 0 : i32
    %dma_start3A_546 = tpu.memref_slice %arg6[%dma_start3A_544, %dma_start3A_545] : memref<50x128xi32, #tpu.memory_space<vmem>> -> memref<1x128xi32, #tpu.memory_space<vmem>>
    %dma_start3A_547 = tpu.memref_squeeze %dma_start3A_546 : memref<1x128xi32, #tpu.memory_space<vmem>> -> memref<128xi32, #tpu.memory_space<vmem>>
    %dma_start3A_548 = arith.constant 0 : i32
    %dma_start3A_549 = arith.constant 0 : i32
    %dma_start3A_550 = tpu.memref_slice %arg3[%dma_start3A_548, %dma_start3A_549] : memref<100000x64xf32, #tpu.memory_space<hbm>> -> memref<100000x64xf32, #tpu.memory_space<hbm>>
    tpu.enqueue_indirect_dma source(%dma_start3A_550 : memref<100000x64xf32, #tpu.memory_space<hbm>>) target(%arg9 : memref<128x64xf32, #tpu.memory_space<vmem>>) offsets(%dma_start3A_547 : memref<128xi32, #tpu.memory_space<vmem>>) semaphore(%arg16 : memref<!tpu.dma_semaphore, #tpu.memory_space<semaphore_mem>>)
    %dma_start3A_551 = arith.constant 18 : i32
    %dma_start3A_552 = arith.constant 0 : i32
    %dma_start3A_553 = tpu.memref_slice %arg7[%dma_start3A_551, %dma_start3A_552] : memref<50x128xi32, #tpu.memory_space<vmem>> -> memref<1x128xi32, #tpu.memory_space<vmem>>
    %dma_start3A_554 = tpu.memref_squeeze %dma_start3A_553 : memref<1x128xi32, #tpu.memory_space<vmem>> -> memref<128xi32, #tpu.memory_space<vmem>>
    %dma_start3A_555 = arith.constant 0 : i32
    %dma_start3A_556 = arith.constant 0 : i32
    %dma_start3A_557 = tpu.memref_slice %arg14[%dma_start3A_555, %dma_start3A_556] : memref<2048x64xf32, #tpu.memory_space<vmem_shared>> -> memref<2048x64xf32, #tpu.memory_space<vmem_shared>>
    tpu.enqueue_indirect_dma source(%arg10 : memref<128x64xf32, #tpu.memory_space<vmem>>) target(%dma_start3A_557 : memref<2048x64xf32, #tpu.memory_space<vmem_shared>>) offsets(%dma_start3A_554 : memref<128xi32, #tpu.memory_space<vmem>>) semaphore(%arg21 : memref<!tpu.dma_semaphore, #tpu.memory_space<semaphore_mem>>) {add = true}
    %dma_wait3A_558 = arith.constant 19 : i32
    %dma_wait3A_559 = arith.constant 0 : i32
    %dma_wait3A_560 = tpu.memref_slice %arg6[%dma_wait3A_558, %dma_wait3A_559] : memref<50x128xi32, #tpu.memory_space<vmem>> -> memref<1x128xi32, #tpu.memory_space<vmem>>
    %dma_wait3A_561 = tpu.memref_squeeze %dma_wait3A_560 : memref<1x128xi32, #tpu.memory_space<vmem>> -> memref<128xi32, #tpu.memory_space<vmem>>
    %dma_wait3A_562 = arith.constant 0 : i32
    %dma_wait3A_563 = arith.constant 0 : i32
    %dma_wait3A_564 = tpu.memref_slice %arg3[%dma_wait3A_562, %dma_wait3A_563] : memref<100000x64xf32, #tpu.memory_space<hbm>> -> memref<100000x64xf32, #tpu.memory_space<hbm>>
    tpu.wait_indirect_dma semaphore(%arg18 : memref<!tpu.dma_semaphore, #tpu.memory_space<semaphore_mem>>) src(%dma_wait3A_564 : memref<100000x64xf32, #tpu.memory_space<hbm>>) dst(%arg11 : memref<128x64xf32, #tpu.memory_space<vmem>>)
    %dma_wait3A_565 = arith.constant 18 : i32
    %dma_wait3A_566 = arith.constant 0 : i32
    %dma_wait3A_567 = tpu.memref_slice %arg7[%dma_wait3A_565, %dma_wait3A_566] : memref<50x128xi32, #tpu.memory_space<vmem>> -> memref<1x128xi32, #tpu.memory_space<vmem>>
    %dma_wait3A_568 = tpu.memref_squeeze %dma_wait3A_567 : memref<1x128xi32, #tpu.memory_space<vmem>> -> memref<128xi32, #tpu.memory_space<vmem>>
    %dma_wait3A_569 = arith.constant 0 : i32
    %dma_wait3A_570 = arith.constant 0 : i32
    %dma_wait3A_571 = tpu.memref_slice %arg14[%dma_wait3A_569, %dma_wait3A_570] : memref<2048x64xf32, #tpu.memory_space<vmem_shared>> -> memref<2048x64xf32, #tpu.memory_space<vmem_shared>>
    tpu.wait_indirect_dma semaphore(%arg21 : memref<!tpu.dma_semaphore, #tpu.memory_space<semaphore_mem>>) src(%arg10 : memref<128x64xf32, #tpu.memory_space<vmem>>) dst(%dma_wait3A_571 : memref<2048x64xf32, #tpu.memory_space<vmem_shared>>)
    %dma_start3A_572 = arith.constant 22 : i32
    %dma_start3A_573 = arith.constant 0 : i32
    %dma_start3A_574 = tpu.memref_slice %arg6[%dma_start3A_572, %dma_start3A_573] : memref<50x128xi32, #tpu.memory_space<vmem>> -> memref<1x128xi32, #tpu.memory_space<vmem>>
    %dma_start3A_575 = tpu.memref_squeeze %dma_start3A_574 : memref<1x128xi32, #tpu.memory_space<vmem>> -> memref<128xi32, #tpu.memory_space<vmem>>
    %dma_start3A_576 = arith.constant 0 : i32
    %dma_start3A_577 = arith.constant 0 : i32
    %dma_start3A_578 = tpu.memref_slice %arg3[%dma_start3A_576, %dma_start3A_577] : memref<100000x64xf32, #tpu.memory_space<hbm>> -> memref<100000x64xf32, #tpu.memory_space<hbm>>
    tpu.enqueue_indirect_dma source(%dma_start3A_578 : memref<100000x64xf32, #tpu.memory_space<hbm>>) target(%arg10 : memref<128x64xf32, #tpu.memory_space<vmem>>) offsets(%dma_start3A_575 : memref<128xi32, #tpu.memory_space<vmem>>) semaphore(%arg17 : memref<!tpu.dma_semaphore, #tpu.memory_space<semaphore_mem>>)
    %dma_start3A_579 = arith.constant 19 : i32
    %dma_start3A_580 = arith.constant 0 : i32
    %dma_start3A_581 = tpu.memref_slice %arg7[%dma_start3A_579, %dma_start3A_580] : memref<50x128xi32, #tpu.memory_space<vmem>> -> memref<1x128xi32, #tpu.memory_space<vmem>>
    %dma_start3A_582 = tpu.memref_squeeze %dma_start3A_581 : memref<1x128xi32, #tpu.memory_space<vmem>> -> memref<128xi32, #tpu.memory_space<vmem>>
    %dma_start3A_583 = arith.constant 0 : i32
    %dma_start3A_584 = arith.constant 0 : i32
    %dma_start3A_585 = tpu.memref_slice %arg14[%dma_start3A_583, %dma_start3A_584] : memref<2048x64xf32, #tpu.memory_space<vmem_shared>> -> memref<2048x64xf32, #tpu.memory_space<vmem_shared>>
    tpu.enqueue_indirect_dma source(%arg11 : memref<128x64xf32, #tpu.memory_space<vmem>>) target(%dma_start3A_585 : memref<2048x64xf32, #tpu.memory_space<vmem_shared>>) offsets(%dma_start3A_582 : memref<128xi32, #tpu.memory_space<vmem>>) semaphore(%arg22 : memref<!tpu.dma_semaphore, #tpu.memory_space<semaphore_mem>>) {add = true}
    %dma_wait3A_586 = arith.constant 20 : i32
    %dma_wait3A_587 = arith.constant 0 : i32
    %dma_wait3A_588 = tpu.memref_slice %arg6[%dma_wait3A_586, %dma_wait3A_587] : memref<50x128xi32, #tpu.memory_space<vmem>> -> memref<1x128xi32, #tpu.memory_space<vmem>>
    %dma_wait3A_589 = tpu.memref_squeeze %dma_wait3A_588 : memref<1x128xi32, #tpu.memory_space<vmem>> -> memref<128xi32, #tpu.memory_space<vmem>>
    %dma_wait3A_590 = arith.constant 0 : i32
    %dma_wait3A_591 = arith.constant 0 : i32
    %dma_wait3A_592 = tpu.memref_slice %arg3[%dma_wait3A_590, %dma_wait3A_591] : memref<100000x64xf32, #tpu.memory_space<hbm>> -> memref<100000x64xf32, #tpu.memory_space<hbm>>
    tpu.wait_indirect_dma semaphore(%arg15 : memref<!tpu.dma_semaphore, #tpu.memory_space<semaphore_mem>>) src(%dma_wait3A_592 : memref<100000x64xf32, #tpu.memory_space<hbm>>) dst(%arg8 : memref<128x64xf32, #tpu.memory_space<vmem>>)
    %dma_wait3A_593 = arith.constant 19 : i32
    %dma_wait3A_594 = arith.constant 0 : i32
    %dma_wait3A_595 = tpu.memref_slice %arg7[%dma_wait3A_593, %dma_wait3A_594] : memref<50x128xi32, #tpu.memory_space<vmem>> -> memref<1x128xi32, #tpu.memory_space<vmem>>
    %dma_wait3A_596 = tpu.memref_squeeze %dma_wait3A_595 : memref<1x128xi32, #tpu.memory_space<vmem>> -> memref<128xi32, #tpu.memory_space<vmem>>
    %dma_wait3A_597 = arith.constant 0 : i32
    %dma_wait3A_598 = arith.constant 0 : i32
    %dma_wait3A_599 = tpu.memref_slice %arg14[%dma_wait3A_597, %dma_wait3A_598] : memref<2048x64xf32, #tpu.memory_space<vmem_shared>> -> memref<2048x64xf32, #tpu.memory_space<vmem_shared>>
    tpu.wait_indirect_dma semaphore(%arg22 : memref<!tpu.dma_semaphore, #tpu.memory_space<semaphore_mem>>) src(%arg11 : memref<128x64xf32, #tpu.memory_space<vmem>>) dst(%dma_wait3A_599 : memref<2048x64xf32, #tpu.memory_space<vmem_shared>>)
    %dma_start3A_600 = arith.constant 23 : i32
    %dma_start3A_601 = arith.constant 0 : i32
    %dma_start3A_602 = tpu.memref_slice %arg6[%dma_start3A_600, %dma_start3A_601] : memref<50x128xi32, #tpu.memory_space<vmem>> -> memref<1x128xi32, #tpu.memory_space<vmem>>
    %dma_start3A_603 = tpu.memref_squeeze %dma_start3A_602 : memref<1x128xi32, #tpu.memory_space<vmem>> -> memref<128xi32, #tpu.memory_space<vmem>>
    %dma_start3A_604 = arith.constant 0 : i32
    %dma_start3A_605 = arith.constant 0 : i32
    %dma_start3A_606 = tpu.memref_slice %arg3[%dma_start3A_604, %dma_start3A_605] : memref<100000x64xf32, #tpu.memory_space<hbm>> -> memref<100000x64xf32, #tpu.memory_space<hbm>>
    tpu.enqueue_indirect_dma source(%dma_start3A_606 : memref<100000x64xf32, #tpu.memory_space<hbm>>) target(%arg11 : memref<128x64xf32, #tpu.memory_space<vmem>>) offsets(%dma_start3A_603 : memref<128xi32, #tpu.memory_space<vmem>>) semaphore(%arg18 : memref<!tpu.dma_semaphore, #tpu.memory_space<semaphore_mem>>)
    %dma_start3A_607 = arith.constant 20 : i32
    %dma_start3A_608 = arith.constant 0 : i32
    %dma_start3A_609 = tpu.memref_slice %arg7[%dma_start3A_607, %dma_start3A_608] : memref<50x128xi32, #tpu.memory_space<vmem>> -> memref<1x128xi32, #tpu.memory_space<vmem>>
    %dma_start3A_610 = tpu.memref_squeeze %dma_start3A_609 : memref<1x128xi32, #tpu.memory_space<vmem>> -> memref<128xi32, #tpu.memory_space<vmem>>
    %dma_start3A_611 = arith.constant 0 : i32
    %dma_start3A_612 = arith.constant 0 : i32
    %dma_start3A_613 = tpu.memref_slice %arg14[%dma_start3A_611, %dma_start3A_612] : memref<2048x64xf32, #tpu.memory_space<vmem_shared>> -> memref<2048x64xf32, #tpu.memory_space<vmem_shared>>
    tpu.enqueue_indirect_dma source(%arg8 : memref<128x64xf32, #tpu.memory_space<vmem>>) target(%dma_start3A_613 : memref<2048x64xf32, #tpu.memory_space<vmem_shared>>) offsets(%dma_start3A_610 : memref<128xi32, #tpu.memory_space<vmem>>) semaphore(%arg19 : memref<!tpu.dma_semaphore, #tpu.memory_space<semaphore_mem>>) {add = true}
    %dma_wait3A_614 = arith.constant 21 : i32
    %dma_wait3A_615 = arith.constant 0 : i32
    %dma_wait3A_616 = tpu.memref_slice %arg6[%dma_wait3A_614, %dma_wait3A_615] : memref<50x128xi32, #tpu.memory_space<vmem>> -> memref<1x128xi32, #tpu.memory_space<vmem>>
    %dma_wait3A_617 = tpu.memref_squeeze %dma_wait3A_616 : memref<1x128xi32, #tpu.memory_space<vmem>> -> memref<128xi32, #tpu.memory_space<vmem>>
    %dma_wait3A_618 = arith.constant 0 : i32
    %dma_wait3A_619 = arith.constant 0 : i32
    %dma_wait3A_620 = tpu.memref_slice %arg3[%dma_wait3A_618, %dma_wait3A_619] : memref<100000x64xf32, #tpu.memory_space<hbm>> -> memref<100000x64xf32, #tpu.memory_space<hbm>>
    tpu.wait_indirect_dma semaphore(%arg16 : memref<!tpu.dma_semaphore, #tpu.memory_space<semaphore_mem>>) src(%dma_wait3A_620 : memref<100000x64xf32, #tpu.memory_space<hbm>>) dst(%arg9 : memref<128x64xf32, #tpu.memory_space<vmem>>)
    %dma_wait3A_621 = arith.constant 20 : i32
    %dma_wait3A_622 = arith.constant 0 : i32
    %dma_wait3A_623 = tpu.memref_slice %arg7[%dma_wait3A_621, %dma_wait3A_622] : memref<50x128xi32, #tpu.memory_space<vmem>> -> memref<1x128xi32, #tpu.memory_space<vmem>>
    %dma_wait3A_624 = tpu.memref_squeeze %dma_wait3A_623 : memref<1x128xi32, #tpu.memory_space<vmem>> -> memref<128xi32, #tpu.memory_space<vmem>>
    %dma_wait3A_625 = arith.constant 0 : i32
    %dma_wait3A_626 = arith.constant 0 : i32
    %dma_wait3A_627 = tpu.memref_slice %arg14[%dma_wait3A_625, %dma_wait3A_626] : memref<2048x64xf32, #tpu.memory_space<vmem_shared>> -> memref<2048x64xf32, #tpu.memory_space<vmem_shared>>
    tpu.wait_indirect_dma semaphore(%arg19 : memref<!tpu.dma_semaphore, #tpu.memory_space<semaphore_mem>>) src(%arg8 : memref<128x64xf32, #tpu.memory_space<vmem>>) dst(%dma_wait3A_627 : memref<2048x64xf32, #tpu.memory_space<vmem_shared>>)
    %dma_start3A_628 = arith.constant 24 : i32
    %dma_start3A_629 = arith.constant 0 : i32
    %dma_start3A_630 = tpu.memref_slice %arg6[%dma_start3A_628, %dma_start3A_629] : memref<50x128xi32, #tpu.memory_space<vmem>> -> memref<1x128xi32, #tpu.memory_space<vmem>>
    %dma_start3A_631 = tpu.memref_squeeze %dma_start3A_630 : memref<1x128xi32, #tpu.memory_space<vmem>> -> memref<128xi32, #tpu.memory_space<vmem>>
    %dma_start3A_632 = arith.constant 0 : i32
    %dma_start3A_633 = arith.constant 0 : i32
    %dma_start3A_634 = tpu.memref_slice %arg3[%dma_start3A_632, %dma_start3A_633] : memref<100000x64xf32, #tpu.memory_space<hbm>> -> memref<100000x64xf32, #tpu.memory_space<hbm>>
    tpu.enqueue_indirect_dma source(%dma_start3A_634 : memref<100000x64xf32, #tpu.memory_space<hbm>>) target(%arg8 : memref<128x64xf32, #tpu.memory_space<vmem>>) offsets(%dma_start3A_631 : memref<128xi32, #tpu.memory_space<vmem>>) semaphore(%arg15 : memref<!tpu.dma_semaphore, #tpu.memory_space<semaphore_mem>>)
    %dma_start3A_635 = arith.constant 21 : i32
    %dma_start3A_636 = arith.constant 0 : i32
    %dma_start3A_637 = tpu.memref_slice %arg7[%dma_start3A_635, %dma_start3A_636] : memref<50x128xi32, #tpu.memory_space<vmem>> -> memref<1x128xi32, #tpu.memory_space<vmem>>
    %dma_start3A_638 = tpu.memref_squeeze %dma_start3A_637 : memref<1x128xi32, #tpu.memory_space<vmem>> -> memref<128xi32, #tpu.memory_space<vmem>>
    %dma_start3A_639 = arith.constant 0 : i32
    %dma_start3A_640 = arith.constant 0 : i32
    %dma_start3A_641 = tpu.memref_slice %arg14[%dma_start3A_639, %dma_start3A_640] : memref<2048x64xf32, #tpu.memory_space<vmem_shared>> -> memref<2048x64xf32, #tpu.memory_space<vmem_shared>>
    tpu.enqueue_indirect_dma source(%arg9 : memref<128x64xf32, #tpu.memory_space<vmem>>) target(%dma_start3A_641 : memref<2048x64xf32, #tpu.memory_space<vmem_shared>>) offsets(%dma_start3A_638 : memref<128xi32, #tpu.memory_space<vmem>>) semaphore(%arg20 : memref<!tpu.dma_semaphore, #tpu.memory_space<semaphore_mem>>) {add = true}
    %dma_wait3A_642 = arith.constant 22 : i32
    %dma_wait3A_643 = arith.constant 0 : i32
    %dma_wait3A_644 = tpu.memref_slice %arg6[%dma_wait3A_642, %dma_wait3A_643] : memref<50x128xi32, #tpu.memory_space<vmem>> -> memref<1x128xi32, #tpu.memory_space<vmem>>
    %dma_wait3A_645 = tpu.memref_squeeze %dma_wait3A_644 : memref<1x128xi32, #tpu.memory_space<vmem>> -> memref<128xi32, #tpu.memory_space<vmem>>
    %dma_wait3A_646 = arith.constant 0 : i32
    %dma_wait3A_647 = arith.constant 0 : i32
    %dma_wait3A_648 = tpu.memref_slice %arg3[%dma_wait3A_646, %dma_wait3A_647] : memref<100000x64xf32, #tpu.memory_space<hbm>> -> memref<100000x64xf32, #tpu.memory_space<hbm>>
    tpu.wait_indirect_dma semaphore(%arg17 : memref<!tpu.dma_semaphore, #tpu.memory_space<semaphore_mem>>) src(%dma_wait3A_648 : memref<100000x64xf32, #tpu.memory_space<hbm>>) dst(%arg10 : memref<128x64xf32, #tpu.memory_space<vmem>>)
    %dma_wait3A_649 = arith.constant 21 : i32
    %dma_wait3A_650 = arith.constant 0 : i32
    %dma_wait3A_651 = tpu.memref_slice %arg7[%dma_wait3A_649, %dma_wait3A_650] : memref<50x128xi32, #tpu.memory_space<vmem>> -> memref<1x128xi32, #tpu.memory_space<vmem>>
    %dma_wait3A_652 = tpu.memref_squeeze %dma_wait3A_651 : memref<1x128xi32, #tpu.memory_space<vmem>> -> memref<128xi32, #tpu.memory_space<vmem>>
    %dma_wait3A_653 = arith.constant 0 : i32
    %dma_wait3A_654 = arith.constant 0 : i32
    %dma_wait3A_655 = tpu.memref_slice %arg14[%dma_wait3A_653, %dma_wait3A_654] : memref<2048x64xf32, #tpu.memory_space<vmem_shared>> -> memref<2048x64xf32, #tpu.memory_space<vmem_shared>>
    tpu.wait_indirect_dma semaphore(%arg20 : memref<!tpu.dma_semaphore, #tpu.memory_space<semaphore_mem>>) src(%arg9 : memref<128x64xf32, #tpu.memory_space<vmem>>) dst(%dma_wait3A_655 : memref<2048x64xf32, #tpu.memory_space<vmem_shared>>)
    %dma_start3A_656 = arith.constant 25 : i32
    %dma_start3A_657 = arith.constant 0 : i32
    %dma_start3A_658 = tpu.memref_slice %arg6[%dma_start3A_656, %dma_start3A_657] : memref<50x128xi32, #tpu.memory_space<vmem>> -> memref<1x128xi32, #tpu.memory_space<vmem>>
    %dma_start3A_659 = tpu.memref_squeeze %dma_start3A_658 : memref<1x128xi32, #tpu.memory_space<vmem>> -> memref<128xi32, #tpu.memory_space<vmem>>
    %dma_start3A_660 = arith.constant 0 : i32
    %dma_start3A_661 = arith.constant 0 : i32
    %dma_start3A_662 = tpu.memref_slice %arg3[%dma_start3A_660, %dma_start3A_661] : memref<100000x64xf32, #tpu.memory_space<hbm>> -> memref<100000x64xf32, #tpu.memory_space<hbm>>
    tpu.enqueue_indirect_dma source(%dma_start3A_662 : memref<100000x64xf32, #tpu.memory_space<hbm>>) target(%arg9 : memref<128x64xf32, #tpu.memory_space<vmem>>) offsets(%dma_start3A_659 : memref<128xi32, #tpu.memory_space<vmem>>) semaphore(%arg16 : memref<!tpu.dma_semaphore, #tpu.memory_space<semaphore_mem>>)
    %dma_start3A_663 = arith.constant 22 : i32
    %dma_start3A_664 = arith.constant 0 : i32
    %dma_start3A_665 = tpu.memref_slice %arg7[%dma_start3A_663, %dma_start3A_664] : memref<50x128xi32, #tpu.memory_space<vmem>> -> memref<1x128xi32, #tpu.memory_space<vmem>>
    %dma_start3A_666 = tpu.memref_squeeze %dma_start3A_665 : memref<1x128xi32, #tpu.memory_space<vmem>> -> memref<128xi32, #tpu.memory_space<vmem>>
    %dma_start3A_667 = arith.constant 0 : i32
    %dma_start3A_668 = arith.constant 0 : i32
    %dma_start3A_669 = tpu.memref_slice %arg14[%dma_start3A_667, %dma_start3A_668] : memref<2048x64xf32, #tpu.memory_space<vmem_shared>> -> memref<2048x64xf32, #tpu.memory_space<vmem_shared>>
    tpu.enqueue_indirect_dma source(%arg10 : memref<128x64xf32, #tpu.memory_space<vmem>>) target(%dma_start3A_669 : memref<2048x64xf32, #tpu.memory_space<vmem_shared>>) offsets(%dma_start3A_666 : memref<128xi32, #tpu.memory_space<vmem>>) semaphore(%arg21 : memref<!tpu.dma_semaphore, #tpu.memory_space<semaphore_mem>>) {add = true}
    %dma_wait3A_670 = arith.constant 23 : i32
    %dma_wait3A_671 = arith.constant 0 : i32
    %dma_wait3A_672 = tpu.memref_slice %arg6[%dma_wait3A_670, %dma_wait3A_671] : memref<50x128xi32, #tpu.memory_space<vmem>> -> memref<1x128xi32, #tpu.memory_space<vmem>>
    %dma_wait3A_673 = tpu.memref_squeeze %dma_wait3A_672 : memref<1x128xi32, #tpu.memory_space<vmem>> -> memref<128xi32, #tpu.memory_space<vmem>>
    %dma_wait3A_674 = arith.constant 0 : i32
    %dma_wait3A_675 = arith.constant 0 : i32
    %dma_wait3A_676 = tpu.memref_slice %arg3[%dma_wait3A_674, %dma_wait3A_675] : memref<100000x64xf32, #tpu.memory_space<hbm>> -> memref<100000x64xf32, #tpu.memory_space<hbm>>
    tpu.wait_indirect_dma semaphore(%arg18 : memref<!tpu.dma_semaphore, #tpu.memory_space<semaphore_mem>>) src(%dma_wait3A_676 : memref<100000x64xf32, #tpu.memory_space<hbm>>) dst(%arg11 : memref<128x64xf32, #tpu.memory_space<vmem>>)
    %dma_wait3A_677 = arith.constant 22 : i32
    %dma_wait3A_678 = arith.constant 0 : i32
    %dma_wait3A_679 = tpu.memref_slice %arg7[%dma_wait3A_677, %dma_wait3A_678] : memref<50x128xi32, #tpu.memory_space<vmem>> -> memref<1x128xi32, #tpu.memory_space<vmem>>
    %dma_wait3A_680 = tpu.memref_squeeze %dma_wait3A_679 : memref<1x128xi32, #tpu.memory_space<vmem>> -> memref<128xi32, #tpu.memory_space<vmem>>
    %dma_wait3A_681 = arith.constant 0 : i32
    %dma_wait3A_682 = arith.constant 0 : i32
    %dma_wait3A_683 = tpu.memref_slice %arg14[%dma_wait3A_681, %dma_wait3A_682] : memref<2048x64xf32, #tpu.memory_space<vmem_shared>> -> memref<2048x64xf32, #tpu.memory_space<vmem_shared>>
    tpu.wait_indirect_dma semaphore(%arg21 : memref<!tpu.dma_semaphore, #tpu.memory_space<semaphore_mem>>) src(%arg10 : memref<128x64xf32, #tpu.memory_space<vmem>>) dst(%dma_wait3A_683 : memref<2048x64xf32, #tpu.memory_space<vmem_shared>>)
    %dma_start3A_684 = arith.constant 26 : i32
    %dma_start3A_685 = arith.constant 0 : i32
    %dma_start3A_686 = tpu.memref_slice %arg6[%dma_start3A_684, %dma_start3A_685] : memref<50x128xi32, #tpu.memory_space<vmem>> -> memref<1x128xi32, #tpu.memory_space<vmem>>
    %dma_start3A_687 = tpu.memref_squeeze %dma_start3A_686 : memref<1x128xi32, #tpu.memory_space<vmem>> -> memref<128xi32, #tpu.memory_space<vmem>>
    %dma_start3A_688 = arith.constant 0 : i32
    %dma_start3A_689 = arith.constant 0 : i32
    %dma_start3A_690 = tpu.memref_slice %arg3[%dma_start3A_688, %dma_start3A_689] : memref<100000x64xf32, #tpu.memory_space<hbm>> -> memref<100000x64xf32, #tpu.memory_space<hbm>>
    tpu.enqueue_indirect_dma source(%dma_start3A_690 : memref<100000x64xf32, #tpu.memory_space<hbm>>) target(%arg10 : memref<128x64xf32, #tpu.memory_space<vmem>>) offsets(%dma_start3A_687 : memref<128xi32, #tpu.memory_space<vmem>>) semaphore(%arg17 : memref<!tpu.dma_semaphore, #tpu.memory_space<semaphore_mem>>)
    %dma_start3A_691 = arith.constant 23 : i32
    %dma_start3A_692 = arith.constant 0 : i32
    %dma_start3A_693 = tpu.memref_slice %arg7[%dma_start3A_691, %dma_start3A_692] : memref<50x128xi32, #tpu.memory_space<vmem>> -> memref<1x128xi32, #tpu.memory_space<vmem>>
    %dma_start3A_694 = tpu.memref_squeeze %dma_start3A_693 : memref<1x128xi32, #tpu.memory_space<vmem>> -> memref<128xi32, #tpu.memory_space<vmem>>
    %dma_start3A_695 = arith.constant 0 : i32
    %dma_start3A_696 = arith.constant 0 : i32
    %dma_start3A_697 = tpu.memref_slice %arg14[%dma_start3A_695, %dma_start3A_696] : memref<2048x64xf32, #tpu.memory_space<vmem_shared>> -> memref<2048x64xf32, #tpu.memory_space<vmem_shared>>
    tpu.enqueue_indirect_dma source(%arg11 : memref<128x64xf32, #tpu.memory_space<vmem>>) target(%dma_start3A_697 : memref<2048x64xf32, #tpu.memory_space<vmem_shared>>) offsets(%dma_start3A_694 : memref<128xi32, #tpu.memory_space<vmem>>) semaphore(%arg22 : memref<!tpu.dma_semaphore, #tpu.memory_space<semaphore_mem>>) {add = true}
    %dma_wait3A_698 = arith.constant 24 : i32
    %dma_wait3A_699 = arith.constant 0 : i32
    %dma_wait3A_700 = tpu.memref_slice %arg6[%dma_wait3A_698, %dma_wait3A_699] : memref<50x128xi32, #tpu.memory_space<vmem>> -> memref<1x128xi32, #tpu.memory_space<vmem>>
    %dma_wait3A_701 = tpu.memref_squeeze %dma_wait3A_700 : memref<1x128xi32, #tpu.memory_space<vmem>> -> memref<128xi32, #tpu.memory_space<vmem>>
    %dma_wait3A_702 = arith.constant 0 : i32
    %dma_wait3A_703 = arith.constant 0 : i32
    %dma_wait3A_704 = tpu.memref_slice %arg3[%dma_wait3A_702, %dma_wait3A_703] : memref<100000x64xf32, #tpu.memory_space<hbm>> -> memref<100000x64xf32, #tpu.memory_space<hbm>>
    tpu.wait_indirect_dma semaphore(%arg15 : memref<!tpu.dma_semaphore, #tpu.memory_space<semaphore_mem>>) src(%dma_wait3A_704 : memref<100000x64xf32, #tpu.memory_space<hbm>>) dst(%arg8 : memref<128x64xf32, #tpu.memory_space<vmem>>)
    %dma_wait3A_705 = arith.constant 23 : i32
    %dma_wait3A_706 = arith.constant 0 : i32
    %dma_wait3A_707 = tpu.memref_slice %arg7[%dma_wait3A_705, %dma_wait3A_706] : memref<50x128xi32, #tpu.memory_space<vmem>> -> memref<1x128xi32, #tpu.memory_space<vmem>>
    %dma_wait3A_708 = tpu.memref_squeeze %dma_wait3A_707 : memref<1x128xi32, #tpu.memory_space<vmem>> -> memref<128xi32, #tpu.memory_space<vmem>>
    %dma_wait3A_709 = arith.constant 0 : i32
    %dma_wait3A_710 = arith.constant 0 : i32
    %dma_wait3A_711 = tpu.memref_slice %arg14[%dma_wait3A_709, %dma_wait3A_710] : memref<2048x64xf32, #tpu.memory_space<vmem_shared>> -> memref<2048x64xf32, #tpu.memory_space<vmem_shared>>
    tpu.wait_indirect_dma semaphore(%arg22 : memref<!tpu.dma_semaphore, #tpu.memory_space<semaphore_mem>>) src(%arg11 : memref<128x64xf32, #tpu.memory_space<vmem>>) dst(%dma_wait3A_711 : memref<2048x64xf32, #tpu.memory_space<vmem_shared>>)
    %dma_start3A_712 = arith.constant 27 : i32
    %dma_start3A_713 = arith.constant 0 : i32
    %dma_start3A_714 = tpu.memref_slice %arg6[%dma_start3A_712, %dma_start3A_713] : memref<50x128xi32, #tpu.memory_space<vmem>> -> memref<1x128xi32, #tpu.memory_space<vmem>>
    %dma_start3A_715 = tpu.memref_squeeze %dma_start3A_714 : memref<1x128xi32, #tpu.memory_space<vmem>> -> memref<128xi32, #tpu.memory_space<vmem>>
    %dma_start3A_716 = arith.constant 0 : i32
    %dma_start3A_717 = arith.constant 0 : i32
    %dma_start3A_718 = tpu.memref_slice %arg3[%dma_start3A_716, %dma_start3A_717] : memref<100000x64xf32, #tpu.memory_space<hbm>> -> memref<100000x64xf32, #tpu.memory_space<hbm>>
    tpu.enqueue_indirect_dma source(%dma_start3A_718 : memref<100000x64xf32, #tpu.memory_space<hbm>>) target(%arg11 : memref<128x64xf32, #tpu.memory_space<vmem>>) offsets(%dma_start3A_715 : memref<128xi32, #tpu.memory_space<vmem>>) semaphore(%arg18 : memref<!tpu.dma_semaphore, #tpu.memory_space<semaphore_mem>>)
    %dma_start3A_719 = arith.constant 24 : i32
    %dma_start3A_720 = arith.constant 0 : i32
    %dma_start3A_721 = tpu.memref_slice %arg7[%dma_start3A_719, %dma_start3A_720] : memref<50x128xi32, #tpu.memory_space<vmem>> -> memref<1x128xi32, #tpu.memory_space<vmem>>
    %dma_start3A_722 = tpu.memref_squeeze %dma_start3A_721 : memref<1x128xi32, #tpu.memory_space<vmem>> -> memref<128xi32, #tpu.memory_space<vmem>>
    %dma_start3A_723 = arith.constant 0 : i32
    %dma_start3A_724 = arith.constant 0 : i32
    %dma_start3A_725 = tpu.memref_slice %arg14[%dma_start3A_723, %dma_start3A_724] : memref<2048x64xf32, #tpu.memory_space<vmem_shared>> -> memref<2048x64xf32, #tpu.memory_space<vmem_shared>>
    tpu.enqueue_indirect_dma source(%arg8 : memref<128x64xf32, #tpu.memory_space<vmem>>) target(%dma_start3A_725 : memref<2048x64xf32, #tpu.memory_space<vmem_shared>>) offsets(%dma_start3A_722 : memref<128xi32, #tpu.memory_space<vmem>>) semaphore(%arg19 : memref<!tpu.dma_semaphore, #tpu.memory_space<semaphore_mem>>) {add = true}
    %dma_wait3A_726 = arith.constant 25 : i32
    %dma_wait3A_727 = arith.constant 0 : i32
    %dma_wait3A_728 = tpu.memref_slice %arg6[%dma_wait3A_726, %dma_wait3A_727] : memref<50x128xi32, #tpu.memory_space<vmem>> -> memref<1x128xi32, #tpu.memory_space<vmem>>
    %dma_wait3A_729 = tpu.memref_squeeze %dma_wait3A_728 : memref<1x128xi32, #tpu.memory_space<vmem>> -> memref<128xi32, #tpu.memory_space<vmem>>
    %dma_wait3A_730 = arith.constant 0 : i32
    %dma_wait3A_731 = arith.constant 0 : i32
    %dma_wait3A_732 = tpu.memref_slice %arg3[%dma_wait3A_730, %dma_wait3A_731] : memref<100000x64xf32, #tpu.memory_space<hbm>> -> memref<100000x64xf32, #tpu.memory_space<hbm>>
    tpu.wait_indirect_dma semaphore(%arg16 : memref<!tpu.dma_semaphore, #tpu.memory_space<semaphore_mem>>) src(%dma_wait3A_732 : memref<100000x64xf32, #tpu.memory_space<hbm>>) dst(%arg9 : memref<128x64xf32, #tpu.memory_space<vmem>>)
    %dma_wait3A_733 = arith.constant 24 : i32
    %dma_wait3A_734 = arith.constant 0 : i32
    %dma_wait3A_735 = tpu.memref_slice %arg7[%dma_wait3A_733, %dma_wait3A_734] : memref<50x128xi32, #tpu.memory_space<vmem>> -> memref<1x128xi32, #tpu.memory_space<vmem>>
    %dma_wait3A_736 = tpu.memref_squeeze %dma_wait3A_735 : memref<1x128xi32, #tpu.memory_space<vmem>> -> memref<128xi32, #tpu.memory_space<vmem>>
    %dma_wait3A_737 = arith.constant 0 : i32
    %dma_wait3A_738 = arith.constant 0 : i32
    %dma_wait3A_739 = tpu.memref_slice %arg14[%dma_wait3A_737, %dma_wait3A_738] : memref<2048x64xf32, #tpu.memory_space<vmem_shared>> -> memref<2048x64xf32, #tpu.memory_space<vmem_shared>>
    tpu.wait_indirect_dma semaphore(%arg19 : memref<!tpu.dma_semaphore, #tpu.memory_space<semaphore_mem>>) src(%arg8 : memref<128x64xf32, #tpu.memory_space<vmem>>) dst(%dma_wait3A_739 : memref<2048x64xf32, #tpu.memory_space<vmem_shared>>)
    %dma_start3A_740 = arith.constant 28 : i32
    %dma_start3A_741 = arith.constant 0 : i32
    %dma_start3A_742 = tpu.memref_slice %arg6[%dma_start3A_740, %dma_start3A_741] : memref<50x128xi32, #tpu.memory_space<vmem>> -> memref<1x128xi32, #tpu.memory_space<vmem>>
    %dma_start3A_743 = tpu.memref_squeeze %dma_start3A_742 : memref<1x128xi32, #tpu.memory_space<vmem>> -> memref<128xi32, #tpu.memory_space<vmem>>
    %dma_start3A_744 = arith.constant 0 : i32
    %dma_start3A_745 = arith.constant 0 : i32
    %dma_start3A_746 = tpu.memref_slice %arg3[%dma_start3A_744, %dma_start3A_745] : memref<100000x64xf32, #tpu.memory_space<hbm>> -> memref<100000x64xf32, #tpu.memory_space<hbm>>
    tpu.enqueue_indirect_dma source(%dma_start3A_746 : memref<100000x64xf32, #tpu.memory_space<hbm>>) target(%arg8 : memref<128x64xf32, #tpu.memory_space<vmem>>) offsets(%dma_start3A_743 : memref<128xi32, #tpu.memory_space<vmem>>) semaphore(%arg15 : memref<!tpu.dma_semaphore, #tpu.memory_space<semaphore_mem>>)
    %dma_start3A_747 = arith.constant 25 : i32
    %dma_start3A_748 = arith.constant 0 : i32
    %dma_start3A_749 = tpu.memref_slice %arg7[%dma_start3A_747, %dma_start3A_748] : memref<50x128xi32, #tpu.memory_space<vmem>> -> memref<1x128xi32, #tpu.memory_space<vmem>>
    %dma_start3A_750 = tpu.memref_squeeze %dma_start3A_749 : memref<1x128xi32, #tpu.memory_space<vmem>> -> memref<128xi32, #tpu.memory_space<vmem>>
    %dma_start3A_751 = arith.constant 0 : i32
    %dma_start3A_752 = arith.constant 0 : i32
    %dma_start3A_753 = tpu.memref_slice %arg14[%dma_start3A_751, %dma_start3A_752] : memref<2048x64xf32, #tpu.memory_space<vmem_shared>> -> memref<2048x64xf32, #tpu.memory_space<vmem_shared>>
    tpu.enqueue_indirect_dma source(%arg9 : memref<128x64xf32, #tpu.memory_space<vmem>>) target(%dma_start3A_753 : memref<2048x64xf32, #tpu.memory_space<vmem_shared>>) offsets(%dma_start3A_750 : memref<128xi32, #tpu.memory_space<vmem>>) semaphore(%arg20 : memref<!tpu.dma_semaphore, #tpu.memory_space<semaphore_mem>>) {add = true}
    %dma_wait3A_754 = arith.constant 26 : i32
    %dma_wait3A_755 = arith.constant 0 : i32
    %dma_wait3A_756 = tpu.memref_slice %arg6[%dma_wait3A_754, %dma_wait3A_755] : memref<50x128xi32, #tpu.memory_space<vmem>> -> memref<1x128xi32, #tpu.memory_space<vmem>>
    %dma_wait3A_757 = tpu.memref_squeeze %dma_wait3A_756 : memref<1x128xi32, #tpu.memory_space<vmem>> -> memref<128xi32, #tpu.memory_space<vmem>>
    %dma_wait3A_758 = arith.constant 0 : i32
    %dma_wait3A_759 = arith.constant 0 : i32
    %dma_wait3A_760 = tpu.memref_slice %arg3[%dma_wait3A_758, %dma_wait3A_759] : memref<100000x64xf32, #tpu.memory_space<hbm>> -> memref<100000x64xf32, #tpu.memory_space<hbm>>
    tpu.wait_indirect_dma semaphore(%arg17 : memref<!tpu.dma_semaphore, #tpu.memory_space<semaphore_mem>>) src(%dma_wait3A_760 : memref<100000x64xf32, #tpu.memory_space<hbm>>) dst(%arg10 : memref<128x64xf32, #tpu.memory_space<vmem>>)
    %dma_wait3A_761 = arith.constant 25 : i32
    %dma_wait3A_762 = arith.constant 0 : i32
    %dma_wait3A_763 = tpu.memref_slice %arg7[%dma_wait3A_761, %dma_wait3A_762] : memref<50x128xi32, #tpu.memory_space<vmem>> -> memref<1x128xi32, #tpu.memory_space<vmem>>
    %dma_wait3A_764 = tpu.memref_squeeze %dma_wait3A_763 : memref<1x128xi32, #tpu.memory_space<vmem>> -> memref<128xi32, #tpu.memory_space<vmem>>
    %dma_wait3A_765 = arith.constant 0 : i32
    %dma_wait3A_766 = arith.constant 0 : i32
    %dma_wait3A_767 = tpu.memref_slice %arg14[%dma_wait3A_765, %dma_wait3A_766] : memref<2048x64xf32, #tpu.memory_space<vmem_shared>> -> memref<2048x64xf32, #tpu.memory_space<vmem_shared>>
    tpu.wait_indirect_dma semaphore(%arg20 : memref<!tpu.dma_semaphore, #tpu.memory_space<semaphore_mem>>) src(%arg9 : memref<128x64xf32, #tpu.memory_space<vmem>>) dst(%dma_wait3A_767 : memref<2048x64xf32, #tpu.memory_space<vmem_shared>>)
    %dma_start3A_768 = arith.constant 29 : i32
    %dma_start3A_769 = arith.constant 0 : i32
    %dma_start3A_770 = tpu.memref_slice %arg6[%dma_start3A_768, %dma_start3A_769] : memref<50x128xi32, #tpu.memory_space<vmem>> -> memref<1x128xi32, #tpu.memory_space<vmem>>
    %dma_start3A_771 = tpu.memref_squeeze %dma_start3A_770 : memref<1x128xi32, #tpu.memory_space<vmem>> -> memref<128xi32, #tpu.memory_space<vmem>>
    %dma_start3A_772 = arith.constant 0 : i32
    %dma_start3A_773 = arith.constant 0 : i32
    %dma_start3A_774 = tpu.memref_slice %arg3[%dma_start3A_772, %dma_start3A_773] : memref<100000x64xf32, #tpu.memory_space<hbm>> -> memref<100000x64xf32, #tpu.memory_space<hbm>>
    tpu.enqueue_indirect_dma source(%dma_start3A_774 : memref<100000x64xf32, #tpu.memory_space<hbm>>) target(%arg9 : memref<128x64xf32, #tpu.memory_space<vmem>>) offsets(%dma_start3A_771 : memref<128xi32, #tpu.memory_space<vmem>>) semaphore(%arg16 : memref<!tpu.dma_semaphore, #tpu.memory_space<semaphore_mem>>)
    %dma_start3A_775 = arith.constant 26 : i32
    %dma_start3A_776 = arith.constant 0 : i32
    %dma_start3A_777 = tpu.memref_slice %arg7[%dma_start3A_775, %dma_start3A_776] : memref<50x128xi32, #tpu.memory_space<vmem>> -> memref<1x128xi32, #tpu.memory_space<vmem>>
    %dma_start3A_778 = tpu.memref_squeeze %dma_start3A_777 : memref<1x128xi32, #tpu.memory_space<vmem>> -> memref<128xi32, #tpu.memory_space<vmem>>
    %dma_start3A_779 = arith.constant 0 : i32
    %dma_start3A_780 = arith.constant 0 : i32
    %dma_start3A_781 = tpu.memref_slice %arg14[%dma_start3A_779, %dma_start3A_780] : memref<2048x64xf32, #tpu.memory_space<vmem_shared>> -> memref<2048x64xf32, #tpu.memory_space<vmem_shared>>
    tpu.enqueue_indirect_dma source(%arg10 : memref<128x64xf32, #tpu.memory_space<vmem>>) target(%dma_start3A_781 : memref<2048x64xf32, #tpu.memory_space<vmem_shared>>) offsets(%dma_start3A_778 : memref<128xi32, #tpu.memory_space<vmem>>) semaphore(%arg21 : memref<!tpu.dma_semaphore, #tpu.memory_space<semaphore_mem>>) {add = true}
    %dma_wait3A_782 = arith.constant 27 : i32
    %dma_wait3A_783 = arith.constant 0 : i32
    %dma_wait3A_784 = tpu.memref_slice %arg6[%dma_wait3A_782, %dma_wait3A_783] : memref<50x128xi32, #tpu.memory_space<vmem>> -> memref<1x128xi32, #tpu.memory_space<vmem>>
    %dma_wait3A_785 = tpu.memref_squeeze %dma_wait3A_784 : memref<1x128xi32, #tpu.memory_space<vmem>> -> memref<128xi32, #tpu.memory_space<vmem>>
    %dma_wait3A_786 = arith.constant 0 : i32
    %dma_wait3A_787 = arith.constant 0 : i32
    %dma_wait3A_788 = tpu.memref_slice %arg3[%dma_wait3A_786, %dma_wait3A_787] : memref<100000x64xf32, #tpu.memory_space<hbm>> -> memref<100000x64xf32, #tpu.memory_space<hbm>>
    tpu.wait_indirect_dma semaphore(%arg18 : memref<!tpu.dma_semaphore, #tpu.memory_space<semaphore_mem>>) src(%dma_wait3A_788 : memref<100000x64xf32, #tpu.memory_space<hbm>>) dst(%arg11 : memref<128x64xf32, #tpu.memory_space<vmem>>)
    %dma_wait3A_789 = arith.constant 26 : i32
    %dma_wait3A_790 = arith.constant 0 : i32
    %dma_wait3A_791 = tpu.memref_slice %arg7[%dma_wait3A_789, %dma_wait3A_790] : memref<50x128xi32, #tpu.memory_space<vmem>> -> memref<1x128xi32, #tpu.memory_space<vmem>>
    %dma_wait3A_792 = tpu.memref_squeeze %dma_wait3A_791 : memref<1x128xi32, #tpu.memory_space<vmem>> -> memref<128xi32, #tpu.memory_space<vmem>>
    %dma_wait3A_793 = arith.constant 0 : i32
    %dma_wait3A_794 = arith.constant 0 : i32
    %dma_wait3A_795 = tpu.memref_slice %arg14[%dma_wait3A_793, %dma_wait3A_794] : memref<2048x64xf32, #tpu.memory_space<vmem_shared>> -> memref<2048x64xf32, #tpu.memory_space<vmem_shared>>
    tpu.wait_indirect_dma semaphore(%arg21 : memref<!tpu.dma_semaphore, #tpu.memory_space<semaphore_mem>>) src(%arg10 : memref<128x64xf32, #tpu.memory_space<vmem>>) dst(%dma_wait3A_795 : memref<2048x64xf32, #tpu.memory_space<vmem_shared>>)
    %dma_start3A_796 = arith.constant 30 : i32
    %dma_start3A_797 = arith.constant 0 : i32
    %dma_start3A_798 = tpu.memref_slice %arg6[%dma_start3A_796, %dma_start3A_797] : memref<50x128xi32, #tpu.memory_space<vmem>> -> memref<1x128xi32, #tpu.memory_space<vmem>>
    %dma_start3A_799 = tpu.memref_squeeze %dma_start3A_798 : memref<1x128xi32, #tpu.memory_space<vmem>> -> memref<128xi32, #tpu.memory_space<vmem>>
    %dma_start3A_800 = arith.constant 0 : i32
    %dma_start3A_801 = arith.constant 0 : i32
    %dma_start3A_802 = tpu.memref_slice %arg3[%dma_start3A_800, %dma_start3A_801] : memref<100000x64xf32, #tpu.memory_space<hbm>> -> memref<100000x64xf32, #tpu.memory_space<hbm>>
    tpu.enqueue_indirect_dma source(%dma_start3A_802 : memref<100000x64xf32, #tpu.memory_space<hbm>>) target(%arg10 : memref<128x64xf32, #tpu.memory_space<vmem>>) offsets(%dma_start3A_799 : memref<128xi32, #tpu.memory_space<vmem>>) semaphore(%arg17 : memref<!tpu.dma_semaphore, #tpu.memory_space<semaphore_mem>>)
    %dma_start3A_803 = arith.constant 27 : i32
    %dma_start3A_804 = arith.constant 0 : i32
    %dma_start3A_805 = tpu.memref_slice %arg7[%dma_start3A_803, %dma_start3A_804] : memref<50x128xi32, #tpu.memory_space<vmem>> -> memref<1x128xi32, #tpu.memory_space<vmem>>
    %dma_start3A_806 = tpu.memref_squeeze %dma_start3A_805 : memref<1x128xi32, #tpu.memory_space<vmem>> -> memref<128xi32, #tpu.memory_space<vmem>>
    %dma_start3A_807 = arith.constant 0 : i32
    %dma_start3A_808 = arith.constant 0 : i32
    %dma_start3A_809 = tpu.memref_slice %arg14[%dma_start3A_807, %dma_start3A_808] : memref<2048x64xf32, #tpu.memory_space<vmem_shared>> -> memref<2048x64xf32, #tpu.memory_space<vmem_shared>>
    tpu.enqueue_indirect_dma source(%arg11 : memref<128x64xf32, #tpu.memory_space<vmem>>) target(%dma_start3A_809 : memref<2048x64xf32, #tpu.memory_space<vmem_shared>>) offsets(%dma_start3A_806 : memref<128xi32, #tpu.memory_space<vmem>>) semaphore(%arg22 : memref<!tpu.dma_semaphore, #tpu.memory_space<semaphore_mem>>) {add = true}
    %dma_wait3A_810 = arith.constant 28 : i32
    %dma_wait3A_811 = arith.constant 0 : i32
    %dma_wait3A_812 = tpu.memref_slice %arg6[%dma_wait3A_810, %dma_wait3A_811] : memref<50x128xi32, #tpu.memory_space<vmem>> -> memref<1x128xi32, #tpu.memory_space<vmem>>
    %dma_wait3A_813 = tpu.memref_squeeze %dma_wait3A_812 : memref<1x128xi32, #tpu.memory_space<vmem>> -> memref<128xi32, #tpu.memory_space<vmem>>
    %dma_wait3A_814 = arith.constant 0 : i32
    %dma_wait3A_815 = arith.constant 0 : i32
    %dma_wait3A_816 = tpu.memref_slice %arg3[%dma_wait3A_814, %dma_wait3A_815] : memref<100000x64xf32, #tpu.memory_space<hbm>> -> memref<100000x64xf32, #tpu.memory_space<hbm>>
    tpu.wait_indirect_dma semaphore(%arg15 : memref<!tpu.dma_semaphore, #tpu.memory_space<semaphore_mem>>) src(%dma_wait3A_816 : memref<100000x64xf32, #tpu.memory_space<hbm>>) dst(%arg8 : memref<128x64xf32, #tpu.memory_space<vmem>>)
    %dma_wait3A_817 = arith.constant 27 : i32
    %dma_wait3A_818 = arith.constant 0 : i32
    %dma_wait3A_819 = tpu.memref_slice %arg7[%dma_wait3A_817, %dma_wait3A_818] : memref<50x128xi32, #tpu.memory_space<vmem>> -> memref<1x128xi32, #tpu.memory_space<vmem>>
    %dma_wait3A_820 = tpu.memref_squeeze %dma_wait3A_819 : memref<1x128xi32, #tpu.memory_space<vmem>> -> memref<128xi32, #tpu.memory_space<vmem>>
    %dma_wait3A_821 = arith.constant 0 : i32
    %dma_wait3A_822 = arith.constant 0 : i32
    %dma_wait3A_823 = tpu.memref_slice %arg14[%dma_wait3A_821, %dma_wait3A_822] : memref<2048x64xf32, #tpu.memory_space<vmem_shared>> -> memref<2048x64xf32, #tpu.memory_space<vmem_shared>>
    tpu.wait_indirect_dma semaphore(%arg22 : memref<!tpu.dma_semaphore, #tpu.memory_space<semaphore_mem>>) src(%arg11 : memref<128x64xf32, #tpu.memory_space<vmem>>) dst(%dma_wait3A_823 : memref<2048x64xf32, #tpu.memory_space<vmem_shared>>)
    %dma_start3A_824 = arith.constant 31 : i32
    %dma_start3A_825 = arith.constant 0 : i32
    %dma_start3A_826 = tpu.memref_slice %arg6[%dma_start3A_824, %dma_start3A_825] : memref<50x128xi32, #tpu.memory_space<vmem>> -> memref<1x128xi32, #tpu.memory_space<vmem>>
    %dma_start3A_827 = tpu.memref_squeeze %dma_start3A_826 : memref<1x128xi32, #tpu.memory_space<vmem>> -> memref<128xi32, #tpu.memory_space<vmem>>
    %dma_start3A_828 = arith.constant 0 : i32
    %dma_start3A_829 = arith.constant 0 : i32
    %dma_start3A_830 = tpu.memref_slice %arg3[%dma_start3A_828, %dma_start3A_829] : memref<100000x64xf32, #tpu.memory_space<hbm>> -> memref<100000x64xf32, #tpu.memory_space<hbm>>
    tpu.enqueue_indirect_dma source(%dma_start3A_830 : memref<100000x64xf32, #tpu.memory_space<hbm>>) target(%arg11 : memref<128x64xf32, #tpu.memory_space<vmem>>) offsets(%dma_start3A_827 : memref<128xi32, #tpu.memory_space<vmem>>) semaphore(%arg18 : memref<!tpu.dma_semaphore, #tpu.memory_space<semaphore_mem>>)
    %dma_start3A_831 = arith.constant 28 : i32
    %dma_start3A_832 = arith.constant 0 : i32
    %dma_start3A_833 = tpu.memref_slice %arg7[%dma_start3A_831, %dma_start3A_832] : memref<50x128xi32, #tpu.memory_space<vmem>> -> memref<1x128xi32, #tpu.memory_space<vmem>>
    %dma_start3A_834 = tpu.memref_squeeze %dma_start3A_833 : memref<1x128xi32, #tpu.memory_space<vmem>> -> memref<128xi32, #tpu.memory_space<vmem>>
    %dma_start3A_835 = arith.constant 0 : i32
    %dma_start3A_836 = arith.constant 0 : i32
    %dma_start3A_837 = tpu.memref_slice %arg14[%dma_start3A_835, %dma_start3A_836] : memref<2048x64xf32, #tpu.memory_space<vmem_shared>> -> memref<2048x64xf32, #tpu.memory_space<vmem_shared>>
    tpu.enqueue_indirect_dma source(%arg8 : memref<128x64xf32, #tpu.memory_space<vmem>>) target(%dma_start3A_837 : memref<2048x64xf32, #tpu.memory_space<vmem_shared>>) offsets(%dma_start3A_834 : memref<128xi32, #tpu.memory_space<vmem>>) semaphore(%arg19 : memref<!tpu.dma_semaphore, #tpu.memory_space<semaphore_mem>>) {add = true}
    %dma_wait3A_838 = arith.constant 29 : i32
    %dma_wait3A_839 = arith.constant 0 : i32
    %dma_wait3A_840 = tpu.memref_slice %arg6[%dma_wait3A_838, %dma_wait3A_839] : memref<50x128xi32, #tpu.memory_space<vmem>> -> memref<1x128xi32, #tpu.memory_space<vmem>>
    %dma_wait3A_841 = tpu.memref_squeeze %dma_wait3A_840 : memref<1x128xi32, #tpu.memory_space<vmem>> -> memref<128xi32, #tpu.memory_space<vmem>>
    %dma_wait3A_842 = arith.constant 0 : i32
    %dma_wait3A_843 = arith.constant 0 : i32
    %dma_wait3A_844 = tpu.memref_slice %arg3[%dma_wait3A_842, %dma_wait3A_843] : memref<100000x64xf32, #tpu.memory_space<hbm>> -> memref<100000x64xf32, #tpu.memory_space<hbm>>
    tpu.wait_indirect_dma semaphore(%arg16 : memref<!tpu.dma_semaphore, #tpu.memory_space<semaphore_mem>>) src(%dma_wait3A_844 : memref<100000x64xf32, #tpu.memory_space<hbm>>) dst(%arg9 : memref<128x64xf32, #tpu.memory_space<vmem>>)
    %dma_wait3A_845 = arith.constant 28 : i32
    %dma_wait3A_846 = arith.constant 0 : i32
    %dma_wait3A_847 = tpu.memref_slice %arg7[%dma_wait3A_845, %dma_wait3A_846] : memref<50x128xi32, #tpu.memory_space<vmem>> -> memref<1x128xi32, #tpu.memory_space<vmem>>
    %dma_wait3A_848 = tpu.memref_squeeze %dma_wait3A_847 : memref<1x128xi32, #tpu.memory_space<vmem>> -> memref<128xi32, #tpu.memory_space<vmem>>
    %dma_wait3A_849 = arith.constant 0 : i32
    %dma_wait3A_850 = arith.constant 0 : i32
    %dma_wait3A_851 = tpu.memref_slice %arg14[%dma_wait3A_849, %dma_wait3A_850] : memref<2048x64xf32, #tpu.memory_space<vmem_shared>> -> memref<2048x64xf32, #tpu.memory_space<vmem_shared>>
    tpu.wait_indirect_dma semaphore(%arg19 : memref<!tpu.dma_semaphore, #tpu.memory_space<semaphore_mem>>) src(%arg8 : memref<128x64xf32, #tpu.memory_space<vmem>>) dst(%dma_wait3A_851 : memref<2048x64xf32, #tpu.memory_space<vmem_shared>>)
    %dma_start3A_852 = arith.constant 32 : i32
    %dma_start3A_853 = arith.constant 0 : i32
    %dma_start3A_854 = tpu.memref_slice %arg6[%dma_start3A_852, %dma_start3A_853] : memref<50x128xi32, #tpu.memory_space<vmem>> -> memref<1x128xi32, #tpu.memory_space<vmem>>
    %dma_start3A_855 = tpu.memref_squeeze %dma_start3A_854 : memref<1x128xi32, #tpu.memory_space<vmem>> -> memref<128xi32, #tpu.memory_space<vmem>>
    %dma_start3A_856 = arith.constant 0 : i32
    %dma_start3A_857 = arith.constant 0 : i32
    %dma_start3A_858 = tpu.memref_slice %arg3[%dma_start3A_856, %dma_start3A_857] : memref<100000x64xf32, #tpu.memory_space<hbm>> -> memref<100000x64xf32, #tpu.memory_space<hbm>>
    tpu.enqueue_indirect_dma source(%dma_start3A_858 : memref<100000x64xf32, #tpu.memory_space<hbm>>) target(%arg8 : memref<128x64xf32, #tpu.memory_space<vmem>>) offsets(%dma_start3A_855 : memref<128xi32, #tpu.memory_space<vmem>>) semaphore(%arg15 : memref<!tpu.dma_semaphore, #tpu.memory_space<semaphore_mem>>)
    %dma_start3A_859 = arith.constant 29 : i32
    %dma_start3A_860 = arith.constant 0 : i32
    %dma_start3A_861 = tpu.memref_slice %arg7[%dma_start3A_859, %dma_start3A_860] : memref<50x128xi32, #tpu.memory_space<vmem>> -> memref<1x128xi32, #tpu.memory_space<vmem>>
    %dma_start3A_862 = tpu.memref_squeeze %dma_start3A_861 : memref<1x128xi32, #tpu.memory_space<vmem>> -> memref<128xi32, #tpu.memory_space<vmem>>
    %dma_start3A_863 = arith.constant 0 : i32
    %dma_start3A_864 = arith.constant 0 : i32
    %dma_start3A_865 = tpu.memref_slice %arg14[%dma_start3A_863, %dma_start3A_864] : memref<2048x64xf32, #tpu.memory_space<vmem_shared>> -> memref<2048x64xf32, #tpu.memory_space<vmem_shared>>
    tpu.enqueue_indirect_dma source(%arg9 : memref<128x64xf32, #tpu.memory_space<vmem>>) target(%dma_start3A_865 : memref<2048x64xf32, #tpu.memory_space<vmem_shared>>) offsets(%dma_start3A_862 : memref<128xi32, #tpu.memory_space<vmem>>) semaphore(%arg20 : memref<!tpu.dma_semaphore, #tpu.memory_space<semaphore_mem>>) {add = true}
    %dma_wait3A_866 = arith.constant 30 : i32
    %dma_wait3A_867 = arith.constant 0 : i32
    %dma_wait3A_868 = tpu.memref_slice %arg6[%dma_wait3A_866, %dma_wait3A_867] : memref<50x128xi32, #tpu.memory_space<vmem>> -> memref<1x128xi32, #tpu.memory_space<vmem>>
    %dma_wait3A_869 = tpu.memref_squeeze %dma_wait3A_868 : memref<1x128xi32, #tpu.memory_space<vmem>> -> memref<128xi32, #tpu.memory_space<vmem>>
    %dma_wait3A_870 = arith.constant 0 : i32
    %dma_wait3A_871 = arith.constant 0 : i32
    %dma_wait3A_872 = tpu.memref_slice %arg3[%dma_wait3A_870, %dma_wait3A_871] : memref<100000x64xf32, #tpu.memory_space<hbm>> -> memref<100000x64xf32, #tpu.memory_space<hbm>>
    tpu.wait_indirect_dma semaphore(%arg17 : memref<!tpu.dma_semaphore, #tpu.memory_space<semaphore_mem>>) src(%dma_wait3A_872 : memref<100000x64xf32, #tpu.memory_space<hbm>>) dst(%arg10 : memref<128x64xf32, #tpu.memory_space<vmem>>)
    %dma_wait3A_873 = arith.constant 29 : i32
    %dma_wait3A_874 = arith.constant 0 : i32
    %dma_wait3A_875 = tpu.memref_slice %arg7[%dma_wait3A_873, %dma_wait3A_874] : memref<50x128xi32, #tpu.memory_space<vmem>> -> memref<1x128xi32, #tpu.memory_space<vmem>>
    %dma_wait3A_876 = tpu.memref_squeeze %dma_wait3A_875 : memref<1x128xi32, #tpu.memory_space<vmem>> -> memref<128xi32, #tpu.memory_space<vmem>>
    %dma_wait3A_877 = arith.constant 0 : i32
    %dma_wait3A_878 = arith.constant 0 : i32
    %dma_wait3A_879 = tpu.memref_slice %arg14[%dma_wait3A_877, %dma_wait3A_878] : memref<2048x64xf32, #tpu.memory_space<vmem_shared>> -> memref<2048x64xf32, #tpu.memory_space<vmem_shared>>
    tpu.wait_indirect_dma semaphore(%arg20 : memref<!tpu.dma_semaphore, #tpu.memory_space<semaphore_mem>>) src(%arg9 : memref<128x64xf32, #tpu.memory_space<vmem>>) dst(%dma_wait3A_879 : memref<2048x64xf32, #tpu.memory_space<vmem_shared>>)
    %dma_start3A_880 = arith.constant 33 : i32
    %dma_start3A_881 = arith.constant 0 : i32
    %dma_start3A_882 = tpu.memref_slice %arg6[%dma_start3A_880, %dma_start3A_881] : memref<50x128xi32, #tpu.memory_space<vmem>> -> memref<1x128xi32, #tpu.memory_space<vmem>>
    %dma_start3A_883 = tpu.memref_squeeze %dma_start3A_882 : memref<1x128xi32, #tpu.memory_space<vmem>> -> memref<128xi32, #tpu.memory_space<vmem>>
    %dma_start3A_884 = arith.constant 0 : i32
    %dma_start3A_885 = arith.constant 0 : i32
    %dma_start3A_886 = tpu.memref_slice %arg3[%dma_start3A_884, %dma_start3A_885] : memref<100000x64xf32, #tpu.memory_space<hbm>> -> memref<100000x64xf32, #tpu.memory_space<hbm>>
    tpu.enqueue_indirect_dma source(%dma_start3A_886 : memref<100000x64xf32, #tpu.memory_space<hbm>>) target(%arg9 : memref<128x64xf32, #tpu.memory_space<vmem>>) offsets(%dma_start3A_883 : memref<128xi32, #tpu.memory_space<vmem>>) semaphore(%arg16 : memref<!tpu.dma_semaphore, #tpu.memory_space<semaphore_mem>>)
    %dma_start3A_887 = arith.constant 30 : i32
    %dma_start3A_888 = arith.constant 0 : i32
    %dma_start3A_889 = tpu.memref_slice %arg7[%dma_start3A_887, %dma_start3A_888] : memref<50x128xi32, #tpu.memory_space<vmem>> -> memref<1x128xi32, #tpu.memory_space<vmem>>
    %dma_start3A_890 = tpu.memref_squeeze %dma_start3A_889 : memref<1x128xi32, #tpu.memory_space<vmem>> -> memref<128xi32, #tpu.memory_space<vmem>>
    %dma_start3A_891 = arith.constant 0 : i32
    %dma_start3A_892 = arith.constant 0 : i32
    %dma_start3A_893 = tpu.memref_slice %arg14[%dma_start3A_891, %dma_start3A_892] : memref<2048x64xf32, #tpu.memory_space<vmem_shared>> -> memref<2048x64xf32, #tpu.memory_space<vmem_shared>>
    tpu.enqueue_indirect_dma source(%arg10 : memref<128x64xf32, #tpu.memory_space<vmem>>) target(%dma_start3A_893 : memref<2048x64xf32, #tpu.memory_space<vmem_shared>>) offsets(%dma_start3A_890 : memref<128xi32, #tpu.memory_space<vmem>>) semaphore(%arg21 : memref<!tpu.dma_semaphore, #tpu.memory_space<semaphore_mem>>) {add = true}
    %dma_wait3A_894 = arith.constant 31 : i32
    %dma_wait3A_895 = arith.constant 0 : i32
    %dma_wait3A_896 = tpu.memref_slice %arg6[%dma_wait3A_894, %dma_wait3A_895] : memref<50x128xi32, #tpu.memory_space<vmem>> -> memref<1x128xi32, #tpu.memory_space<vmem>>
    %dma_wait3A_897 = tpu.memref_squeeze %dma_wait3A_896 : memref<1x128xi32, #tpu.memory_space<vmem>> -> memref<128xi32, #tpu.memory_space<vmem>>
    %dma_wait3A_898 = arith.constant 0 : i32
    %dma_wait3A_899 = arith.constant 0 : i32
    %dma_wait3A_900 = tpu.memref_slice %arg3[%dma_wait3A_898, %dma_wait3A_899] : memref<100000x64xf32, #tpu.memory_space<hbm>> -> memref<100000x64xf32, #tpu.memory_space<hbm>>
    tpu.wait_indirect_dma semaphore(%arg18 : memref<!tpu.dma_semaphore, #tpu.memory_space<semaphore_mem>>) src(%dma_wait3A_900 : memref<100000x64xf32, #tpu.memory_space<hbm>>) dst(%arg11 : memref<128x64xf32, #tpu.memory_space<vmem>>)
    %dma_wait3A_901 = arith.constant 30 : i32
    %dma_wait3A_902 = arith.constant 0 : i32
    %dma_wait3A_903 = tpu.memref_slice %arg7[%dma_wait3A_901, %dma_wait3A_902] : memref<50x128xi32, #tpu.memory_space<vmem>> -> memref<1x128xi32, #tpu.memory_space<vmem>>
    %dma_wait3A_904 = tpu.memref_squeeze %dma_wait3A_903 : memref<1x128xi32, #tpu.memory_space<vmem>> -> memref<128xi32, #tpu.memory_space<vmem>>
    %dma_wait3A_905 = arith.constant 0 : i32
    %dma_wait3A_906 = arith.constant 0 : i32
    %dma_wait3A_907 = tpu.memref_slice %arg14[%dma_wait3A_905, %dma_wait3A_906] : memref<2048x64xf32, #tpu.memory_space<vmem_shared>> -> memref<2048x64xf32, #tpu.memory_space<vmem_shared>>
    tpu.wait_indirect_dma semaphore(%arg21 : memref<!tpu.dma_semaphore, #tpu.memory_space<semaphore_mem>>) src(%arg10 : memref<128x64xf32, #tpu.memory_space<vmem>>) dst(%dma_wait3A_907 : memref<2048x64xf32, #tpu.memory_space<vmem_shared>>)
    %dma_start3A_908 = arith.constant 34 : i32
    %dma_start3A_909 = arith.constant 0 : i32
    %dma_start3A_910 = tpu.memref_slice %arg6[%dma_start3A_908, %dma_start3A_909] : memref<50x128xi32, #tpu.memory_space<vmem>> -> memref<1x128xi32, #tpu.memory_space<vmem>>
    %dma_start3A_911 = tpu.memref_squeeze %dma_start3A_910 : memref<1x128xi32, #tpu.memory_space<vmem>> -> memref<128xi32, #tpu.memory_space<vmem>>
    %dma_start3A_912 = arith.constant 0 : i32
    %dma_start3A_913 = arith.constant 0 : i32
    %dma_start3A_914 = tpu.memref_slice %arg3[%dma_start3A_912, %dma_start3A_913] : memref<100000x64xf32, #tpu.memory_space<hbm>> -> memref<100000x64xf32, #tpu.memory_space<hbm>>
    tpu.enqueue_indirect_dma source(%dma_start3A_914 : memref<100000x64xf32, #tpu.memory_space<hbm>>) target(%arg10 : memref<128x64xf32, #tpu.memory_space<vmem>>) offsets(%dma_start3A_911 : memref<128xi32, #tpu.memory_space<vmem>>) semaphore(%arg17 : memref<!tpu.dma_semaphore, #tpu.memory_space<semaphore_mem>>)
    %dma_start3A_915 = arith.constant 31 : i32
    %dma_start3A_916 = arith.constant 0 : i32
    %dma_start3A_917 = tpu.memref_slice %arg7[%dma_start3A_915, %dma_start3A_916] : memref<50x128xi32, #tpu.memory_space<vmem>> -> memref<1x128xi32, #tpu.memory_space<vmem>>
    %dma_start3A_918 = tpu.memref_squeeze %dma_start3A_917 : memref<1x128xi32, #tpu.memory_space<vmem>> -> memref<128xi32, #tpu.memory_space<vmem>>
    %dma_start3A_919 = arith.constant 0 : i32
    %dma_start3A_920 = arith.constant 0 : i32
    %dma_start3A_921 = tpu.memref_slice %arg14[%dma_start3A_919, %dma_start3A_920] : memref<2048x64xf32, #tpu.memory_space<vmem_shared>> -> memref<2048x64xf32, #tpu.memory_space<vmem_shared>>
    tpu.enqueue_indirect_dma source(%arg11 : memref<128x64xf32, #tpu.memory_space<vmem>>) target(%dma_start3A_921 : memref<2048x64xf32, #tpu.memory_space<vmem_shared>>) offsets(%dma_start3A_918 : memref<128xi32, #tpu.memory_space<vmem>>) semaphore(%arg22 : memref<!tpu.dma_semaphore, #tpu.memory_space<semaphore_mem>>) {add = true}
    %dma_wait3A_922 = arith.constant 32 : i32
    %dma_wait3A_923 = arith.constant 0 : i32
    %dma_wait3A_924 = tpu.memref_slice %arg6[%dma_wait3A_922, %dma_wait3A_923] : memref<50x128xi32, #tpu.memory_space<vmem>> -> memref<1x128xi32, #tpu.memory_space<vmem>>
    %dma_wait3A_925 = tpu.memref_squeeze %dma_wait3A_924 : memref<1x128xi32, #tpu.memory_space<vmem>> -> memref<128xi32, #tpu.memory_space<vmem>>
    %dma_wait3A_926 = arith.constant 0 : i32
    %dma_wait3A_927 = arith.constant 0 : i32
    %dma_wait3A_928 = tpu.memref_slice %arg3[%dma_wait3A_926, %dma_wait3A_927] : memref<100000x64xf32, #tpu.memory_space<hbm>> -> memref<100000x64xf32, #tpu.memory_space<hbm>>
    tpu.wait_indirect_dma semaphore(%arg15 : memref<!tpu.dma_semaphore, #tpu.memory_space<semaphore_mem>>) src(%dma_wait3A_928 : memref<100000x64xf32, #tpu.memory_space<hbm>>) dst(%arg8 : memref<128x64xf32, #tpu.memory_space<vmem>>)
    %dma_wait3A_929 = arith.constant 31 : i32
    %dma_wait3A_930 = arith.constant 0 : i32
    %dma_wait3A_931 = tpu.memref_slice %arg7[%dma_wait3A_929, %dma_wait3A_930] : memref<50x128xi32, #tpu.memory_space<vmem>> -> memref<1x128xi32, #tpu.memory_space<vmem>>
    %dma_wait3A_932 = tpu.memref_squeeze %dma_wait3A_931 : memref<1x128xi32, #tpu.memory_space<vmem>> -> memref<128xi32, #tpu.memory_space<vmem>>
    %dma_wait3A_933 = arith.constant 0 : i32
    %dma_wait3A_934 = arith.constant 0 : i32
    %dma_wait3A_935 = tpu.memref_slice %arg14[%dma_wait3A_933, %dma_wait3A_934] : memref<2048x64xf32, #tpu.memory_space<vmem_shared>> -> memref<2048x64xf32, #tpu.memory_space<vmem_shared>>
    tpu.wait_indirect_dma semaphore(%arg22 : memref<!tpu.dma_semaphore, #tpu.memory_space<semaphore_mem>>) src(%arg11 : memref<128x64xf32, #tpu.memory_space<vmem>>) dst(%dma_wait3A_935 : memref<2048x64xf32, #tpu.memory_space<vmem_shared>>)
    %dma_start3A_936 = arith.constant 35 : i32
    %dma_start3A_937 = arith.constant 0 : i32
    %dma_start3A_938 = tpu.memref_slice %arg6[%dma_start3A_936, %dma_start3A_937] : memref<50x128xi32, #tpu.memory_space<vmem>> -> memref<1x128xi32, #tpu.memory_space<vmem>>
    %dma_start3A_939 = tpu.memref_squeeze %dma_start3A_938 : memref<1x128xi32, #tpu.memory_space<vmem>> -> memref<128xi32, #tpu.memory_space<vmem>>
    %dma_start3A_940 = arith.constant 0 : i32
    %dma_start3A_941 = arith.constant 0 : i32
    %dma_start3A_942 = tpu.memref_slice %arg3[%dma_start3A_940, %dma_start3A_941] : memref<100000x64xf32, #tpu.memory_space<hbm>> -> memref<100000x64xf32, #tpu.memory_space<hbm>>
    tpu.enqueue_indirect_dma source(%dma_start3A_942 : memref<100000x64xf32, #tpu.memory_space<hbm>>) target(%arg11 : memref<128x64xf32, #tpu.memory_space<vmem>>) offsets(%dma_start3A_939 : memref<128xi32, #tpu.memory_space<vmem>>) semaphore(%arg18 : memref<!tpu.dma_semaphore, #tpu.memory_space<semaphore_mem>>)
    %dma_start3A_943 = arith.constant 32 : i32
    %dma_start3A_944 = arith.constant 0 : i32
    %dma_start3A_945 = tpu.memref_slice %arg7[%dma_start3A_943, %dma_start3A_944] : memref<50x128xi32, #tpu.memory_space<vmem>> -> memref<1x128xi32, #tpu.memory_space<vmem>>
    %dma_start3A_946 = tpu.memref_squeeze %dma_start3A_945 : memref<1x128xi32, #tpu.memory_space<vmem>> -> memref<128xi32, #tpu.memory_space<vmem>>
    %dma_start3A_947 = arith.constant 0 : i32
    %dma_start3A_948 = arith.constant 0 : i32
    %dma_start3A_949 = tpu.memref_slice %arg14[%dma_start3A_947, %dma_start3A_948] : memref<2048x64xf32, #tpu.memory_space<vmem_shared>> -> memref<2048x64xf32, #tpu.memory_space<vmem_shared>>
    tpu.enqueue_indirect_dma source(%arg8 : memref<128x64xf32, #tpu.memory_space<vmem>>) target(%dma_start3A_949 : memref<2048x64xf32, #tpu.memory_space<vmem_shared>>) offsets(%dma_start3A_946 : memref<128xi32, #tpu.memory_space<vmem>>) semaphore(%arg19 : memref<!tpu.dma_semaphore, #tpu.memory_space<semaphore_mem>>) {add = true}
    %dma_wait3A_950 = arith.constant 33 : i32
    %dma_wait3A_951 = arith.constant 0 : i32
    %dma_wait3A_952 = tpu.memref_slice %arg6[%dma_wait3A_950, %dma_wait3A_951] : memref<50x128xi32, #tpu.memory_space<vmem>> -> memref<1x128xi32, #tpu.memory_space<vmem>>
    %dma_wait3A_953 = tpu.memref_squeeze %dma_wait3A_952 : memref<1x128xi32, #tpu.memory_space<vmem>> -> memref<128xi32, #tpu.memory_space<vmem>>
    %dma_wait3A_954 = arith.constant 0 : i32
    %dma_wait3A_955 = arith.constant 0 : i32
    %dma_wait3A_956 = tpu.memref_slice %arg3[%dma_wait3A_954, %dma_wait3A_955] : memref<100000x64xf32, #tpu.memory_space<hbm>> -> memref<100000x64xf32, #tpu.memory_space<hbm>>
    tpu.wait_indirect_dma semaphore(%arg16 : memref<!tpu.dma_semaphore, #tpu.memory_space<semaphore_mem>>) src(%dma_wait3A_956 : memref<100000x64xf32, #tpu.memory_space<hbm>>) dst(%arg9 : memref<128x64xf32, #tpu.memory_space<vmem>>)
    %dma_wait3A_957 = arith.constant 32 : i32
    %dma_wait3A_958 = arith.constant 0 : i32
    %dma_wait3A_959 = tpu.memref_slice %arg7[%dma_wait3A_957, %dma_wait3A_958] : memref<50x128xi32, #tpu.memory_space<vmem>> -> memref<1x128xi32, #tpu.memory_space<vmem>>
    %dma_wait3A_960 = tpu.memref_squeeze %dma_wait3A_959 : memref<1x128xi32, #tpu.memory_space<vmem>> -> memref<128xi32, #tpu.memory_space<vmem>>
    %dma_wait3A_961 = arith.constant 0 : i32
    %dma_wait3A_962 = arith.constant 0 : i32
    %dma_wait3A_963 = tpu.memref_slice %arg14[%dma_wait3A_961, %dma_wait3A_962] : memref<2048x64xf32, #tpu.memory_space<vmem_shared>> -> memref<2048x64xf32, #tpu.memory_space<vmem_shared>>
    tpu.wait_indirect_dma semaphore(%arg19 : memref<!tpu.dma_semaphore, #tpu.memory_space<semaphore_mem>>) src(%arg8 : memref<128x64xf32, #tpu.memory_space<vmem>>) dst(%dma_wait3A_963 : memref<2048x64xf32, #tpu.memory_space<vmem_shared>>)
    %dma_start3A_964 = arith.constant 36 : i32
    %dma_start3A_965 = arith.constant 0 : i32
    %dma_start3A_966 = tpu.memref_slice %arg6[%dma_start3A_964, %dma_start3A_965] : memref<50x128xi32, #tpu.memory_space<vmem>> -> memref<1x128xi32, #tpu.memory_space<vmem>>
    %dma_start3A_967 = tpu.memref_squeeze %dma_start3A_966 : memref<1x128xi32, #tpu.memory_space<vmem>> -> memref<128xi32, #tpu.memory_space<vmem>>
    %dma_start3A_968 = arith.constant 0 : i32
    %dma_start3A_969 = arith.constant 0 : i32
    %dma_start3A_970 = tpu.memref_slice %arg3[%dma_start3A_968, %dma_start3A_969] : memref<100000x64xf32, #tpu.memory_space<hbm>> -> memref<100000x64xf32, #tpu.memory_space<hbm>>
    tpu.enqueue_indirect_dma source(%dma_start3A_970 : memref<100000x64xf32, #tpu.memory_space<hbm>>) target(%arg8 : memref<128x64xf32, #tpu.memory_space<vmem>>) offsets(%dma_start3A_967 : memref<128xi32, #tpu.memory_space<vmem>>) semaphore(%arg15 : memref<!tpu.dma_semaphore, #tpu.memory_space<semaphore_mem>>)
    %dma_start3A_971 = arith.constant 33 : i32
    %dma_start3A_972 = arith.constant 0 : i32
    %dma_start3A_973 = tpu.memref_slice %arg7[%dma_start3A_971, %dma_start3A_972] : memref<50x128xi32, #tpu.memory_space<vmem>> -> memref<1x128xi32, #tpu.memory_space<vmem>>
    %dma_start3A_974 = tpu.memref_squeeze %dma_start3A_973 : memref<1x128xi32, #tpu.memory_space<vmem>> -> memref<128xi32, #tpu.memory_space<vmem>>
    %dma_start3A_975 = arith.constant 0 : i32
    %dma_start3A_976 = arith.constant 0 : i32
    %dma_start3A_977 = tpu.memref_slice %arg14[%dma_start3A_975, %dma_start3A_976] : memref<2048x64xf32, #tpu.memory_space<vmem_shared>> -> memref<2048x64xf32, #tpu.memory_space<vmem_shared>>
    tpu.enqueue_indirect_dma source(%arg9 : memref<128x64xf32, #tpu.memory_space<vmem>>) target(%dma_start3A_977 : memref<2048x64xf32, #tpu.memory_space<vmem_shared>>) offsets(%dma_start3A_974 : memref<128xi32, #tpu.memory_space<vmem>>) semaphore(%arg20 : memref<!tpu.dma_semaphore, #tpu.memory_space<semaphore_mem>>) {add = true}
    %dma_wait3A_978 = arith.constant 34 : i32
    %dma_wait3A_979 = arith.constant 0 : i32
    %dma_wait3A_980 = tpu.memref_slice %arg6[%dma_wait3A_978, %dma_wait3A_979] : memref<50x128xi32, #tpu.memory_space<vmem>> -> memref<1x128xi32, #tpu.memory_space<vmem>>
    %dma_wait3A_981 = tpu.memref_squeeze %dma_wait3A_980 : memref<1x128xi32, #tpu.memory_space<vmem>> -> memref<128xi32, #tpu.memory_space<vmem>>
    %dma_wait3A_982 = arith.constant 0 : i32
    %dma_wait3A_983 = arith.constant 0 : i32
    %dma_wait3A_984 = tpu.memref_slice %arg3[%dma_wait3A_982, %dma_wait3A_983] : memref<100000x64xf32, #tpu.memory_space<hbm>> -> memref<100000x64xf32, #tpu.memory_space<hbm>>
    tpu.wait_indirect_dma semaphore(%arg17 : memref<!tpu.dma_semaphore, #tpu.memory_space<semaphore_mem>>) src(%dma_wait3A_984 : memref<100000x64xf32, #tpu.memory_space<hbm>>) dst(%arg10 : memref<128x64xf32, #tpu.memory_space<vmem>>)
    %dma_wait3A_985 = arith.constant 33 : i32
    %dma_wait3A_986 = arith.constant 0 : i32
    %dma_wait3A_987 = tpu.memref_slice %arg7[%dma_wait3A_985, %dma_wait3A_986] : memref<50x128xi32, #tpu.memory_space<vmem>> -> memref<1x128xi32, #tpu.memory_space<vmem>>
    %dma_wait3A_988 = tpu.memref_squeeze %dma_wait3A_987 : memref<1x128xi32, #tpu.memory_space<vmem>> -> memref<128xi32, #tpu.memory_space<vmem>>
    %dma_wait3A_989 = arith.constant 0 : i32
    %dma_wait3A_990 = arith.constant 0 : i32
    %dma_wait3A_991 = tpu.memref_slice %arg14[%dma_wait3A_989, %dma_wait3A_990] : memref<2048x64xf32, #tpu.memory_space<vmem_shared>> -> memref<2048x64xf32, #tpu.memory_space<vmem_shared>>
    tpu.wait_indirect_dma semaphore(%arg20 : memref<!tpu.dma_semaphore, #tpu.memory_space<semaphore_mem>>) src(%arg9 : memref<128x64xf32, #tpu.memory_space<vmem>>) dst(%dma_wait3A_991 : memref<2048x64xf32, #tpu.memory_space<vmem_shared>>)
    %dma_start3A_992 = arith.constant 37 : i32
    %dma_start3A_993 = arith.constant 0 : i32
    %dma_start3A_994 = tpu.memref_slice %arg6[%dma_start3A_992, %dma_start3A_993] : memref<50x128xi32, #tpu.memory_space<vmem>> -> memref<1x128xi32, #tpu.memory_space<vmem>>
    %dma_start3A_995 = tpu.memref_squeeze %dma_start3A_994 : memref<1x128xi32, #tpu.memory_space<vmem>> -> memref<128xi32, #tpu.memory_space<vmem>>
    %dma_start3A_996 = arith.constant 0 : i32
    %dma_start3A_997 = arith.constant 0 : i32
    %dma_start3A_998 = tpu.memref_slice %arg3[%dma_start3A_996, %dma_start3A_997] : memref<100000x64xf32, #tpu.memory_space<hbm>> -> memref<100000x64xf32, #tpu.memory_space<hbm>>
    tpu.enqueue_indirect_dma source(%dma_start3A_998 : memref<100000x64xf32, #tpu.memory_space<hbm>>) target(%arg9 : memref<128x64xf32, #tpu.memory_space<vmem>>) offsets(%dma_start3A_995 : memref<128xi32, #tpu.memory_space<vmem>>) semaphore(%arg16 : memref<!tpu.dma_semaphore, #tpu.memory_space<semaphore_mem>>)
    %dma_start3A_999 = arith.constant 34 : i32
    %dma_start3A_1000 = arith.constant 0 : i32
    %dma_start3A_1001 = tpu.memref_slice %arg7[%dma_start3A_999, %dma_start3A_1000] : memref<50x128xi32, #tpu.memory_space<vmem>> -> memref<1x128xi32, #tpu.memory_space<vmem>>
    %dma_start3A_1002 = tpu.memref_squeeze %dma_start3A_1001 : memref<1x128xi32, #tpu.memory_space<vmem>> -> memref<128xi32, #tpu.memory_space<vmem>>
    %dma_start3A_1003 = arith.constant 0 : i32
    %dma_start3A_1004 = arith.constant 0 : i32
    %dma_start3A_1005 = tpu.memref_slice %arg14[%dma_start3A_1003, %dma_start3A_1004] : memref<2048x64xf32, #tpu.memory_space<vmem_shared>> -> memref<2048x64xf32, #tpu.memory_space<vmem_shared>>
    tpu.enqueue_indirect_dma source(%arg10 : memref<128x64xf32, #tpu.memory_space<vmem>>) target(%dma_start3A_1005 : memref<2048x64xf32, #tpu.memory_space<vmem_shared>>) offsets(%dma_start3A_1002 : memref<128xi32, #tpu.memory_space<vmem>>) semaphore(%arg21 : memref<!tpu.dma_semaphore, #tpu.memory_space<semaphore_mem>>) {add = true}
    %dma_wait3A_1006 = arith.constant 35 : i32
    %dma_wait3A_1007 = arith.constant 0 : i32
    %dma_wait3A_1008 = tpu.memref_slice %arg6[%dma_wait3A_1006, %dma_wait3A_1007] : memref<50x128xi32, #tpu.memory_space<vmem>> -> memref<1x128xi32, #tpu.memory_space<vmem>>
    %dma_wait3A_1009 = tpu.memref_squeeze %dma_wait3A_1008 : memref<1x128xi32, #tpu.memory_space<vmem>> -> memref<128xi32, #tpu.memory_space<vmem>>
    %dma_wait3A_1010 = arith.constant 0 : i32
    %dma_wait3A_1011 = arith.constant 0 : i32
    %dma_wait3A_1012 = tpu.memref_slice %arg3[%dma_wait3A_1010, %dma_wait3A_1011] : memref<100000x64xf32, #tpu.memory_space<hbm>> -> memref<100000x64xf32, #tpu.memory_space<hbm>>
    tpu.wait_indirect_dma semaphore(%arg18 : memref<!tpu.dma_semaphore, #tpu.memory_space<semaphore_mem>>) src(%dma_wait3A_1012 : memref<100000x64xf32, #tpu.memory_space<hbm>>) dst(%arg11 : memref<128x64xf32, #tpu.memory_space<vmem>>)
    %dma_wait3A_1013 = arith.constant 34 : i32
    %dma_wait3A_1014 = arith.constant 0 : i32
    %dma_wait3A_1015 = tpu.memref_slice %arg7[%dma_wait3A_1013, %dma_wait3A_1014] : memref<50x128xi32, #tpu.memory_space<vmem>> -> memref<1x128xi32, #tpu.memory_space<vmem>>
    %dma_wait3A_1016 = tpu.memref_squeeze %dma_wait3A_1015 : memref<1x128xi32, #tpu.memory_space<vmem>> -> memref<128xi32, #tpu.memory_space<vmem>>
    %dma_wait3A_1017 = arith.constant 0 : i32
    %dma_wait3A_1018 = arith.constant 0 : i32
    %dma_wait3A_1019 = tpu.memref_slice %arg14[%dma_wait3A_1017, %dma_wait3A_1018] : memref<2048x64xf32, #tpu.memory_space<vmem_shared>> -> memref<2048x64xf32, #tpu.memory_space<vmem_shared>>
    tpu.wait_indirect_dma semaphore(%arg21 : memref<!tpu.dma_semaphore, #tpu.memory_space<semaphore_mem>>) src(%arg10 : memref<128x64xf32, #tpu.memory_space<vmem>>) dst(%dma_wait3A_1019 : memref<2048x64xf32, #tpu.memory_space<vmem_shared>>)
    %dma_start3A_1020 = arith.constant 38 : i32
    %dma_start3A_1021 = arith.constant 0 : i32
    %dma_start3A_1022 = tpu.memref_slice %arg6[%dma_start3A_1020, %dma_start3A_1021] : memref<50x128xi32, #tpu.memory_space<vmem>> -> memref<1x128xi32, #tpu.memory_space<vmem>>
    %dma_start3A_1023 = tpu.memref_squeeze %dma_start3A_1022 : memref<1x128xi32, #tpu.memory_space<vmem>> -> memref<128xi32, #tpu.memory_space<vmem>>
    %dma_start3A_1024 = arith.constant 0 : i32
    %dma_start3A_1025 = arith.constant 0 : i32
    %dma_start3A_1026 = tpu.memref_slice %arg3[%dma_start3A_1024, %dma_start3A_1025] : memref<100000x64xf32, #tpu.memory_space<hbm>> -> memref<100000x64xf32, #tpu.memory_space<hbm>>
    tpu.enqueue_indirect_dma source(%dma_start3A_1026 : memref<100000x64xf32, #tpu.memory_space<hbm>>) target(%arg10 : memref<128x64xf32, #tpu.memory_space<vmem>>) offsets(%dma_start3A_1023 : memref<128xi32, #tpu.memory_space<vmem>>) semaphore(%arg17 : memref<!tpu.dma_semaphore, #tpu.memory_space<semaphore_mem>>)
    %dma_start3A_1027 = arith.constant 35 : i32
    %dma_start3A_1028 = arith.constant 0 : i32
    %dma_start3A_1029 = tpu.memref_slice %arg7[%dma_start3A_1027, %dma_start3A_1028] : memref<50x128xi32, #tpu.memory_space<vmem>> -> memref<1x128xi32, #tpu.memory_space<vmem>>
    %dma_start3A_1030 = tpu.memref_squeeze %dma_start3A_1029 : memref<1x128xi32, #tpu.memory_space<vmem>> -> memref<128xi32, #tpu.memory_space<vmem>>
    %dma_start3A_1031 = arith.constant 0 : i32
    %dma_start3A_1032 = arith.constant 0 : i32
    %dma_start3A_1033 = tpu.memref_slice %arg14[%dma_start3A_1031, %dma_start3A_1032] : memref<2048x64xf32, #tpu.memory_space<vmem_shared>> -> memref<2048x64xf32, #tpu.memory_space<vmem_shared>>
    tpu.enqueue_indirect_dma source(%arg11 : memref<128x64xf32, #tpu.memory_space<vmem>>) target(%dma_start3A_1033 : memref<2048x64xf32, #tpu.memory_space<vmem_shared>>) offsets(%dma_start3A_1030 : memref<128xi32, #tpu.memory_space<vmem>>) semaphore(%arg22 : memref<!tpu.dma_semaphore, #tpu.memory_space<semaphore_mem>>) {add = true}
    %dma_wait3A_1034 = arith.constant 36 : i32
    %dma_wait3A_1035 = arith.constant 0 : i32
    %dma_wait3A_1036 = tpu.memref_slice %arg6[%dma_wait3A_1034, %dma_wait3A_1035] : memref<50x128xi32, #tpu.memory_space<vmem>> -> memref<1x128xi32, #tpu.memory_space<vmem>>
    %dma_wait3A_1037 = tpu.memref_squeeze %dma_wait3A_1036 : memref<1x128xi32, #tpu.memory_space<vmem>> -> memref<128xi32, #tpu.memory_space<vmem>>
    %dma_wait3A_1038 = arith.constant 0 : i32
    %dma_wait3A_1039 = arith.constant 0 : i32
    %dma_wait3A_1040 = tpu.memref_slice %arg3[%dma_wait3A_1038, %dma_wait3A_1039] : memref<100000x64xf32, #tpu.memory_space<hbm>> -> memref<100000x64xf32, #tpu.memory_space<hbm>>
    tpu.wait_indirect_dma semaphore(%arg15 : memref<!tpu.dma_semaphore, #tpu.memory_space<semaphore_mem>>) src(%dma_wait3A_1040 : memref<100000x64xf32, #tpu.memory_space<hbm>>) dst(%arg8 : memref<128x64xf32, #tpu.memory_space<vmem>>)
    %dma_wait3A_1041 = arith.constant 35 : i32
    %dma_wait3A_1042 = arith.constant 0 : i32
    %dma_wait3A_1043 = tpu.memref_slice %arg7[%dma_wait3A_1041, %dma_wait3A_1042] : memref<50x128xi32, #tpu.memory_space<vmem>> -> memref<1x128xi32, #tpu.memory_space<vmem>>
    %dma_wait3A_1044 = tpu.memref_squeeze %dma_wait3A_1043 : memref<1x128xi32, #tpu.memory_space<vmem>> -> memref<128xi32, #tpu.memory_space<vmem>>
    %dma_wait3A_1045 = arith.constant 0 : i32
    %dma_wait3A_1046 = arith.constant 0 : i32
    %dma_wait3A_1047 = tpu.memref_slice %arg14[%dma_wait3A_1045, %dma_wait3A_1046] : memref<2048x64xf32, #tpu.memory_space<vmem_shared>> -> memref<2048x64xf32, #tpu.memory_space<vmem_shared>>
    tpu.wait_indirect_dma semaphore(%arg22 : memref<!tpu.dma_semaphore, #tpu.memory_space<semaphore_mem>>) src(%arg11 : memref<128x64xf32, #tpu.memory_space<vmem>>) dst(%dma_wait3A_1047 : memref<2048x64xf32, #tpu.memory_space<vmem_shared>>)
    %dma_start3A_1048 = arith.constant 39 : i32
    %dma_start3A_1049 = arith.constant 0 : i32
    %dma_start3A_1050 = tpu.memref_slice %arg6[%dma_start3A_1048, %dma_start3A_1049] : memref<50x128xi32, #tpu.memory_space<vmem>> -> memref<1x128xi32, #tpu.memory_space<vmem>>
    %dma_start3A_1051 = tpu.memref_squeeze %dma_start3A_1050 : memref<1x128xi32, #tpu.memory_space<vmem>> -> memref<128xi32, #tpu.memory_space<vmem>>
    %dma_start3A_1052 = arith.constant 0 : i32
    %dma_start3A_1053 = arith.constant 0 : i32
    %dma_start3A_1054 = tpu.memref_slice %arg3[%dma_start3A_1052, %dma_start3A_1053] : memref<100000x64xf32, #tpu.memory_space<hbm>> -> memref<100000x64xf32, #tpu.memory_space<hbm>>
    tpu.enqueue_indirect_dma source(%dma_start3A_1054 : memref<100000x64xf32, #tpu.memory_space<hbm>>) target(%arg11 : memref<128x64xf32, #tpu.memory_space<vmem>>) offsets(%dma_start3A_1051 : memref<128xi32, #tpu.memory_space<vmem>>) semaphore(%arg18 : memref<!tpu.dma_semaphore, #tpu.memory_space<semaphore_mem>>)
    %dma_start3A_1055 = arith.constant 36 : i32
    %dma_start3A_1056 = arith.constant 0 : i32
    %dma_start3A_1057 = tpu.memref_slice %arg7[%dma_start3A_1055, %dma_start3A_1056] : memref<50x128xi32, #tpu.memory_space<vmem>> -> memref<1x128xi32, #tpu.memory_space<vmem>>
    %dma_start3A_1058 = tpu.memref_squeeze %dma_start3A_1057 : memref<1x128xi32, #tpu.memory_space<vmem>> -> memref<128xi32, #tpu.memory_space<vmem>>
    %dma_start3A_1059 = arith.constant 0 : i32
    %dma_start3A_1060 = arith.constant 0 : i32
    %dma_start3A_1061 = tpu.memref_slice %arg14[%dma_start3A_1059, %dma_start3A_1060] : memref<2048x64xf32, #tpu.memory_space<vmem_shared>> -> memref<2048x64xf32, #tpu.memory_space<vmem_shared>>
    tpu.enqueue_indirect_dma source(%arg8 : memref<128x64xf32, #tpu.memory_space<vmem>>) target(%dma_start3A_1061 : memref<2048x64xf32, #tpu.memory_space<vmem_shared>>) offsets(%dma_start3A_1058 : memref<128xi32, #tpu.memory_space<vmem>>) semaphore(%arg19 : memref<!tpu.dma_semaphore, #tpu.memory_space<semaphore_mem>>) {add = true}
    %dma_wait3A_1062 = arith.constant 37 : i32
    %dma_wait3A_1063 = arith.constant 0 : i32
    %dma_wait3A_1064 = tpu.memref_slice %arg6[%dma_wait3A_1062, %dma_wait3A_1063] : memref<50x128xi32, #tpu.memory_space<vmem>> -> memref<1x128xi32, #tpu.memory_space<vmem>>
    %dma_wait3A_1065 = tpu.memref_squeeze %dma_wait3A_1064 : memref<1x128xi32, #tpu.memory_space<vmem>> -> memref<128xi32, #tpu.memory_space<vmem>>
    %dma_wait3A_1066 = arith.constant 0 : i32
    %dma_wait3A_1067 = arith.constant 0 : i32
    %dma_wait3A_1068 = tpu.memref_slice %arg3[%dma_wait3A_1066, %dma_wait3A_1067] : memref<100000x64xf32, #tpu.memory_space<hbm>> -> memref<100000x64xf32, #tpu.memory_space<hbm>>
    tpu.wait_indirect_dma semaphore(%arg16 : memref<!tpu.dma_semaphore, #tpu.memory_space<semaphore_mem>>) src(%dma_wait3A_1068 : memref<100000x64xf32, #tpu.memory_space<hbm>>) dst(%arg9 : memref<128x64xf32, #tpu.memory_space<vmem>>)
    %dma_wait3A_1069 = arith.constant 36 : i32
    %dma_wait3A_1070 = arith.constant 0 : i32
    %dma_wait3A_1071 = tpu.memref_slice %arg7[%dma_wait3A_1069, %dma_wait3A_1070] : memref<50x128xi32, #tpu.memory_space<vmem>> -> memref<1x128xi32, #tpu.memory_space<vmem>>
    %dma_wait3A_1072 = tpu.memref_squeeze %dma_wait3A_1071 : memref<1x128xi32, #tpu.memory_space<vmem>> -> memref<128xi32, #tpu.memory_space<vmem>>
    %dma_wait3A_1073 = arith.constant 0 : i32
    %dma_wait3A_1074 = arith.constant 0 : i32
    %dma_wait3A_1075 = tpu.memref_slice %arg14[%dma_wait3A_1073, %dma_wait3A_1074] : memref<2048x64xf32, #tpu.memory_space<vmem_shared>> -> memref<2048x64xf32, #tpu.memory_space<vmem_shared>>
    tpu.wait_indirect_dma semaphore(%arg19 : memref<!tpu.dma_semaphore, #tpu.memory_space<semaphore_mem>>) src(%arg8 : memref<128x64xf32, #tpu.memory_space<vmem>>) dst(%dma_wait3A_1075 : memref<2048x64xf32, #tpu.memory_space<vmem_shared>>)
    %dma_start3A_1076 = arith.constant 40 : i32
    %dma_start3A_1077 = arith.constant 0 : i32
    %dma_start3A_1078 = tpu.memref_slice %arg6[%dma_start3A_1076, %dma_start3A_1077] : memref<50x128xi32, #tpu.memory_space<vmem>> -> memref<1x128xi32, #tpu.memory_space<vmem>>
    %dma_start3A_1079 = tpu.memref_squeeze %dma_start3A_1078 : memref<1x128xi32, #tpu.memory_space<vmem>> -> memref<128xi32, #tpu.memory_space<vmem>>
    %dma_start3A_1080 = arith.constant 0 : i32
    %dma_start3A_1081 = arith.constant 0 : i32
    %dma_start3A_1082 = tpu.memref_slice %arg3[%dma_start3A_1080, %dma_start3A_1081] : memref<100000x64xf32, #tpu.memory_space<hbm>> -> memref<100000x64xf32, #tpu.memory_space<hbm>>
    tpu.enqueue_indirect_dma source(%dma_start3A_1082 : memref<100000x64xf32, #tpu.memory_space<hbm>>) target(%arg8 : memref<128x64xf32, #tpu.memory_space<vmem>>) offsets(%dma_start3A_1079 : memref<128xi32, #tpu.memory_space<vmem>>) semaphore(%arg15 : memref<!tpu.dma_semaphore, #tpu.memory_space<semaphore_mem>>)
    %dma_start3A_1083 = arith.constant 37 : i32
    %dma_start3A_1084 = arith.constant 0 : i32
    %dma_start3A_1085 = tpu.memref_slice %arg7[%dma_start3A_1083, %dma_start3A_1084] : memref<50x128xi32, #tpu.memory_space<vmem>> -> memref<1x128xi32, #tpu.memory_space<vmem>>
    %dma_start3A_1086 = tpu.memref_squeeze %dma_start3A_1085 : memref<1x128xi32, #tpu.memory_space<vmem>> -> memref<128xi32, #tpu.memory_space<vmem>>
    %dma_start3A_1087 = arith.constant 0 : i32
    %dma_start3A_1088 = arith.constant 0 : i32
    %dma_start3A_1089 = tpu.memref_slice %arg14[%dma_start3A_1087, %dma_start3A_1088] : memref<2048x64xf32, #tpu.memory_space<vmem_shared>> -> memref<2048x64xf32, #tpu.memory_space<vmem_shared>>
    tpu.enqueue_indirect_dma source(%arg9 : memref<128x64xf32, #tpu.memory_space<vmem>>) target(%dma_start3A_1089 : memref<2048x64xf32, #tpu.memory_space<vmem_shared>>) offsets(%dma_start3A_1086 : memref<128xi32, #tpu.memory_space<vmem>>) semaphore(%arg20 : memref<!tpu.dma_semaphore, #tpu.memory_space<semaphore_mem>>) {add = true}
    %dma_wait3A_1090 = arith.constant 38 : i32
    %dma_wait3A_1091 = arith.constant 0 : i32
    %dma_wait3A_1092 = tpu.memref_slice %arg6[%dma_wait3A_1090, %dma_wait3A_1091] : memref<50x128xi32, #tpu.memory_space<vmem>> -> memref<1x128xi32, #tpu.memory_space<vmem>>
    %dma_wait3A_1093 = tpu.memref_squeeze %dma_wait3A_1092 : memref<1x128xi32, #tpu.memory_space<vmem>> -> memref<128xi32, #tpu.memory_space<vmem>>
    %dma_wait3A_1094 = arith.constant 0 : i32
    %dma_wait3A_1095 = arith.constant 0 : i32
    %dma_wait3A_1096 = tpu.memref_slice %arg3[%dma_wait3A_1094, %dma_wait3A_1095] : memref<100000x64xf32, #tpu.memory_space<hbm>> -> memref<100000x64xf32, #tpu.memory_space<hbm>>
    tpu.wait_indirect_dma semaphore(%arg17 : memref<!tpu.dma_semaphore, #tpu.memory_space<semaphore_mem>>) src(%dma_wait3A_1096 : memref<100000x64xf32, #tpu.memory_space<hbm>>) dst(%arg10 : memref<128x64xf32, #tpu.memory_space<vmem>>)
    %dma_wait3A_1097 = arith.constant 37 : i32
    %dma_wait3A_1098 = arith.constant 0 : i32
    %dma_wait3A_1099 = tpu.memref_slice %arg7[%dma_wait3A_1097, %dma_wait3A_1098] : memref<50x128xi32, #tpu.memory_space<vmem>> -> memref<1x128xi32, #tpu.memory_space<vmem>>
    %dma_wait3A_1100 = tpu.memref_squeeze %dma_wait3A_1099 : memref<1x128xi32, #tpu.memory_space<vmem>> -> memref<128xi32, #tpu.memory_space<vmem>>
    %dma_wait3A_1101 = arith.constant 0 : i32
    %dma_wait3A_1102 = arith.constant 0 : i32
    %dma_wait3A_1103 = tpu.memref_slice %arg14[%dma_wait3A_1101, %dma_wait3A_1102] : memref<2048x64xf32, #tpu.memory_space<vmem_shared>> -> memref<2048x64xf32, #tpu.memory_space<vmem_shared>>
    tpu.wait_indirect_dma semaphore(%arg20 : memref<!tpu.dma_semaphore, #tpu.memory_space<semaphore_mem>>) src(%arg9 : memref<128x64xf32, #tpu.memory_space<vmem>>) dst(%dma_wait3A_1103 : memref<2048x64xf32, #tpu.memory_space<vmem_shared>>)
    %dma_start3A_1104 = arith.constant 41 : i32
    %dma_start3A_1105 = arith.constant 0 : i32
    %dma_start3A_1106 = tpu.memref_slice %arg6[%dma_start3A_1104, %dma_start3A_1105] : memref<50x128xi32, #tpu.memory_space<vmem>> -> memref<1x128xi32, #tpu.memory_space<vmem>>
    %dma_start3A_1107 = tpu.memref_squeeze %dma_start3A_1106 : memref<1x128xi32, #tpu.memory_space<vmem>> -> memref<128xi32, #tpu.memory_space<vmem>>
    %dma_start3A_1108 = arith.constant 0 : i32
    %dma_start3A_1109 = arith.constant 0 : i32
    %dma_start3A_1110 = tpu.memref_slice %arg3[%dma_start3A_1108, %dma_start3A_1109] : memref<100000x64xf32, #tpu.memory_space<hbm>> -> memref<100000x64xf32, #tpu.memory_space<hbm>>
    tpu.enqueue_indirect_dma source(%dma_start3A_1110 : memref<100000x64xf32, #tpu.memory_space<hbm>>) target(%arg9 : memref<128x64xf32, #tpu.memory_space<vmem>>) offsets(%dma_start3A_1107 : memref<128xi32, #tpu.memory_space<vmem>>) semaphore(%arg16 : memref<!tpu.dma_semaphore, #tpu.memory_space<semaphore_mem>>)
    %dma_start3A_1111 = arith.constant 38 : i32
    %dma_start3A_1112 = arith.constant 0 : i32
    %dma_start3A_1113 = tpu.memref_slice %arg7[%dma_start3A_1111, %dma_start3A_1112] : memref<50x128xi32, #tpu.memory_space<vmem>> -> memref<1x128xi32, #tpu.memory_space<vmem>>
    %dma_start3A_1114 = tpu.memref_squeeze %dma_start3A_1113 : memref<1x128xi32, #tpu.memory_space<vmem>> -> memref<128xi32, #tpu.memory_space<vmem>>
    %dma_start3A_1115 = arith.constant 0 : i32
    %dma_start3A_1116 = arith.constant 0 : i32
    %dma_start3A_1117 = tpu.memref_slice %arg14[%dma_start3A_1115, %dma_start3A_1116] : memref<2048x64xf32, #tpu.memory_space<vmem_shared>> -> memref<2048x64xf32, #tpu.memory_space<vmem_shared>>
    tpu.enqueue_indirect_dma source(%arg10 : memref<128x64xf32, #tpu.memory_space<vmem>>) target(%dma_start3A_1117 : memref<2048x64xf32, #tpu.memory_space<vmem_shared>>) offsets(%dma_start3A_1114 : memref<128xi32, #tpu.memory_space<vmem>>) semaphore(%arg21 : memref<!tpu.dma_semaphore, #tpu.memory_space<semaphore_mem>>) {add = true}
    %dma_wait3A_1118 = arith.constant 39 : i32
    %dma_wait3A_1119 = arith.constant 0 : i32
    %dma_wait3A_1120 = tpu.memref_slice %arg6[%dma_wait3A_1118, %dma_wait3A_1119] : memref<50x128xi32, #tpu.memory_space<vmem>> -> memref<1x128xi32, #tpu.memory_space<vmem>>
    %dma_wait3A_1121 = tpu.memref_squeeze %dma_wait3A_1120 : memref<1x128xi32, #tpu.memory_space<vmem>> -> memref<128xi32, #tpu.memory_space<vmem>>
    %dma_wait3A_1122 = arith.constant 0 : i32
    %dma_wait3A_1123 = arith.constant 0 : i32
    %dma_wait3A_1124 = tpu.memref_slice %arg3[%dma_wait3A_1122, %dma_wait3A_1123] : memref<100000x64xf32, #tpu.memory_space<hbm>> -> memref<100000x64xf32, #tpu.memory_space<hbm>>
    tpu.wait_indirect_dma semaphore(%arg18 : memref<!tpu.dma_semaphore, #tpu.memory_space<semaphore_mem>>) src(%dma_wait3A_1124 : memref<100000x64xf32, #tpu.memory_space<hbm>>) dst(%arg11 : memref<128x64xf32, #tpu.memory_space<vmem>>)
    %dma_wait3A_1125 = arith.constant 38 : i32
    %dma_wait3A_1126 = arith.constant 0 : i32
    %dma_wait3A_1127 = tpu.memref_slice %arg7[%dma_wait3A_1125, %dma_wait3A_1126] : memref<50x128xi32, #tpu.memory_space<vmem>> -> memref<1x128xi32, #tpu.memory_space<vmem>>
    %dma_wait3A_1128 = tpu.memref_squeeze %dma_wait3A_1127 : memref<1x128xi32, #tpu.memory_space<vmem>> -> memref<128xi32, #tpu.memory_space<vmem>>
    %dma_wait3A_1129 = arith.constant 0 : i32
    %dma_wait3A_1130 = arith.constant 0 : i32
    %dma_wait3A_1131 = tpu.memref_slice %arg14[%dma_wait3A_1129, %dma_wait3A_1130] : memref<2048x64xf32, #tpu.memory_space<vmem_shared>> -> memref<2048x64xf32, #tpu.memory_space<vmem_shared>>
    tpu.wait_indirect_dma semaphore(%arg21 : memref<!tpu.dma_semaphore, #tpu.memory_space<semaphore_mem>>) src(%arg10 : memref<128x64xf32, #tpu.memory_space<vmem>>) dst(%dma_wait3A_1131 : memref<2048x64xf32, #tpu.memory_space<vmem_shared>>)
    %dma_start3A_1132 = arith.constant 42 : i32
    %dma_start3A_1133 = arith.constant 0 : i32
    %dma_start3A_1134 = tpu.memref_slice %arg6[%dma_start3A_1132, %dma_start3A_1133] : memref<50x128xi32, #tpu.memory_space<vmem>> -> memref<1x128xi32, #tpu.memory_space<vmem>>
    %dma_start3A_1135 = tpu.memref_squeeze %dma_start3A_1134 : memref<1x128xi32, #tpu.memory_space<vmem>> -> memref<128xi32, #tpu.memory_space<vmem>>
    %dma_start3A_1136 = arith.constant 0 : i32
    %dma_start3A_1137 = arith.constant 0 : i32
    %dma_start3A_1138 = tpu.memref_slice %arg3[%dma_start3A_1136, %dma_start3A_1137] : memref<100000x64xf32, #tpu.memory_space<hbm>> -> memref<100000x64xf32, #tpu.memory_space<hbm>>
    tpu.enqueue_indirect_dma source(%dma_start3A_1138 : memref<100000x64xf32, #tpu.memory_space<hbm>>) target(%arg10 : memref<128x64xf32, #tpu.memory_space<vmem>>) offsets(%dma_start3A_1135 : memref<128xi32, #tpu.memory_space<vmem>>) semaphore(%arg17 : memref<!tpu.dma_semaphore, #tpu.memory_space<semaphore_mem>>)
    %dma_start3A_1139 = arith.constant 39 : i32
    %dma_start3A_1140 = arith.constant 0 : i32
    %dma_start3A_1141 = tpu.memref_slice %arg7[%dma_start3A_1139, %dma_start3A_1140] : memref<50x128xi32, #tpu.memory_space<vmem>> -> memref<1x128xi32, #tpu.memory_space<vmem>>
    %dma_start3A_1142 = tpu.memref_squeeze %dma_start3A_1141 : memref<1x128xi32, #tpu.memory_space<vmem>> -> memref<128xi32, #tpu.memory_space<vmem>>
    %dma_start3A_1143 = arith.constant 0 : i32
    %dma_start3A_1144 = arith.constant 0 : i32
    %dma_start3A_1145 = tpu.memref_slice %arg14[%dma_start3A_1143, %dma_start3A_1144] : memref<2048x64xf32, #tpu.memory_space<vmem_shared>> -> memref<2048x64xf32, #tpu.memory_space<vmem_shared>>
    tpu.enqueue_indirect_dma source(%arg11 : memref<128x64xf32, #tpu.memory_space<vmem>>) target(%dma_start3A_1145 : memref<2048x64xf32, #tpu.memory_space<vmem_shared>>) offsets(%dma_start3A_1142 : memref<128xi32, #tpu.memory_space<vmem>>) semaphore(%arg22 : memref<!tpu.dma_semaphore, #tpu.memory_space<semaphore_mem>>) {add = true}
    %dma_wait3A_1146 = arith.constant 40 : i32
    %dma_wait3A_1147 = arith.constant 0 : i32
    %dma_wait3A_1148 = tpu.memref_slice %arg6[%dma_wait3A_1146, %dma_wait3A_1147] : memref<50x128xi32, #tpu.memory_space<vmem>> -> memref<1x128xi32, #tpu.memory_space<vmem>>
    %dma_wait3A_1149 = tpu.memref_squeeze %dma_wait3A_1148 : memref<1x128xi32, #tpu.memory_space<vmem>> -> memref<128xi32, #tpu.memory_space<vmem>>
    %dma_wait3A_1150 = arith.constant 0 : i32
    %dma_wait3A_1151 = arith.constant 0 : i32
    %dma_wait3A_1152 = tpu.memref_slice %arg3[%dma_wait3A_1150, %dma_wait3A_1151] : memref<100000x64xf32, #tpu.memory_space<hbm>> -> memref<100000x64xf32, #tpu.memory_space<hbm>>
    tpu.wait_indirect_dma semaphore(%arg15 : memref<!tpu.dma_semaphore, #tpu.memory_space<semaphore_mem>>) src(%dma_wait3A_1152 : memref<100000x64xf32, #tpu.memory_space<hbm>>) dst(%arg8 : memref<128x64xf32, #tpu.memory_space<vmem>>)
    %dma_wait3A_1153 = arith.constant 39 : i32
    %dma_wait3A_1154 = arith.constant 0 : i32
    %dma_wait3A_1155 = tpu.memref_slice %arg7[%dma_wait3A_1153, %dma_wait3A_1154] : memref<50x128xi32, #tpu.memory_space<vmem>> -> memref<1x128xi32, #tpu.memory_space<vmem>>
    %dma_wait3A_1156 = tpu.memref_squeeze %dma_wait3A_1155 : memref<1x128xi32, #tpu.memory_space<vmem>> -> memref<128xi32, #tpu.memory_space<vmem>>
    %dma_wait3A_1157 = arith.constant 0 : i32
    %dma_wait3A_1158 = arith.constant 0 : i32
    %dma_wait3A_1159 = tpu.memref_slice %arg14[%dma_wait3A_1157, %dma_wait3A_1158] : memref<2048x64xf32, #tpu.memory_space<vmem_shared>> -> memref<2048x64xf32, #tpu.memory_space<vmem_shared>>
    tpu.wait_indirect_dma semaphore(%arg22 : memref<!tpu.dma_semaphore, #tpu.memory_space<semaphore_mem>>) src(%arg11 : memref<128x64xf32, #tpu.memory_space<vmem>>) dst(%dma_wait3A_1159 : memref<2048x64xf32, #tpu.memory_space<vmem_shared>>)
    %dma_start3A_1160 = arith.constant 43 : i32
    %dma_start3A_1161 = arith.constant 0 : i32
    %dma_start3A_1162 = tpu.memref_slice %arg6[%dma_start3A_1160, %dma_start3A_1161] : memref<50x128xi32, #tpu.memory_space<vmem>> -> memref<1x128xi32, #tpu.memory_space<vmem>>
    %dma_start3A_1163 = tpu.memref_squeeze %dma_start3A_1162 : memref<1x128xi32, #tpu.memory_space<vmem>> -> memref<128xi32, #tpu.memory_space<vmem>>
    %dma_start3A_1164 = arith.constant 0 : i32
    %dma_start3A_1165 = arith.constant 0 : i32
    %dma_start3A_1166 = tpu.memref_slice %arg3[%dma_start3A_1164, %dma_start3A_1165] : memref<100000x64xf32, #tpu.memory_space<hbm>> -> memref<100000x64xf32, #tpu.memory_space<hbm>>
    tpu.enqueue_indirect_dma source(%dma_start3A_1166 : memref<100000x64xf32, #tpu.memory_space<hbm>>) target(%arg11 : memref<128x64xf32, #tpu.memory_space<vmem>>) offsets(%dma_start3A_1163 : memref<128xi32, #tpu.memory_space<vmem>>) semaphore(%arg18 : memref<!tpu.dma_semaphore, #tpu.memory_space<semaphore_mem>>)
    %dma_start3A_1167 = arith.constant 40 : i32
    %dma_start3A_1168 = arith.constant 0 : i32
    %dma_start3A_1169 = tpu.memref_slice %arg7[%dma_start3A_1167, %dma_start3A_1168] : memref<50x128xi32, #tpu.memory_space<vmem>> -> memref<1x128xi32, #tpu.memory_space<vmem>>
    %dma_start3A_1170 = tpu.memref_squeeze %dma_start3A_1169 : memref<1x128xi32, #tpu.memory_space<vmem>> -> memref<128xi32, #tpu.memory_space<vmem>>
    %dma_start3A_1171 = arith.constant 0 : i32
    %dma_start3A_1172 = arith.constant 0 : i32
    %dma_start3A_1173 = tpu.memref_slice %arg14[%dma_start3A_1171, %dma_start3A_1172] : memref<2048x64xf32, #tpu.memory_space<vmem_shared>> -> memref<2048x64xf32, #tpu.memory_space<vmem_shared>>
    tpu.enqueue_indirect_dma source(%arg8 : memref<128x64xf32, #tpu.memory_space<vmem>>) target(%dma_start3A_1173 : memref<2048x64xf32, #tpu.memory_space<vmem_shared>>) offsets(%dma_start3A_1170 : memref<128xi32, #tpu.memory_space<vmem>>) semaphore(%arg19 : memref<!tpu.dma_semaphore, #tpu.memory_space<semaphore_mem>>) {add = true}
    %dma_wait3A_1174 = arith.constant 41 : i32
    %dma_wait3A_1175 = arith.constant 0 : i32
    %dma_wait3A_1176 = tpu.memref_slice %arg6[%dma_wait3A_1174, %dma_wait3A_1175] : memref<50x128xi32, #tpu.memory_space<vmem>> -> memref<1x128xi32, #tpu.memory_space<vmem>>
    %dma_wait3A_1177 = tpu.memref_squeeze %dma_wait3A_1176 : memref<1x128xi32, #tpu.memory_space<vmem>> -> memref<128xi32, #tpu.memory_space<vmem>>
    %dma_wait3A_1178 = arith.constant 0 : i32
    %dma_wait3A_1179 = arith.constant 0 : i32
    %dma_wait3A_1180 = tpu.memref_slice %arg3[%dma_wait3A_1178, %dma_wait3A_1179] : memref<100000x64xf32, #tpu.memory_space<hbm>> -> memref<100000x64xf32, #tpu.memory_space<hbm>>
    tpu.wait_indirect_dma semaphore(%arg16 : memref<!tpu.dma_semaphore, #tpu.memory_space<semaphore_mem>>) src(%dma_wait3A_1180 : memref<100000x64xf32, #tpu.memory_space<hbm>>) dst(%arg9 : memref<128x64xf32, #tpu.memory_space<vmem>>)
    %dma_wait3A_1181 = arith.constant 40 : i32
    %dma_wait3A_1182 = arith.constant 0 : i32
    %dma_wait3A_1183 = tpu.memref_slice %arg7[%dma_wait3A_1181, %dma_wait3A_1182] : memref<50x128xi32, #tpu.memory_space<vmem>> -> memref<1x128xi32, #tpu.memory_space<vmem>>
    %dma_wait3A_1184 = tpu.memref_squeeze %dma_wait3A_1183 : memref<1x128xi32, #tpu.memory_space<vmem>> -> memref<128xi32, #tpu.memory_space<vmem>>
    %dma_wait3A_1185 = arith.constant 0 : i32
    %dma_wait3A_1186 = arith.constant 0 : i32
    %dma_wait3A_1187 = tpu.memref_slice %arg14[%dma_wait3A_1185, %dma_wait3A_1186] : memref<2048x64xf32, #tpu.memory_space<vmem_shared>> -> memref<2048x64xf32, #tpu.memory_space<vmem_shared>>
    tpu.wait_indirect_dma semaphore(%arg19 : memref<!tpu.dma_semaphore, #tpu.memory_space<semaphore_mem>>) src(%arg8 : memref<128x64xf32, #tpu.memory_space<vmem>>) dst(%dma_wait3A_1187 : memref<2048x64xf32, #tpu.memory_space<vmem_shared>>)
    %dma_start3A_1188 = arith.constant 44 : i32
    %dma_start3A_1189 = arith.constant 0 : i32
    %dma_start3A_1190 = tpu.memref_slice %arg6[%dma_start3A_1188, %dma_start3A_1189] : memref<50x128xi32, #tpu.memory_space<vmem>> -> memref<1x128xi32, #tpu.memory_space<vmem>>
    %dma_start3A_1191 = tpu.memref_squeeze %dma_start3A_1190 : memref<1x128xi32, #tpu.memory_space<vmem>> -> memref<128xi32, #tpu.memory_space<vmem>>
    %dma_start3A_1192 = arith.constant 0 : i32
    %dma_start3A_1193 = arith.constant 0 : i32
    %dma_start3A_1194 = tpu.memref_slice %arg3[%dma_start3A_1192, %dma_start3A_1193] : memref<100000x64xf32, #tpu.memory_space<hbm>> -> memref<100000x64xf32, #tpu.memory_space<hbm>>
    tpu.enqueue_indirect_dma source(%dma_start3A_1194 : memref<100000x64xf32, #tpu.memory_space<hbm>>) target(%arg8 : memref<128x64xf32, #tpu.memory_space<vmem>>) offsets(%dma_start3A_1191 : memref<128xi32, #tpu.memory_space<vmem>>) semaphore(%arg15 : memref<!tpu.dma_semaphore, #tpu.memory_space<semaphore_mem>>)
    %dma_start3A_1195 = arith.constant 41 : i32
    %dma_start3A_1196 = arith.constant 0 : i32
    %dma_start3A_1197 = tpu.memref_slice %arg7[%dma_start3A_1195, %dma_start3A_1196] : memref<50x128xi32, #tpu.memory_space<vmem>> -> memref<1x128xi32, #tpu.memory_space<vmem>>
    %dma_start3A_1198 = tpu.memref_squeeze %dma_start3A_1197 : memref<1x128xi32, #tpu.memory_space<vmem>> -> memref<128xi32, #tpu.memory_space<vmem>>
    %dma_start3A_1199 = arith.constant 0 : i32
    %dma_start3A_1200 = arith.constant 0 : i32
    %dma_start3A_1201 = tpu.memref_slice %arg14[%dma_start3A_1199, %dma_start3A_1200] : memref<2048x64xf32, #tpu.memory_space<vmem_shared>> -> memref<2048x64xf32, #tpu.memory_space<vmem_shared>>
    tpu.enqueue_indirect_dma source(%arg9 : memref<128x64xf32, #tpu.memory_space<vmem>>) target(%dma_start3A_1201 : memref<2048x64xf32, #tpu.memory_space<vmem_shared>>) offsets(%dma_start3A_1198 : memref<128xi32, #tpu.memory_space<vmem>>) semaphore(%arg20 : memref<!tpu.dma_semaphore, #tpu.memory_space<semaphore_mem>>) {add = true}
    %dma_wait3A_1202 = arith.constant 42 : i32
    %dma_wait3A_1203 = arith.constant 0 : i32
    %dma_wait3A_1204 = tpu.memref_slice %arg6[%dma_wait3A_1202, %dma_wait3A_1203] : memref<50x128xi32, #tpu.memory_space<vmem>> -> memref<1x128xi32, #tpu.memory_space<vmem>>
    %dma_wait3A_1205 = tpu.memref_squeeze %dma_wait3A_1204 : memref<1x128xi32, #tpu.memory_space<vmem>> -> memref<128xi32, #tpu.memory_space<vmem>>
    %dma_wait3A_1206 = arith.constant 0 : i32
    %dma_wait3A_1207 = arith.constant 0 : i32
    %dma_wait3A_1208 = tpu.memref_slice %arg3[%dma_wait3A_1206, %dma_wait3A_1207] : memref<100000x64xf32, #tpu.memory_space<hbm>> -> memref<100000x64xf32, #tpu.memory_space<hbm>>
    tpu.wait_indirect_dma semaphore(%arg17 : memref<!tpu.dma_semaphore, #tpu.memory_space<semaphore_mem>>) src(%dma_wait3A_1208 : memref<100000x64xf32, #tpu.memory_space<hbm>>) dst(%arg10 : memref<128x64xf32, #tpu.memory_space<vmem>>)
    %dma_wait3A_1209 = arith.constant 41 : i32
    %dma_wait3A_1210 = arith.constant 0 : i32
    %dma_wait3A_1211 = tpu.memref_slice %arg7[%dma_wait3A_1209, %dma_wait3A_1210] : memref<50x128xi32, #tpu.memory_space<vmem>> -> memref<1x128xi32, #tpu.memory_space<vmem>>
    %dma_wait3A_1212 = tpu.memref_squeeze %dma_wait3A_1211 : memref<1x128xi32, #tpu.memory_space<vmem>> -> memref<128xi32, #tpu.memory_space<vmem>>
    %dma_wait3A_1213 = arith.constant 0 : i32
    %dma_wait3A_1214 = arith.constant 0 : i32
    %dma_wait3A_1215 = tpu.memref_slice %arg14[%dma_wait3A_1213, %dma_wait3A_1214] : memref<2048x64xf32, #tpu.memory_space<vmem_shared>> -> memref<2048x64xf32, #tpu.memory_space<vmem_shared>>
    tpu.wait_indirect_dma semaphore(%arg20 : memref<!tpu.dma_semaphore, #tpu.memory_space<semaphore_mem>>) src(%arg9 : memref<128x64xf32, #tpu.memory_space<vmem>>) dst(%dma_wait3A_1215 : memref<2048x64xf32, #tpu.memory_space<vmem_shared>>)
    %dma_start3A_1216 = arith.constant 45 : i32
    %dma_start3A_1217 = arith.constant 0 : i32
    %dma_start3A_1218 = tpu.memref_slice %arg6[%dma_start3A_1216, %dma_start3A_1217] : memref<50x128xi32, #tpu.memory_space<vmem>> -> memref<1x128xi32, #tpu.memory_space<vmem>>
    %dma_start3A_1219 = tpu.memref_squeeze %dma_start3A_1218 : memref<1x128xi32, #tpu.memory_space<vmem>> -> memref<128xi32, #tpu.memory_space<vmem>>
    %dma_start3A_1220 = arith.constant 0 : i32
    %dma_start3A_1221 = arith.constant 0 : i32
    %dma_start3A_1222 = tpu.memref_slice %arg3[%dma_start3A_1220, %dma_start3A_1221] : memref<100000x64xf32, #tpu.memory_space<hbm>> -> memref<100000x64xf32, #tpu.memory_space<hbm>>
    tpu.enqueue_indirect_dma source(%dma_start3A_1222 : memref<100000x64xf32, #tpu.memory_space<hbm>>) target(%arg9 : memref<128x64xf32, #tpu.memory_space<vmem>>) offsets(%dma_start3A_1219 : memref<128xi32, #tpu.memory_space<vmem>>) semaphore(%arg16 : memref<!tpu.dma_semaphore, #tpu.memory_space<semaphore_mem>>)
    %dma_start3A_1223 = arith.constant 42 : i32
    %dma_start3A_1224 = arith.constant 0 : i32
    %dma_start3A_1225 = tpu.memref_slice %arg7[%dma_start3A_1223, %dma_start3A_1224] : memref<50x128xi32, #tpu.memory_space<vmem>> -> memref<1x128xi32, #tpu.memory_space<vmem>>
    %dma_start3A_1226 = tpu.memref_squeeze %dma_start3A_1225 : memref<1x128xi32, #tpu.memory_space<vmem>> -> memref<128xi32, #tpu.memory_space<vmem>>
    %dma_start3A_1227 = arith.constant 0 : i32
    %dma_start3A_1228 = arith.constant 0 : i32
    %dma_start3A_1229 = tpu.memref_slice %arg14[%dma_start3A_1227, %dma_start3A_1228] : memref<2048x64xf32, #tpu.memory_space<vmem_shared>> -> memref<2048x64xf32, #tpu.memory_space<vmem_shared>>
    tpu.enqueue_indirect_dma source(%arg10 : memref<128x64xf32, #tpu.memory_space<vmem>>) target(%dma_start3A_1229 : memref<2048x64xf32, #tpu.memory_space<vmem_shared>>) offsets(%dma_start3A_1226 : memref<128xi32, #tpu.memory_space<vmem>>) semaphore(%arg21 : memref<!tpu.dma_semaphore, #tpu.memory_space<semaphore_mem>>) {add = true}
    %dma_wait3A_1230 = arith.constant 43 : i32
    %dma_wait3A_1231 = arith.constant 0 : i32
    %dma_wait3A_1232 = tpu.memref_slice %arg6[%dma_wait3A_1230, %dma_wait3A_1231] : memref<50x128xi32, #tpu.memory_space<vmem>> -> memref<1x128xi32, #tpu.memory_space<vmem>>
    %dma_wait3A_1233 = tpu.memref_squeeze %dma_wait3A_1232 : memref<1x128xi32, #tpu.memory_space<vmem>> -> memref<128xi32, #tpu.memory_space<vmem>>
    %dma_wait3A_1234 = arith.constant 0 : i32
    %dma_wait3A_1235 = arith.constant 0 : i32
    %dma_wait3A_1236 = tpu.memref_slice %arg3[%dma_wait3A_1234, %dma_wait3A_1235] : memref<100000x64xf32, #tpu.memory_space<hbm>> -> memref<100000x64xf32, #tpu.memory_space<hbm>>
    tpu.wait_indirect_dma semaphore(%arg18 : memref<!tpu.dma_semaphore, #tpu.memory_space<semaphore_mem>>) src(%dma_wait3A_1236 : memref<100000x64xf32, #tpu.memory_space<hbm>>) dst(%arg11 : memref<128x64xf32, #tpu.memory_space<vmem>>)
    %dma_wait3A_1237 = arith.constant 42 : i32
    %dma_wait3A_1238 = arith.constant 0 : i32
    %dma_wait3A_1239 = tpu.memref_slice %arg7[%dma_wait3A_1237, %dma_wait3A_1238] : memref<50x128xi32, #tpu.memory_space<vmem>> -> memref<1x128xi32, #tpu.memory_space<vmem>>
    %dma_wait3A_1240 = tpu.memref_squeeze %dma_wait3A_1239 : memref<1x128xi32, #tpu.memory_space<vmem>> -> memref<128xi32, #tpu.memory_space<vmem>>
    %dma_wait3A_1241 = arith.constant 0 : i32
    %dma_wait3A_1242 = arith.constant 0 : i32
    %dma_wait3A_1243 = tpu.memref_slice %arg14[%dma_wait3A_1241, %dma_wait3A_1242] : memref<2048x64xf32, #tpu.memory_space<vmem_shared>> -> memref<2048x64xf32, #tpu.memory_space<vmem_shared>>
    tpu.wait_indirect_dma semaphore(%arg21 : memref<!tpu.dma_semaphore, #tpu.memory_space<semaphore_mem>>) src(%arg10 : memref<128x64xf32, #tpu.memory_space<vmem>>) dst(%dma_wait3A_1243 : memref<2048x64xf32, #tpu.memory_space<vmem_shared>>)
    %dma_start3A_1244 = arith.constant 46 : i32
    %dma_start3A_1245 = arith.constant 0 : i32
    %dma_start3A_1246 = tpu.memref_slice %arg6[%dma_start3A_1244, %dma_start3A_1245] : memref<50x128xi32, #tpu.memory_space<vmem>> -> memref<1x128xi32, #tpu.memory_space<vmem>>
    %dma_start3A_1247 = tpu.memref_squeeze %dma_start3A_1246 : memref<1x128xi32, #tpu.memory_space<vmem>> -> memref<128xi32, #tpu.memory_space<vmem>>
    %dma_start3A_1248 = arith.constant 0 : i32
    %dma_start3A_1249 = arith.constant 0 : i32
    %dma_start3A_1250 = tpu.memref_slice %arg3[%dma_start3A_1248, %dma_start3A_1249] : memref<100000x64xf32, #tpu.memory_space<hbm>> -> memref<100000x64xf32, #tpu.memory_space<hbm>>
    tpu.enqueue_indirect_dma source(%dma_start3A_1250 : memref<100000x64xf32, #tpu.memory_space<hbm>>) target(%arg10 : memref<128x64xf32, #tpu.memory_space<vmem>>) offsets(%dma_start3A_1247 : memref<128xi32, #tpu.memory_space<vmem>>) semaphore(%arg17 : memref<!tpu.dma_semaphore, #tpu.memory_space<semaphore_mem>>)
    %dma_start3A_1251 = arith.constant 43 : i32
    %dma_start3A_1252 = arith.constant 0 : i32
    %dma_start3A_1253 = tpu.memref_slice %arg7[%dma_start3A_1251, %dma_start3A_1252] : memref<50x128xi32, #tpu.memory_space<vmem>> -> memref<1x128xi32, #tpu.memory_space<vmem>>
    %dma_start3A_1254 = tpu.memref_squeeze %dma_start3A_1253 : memref<1x128xi32, #tpu.memory_space<vmem>> -> memref<128xi32, #tpu.memory_space<vmem>>
    %dma_start3A_1255 = arith.constant 0 : i32
    %dma_start3A_1256 = arith.constant 0 : i32
    %dma_start3A_1257 = tpu.memref_slice %arg14[%dma_start3A_1255, %dma_start3A_1256] : memref<2048x64xf32, #tpu.memory_space<vmem_shared>> -> memref<2048x64xf32, #tpu.memory_space<vmem_shared>>
    tpu.enqueue_indirect_dma source(%arg11 : memref<128x64xf32, #tpu.memory_space<vmem>>) target(%dma_start3A_1257 : memref<2048x64xf32, #tpu.memory_space<vmem_shared>>) offsets(%dma_start3A_1254 : memref<128xi32, #tpu.memory_space<vmem>>) semaphore(%arg22 : memref<!tpu.dma_semaphore, #tpu.memory_space<semaphore_mem>>) {add = true}
    %dma_wait3A_1258 = arith.constant 44 : i32
    %dma_wait3A_1259 = arith.constant 0 : i32
    %dma_wait3A_1260 = tpu.memref_slice %arg6[%dma_wait3A_1258, %dma_wait3A_1259] : memref<50x128xi32, #tpu.memory_space<vmem>> -> memref<1x128xi32, #tpu.memory_space<vmem>>
    %dma_wait3A_1261 = tpu.memref_squeeze %dma_wait3A_1260 : memref<1x128xi32, #tpu.memory_space<vmem>> -> memref<128xi32, #tpu.memory_space<vmem>>
    %dma_wait3A_1262 = arith.constant 0 : i32
    %dma_wait3A_1263 = arith.constant 0 : i32
    %dma_wait3A_1264 = tpu.memref_slice %arg3[%dma_wait3A_1262, %dma_wait3A_1263] : memref<100000x64xf32, #tpu.memory_space<hbm>> -> memref<100000x64xf32, #tpu.memory_space<hbm>>
    tpu.wait_indirect_dma semaphore(%arg15 : memref<!tpu.dma_semaphore, #tpu.memory_space<semaphore_mem>>) src(%dma_wait3A_1264 : memref<100000x64xf32, #tpu.memory_space<hbm>>) dst(%arg8 : memref<128x64xf32, #tpu.memory_space<vmem>>)
    %dma_wait3A_1265 = arith.constant 43 : i32
    %dma_wait3A_1266 = arith.constant 0 : i32
    %dma_wait3A_1267 = tpu.memref_slice %arg7[%dma_wait3A_1265, %dma_wait3A_1266] : memref<50x128xi32, #tpu.memory_space<vmem>> -> memref<1x128xi32, #tpu.memory_space<vmem>>
    %dma_wait3A_1268 = tpu.memref_squeeze %dma_wait3A_1267 : memref<1x128xi32, #tpu.memory_space<vmem>> -> memref<128xi32, #tpu.memory_space<vmem>>
    %dma_wait3A_1269 = arith.constant 0 : i32
    %dma_wait3A_1270 = arith.constant 0 : i32
    %dma_wait3A_1271 = tpu.memref_slice %arg14[%dma_wait3A_1269, %dma_wait3A_1270] : memref<2048x64xf32, #tpu.memory_space<vmem_shared>> -> memref<2048x64xf32, #tpu.memory_space<vmem_shared>>
    tpu.wait_indirect_dma semaphore(%arg22 : memref<!tpu.dma_semaphore, #tpu.memory_space<semaphore_mem>>) src(%arg11 : memref<128x64xf32, #tpu.memory_space<vmem>>) dst(%dma_wait3A_1271 : memref<2048x64xf32, #tpu.memory_space<vmem_shared>>)
    %dma_start3A_1272 = arith.constant 47 : i32
    %dma_start3A_1273 = arith.constant 0 : i32
    %dma_start3A_1274 = tpu.memref_slice %arg6[%dma_start3A_1272, %dma_start3A_1273] : memref<50x128xi32, #tpu.memory_space<vmem>> -> memref<1x128xi32, #tpu.memory_space<vmem>>
    %dma_start3A_1275 = tpu.memref_squeeze %dma_start3A_1274 : memref<1x128xi32, #tpu.memory_space<vmem>> -> memref<128xi32, #tpu.memory_space<vmem>>
    %dma_start3A_1276 = arith.constant 0 : i32
    %dma_start3A_1277 = arith.constant 0 : i32
    %dma_start3A_1278 = tpu.memref_slice %arg3[%dma_start3A_1276, %dma_start3A_1277] : memref<100000x64xf32, #tpu.memory_space<hbm>> -> memref<100000x64xf32, #tpu.memory_space<hbm>>
    tpu.enqueue_indirect_dma source(%dma_start3A_1278 : memref<100000x64xf32, #tpu.memory_space<hbm>>) target(%arg11 : memref<128x64xf32, #tpu.memory_space<vmem>>) offsets(%dma_start3A_1275 : memref<128xi32, #tpu.memory_space<vmem>>) semaphore(%arg18 : memref<!tpu.dma_semaphore, #tpu.memory_space<semaphore_mem>>)
    %dma_start3A_1279 = arith.constant 44 : i32
    %dma_start3A_1280 = arith.constant 0 : i32
    %dma_start3A_1281 = tpu.memref_slice %arg7[%dma_start3A_1279, %dma_start3A_1280] : memref<50x128xi32, #tpu.memory_space<vmem>> -> memref<1x128xi32, #tpu.memory_space<vmem>>
    %dma_start3A_1282 = tpu.memref_squeeze %dma_start3A_1281 : memref<1x128xi32, #tpu.memory_space<vmem>> -> memref<128xi32, #tpu.memory_space<vmem>>
    %dma_start3A_1283 = arith.constant 0 : i32
    %dma_start3A_1284 = arith.constant 0 : i32
    %dma_start3A_1285 = tpu.memref_slice %arg14[%dma_start3A_1283, %dma_start3A_1284] : memref<2048x64xf32, #tpu.memory_space<vmem_shared>> -> memref<2048x64xf32, #tpu.memory_space<vmem_shared>>
    tpu.enqueue_indirect_dma source(%arg8 : memref<128x64xf32, #tpu.memory_space<vmem>>) target(%dma_start3A_1285 : memref<2048x64xf32, #tpu.memory_space<vmem_shared>>) offsets(%dma_start3A_1282 : memref<128xi32, #tpu.memory_space<vmem>>) semaphore(%arg19 : memref<!tpu.dma_semaphore, #tpu.memory_space<semaphore_mem>>) {add = true}
    %dma_wait3A_1286 = arith.constant 45 : i32
    %dma_wait3A_1287 = arith.constant 0 : i32
    %dma_wait3A_1288 = tpu.memref_slice %arg6[%dma_wait3A_1286, %dma_wait3A_1287] : memref<50x128xi32, #tpu.memory_space<vmem>> -> memref<1x128xi32, #tpu.memory_space<vmem>>
    %dma_wait3A_1289 = tpu.memref_squeeze %dma_wait3A_1288 : memref<1x128xi32, #tpu.memory_space<vmem>> -> memref<128xi32, #tpu.memory_space<vmem>>
    %dma_wait3A_1290 = arith.constant 0 : i32
    %dma_wait3A_1291 = arith.constant 0 : i32
    %dma_wait3A_1292 = tpu.memref_slice %arg3[%dma_wait3A_1290, %dma_wait3A_1291] : memref<100000x64xf32, #tpu.memory_space<hbm>> -> memref<100000x64xf32, #tpu.memory_space<hbm>>
    tpu.wait_indirect_dma semaphore(%arg16 : memref<!tpu.dma_semaphore, #tpu.memory_space<semaphore_mem>>) src(%dma_wait3A_1292 : memref<100000x64xf32, #tpu.memory_space<hbm>>) dst(%arg9 : memref<128x64xf32, #tpu.memory_space<vmem>>)
    %dma_wait3A_1293 = arith.constant 44 : i32
    %dma_wait3A_1294 = arith.constant 0 : i32
    %dma_wait3A_1295 = tpu.memref_slice %arg7[%dma_wait3A_1293, %dma_wait3A_1294] : memref<50x128xi32, #tpu.memory_space<vmem>> -> memref<1x128xi32, #tpu.memory_space<vmem>>
    %dma_wait3A_1296 = tpu.memref_squeeze %dma_wait3A_1295 : memref<1x128xi32, #tpu.memory_space<vmem>> -> memref<128xi32, #tpu.memory_space<vmem>>
    %dma_wait3A_1297 = arith.constant 0 : i32
    %dma_wait3A_1298 = arith.constant 0 : i32
    %dma_wait3A_1299 = tpu.memref_slice %arg14[%dma_wait3A_1297, %dma_wait3A_1298] : memref<2048x64xf32, #tpu.memory_space<vmem_shared>> -> memref<2048x64xf32, #tpu.memory_space<vmem_shared>>
    tpu.wait_indirect_dma semaphore(%arg19 : memref<!tpu.dma_semaphore, #tpu.memory_space<semaphore_mem>>) src(%arg8 : memref<128x64xf32, #tpu.memory_space<vmem>>) dst(%dma_wait3A_1299 : memref<2048x64xf32, #tpu.memory_space<vmem_shared>>)
    %dma_start3A_1300 = arith.constant 48 : i32
    %dma_start3A_1301 = arith.constant 0 : i32
    %dma_start3A_1302 = tpu.memref_slice %arg6[%dma_start3A_1300, %dma_start3A_1301] : memref<50x128xi32, #tpu.memory_space<vmem>> -> memref<1x128xi32, #tpu.memory_space<vmem>>
    %dma_start3A_1303 = tpu.memref_squeeze %dma_start3A_1302 : memref<1x128xi32, #tpu.memory_space<vmem>> -> memref<128xi32, #tpu.memory_space<vmem>>
    %dma_start3A_1304 = arith.constant 0 : i32
    %dma_start3A_1305 = arith.constant 0 : i32
    %dma_start3A_1306 = tpu.memref_slice %arg3[%dma_start3A_1304, %dma_start3A_1305] : memref<100000x64xf32, #tpu.memory_space<hbm>> -> memref<100000x64xf32, #tpu.memory_space<hbm>>
    tpu.enqueue_indirect_dma source(%dma_start3A_1306 : memref<100000x64xf32, #tpu.memory_space<hbm>>) target(%arg8 : memref<128x64xf32, #tpu.memory_space<vmem>>) offsets(%dma_start3A_1303 : memref<128xi32, #tpu.memory_space<vmem>>) semaphore(%arg15 : memref<!tpu.dma_semaphore, #tpu.memory_space<semaphore_mem>>)
    %dma_start3A_1307 = arith.constant 45 : i32
    %dma_start3A_1308 = arith.constant 0 : i32
    %dma_start3A_1309 = tpu.memref_slice %arg7[%dma_start3A_1307, %dma_start3A_1308] : memref<50x128xi32, #tpu.memory_space<vmem>> -> memref<1x128xi32, #tpu.memory_space<vmem>>
    %dma_start3A_1310 = tpu.memref_squeeze %dma_start3A_1309 : memref<1x128xi32, #tpu.memory_space<vmem>> -> memref<128xi32, #tpu.memory_space<vmem>>
    %dma_start3A_1311 = arith.constant 0 : i32
    %dma_start3A_1312 = arith.constant 0 : i32
    %dma_start3A_1313 = tpu.memref_slice %arg14[%dma_start3A_1311, %dma_start3A_1312] : memref<2048x64xf32, #tpu.memory_space<vmem_shared>> -> memref<2048x64xf32, #tpu.memory_space<vmem_shared>>
    tpu.enqueue_indirect_dma source(%arg9 : memref<128x64xf32, #tpu.memory_space<vmem>>) target(%dma_start3A_1313 : memref<2048x64xf32, #tpu.memory_space<vmem_shared>>) offsets(%dma_start3A_1310 : memref<128xi32, #tpu.memory_space<vmem>>) semaphore(%arg20 : memref<!tpu.dma_semaphore, #tpu.memory_space<semaphore_mem>>) {add = true}
    %dma_wait3A_1314 = arith.constant 46 : i32
    %dma_wait3A_1315 = arith.constant 0 : i32
    %dma_wait3A_1316 = tpu.memref_slice %arg6[%dma_wait3A_1314, %dma_wait3A_1315] : memref<50x128xi32, #tpu.memory_space<vmem>> -> memref<1x128xi32, #tpu.memory_space<vmem>>
    %dma_wait3A_1317 = tpu.memref_squeeze %dma_wait3A_1316 : memref<1x128xi32, #tpu.memory_space<vmem>> -> memref<128xi32, #tpu.memory_space<vmem>>
    %dma_wait3A_1318 = arith.constant 0 : i32
    %dma_wait3A_1319 = arith.constant 0 : i32
    %dma_wait3A_1320 = tpu.memref_slice %arg3[%dma_wait3A_1318, %dma_wait3A_1319] : memref<100000x64xf32, #tpu.memory_space<hbm>> -> memref<100000x64xf32, #tpu.memory_space<hbm>>
    tpu.wait_indirect_dma semaphore(%arg17 : memref<!tpu.dma_semaphore, #tpu.memory_space<semaphore_mem>>) src(%dma_wait3A_1320 : memref<100000x64xf32, #tpu.memory_space<hbm>>) dst(%arg10 : memref<128x64xf32, #tpu.memory_space<vmem>>)
    %dma_wait3A_1321 = arith.constant 45 : i32
    %dma_wait3A_1322 = arith.constant 0 : i32
    %dma_wait3A_1323 = tpu.memref_slice %arg7[%dma_wait3A_1321, %dma_wait3A_1322] : memref<50x128xi32, #tpu.memory_space<vmem>> -> memref<1x128xi32, #tpu.memory_space<vmem>>
    %dma_wait3A_1324 = tpu.memref_squeeze %dma_wait3A_1323 : memref<1x128xi32, #tpu.memory_space<vmem>> -> memref<128xi32, #tpu.memory_space<vmem>>
    %dma_wait3A_1325 = arith.constant 0 : i32
    %dma_wait3A_1326 = arith.constant 0 : i32
    %dma_wait3A_1327 = tpu.memref_slice %arg14[%dma_wait3A_1325, %dma_wait3A_1326] : memref<2048x64xf32, #tpu.memory_space<vmem_shared>> -> memref<2048x64xf32, #tpu.memory_space<vmem_shared>>
    tpu.wait_indirect_dma semaphore(%arg20 : memref<!tpu.dma_semaphore, #tpu.memory_space<semaphore_mem>>) src(%arg9 : memref<128x64xf32, #tpu.memory_space<vmem>>) dst(%dma_wait3A_1327 : memref<2048x64xf32, #tpu.memory_space<vmem_shared>>)
    %dma_start3A_1328 = arith.constant 49 : i32
    %dma_start3A_1329 = arith.constant 0 : i32
    %dma_start3A_1330 = tpu.memref_slice %arg6[%dma_start3A_1328, %dma_start3A_1329] : memref<50x128xi32, #tpu.memory_space<vmem>> -> memref<1x128xi32, #tpu.memory_space<vmem>>
    %dma_start3A_1331 = tpu.memref_squeeze %dma_start3A_1330 : memref<1x128xi32, #tpu.memory_space<vmem>> -> memref<128xi32, #tpu.memory_space<vmem>>
    %dma_start3A_1332 = arith.constant 0 : i32
    %dma_start3A_1333 = arith.constant 0 : i32
    %dma_start3A_1334 = tpu.memref_slice %arg3[%dma_start3A_1332, %dma_start3A_1333] : memref<100000x64xf32, #tpu.memory_space<hbm>> -> memref<100000x64xf32, #tpu.memory_space<hbm>>
    tpu.enqueue_indirect_dma source(%dma_start3A_1334 : memref<100000x64xf32, #tpu.memory_space<hbm>>) target(%arg9 : memref<128x64xf32, #tpu.memory_space<vmem>>) offsets(%dma_start3A_1331 : memref<128xi32, #tpu.memory_space<vmem>>) semaphore(%arg16 : memref<!tpu.dma_semaphore, #tpu.memory_space<semaphore_mem>>)
    %dma_start3A_1335 = arith.constant 46 : i32
    %dma_start3A_1336 = arith.constant 0 : i32
    %dma_start3A_1337 = tpu.memref_slice %arg7[%dma_start3A_1335, %dma_start3A_1336] : memref<50x128xi32, #tpu.memory_space<vmem>> -> memref<1x128xi32, #tpu.memory_space<vmem>>
    %dma_start3A_1338 = tpu.memref_squeeze %dma_start3A_1337 : memref<1x128xi32, #tpu.memory_space<vmem>> -> memref<128xi32, #tpu.memory_space<vmem>>
    %dma_start3A_1339 = arith.constant 0 : i32
    %dma_start3A_1340 = arith.constant 0 : i32
    %dma_start3A_1341 = tpu.memref_slice %arg14[%dma_start3A_1339, %dma_start3A_1340] : memref<2048x64xf32, #tpu.memory_space<vmem_shared>> -> memref<2048x64xf32, #tpu.memory_space<vmem_shared>>
    tpu.enqueue_indirect_dma source(%arg10 : memref<128x64xf32, #tpu.memory_space<vmem>>) target(%dma_start3A_1341 : memref<2048x64xf32, #tpu.memory_space<vmem_shared>>) offsets(%dma_start3A_1338 : memref<128xi32, #tpu.memory_space<vmem>>) semaphore(%arg21 : memref<!tpu.dma_semaphore, #tpu.memory_space<semaphore_mem>>) {add = true}
    %dma_wait3A_1342 = arith.constant 47 : i32
    %dma_wait3A_1343 = arith.constant 0 : i32
    %dma_wait3A_1344 = tpu.memref_slice %arg6[%dma_wait3A_1342, %dma_wait3A_1343] : memref<50x128xi32, #tpu.memory_space<vmem>> -> memref<1x128xi32, #tpu.memory_space<vmem>>
    %dma_wait3A_1345 = tpu.memref_squeeze %dma_wait3A_1344 : memref<1x128xi32, #tpu.memory_space<vmem>> -> memref<128xi32, #tpu.memory_space<vmem>>
    %dma_wait3A_1346 = arith.constant 0 : i32
    %dma_wait3A_1347 = arith.constant 0 : i32
    %dma_wait3A_1348 = tpu.memref_slice %arg3[%dma_wait3A_1346, %dma_wait3A_1347] : memref<100000x64xf32, #tpu.memory_space<hbm>> -> memref<100000x64xf32, #tpu.memory_space<hbm>>
    tpu.wait_indirect_dma semaphore(%arg18 : memref<!tpu.dma_semaphore, #tpu.memory_space<semaphore_mem>>) src(%dma_wait3A_1348 : memref<100000x64xf32, #tpu.memory_space<hbm>>) dst(%arg11 : memref<128x64xf32, #tpu.memory_space<vmem>>)
    %dma_start3A_1349 = arith.constant 47 : i32
    %dma_start3A_1350 = arith.constant 0 : i32
    %dma_start3A_1351 = tpu.memref_slice %arg7[%dma_start3A_1349, %dma_start3A_1350] : memref<50x128xi32, #tpu.memory_space<vmem>> -> memref<1x128xi32, #tpu.memory_space<vmem>>
    %dma_start3A_1352 = tpu.memref_squeeze %dma_start3A_1351 : memref<1x128xi32, #tpu.memory_space<vmem>> -> memref<128xi32, #tpu.memory_space<vmem>>
    %dma_start3A_1353 = arith.constant 0 : i32
    %dma_start3A_1354 = arith.constant 0 : i32
    %dma_start3A_1355 = tpu.memref_slice %arg14[%dma_start3A_1353, %dma_start3A_1354] : memref<2048x64xf32, #tpu.memory_space<vmem_shared>> -> memref<2048x64xf32, #tpu.memory_space<vmem_shared>>
    tpu.enqueue_indirect_dma source(%arg11 : memref<128x64xf32, #tpu.memory_space<vmem>>) target(%dma_start3A_1355 : memref<2048x64xf32, #tpu.memory_space<vmem_shared>>) offsets(%dma_start3A_1352 : memref<128xi32, #tpu.memory_space<vmem>>) semaphore(%arg22 : memref<!tpu.dma_semaphore, #tpu.memory_space<semaphore_mem>>) {add = true}
    %dma_wait3A_1356 = arith.constant 48 : i32
    %dma_wait3A_1357 = arith.constant 0 : i32
    %dma_wait3A_1358 = tpu.memref_slice %arg6[%dma_wait3A_1356, %dma_wait3A_1357] : memref<50x128xi32, #tpu.memory_space<vmem>> -> memref<1x128xi32, #tpu.memory_space<vmem>>
    %dma_wait3A_1359 = tpu.memref_squeeze %dma_wait3A_1358 : memref<1x128xi32, #tpu.memory_space<vmem>> -> memref<128xi32, #tpu.memory_space<vmem>>
    %dma_wait3A_1360 = arith.constant 0 : i32
    %dma_wait3A_1361 = arith.constant 0 : i32
    %dma_wait3A_1362 = tpu.memref_slice %arg3[%dma_wait3A_1360, %dma_wait3A_1361] : memref<100000x64xf32, #tpu.memory_space<hbm>> -> memref<100000x64xf32, #tpu.memory_space<hbm>>
    tpu.wait_indirect_dma semaphore(%arg15 : memref<!tpu.dma_semaphore, #tpu.memory_space<semaphore_mem>>) src(%dma_wait3A_1362 : memref<100000x64xf32, #tpu.memory_space<hbm>>) dst(%arg8 : memref<128x64xf32, #tpu.memory_space<vmem>>)
    %dma_start3A_1363 = arith.constant 48 : i32
    %dma_start3A_1364 = arith.constant 0 : i32
    %dma_start3A_1365 = tpu.memref_slice %arg7[%dma_start3A_1363, %dma_start3A_1364] : memref<50x128xi32, #tpu.memory_space<vmem>> -> memref<1x128xi32, #tpu.memory_space<vmem>>
    %dma_start3A_1366 = tpu.memref_squeeze %dma_start3A_1365 : memref<1x128xi32, #tpu.memory_space<vmem>> -> memref<128xi32, #tpu.memory_space<vmem>>
    %dma_start3A_1367 = arith.constant 0 : i32
    %dma_start3A_1368 = arith.constant 0 : i32
    %dma_start3A_1369 = tpu.memref_slice %arg14[%dma_start3A_1367, %dma_start3A_1368] : memref<2048x64xf32, #tpu.memory_space<vmem_shared>> -> memref<2048x64xf32, #tpu.memory_space<vmem_shared>>
    tpu.enqueue_indirect_dma source(%arg8 : memref<128x64xf32, #tpu.memory_space<vmem>>) target(%dma_start3A_1369 : memref<2048x64xf32, #tpu.memory_space<vmem_shared>>) offsets(%dma_start3A_1366 : memref<128xi32, #tpu.memory_space<vmem>>) semaphore(%arg19 : memref<!tpu.dma_semaphore, #tpu.memory_space<semaphore_mem>>) {add = true}
    %dma_wait3A_1370 = arith.constant 49 : i32
    %dma_wait3A_1371 = arith.constant 0 : i32
    %dma_wait3A_1372 = tpu.memref_slice %arg6[%dma_wait3A_1370, %dma_wait3A_1371] : memref<50x128xi32, #tpu.memory_space<vmem>> -> memref<1x128xi32, #tpu.memory_space<vmem>>
    %dma_wait3A_1373 = tpu.memref_squeeze %dma_wait3A_1372 : memref<1x128xi32, #tpu.memory_space<vmem>> -> memref<128xi32, #tpu.memory_space<vmem>>
    %dma_wait3A_1374 = arith.constant 0 : i32
    %dma_wait3A_1375 = arith.constant 0 : i32
    %dma_wait3A_1376 = tpu.memref_slice %arg3[%dma_wait3A_1374, %dma_wait3A_1375] : memref<100000x64xf32, #tpu.memory_space<hbm>> -> memref<100000x64xf32, #tpu.memory_space<hbm>>
    tpu.wait_indirect_dma semaphore(%arg16 : memref<!tpu.dma_semaphore, #tpu.memory_space<semaphore_mem>>) src(%dma_wait3A_1376 : memref<100000x64xf32, #tpu.memory_space<hbm>>) dst(%arg9 : memref<128x64xf32, #tpu.memory_space<vmem>>)
    %dma_start3A_1377 = arith.constant 49 : i32
    %dma_start3A_1378 = arith.constant 0 : i32
    %dma_start3A_1379 = tpu.memref_slice %arg7[%dma_start3A_1377, %dma_start3A_1378] : memref<50x128xi32, #tpu.memory_space<vmem>> -> memref<1x128xi32, #tpu.memory_space<vmem>>
    %dma_start3A_1380 = tpu.memref_squeeze %dma_start3A_1379 : memref<1x128xi32, #tpu.memory_space<vmem>> -> memref<128xi32, #tpu.memory_space<vmem>>
    %dma_start3A_1381 = arith.constant 0 : i32
    %dma_start3A_1382 = arith.constant 0 : i32
    %dma_start3A_1383 = tpu.memref_slice %arg14[%dma_start3A_1381, %dma_start3A_1382] : memref<2048x64xf32, #tpu.memory_space<vmem_shared>> -> memref<2048x64xf32, #tpu.memory_space<vmem_shared>>
    tpu.enqueue_indirect_dma source(%arg9 : memref<128x64xf32, #tpu.memory_space<vmem>>) target(%dma_start3A_1383 : memref<2048x64xf32, #tpu.memory_space<vmem_shared>>) offsets(%dma_start3A_1380 : memref<128xi32, #tpu.memory_space<vmem>>) semaphore(%arg20 : memref<!tpu.dma_semaphore, #tpu.memory_space<semaphore_mem>>) {add = true}
    %dma_wait3A_1384 = arith.constant 48 : i32
    %dma_wait3A_1385 = arith.constant 0 : i32
    %dma_wait3A_1386 = tpu.memref_slice %arg7[%dma_wait3A_1384, %dma_wait3A_1385] : memref<50x128xi32, #tpu.memory_space<vmem>> -> memref<1x128xi32, #tpu.memory_space<vmem>>
    %dma_wait3A_1387 = tpu.memref_squeeze %dma_wait3A_1386 : memref<1x128xi32, #tpu.memory_space<vmem>> -> memref<128xi32, #tpu.memory_space<vmem>>
    %dma_wait3A_1388 = arith.constant 0 : i32
    %dma_wait3A_1389 = arith.constant 0 : i32
    %dma_wait3A_1390 = tpu.memref_slice %arg14[%dma_wait3A_1388, %dma_wait3A_1389] : memref<2048x64xf32, #tpu.memory_space<vmem_shared>> -> memref<2048x64xf32, #tpu.memory_space<vmem_shared>>
    tpu.wait_indirect_dma semaphore(%arg19 : memref<!tpu.dma_semaphore, #tpu.memory_space<semaphore_mem>>) src(%arg8 : memref<128x64xf32, #tpu.memory_space<vmem>>) dst(%dma_wait3A_1390 : memref<2048x64xf32, #tpu.memory_space<vmem_shared>>)
    %dma_wait3A_1391 = arith.constant 49 : i32
    %dma_wait3A_1392 = arith.constant 0 : i32
    %dma_wait3A_1393 = tpu.memref_slice %arg7[%dma_wait3A_1391, %dma_wait3A_1392] : memref<50x128xi32, #tpu.memory_space<vmem>> -> memref<1x128xi32, #tpu.memory_space<vmem>>
    %dma_wait3A_1394 = tpu.memref_squeeze %dma_wait3A_1393 : memref<1x128xi32, #tpu.memory_space<vmem>> -> memref<128xi32, #tpu.memory_space<vmem>>
    %dma_wait3A_1395 = arith.constant 0 : i32
    %dma_wait3A_1396 = arith.constant 0 : i32
    %dma_wait3A_1397 = tpu.memref_slice %arg14[%dma_wait3A_1395, %dma_wait3A_1396] : memref<2048x64xf32, #tpu.memory_space<vmem_shared>> -> memref<2048x64xf32, #tpu.memory_space<vmem_shared>>
    tpu.wait_indirect_dma semaphore(%arg20 : memref<!tpu.dma_semaphore, #tpu.memory_space<semaphore_mem>>) src(%arg9 : memref<128x64xf32, #tpu.memory_space<vmem>>) dst(%dma_wait3A_1397 : memref<2048x64xf32, #tpu.memory_space<vmem_shared>>)
    %dma_wait3A_1398 = arith.constant 46 : i32
    %dma_wait3A_1399 = arith.constant 0 : i32
    %dma_wait3A_1400 = tpu.memref_slice %arg7[%dma_wait3A_1398, %dma_wait3A_1399] : memref<50x128xi32, #tpu.memory_space<vmem>> -> memref<1x128xi32, #tpu.memory_space<vmem>>
    %dma_wait3A_1401 = tpu.memref_squeeze %dma_wait3A_1400 : memref<1x128xi32, #tpu.memory_space<vmem>> -> memref<128xi32, #tpu.memory_space<vmem>>
    %dma_wait3A_1402 = arith.constant 0 : i32
    %dma_wait3A_1403 = arith.constant 0 : i32
    %dma_wait3A_1404 = tpu.memref_slice %arg14[%dma_wait3A_1402, %dma_wait3A_1403] : memref<2048x64xf32, #tpu.memory_space<vmem_shared>> -> memref<2048x64xf32, #tpu.memory_space<vmem_shared>>
    tpu.wait_indirect_dma semaphore(%arg21 : memref<!tpu.dma_semaphore, #tpu.memory_space<semaphore_mem>>) src(%arg10 : memref<128x64xf32, #tpu.memory_space<vmem>>) dst(%dma_wait3A_1404 : memref<2048x64xf32, #tpu.memory_space<vmem_shared>>)
    %dma_wait3A_1405 = arith.constant 47 : i32
    %dma_wait3A_1406 = arith.constant 0 : i32
    %dma_wait3A_1407 = tpu.memref_slice %arg7[%dma_wait3A_1405, %dma_wait3A_1406] : memref<50x128xi32, #tpu.memory_space<vmem>> -> memref<1x128xi32, #tpu.memory_space<vmem>>
    %dma_wait3A_1408 = tpu.memref_squeeze %dma_wait3A_1407 : memref<1x128xi32, #tpu.memory_space<vmem>> -> memref<128xi32, #tpu.memory_space<vmem>>
    %dma_wait3A_1409 = arith.constant 0 : i32
    %dma_wait3A_1410 = arith.constant 0 : i32
    %dma_wait3A_1411 = tpu.memref_slice %arg14[%dma_wait3A_1409, %dma_wait3A_1410] : memref<2048x64xf32, #tpu.memory_space<vmem_shared>> -> memref<2048x64xf32, #tpu.memory_space<vmem_shared>>
    tpu.wait_indirect_dma semaphore(%arg22 : memref<!tpu.dma_semaphore, #tpu.memory_space<semaphore_mem>>) src(%arg11 : memref<128x64xf32, #tpu.memory_space<vmem>>) dst(%dma_wait3A_1411 : memref<2048x64xf32, #tpu.memory_space<vmem_shared>>)
    "tpu.region"() ({
      %run_scoped3A = tpu.sem_alloc : memref<!tpu.dma_semaphore, #tpu.memory_space<semaphore_mem>>
      %dma_start3A_1420 = arith.constant 0 : i32
      %dma_start3A_1421 = tpu.memref_slice %arg14[%mul3A_31, %dma_start3A_1420] : memref<2048x64xf32, #tpu.memory_space<vmem_shared>> -> memref<128x64xf32, #tpu.memory_space<vmem_shared>>
      %dma_start3A_1422 = arith.constant 0 : i32
      %dma_start3A_1423 = tpu.memref_slice %arg14[%mul3A_31, %dma_start3A_1422] : memref<2048x64xf32, #tpu.memory_space<vmem_shared>> -> memref<128x64xf32, #tpu.memory_space<vmem_shared>>
      tpu.enqueue_dma source(%dma_start3A_1423 : memref<128x64xf32, #tpu.memory_space<vmem_shared>>) target(%arg13 : memref<128x64xf32, #tpu.memory_space<vmem>>) target_semaphore(%run_scoped3A : memref<!tpu.dma_semaphore, #tpu.memory_space<semaphore_mem>>)
      %dma_wait3A_1424 = arith.constant 0 : i32
      %dma_wait3A_1425 = tpu.memref_slice %arg14[%mul3A_31, %dma_wait3A_1424] : memref<2048x64xf32, #tpu.memory_space<vmem_shared>> -> memref<128x64xf32, #tpu.memory_space<vmem_shared>>
      %dma_wait3A_1426 = arith.constant 0 : i32
      %dma_wait3A_1427 = tpu.memref_slice %arg14[%mul3A_31, %dma_wait3A_1426] : memref<2048x64xf32, #tpu.memory_space<vmem_shared>> -> memref<128x64xf32, #tpu.memory_space<vmem_shared>>
      tpu.wait_dma2 semaphore(%run_scoped3A : memref<!tpu.dma_semaphore, #tpu.memory_space<semaphore_mem>>) src(%dma_wait3A_1427 : memref<128x64xf32, #tpu.memory_space<vmem_shared>>) dst(%arg13 : memref<128x64xf32, #tpu.memory_space<vmem>>)
      tpu.yield
    }) : () -> ()
    %scan3A_1412 = arith.constant 2.000000e-02 : f32
    %scan3A_1413 = arith.constant 0 : i32
    %scan3A_1414 = arith.constant 16 : i32
    %scan3A_1415 = arith.addi %scan3A_1413, %scan3A_1414 : i32
    %scan3A_1416 = arith.constant 1 : i32
    scf.for %scan3A_1420 = %scan3A_1413 to %scan3A_1415 step %scan3A_1416  : i32 {
      %mul3A_1421 = arith.constant 8 : i32
      %mul3A_1422 = arith.muli %scan3A_1420, %mul3A_1421 : i32
      %broadcast_in_dim3A = arith.constant 0.000000e+00 : f32
      %broadcast_in_dim3A_1423 = vector.broadcast %broadcast_in_dim3A : f32 to vector<16xf32>
      %add3A_1424 = arith.constant 0 : i32
      %add3A_1425 = arith.addi %mul3A_1422, %add3A_1424 : i32
      %get3A = arith.index_cast %add3A_1425 : i32 to index
      %get3A_1426 = arith.constant 0 : index
      %get3A_1427 = tpu.vector_load %arg13[%get3A, %get3A_1426] {strides = array<i32>} : memref<128x64xf32, #tpu.memory_space<vmem>>, vector<1x16xf32>,
      %get3A_1428 = vector.shape_cast %get3A_1427 : vector<1x16xf32> to vector<16xf32>
      %mul3A_1429 = vector.broadcast %scan3A_1412 : f32 to vector<16xf32>
      %mul3A_1430 = arith.mulf %get3A_1428, %mul3A_1429 : vector<16xf32>
      %add3A_1431 = arith.constant 0 : i32
      %add3A_1432 = arith.addi %mul3A_1422, %add3A_1431 : i32
      %swap3A = arith.index_cast %add3A_1432 : i32 to index
      %swap3A_1433 = arith.constant 0 : index
      %swap3A_1434 = tpu.vector_load %arg12[%swap3A, %swap3A_1433] {strides = array<i32>} : memref<128x128xf32, #tpu.memory_space<vmem>>, vector<1x16xf32>,
      %swap3A_1435 = vector.shape_cast %swap3A_1434 : vector<1x16xf32> to vector<16xf32>
      %swap3A_1436 = vector.shape_cast %mul3A_1430 : vector<16xf32> to vector<1x16xf32>
      tpu.vector_store %arg12[%swap3A, %swap3A_1433], %swap3A_1436 {strides = array<i32>} : memref<128x128xf32, #tpu.memory_space<vmem>>, vector<1x16xf32>,
      %add3A_1437 = arith.constant 0 : i32
      %add3A_1438 = arith.addi %mul3A_1422, %add3A_1437 : i32
      %swap3A_1439 = arith.index_cast %add3A_1438 : i32 to index
      %swap3A_1440 = arith.constant 64 : index
      %swap3A_1441 = tpu.vector_load %arg12[%swap3A_1439, %swap3A_1440] {strides = array<i32>} : memref<128x128xf32, #tpu.memory_space<vmem>>, vector<1x16xf32>,
      %swap3A_1442 = vector.shape_cast %swap3A_1441 : vector<1x16xf32> to vector<16xf32>
      %swap3A_1443 = vector.shape_cast %broadcast_in_dim3A_1423 : vector<16xf32> to vector<1x16xf32>
      tpu.vector_store %arg12[%swap3A_1439, %swap3A_1440], %swap3A_1443 {strides = array<i32>} : memref<128x128xf32, #tpu.memory_space<vmem>>, vector<1x16xf32>,
      %add3A_1444 = arith.constant 0 : i32
      %add3A_1445 = arith.addi %mul3A_1422, %add3A_1444 : i32
      %get3A_1446 = arith.index_cast %add3A_1445 : i32 to index
      %get3A_1447 = arith.constant 16 : index
      %get3A_1448 = tpu.vector_load %arg13[%get3A_1446, %get3A_1447] {strides = array<i32>} : memref<128x64xf32, #tpu.memory_space<vmem>>, vector<1x16xf32>,
      %get3A_1449 = vector.shape_cast %get3A_1448 : vector<1x16xf32> to vector<16xf32>
      %mul3A_1450 = vector.broadcast %scan3A_1412 : f32 to vector<16xf32>
      %mul3A_1451 = arith.mulf %get3A_1449, %mul3A_1450 : vector<16xf32>
      %add3A_1452 = arith.constant 0 : i32
      %add3A_1453 = arith.addi %mul3A_1422, %add3A_1452 : i32
      %swap3A_1454 = arith.index_cast %add3A_1453 : i32 to index
      %swap3A_1455 = arith.constant 16 : index
      %swap3A_1456 = tpu.vector_load %arg12[%swap3A_1454, %swap3A_1455] {strides = array<i32>} : memref<128x128xf32, #tpu.memory_space<vmem>>, vector<1x16xf32>,
      %swap3A_1457 = vector.shape_cast %swap3A_1456 : vector<1x16xf32> to vector<16xf32>
      %swap3A_1458 = vector.shape_cast %mul3A_1451 : vector<16xf32> to vector<1x16xf32>
      tpu.vector_store %arg12[%swap3A_1454, %swap3A_1455], %swap3A_1458 {strides = array<i32>} : memref<128x128xf32, #tpu.memory_space<vmem>>, vector<1x16xf32>,
      %add3A_1459 = arith.constant 0 : i32
      %add3A_1460 = arith.addi %mul3A_1422, %add3A_1459 : i32
      %swap3A_1461 = arith.index_cast %add3A_1460 : i32 to index
      %swap3A_1462 = arith.constant 80 : index
      %swap3A_1463 = tpu.vector_load %arg12[%swap3A_1461, %swap3A_1462] {strides = array<i32>} : memref<128x128xf32, #tpu.memory_space<vmem>>, vector<1x16xf32>,
      %swap3A_1464 = vector.shape_cast %swap3A_1463 : vector<1x16xf32> to vector<16xf32>
      %swap3A_1465 = vector.shape_cast %broadcast_in_dim3A_1423 : vector<16xf32> to vector<1x16xf32>
      tpu.vector_store %arg12[%swap3A_1461, %swap3A_1462], %swap3A_1465 {strides = array<i32>} : memref<128x128xf32, #tpu.memory_space<vmem>>, vector<1x16xf32>,
      %add3A_1466 = arith.constant 0 : i32
      %add3A_1467 = arith.addi %mul3A_1422, %add3A_1466 : i32
      %get3A_1468 = arith.index_cast %add3A_1467 : i32 to index
      %get3A_1469 = arith.constant 32 : index
      %get3A_1470 = tpu.vector_load %arg13[%get3A_1468, %get3A_1469] {strides = array<i32>} : memref<128x64xf32, #tpu.memory_space<vmem>>, vector<1x16xf32>,
      %get3A_1471 = vector.shape_cast %get3A_1470 : vector<1x16xf32> to vector<16xf32>
      %mul3A_1472 = vector.broadcast %scan3A_1412 : f32 to vector<16xf32>
      %mul3A_1473 = arith.mulf %get3A_1471, %mul3A_1472 : vector<16xf32>
      %add3A_1474 = arith.constant 0 : i32
      %add3A_1475 = arith.addi %mul3A_1422, %add3A_1474 : i32
      %swap3A_1476 = arith.index_cast %add3A_1475 : i32 to index
      %swap3A_1477 = arith.constant 32 : index
      %swap3A_1478 = tpu.vector_load %arg12[%swap3A_1476, %swap3A_1477] {strides = array<i32>} : memref<128x128xf32, #tpu.memory_space<vmem>>, vector<1x16xf32>,
      %swap3A_1479 = vector.shape_cast %swap3A_1478 : vector<1x16xf32> to vector<16xf32>
      %swap3A_1480 = vector.shape_cast %mul3A_1473 : vector<16xf32> to vector<1x16xf32>
      tpu.vector_store %arg12[%swap3A_1476, %swap3A_1477], %swap3A_1480 {strides = array<i32>} : memref<128x128xf32, #tpu.memory_space<vmem>>, vector<1x16xf32>,
      %add3A_1481 = arith.constant 0 : i32
      %add3A_1482 = arith.addi %mul3A_1422, %add3A_1481 : i32
      %swap3A_1483 = arith.index_cast %add3A_1482 : i32 to index
      %swap3A_1484 = arith.constant 96 : index
      %swap3A_1485 = tpu.vector_load %arg12[%swap3A_1483, %swap3A_1484] {strides = array<i32>} : memref<128x128xf32, #tpu.memory_space<vmem>>, vector<1x16xf32>,
      %swap3A_1486 = vector.shape_cast %swap3A_1485 : vector<1x16xf32> to vector<16xf32>
      %swap3A_1487 = vector.shape_cast %broadcast_in_dim3A_1423 : vector<16xf32> to vector<1x16xf32>
      tpu.vector_store %arg12[%swap3A_1483, %swap3A_1484], %swap3A_1487 {strides = array<i32>} : memref<128x128xf32, #tpu.memory_space<vmem>>, vector<1x16xf32>,
      %add3A_1488 = arith.constant 0 : i32
      %add3A_1489 = arith.addi %mul3A_1422, %add3A_1488 : i32
      %get3A_1490 = arith.index_cast %add3A_1489 : i32 to index
      %get3A_1491 = arith.constant 48 : index
      %get3A_1492 = tpu.vector_load %arg13[%get3A_1490, %get3A_1491] {strides = array<i32>} : memref<128x64xf32, #tpu.memory_space<vmem>>, vector<1x16xf32>,
      %get3A_1493 = vector.shape_cast %get3A_1492 : vector<1x16xf32> to vector<16xf32>
      %mul3A_1494 = vector.broadcast %scan3A_1412 : f32 to vector<16xf32>
      %mul3A_1495 = arith.mulf %get3A_1493, %mul3A_1494 : vector<16xf32>
      %add3A_1496 = arith.constant 0 : i32
      %add3A_1497 = arith.addi %mul3A_1422, %add3A_1496 : i32
      %swap3A_1498 = arith.index_cast %add3A_1497 : i32 to index
      %swap3A_1499 = arith.constant 48 : index
      %swap3A_1500 = tpu.vector_load %arg12[%swap3A_1498, %swap3A_1499] {strides = array<i32>} : memref<128x128xf32, #tpu.memory_space<vmem>>, vector<1x16xf32>,
      %swap3A_1501 = vector.shape_cast %swap3A_1500 : vector<1x16xf32> to vector<16xf32>
      %swap3A_1502 = vector.shape_cast %mul3A_1495 : vector<16xf32> to vector<1x16xf32>
      tpu.vector_store %arg12[%swap3A_1498, %swap3A_1499], %swap3A_1502 {strides = array<i32>} : memref<128x128xf32, #tpu.memory_space<vmem>>, vector<1x16xf32>,
      %add3A_1503 = arith.constant 0 : i32
      %add3A_1504 = arith.addi %mul3A_1422, %add3A_1503 : i32
      %swap3A_1505 = arith.index_cast %add3A_1504 : i32 to index
      %swap3A_1506 = arith.constant 112 : index
      %swap3A_1507 = tpu.vector_load %arg12[%swap3A_1505, %swap3A_1506] {strides = array<i32>} : memref<128x128xf32, #tpu.memory_space<vmem>>, vector<1x16xf32>,
      %swap3A_1508 = vector.shape_cast %swap3A_1507 : vector<1x16xf32> to vector<16xf32>
      %swap3A_1509 = vector.shape_cast %broadcast_in_dim3A_1423 : vector<16xf32> to vector<1x16xf32>
      tpu.vector_store %arg12[%swap3A_1505, %swap3A_1506], %swap3A_1509 {strides = array<i32>} : memref<128x128xf32, #tpu.memory_space<vmem>>, vector<1x16xf32>,
      %add3A_1510 = arith.constant 1 : i32
      %add3A_1511 = arith.addi %mul3A_1422, %add3A_1510 : i32
      %get3A_1512 = arith.index_cast %add3A_1511 : i32 to index
      %get3A_1513 = arith.constant 0 : index
      %get3A_1514 = tpu.vector_load %arg13[%get3A_1512, %get3A_1513] {strides = array<i32>} : memref<128x64xf32, #tpu.memory_space<vmem>>, vector<1x16xf32>,
      %get3A_1515 = vector.shape_cast %get3A_1514 : vector<1x16xf32> to vector<16xf32>
      %mul3A_1516 = vector.broadcast %scan3A_1412 : f32 to vector<16xf32>
      %mul3A_1517 = arith.mulf %get3A_1515, %mul3A_1516 : vector<16xf32>
      %add3A_1518 = arith.constant 1 : i32
      %add3A_1519 = arith.addi %mul3A_1422, %add3A_1518 : i32
      %swap3A_1520 = arith.index_cast %add3A_1519 : i32 to index
      %swap3A_1521 = arith.constant 0 : index
      %swap3A_1522 = tpu.vector_load %arg12[%swap3A_1520, %swap3A_1521] {strides = array<i32>} : memref<128x128xf32, #tpu.memory_space<vmem>>, vector<1x16xf32>,
      %swap3A_1523 = vector.shape_cast %swap3A_1522 : vector<1x16xf32> to vector<16xf32>
      %swap3A_1524 = vector.shape_cast %mul3A_1517 : vector<16xf32> to vector<1x16xf32>
      tpu.vector_store %arg12[%swap3A_1520, %swap3A_1521], %swap3A_1524 {strides = array<i32>} : memref<128x128xf32, #tpu.memory_space<vmem>>, vector<1x16xf32>,
      %add3A_1525 = arith.constant 1 : i32
      %add3A_1526 = arith.addi %mul3A_1422, %add3A_1525 : i32
      %swap3A_1527 = arith.index_cast %add3A_1526 : i32 to index
      %swap3A_1528 = arith.constant 64 : index
      %swap3A_1529 = tpu.vector_load %arg12[%swap3A_1527, %swap3A_1528] {strides = array<i32>} : memref<128x128xf32, #tpu.memory_space<vmem>>, vector<1x16xf32>,
      %swap3A_1530 = vector.shape_cast %swap3A_1529 : vector<1x16xf32> to vector<16xf32>
      %swap3A_1531 = vector.shape_cast %broadcast_in_dim3A_1423 : vector<16xf32> to vector<1x16xf32>
      tpu.vector_store %arg12[%swap3A_1527, %swap3A_1528], %swap3A_1531 {strides = array<i32>} : memref<128x128xf32, #tpu.memory_space<vmem>>, vector<1x16xf32>,
      %add3A_1532 = arith.constant 1 : i32
      %add3A_1533 = arith.addi %mul3A_1422, %add3A_1532 : i32
      %get3A_1534 = arith.index_cast %add3A_1533 : i32 to index
      %get3A_1535 = arith.constant 16 : index
      %get3A_1536 = tpu.vector_load %arg13[%get3A_1534, %get3A_1535] {strides = array<i32>} : memref<128x64xf32, #tpu.memory_space<vmem>>, vector<1x16xf32>,
      %get3A_1537 = vector.shape_cast %get3A_1536 : vector<1x16xf32> to vector<16xf32>
      %mul3A_1538 = vector.broadcast %scan3A_1412 : f32 to vector<16xf32>
      %mul3A_1539 = arith.mulf %get3A_1537, %mul3A_1538 : vector<16xf32>
      %add3A_1540 = arith.constant 1 : i32
      %add3A_1541 = arith.addi %mul3A_1422, %add3A_1540 : i32
      %swap3A_1542 = arith.index_cast %add3A_1541 : i32 to index
      %swap3A_1543 = arith.constant 16 : index
      %swap3A_1544 = tpu.vector_load %arg12[%swap3A_1542, %swap3A_1543] {strides = array<i32>} : memref<128x128xf32, #tpu.memory_space<vmem>>, vector<1x16xf32>,
      %swap3A_1545 = vector.shape_cast %swap3A_1544 : vector<1x16xf32> to vector<16xf32>
      %swap3A_1546 = vector.shape_cast %mul3A_1539 : vector<16xf32> to vector<1x16xf32>
      tpu.vector_store %arg12[%swap3A_1542, %swap3A_1543], %swap3A_1546 {strides = array<i32>} : memref<128x128xf32, #tpu.memory_space<vmem>>, vector<1x16xf32>,
      %add3A_1547 = arith.constant 1 : i32
      %add3A_1548 = arith.addi %mul3A_1422, %add3A_1547 : i32
      %swap3A_1549 = arith.index_cast %add3A_1548 : i32 to index
      %swap3A_1550 = arith.constant 80 : index
      %swap3A_1551 = tpu.vector_load %arg12[%swap3A_1549, %swap3A_1550] {strides = array<i32>} : memref<128x128xf32, #tpu.memory_space<vmem>>, vector<1x16xf32>,
      %swap3A_1552 = vector.shape_cast %swap3A_1551 : vector<1x16xf32> to vector<16xf32>
      %swap3A_1553 = vector.shape_cast %broadcast_in_dim3A_1423 : vector<16xf32> to vector<1x16xf32>
      tpu.vector_store %arg12[%swap3A_1549, %swap3A_1550], %swap3A_1553 {strides = array<i32>} : memref<128x128xf32, #tpu.memory_space<vmem>>, vector<1x16xf32>,
      %add3A_1554 = arith.constant 1 : i32
      %add3A_1555 = arith.addi %mul3A_1422, %add3A_1554 : i32
      %get3A_1556 = arith.index_cast %add3A_1555 : i32 to index
      %get3A_1557 = arith.constant 32 : index
      %get3A_1558 = tpu.vector_load %arg13[%get3A_1556, %get3A_1557] {strides = array<i32>} : memref<128x64xf32, #tpu.memory_space<vmem>>, vector<1x16xf32>,
      %get3A_1559 = vector.shape_cast %get3A_1558 : vector<1x16xf32> to vector<16xf32>
      %mul3A_1560 = vector.broadcast %scan3A_1412 : f32 to vector<16xf32>
      %mul3A_1561 = arith.mulf %get3A_1559, %mul3A_1560 : vector<16xf32>
      %add3A_1562 = arith.constant 1 : i32
      %add3A_1563 = arith.addi %mul3A_1422, %add3A_1562 : i32
      %swap3A_1564 = arith.index_cast %add3A_1563 : i32 to index
      %swap3A_1565 = arith.constant 32 : index
      %swap3A_1566 = tpu.vector_load %arg12[%swap3A_1564, %swap3A_1565] {strides = array<i32>} : memref<128x128xf32, #tpu.memory_space<vmem>>, vector<1x16xf32>,
      %swap3A_1567 = vector.shape_cast %swap3A_1566 : vector<1x16xf32> to vector<16xf32>
      %swap3A_1568 = vector.shape_cast %mul3A_1561 : vector<16xf32> to vector<1x16xf32>
      tpu.vector_store %arg12[%swap3A_1564, %swap3A_1565], %swap3A_1568 {strides = array<i32>} : memref<128x128xf32, #tpu.memory_space<vmem>>, vector<1x16xf32>,
      %add3A_1569 = arith.constant 1 : i32
      %add3A_1570 = arith.addi %mul3A_1422, %add3A_1569 : i32
      %swap3A_1571 = arith.index_cast %add3A_1570 : i32 to index
      %swap3A_1572 = arith.constant 96 : index
      %swap3A_1573 = tpu.vector_load %arg12[%swap3A_1571, %swap3A_1572] {strides = array<i32>} : memref<128x128xf32, #tpu.memory_space<vmem>>, vector<1x16xf32>,
      %swap3A_1574 = vector.shape_cast %swap3A_1573 : vector<1x16xf32> to vector<16xf32>
      %swap3A_1575 = vector.shape_cast %broadcast_in_dim3A_1423 : vector<16xf32> to vector<1x16xf32>
      tpu.vector_store %arg12[%swap3A_1571, %swap3A_1572], %swap3A_1575 {strides = array<i32>} : memref<128x128xf32, #tpu.memory_space<vmem>>, vector<1x16xf32>,
      %add3A_1576 = arith.constant 1 : i32
      %add3A_1577 = arith.addi %mul3A_1422, %add3A_1576 : i32
      %get3A_1578 = arith.index_cast %add3A_1577 : i32 to index
      %get3A_1579 = arith.constant 48 : index
      %get3A_1580 = tpu.vector_load %arg13[%get3A_1578, %get3A_1579] {strides = array<i32>} : memref<128x64xf32, #tpu.memory_space<vmem>>, vector<1x16xf32>,
      %get3A_1581 = vector.shape_cast %get3A_1580 : vector<1x16xf32> to vector<16xf32>
      %mul3A_1582 = vector.broadcast %scan3A_1412 : f32 to vector<16xf32>
      %mul3A_1583 = arith.mulf %get3A_1581, %mul3A_1582 : vector<16xf32>
      %add3A_1584 = arith.constant 1 : i32
      %add3A_1585 = arith.addi %mul3A_1422, %add3A_1584 : i32
      %swap3A_1586 = arith.index_cast %add3A_1585 : i32 to index
      %swap3A_1587 = arith.constant 48 : index
      %swap3A_1588 = tpu.vector_load %arg12[%swap3A_1586, %swap3A_1587] {strides = array<i32>} : memref<128x128xf32, #tpu.memory_space<vmem>>, vector<1x16xf32>,
      %swap3A_1589 = vector.shape_cast %swap3A_1588 : vector<1x16xf32> to vector<16xf32>
      %swap3A_1590 = vector.shape_cast %mul3A_1583 : vector<16xf32> to vector<1x16xf32>
      tpu.vector_store %arg12[%swap3A_1586, %swap3A_1587], %swap3A_1590 {strides = array<i32>} : memref<128x128xf32, #tpu.memory_space<vmem>>, vector<1x16xf32>,
      %add3A_1591 = arith.constant 1 : i32
      %add3A_1592 = arith.addi %mul3A_1422, %add3A_1591 : i32
      %swap3A_1593 = arith.index_cast %add3A_1592 : i32 to index
      %swap3A_1594 = arith.constant 112 : index
      %swap3A_1595 = tpu.vector_load %arg12[%swap3A_1593, %swap3A_1594] {strides = array<i32>} : memref<128x128xf32, #tpu.memory_space<vmem>>, vector<1x16xf32>,
      %swap3A_1596 = vector.shape_cast %swap3A_1595 : vector<1x16xf32> to vector<16xf32>
      %swap3A_1597 = vector.shape_cast %broadcast_in_dim3A_1423 : vector<16xf32> to vector<1x16xf32>
      tpu.vector_store %arg12[%swap3A_1593, %swap3A_1594], %swap3A_1597 {strides = array<i32>} : memref<128x128xf32, #tpu.memory_space<vmem>>, vector<1x16xf32>,
      %add3A_1598 = arith.constant 2 : i32
      %add3A_1599 = arith.addi %mul3A_1422, %add3A_1598 : i32
      %get3A_1600 = arith.index_cast %add3A_1599 : i32 to index
      %get3A_1601 = arith.constant 0 : index
      %get3A_1602 = tpu.vector_load %arg13[%get3A_1600, %get3A_1601] {strides = array<i32>} : memref<128x64xf32, #tpu.memory_space<vmem>>, vector<1x16xf32>,
      %get3A_1603 = vector.shape_cast %get3A_1602 : vector<1x16xf32> to vector<16xf32>
      %mul3A_1604 = vector.broadcast %scan3A_1412 : f32 to vector<16xf32>
      %mul3A_1605 = arith.mulf %get3A_1603, %mul3A_1604 : vector<16xf32>
      %add3A_1606 = arith.constant 2 : i32
      %add3A_1607 = arith.addi %mul3A_1422, %add3A_1606 : i32
      %swap3A_1608 = arith.index_cast %add3A_1607 : i32 to index
      %swap3A_1609 = arith.constant 0 : index
      %swap3A_1610 = tpu.vector_load %arg12[%swap3A_1608, %swap3A_1609] {strides = array<i32>} : memref<128x128xf32, #tpu.memory_space<vmem>>, vector<1x16xf32>,
      %swap3A_1611 = vector.shape_cast %swap3A_1610 : vector<1x16xf32> to vector<16xf32>
      %swap3A_1612 = vector.shape_cast %mul3A_1605 : vector<16xf32> to vector<1x16xf32>
      tpu.vector_store %arg12[%swap3A_1608, %swap3A_1609], %swap3A_1612 {strides = array<i32>} : memref<128x128xf32, #tpu.memory_space<vmem>>, vector<1x16xf32>,
      %add3A_1613 = arith.constant 2 : i32
      %add3A_1614 = arith.addi %mul3A_1422, %add3A_1613 : i32
      %swap3A_1615 = arith.index_cast %add3A_1614 : i32 to index
      %swap3A_1616 = arith.constant 64 : index
      %swap3A_1617 = tpu.vector_load %arg12[%swap3A_1615, %swap3A_1616] {strides = array<i32>} : memref<128x128xf32, #tpu.memory_space<vmem>>, vector<1x16xf32>,
      %swap3A_1618 = vector.shape_cast %swap3A_1617 : vector<1x16xf32> to vector<16xf32>
      %swap3A_1619 = vector.shape_cast %broadcast_in_dim3A_1423 : vector<16xf32> to vector<1x16xf32>
      tpu.vector_store %arg12[%swap3A_1615, %swap3A_1616], %swap3A_1619 {strides = array<i32>} : memref<128x128xf32, #tpu.memory_space<vmem>>, vector<1x16xf32>,
      %add3A_1620 = arith.constant 2 : i32
      %add3A_1621 = arith.addi %mul3A_1422, %add3A_1620 : i32
      %get3A_1622 = arith.index_cast %add3A_1621 : i32 to index
      %get3A_1623 = arith.constant 16 : index
      %get3A_1624 = tpu.vector_load %arg13[%get3A_1622, %get3A_1623] {strides = array<i32>} : memref<128x64xf32, #tpu.memory_space<vmem>>, vector<1x16xf32>,
      %get3A_1625 = vector.shape_cast %get3A_1624 : vector<1x16xf32> to vector<16xf32>
      %mul3A_1626 = vector.broadcast %scan3A_1412 : f32 to vector<16xf32>
      %mul3A_1627 = arith.mulf %get3A_1625, %mul3A_1626 : vector<16xf32>
      %add3A_1628 = arith.constant 2 : i32
      %add3A_1629 = arith.addi %mul3A_1422, %add3A_1628 : i32
      %swap3A_1630 = arith.index_cast %add3A_1629 : i32 to index
      %swap3A_1631 = arith.constant 16 : index
      %swap3A_1632 = tpu.vector_load %arg12[%swap3A_1630, %swap3A_1631] {strides = array<i32>} : memref<128x128xf32, #tpu.memory_space<vmem>>, vector<1x16xf32>,
      %swap3A_1633 = vector.shape_cast %swap3A_1632 : vector<1x16xf32> to vector<16xf32>
      %swap3A_1634 = vector.shape_cast %mul3A_1627 : vector<16xf32> to vector<1x16xf32>
      tpu.vector_store %arg12[%swap3A_1630, %swap3A_1631], %swap3A_1634 {strides = array<i32>} : memref<128x128xf32, #tpu.memory_space<vmem>>, vector<1x16xf32>,
      %add3A_1635 = arith.constant 2 : i32
      %add3A_1636 = arith.addi %mul3A_1422, %add3A_1635 : i32
      %swap3A_1637 = arith.index_cast %add3A_1636 : i32 to index
      %swap3A_1638 = arith.constant 80 : index
      %swap3A_1639 = tpu.vector_load %arg12[%swap3A_1637, %swap3A_1638] {strides = array<i32>} : memref<128x128xf32, #tpu.memory_space<vmem>>, vector<1x16xf32>,
      %swap3A_1640 = vector.shape_cast %swap3A_1639 : vector<1x16xf32> to vector<16xf32>
      %swap3A_1641 = vector.shape_cast %broadcast_in_dim3A_1423 : vector<16xf32> to vector<1x16xf32>
      tpu.vector_store %arg12[%swap3A_1637, %swap3A_1638], %swap3A_1641 {strides = array<i32>} : memref<128x128xf32, #tpu.memory_space<vmem>>, vector<1x16xf32>,
      %add3A_1642 = arith.constant 2 : i32
      %add3A_1643 = arith.addi %mul3A_1422, %add3A_1642 : i32
      %get3A_1644 = arith.index_cast %add3A_1643 : i32 to index
      %get3A_1645 = arith.constant 32 : index
      %get3A_1646 = tpu.vector_load %arg13[%get3A_1644, %get3A_1645] {strides = array<i32>} : memref<128x64xf32, #tpu.memory_space<vmem>>, vector<1x16xf32>,
      %get3A_1647 = vector.shape_cast %get3A_1646 : vector<1x16xf32> to vector<16xf32>
      %mul3A_1648 = vector.broadcast %scan3A_1412 : f32 to vector<16xf32>
      %mul3A_1649 = arith.mulf %get3A_1647, %mul3A_1648 : vector<16xf32>
      %add3A_1650 = arith.constant 2 : i32
      %add3A_1651 = arith.addi %mul3A_1422, %add3A_1650 : i32
      %swap3A_1652 = arith.index_cast %add3A_1651 : i32 to index
      %swap3A_1653 = arith.constant 32 : index
      %swap3A_1654 = tpu.vector_load %arg12[%swap3A_1652, %swap3A_1653] {strides = array<i32>} : memref<128x128xf32, #tpu.memory_space<vmem>>, vector<1x16xf32>,
      %swap3A_1655 = vector.shape_cast %swap3A_1654 : vector<1x16xf32> to vector<16xf32>
      %swap3A_1656 = vector.shape_cast %mul3A_1649 : vector<16xf32> to vector<1x16xf32>
      tpu.vector_store %arg12[%swap3A_1652, %swap3A_1653], %swap3A_1656 {strides = array<i32>} : memref<128x128xf32, #tpu.memory_space<vmem>>, vector<1x16xf32>,
      %add3A_1657 = arith.constant 2 : i32
      %add3A_1658 = arith.addi %mul3A_1422, %add3A_1657 : i32
      %swap3A_1659 = arith.index_cast %add3A_1658 : i32 to index
      %swap3A_1660 = arith.constant 96 : index
      %swap3A_1661 = tpu.vector_load %arg12[%swap3A_1659, %swap3A_1660] {strides = array<i32>} : memref<128x128xf32, #tpu.memory_space<vmem>>, vector<1x16xf32>,
      %swap3A_1662 = vector.shape_cast %swap3A_1661 : vector<1x16xf32> to vector<16xf32>
      %swap3A_1663 = vector.shape_cast %broadcast_in_dim3A_1423 : vector<16xf32> to vector<1x16xf32>
      tpu.vector_store %arg12[%swap3A_1659, %swap3A_1660], %swap3A_1663 {strides = array<i32>} : memref<128x128xf32, #tpu.memory_space<vmem>>, vector<1x16xf32>,
      %add3A_1664 = arith.constant 2 : i32
      %add3A_1665 = arith.addi %mul3A_1422, %add3A_1664 : i32
      %get3A_1666 = arith.index_cast %add3A_1665 : i32 to index
      %get3A_1667 = arith.constant 48 : index
      %get3A_1668 = tpu.vector_load %arg13[%get3A_1666, %get3A_1667] {strides = array<i32>} : memref<128x64xf32, #tpu.memory_space<vmem>>, vector<1x16xf32>,
      %get3A_1669 = vector.shape_cast %get3A_1668 : vector<1x16xf32> to vector<16xf32>
      %mul3A_1670 = vector.broadcast %scan3A_1412 : f32 to vector<16xf32>
      %mul3A_1671 = arith.mulf %get3A_1669, %mul3A_1670 : vector<16xf32>
      %add3A_1672 = arith.constant 2 : i32
      %add3A_1673 = arith.addi %mul3A_1422, %add3A_1672 : i32
      %swap3A_1674 = arith.index_cast %add3A_1673 : i32 to index
      %swap3A_1675 = arith.constant 48 : index
      %swap3A_1676 = tpu.vector_load %arg12[%swap3A_1674, %swap3A_1675] {strides = array<i32>} : memref<128x128xf32, #tpu.memory_space<vmem>>, vector<1x16xf32>,
      %swap3A_1677 = vector.shape_cast %swap3A_1676 : vector<1x16xf32> to vector<16xf32>
      %swap3A_1678 = vector.shape_cast %mul3A_1671 : vector<16xf32> to vector<1x16xf32>
      tpu.vector_store %arg12[%swap3A_1674, %swap3A_1675], %swap3A_1678 {strides = array<i32>} : memref<128x128xf32, #tpu.memory_space<vmem>>, vector<1x16xf32>,
      %add3A_1679 = arith.constant 2 : i32
      %add3A_1680 = arith.addi %mul3A_1422, %add3A_1679 : i32
      %swap3A_1681 = arith.index_cast %add3A_1680 : i32 to index
      %swap3A_1682 = arith.constant 112 : index
      %swap3A_1683 = tpu.vector_load %arg12[%swap3A_1681, %swap3A_1682] {strides = array<i32>} : memref<128x128xf32, #tpu.memory_space<vmem>>, vector<1x16xf32>,
      %swap3A_1684 = vector.shape_cast %swap3A_1683 : vector<1x16xf32> to vector<16xf32>
      %swap3A_1685 = vector.shape_cast %broadcast_in_dim3A_1423 : vector<16xf32> to vector<1x16xf32>
      tpu.vector_store %arg12[%swap3A_1681, %swap3A_1682], %swap3A_1685 {strides = array<i32>} : memref<128x128xf32, #tpu.memory_space<vmem>>, vector<1x16xf32>,
      %add3A_1686 = arith.constant 3 : i32
      %add3A_1687 = arith.addi %mul3A_1422, %add3A_1686 : i32
      %get3A_1688 = arith.index_cast %add3A_1687 : i32 to index
      %get3A_1689 = arith.constant 0 : index
      %get3A_1690 = tpu.vector_load %arg13[%get3A_1688, %get3A_1689] {strides = array<i32>} : memref<128x64xf32, #tpu.memory_space<vmem>>, vector<1x16xf32>,
      %get3A_1691 = vector.shape_cast %get3A_1690 : vector<1x16xf32> to vector<16xf32>
      %mul3A_1692 = vector.broadcast %scan3A_1412 : f32 to vector<16xf32>
      %mul3A_1693 = arith.mulf %get3A_1691, %mul3A_1692 : vector<16xf32>
      %add3A_1694 = arith.constant 3 : i32
      %add3A_1695 = arith.addi %mul3A_1422, %add3A_1694 : i32
      %swap3A_1696 = arith.index_cast %add3A_1695 : i32 to index
      %swap3A_1697 = arith.constant 0 : index
      %swap3A_1698 = tpu.vector_load %arg12[%swap3A_1696, %swap3A_1697] {strides = array<i32>} : memref<128x128xf32, #tpu.memory_space<vmem>>, vector<1x16xf32>,
      %swap3A_1699 = vector.shape_cast %swap3A_1698 : vector<1x16xf32> to vector<16xf32>
      %swap3A_1700 = vector.shape_cast %mul3A_1693 : vector<16xf32> to vector<1x16xf32>
      tpu.vector_store %arg12[%swap3A_1696, %swap3A_1697], %swap3A_1700 {strides = array<i32>} : memref<128x128xf32, #tpu.memory_space<vmem>>, vector<1x16xf32>,
      %add3A_1701 = arith.constant 3 : i32
      %add3A_1702 = arith.addi %mul3A_1422, %add3A_1701 : i32
      %swap3A_1703 = arith.index_cast %add3A_1702 : i32 to index
      %swap3A_1704 = arith.constant 64 : index
      %swap3A_1705 = tpu.vector_load %arg12[%swap3A_1703, %swap3A_1704] {strides = array<i32>} : memref<128x128xf32, #tpu.memory_space<vmem>>, vector<1x16xf32>,
      %swap3A_1706 = vector.shape_cast %swap3A_1705 : vector<1x16xf32> to vector<16xf32>
      %swap3A_1707 = vector.shape_cast %broadcast_in_dim3A_1423 : vector<16xf32> to vector<1x16xf32>
      tpu.vector_store %arg12[%swap3A_1703, %swap3A_1704], %swap3A_1707 {strides = array<i32>} : memref<128x128xf32, #tpu.memory_space<vmem>>, vector<1x16xf32>,
      %add3A_1708 = arith.constant 3 : i32
      %add3A_1709 = arith.addi %mul3A_1422, %add3A_1708 : i32
      %get3A_1710 = arith.index_cast %add3A_1709 : i32 to index
      %get3A_1711 = arith.constant 16 : index
      %get3A_1712 = tpu.vector_load %arg13[%get3A_1710, %get3A_1711] {strides = array<i32>} : memref<128x64xf32, #tpu.memory_space<vmem>>, vector<1x16xf32>,
      %get3A_1713 = vector.shape_cast %get3A_1712 : vector<1x16xf32> to vector<16xf32>
      %mul3A_1714 = vector.broadcast %scan3A_1412 : f32 to vector<16xf32>
      %mul3A_1715 = arith.mulf %get3A_1713, %mul3A_1714 : vector<16xf32>
      %add3A_1716 = arith.constant 3 : i32
      %add3A_1717 = arith.addi %mul3A_1422, %add3A_1716 : i32
      %swap3A_1718 = arith.index_cast %add3A_1717 : i32 to index
      %swap3A_1719 = arith.constant 16 : index
      %swap3A_1720 = tpu.vector_load %arg12[%swap3A_1718, %swap3A_1719] {strides = array<i32>} : memref<128x128xf32, #tpu.memory_space<vmem>>, vector<1x16xf32>,
      %swap3A_1721 = vector.shape_cast %swap3A_1720 : vector<1x16xf32> to vector<16xf32>
      %swap3A_1722 = vector.shape_cast %mul3A_1715 : vector<16xf32> to vector<1x16xf32>
      tpu.vector_store %arg12[%swap3A_1718, %swap3A_1719], %swap3A_1722 {strides = array<i32>} : memref<128x128xf32, #tpu.memory_space<vmem>>, vector<1x16xf32>,
      %add3A_1723 = arith.constant 3 : i32
      %add3A_1724 = arith.addi %mul3A_1422, %add3A_1723 : i32
      %swap3A_1725 = arith.index_cast %add3A_1724 : i32 to index
      %swap3A_1726 = arith.constant 80 : index
      %swap3A_1727 = tpu.vector_load %arg12[%swap3A_1725, %swap3A_1726] {strides = array<i32>} : memref<128x128xf32, #tpu.memory_space<vmem>>, vector<1x16xf32>,
      %swap3A_1728 = vector.shape_cast %swap3A_1727 : vector<1x16xf32> to vector<16xf32>
      %swap3A_1729 = vector.shape_cast %broadcast_in_dim3A_1423 : vector<16xf32> to vector<1x16xf32>
      tpu.vector_store %arg12[%swap3A_1725, %swap3A_1726], %swap3A_1729 {strides = array<i32>} : memref<128x128xf32, #tpu.memory_space<vmem>>, vector<1x16xf32>,
      %add3A_1730 = arith.constant 3 : i32
      %add3A_1731 = arith.addi %mul3A_1422, %add3A_1730 : i32
      %get3A_1732 = arith.index_cast %add3A_1731 : i32 to index
      %get3A_1733 = arith.constant 32 : index
      %get3A_1734 = tpu.vector_load %arg13[%get3A_1732, %get3A_1733] {strides = array<i32>} : memref<128x64xf32, #tpu.memory_space<vmem>>, vector<1x16xf32>,
      %get3A_1735 = vector.shape_cast %get3A_1734 : vector<1x16xf32> to vector<16xf32>
      %mul3A_1736 = vector.broadcast %scan3A_1412 : f32 to vector<16xf32>
      %mul3A_1737 = arith.mulf %get3A_1735, %mul3A_1736 : vector<16xf32>
      %add3A_1738 = arith.constant 3 : i32
      %add3A_1739 = arith.addi %mul3A_1422, %add3A_1738 : i32
      %swap3A_1740 = arith.index_cast %add3A_1739 : i32 to index
      %swap3A_1741 = arith.constant 32 : index
      %swap3A_1742 = tpu.vector_load %arg12[%swap3A_1740, %swap3A_1741] {strides = array<i32>} : memref<128x128xf32, #tpu.memory_space<vmem>>, vector<1x16xf32>,
      %swap3A_1743 = vector.shape_cast %swap3A_1742 : vector<1x16xf32> to vector<16xf32>
      %swap3A_1744 = vector.shape_cast %mul3A_1737 : vector<16xf32> to vector<1x16xf32>
      tpu.vector_store %arg12[%swap3A_1740, %swap3A_1741], %swap3A_1744 {strides = array<i32>} : memref<128x128xf32, #tpu.memory_space<vmem>>, vector<1x16xf32>,
      %add3A_1745 = arith.constant 3 : i32
      %add3A_1746 = arith.addi %mul3A_1422, %add3A_1745 : i32
      %swap3A_1747 = arith.index_cast %add3A_1746 : i32 to index
      %swap3A_1748 = arith.constant 96 : index
      %swap3A_1749 = tpu.vector_load %arg12[%swap3A_1747, %swap3A_1748] {strides = array<i32>} : memref<128x128xf32, #tpu.memory_space<vmem>>, vector<1x16xf32>,
      %swap3A_1750 = vector.shape_cast %swap3A_1749 : vector<1x16xf32> to vector<16xf32>
      %swap3A_1751 = vector.shape_cast %broadcast_in_dim3A_1423 : vector<16xf32> to vector<1x16xf32>
      tpu.vector_store %arg12[%swap3A_1747, %swap3A_1748], %swap3A_1751 {strides = array<i32>} : memref<128x128xf32, #tpu.memory_space<vmem>>, vector<1x16xf32>,
      %add3A_1752 = arith.constant 3 : i32
      %add3A_1753 = arith.addi %mul3A_1422, %add3A_1752 : i32
      %get3A_1754 = arith.index_cast %add3A_1753 : i32 to index
      %get3A_1755 = arith.constant 48 : index
      %get3A_1756 = tpu.vector_load %arg13[%get3A_1754, %get3A_1755] {strides = array<i32>} : memref<128x64xf32, #tpu.memory_space<vmem>>, vector<1x16xf32>,
      %get3A_1757 = vector.shape_cast %get3A_1756 : vector<1x16xf32> to vector<16xf32>
      %mul3A_1758 = vector.broadcast %scan3A_1412 : f32 to vector<16xf32>
      %mul3A_1759 = arith.mulf %get3A_1757, %mul3A_1758 : vector<16xf32>
      %add3A_1760 = arith.constant 3 : i32
      %add3A_1761 = arith.addi %mul3A_1422, %add3A_1760 : i32
      %swap3A_1762 = arith.index_cast %add3A_1761 : i32 to index
      %swap3A_1763 = arith.constant 48 : index
      %swap3A_1764 = tpu.vector_load %arg12[%swap3A_1762, %swap3A_1763] {strides = array<i32>} : memref<128x128xf32, #tpu.memory_space<vmem>>, vector<1x16xf32>,
      %swap3A_1765 = vector.shape_cast %swap3A_1764 : vector<1x16xf32> to vector<16xf32>
      %swap3A_1766 = vector.shape_cast %mul3A_1759 : vector<16xf32> to vector<1x16xf32>
      tpu.vector_store %arg12[%swap3A_1762, %swap3A_1763], %swap3A_1766 {strides = array<i32>} : memref<128x128xf32, #tpu.memory_space<vmem>>, vector<1x16xf32>,
      %add3A_1767 = arith.constant 3 : i32
      %add3A_1768 = arith.addi %mul3A_1422, %add3A_1767 : i32
      %swap3A_1769 = arith.index_cast %add3A_1768 : i32 to index
      %swap3A_1770 = arith.constant 112 : index
      %swap3A_1771 = tpu.vector_load %arg12[%swap3A_1769, %swap3A_1770] {strides = array<i32>} : memref<128x128xf32, #tpu.memory_space<vmem>>, vector<1x16xf32>,
      %swap3A_1772 = vector.shape_cast %swap3A_1771 : vector<1x16xf32> to vector<16xf32>
      %swap3A_1773 = vector.shape_cast %broadcast_in_dim3A_1423 : vector<16xf32> to vector<1x16xf32>
      tpu.vector_store %arg12[%swap3A_1769, %swap3A_1770], %swap3A_1773 {strides = array<i32>} : memref<128x128xf32, #tpu.memory_space<vmem>>, vector<1x16xf32>,
      %add3A_1774 = arith.constant 4 : i32
      %add3A_1775 = arith.addi %mul3A_1422, %add3A_1774 : i32
      %get3A_1776 = arith.index_cast %add3A_1775 : i32 to index
      %get3A_1777 = arith.constant 0 : index
      %get3A_1778 = tpu.vector_load %arg13[%get3A_1776, %get3A_1777] {strides = array<i32>} : memref<128x64xf32, #tpu.memory_space<vmem>>, vector<1x16xf32>,
      %get3A_1779 = vector.shape_cast %get3A_1778 : vector<1x16xf32> to vector<16xf32>
      %mul3A_1780 = vector.broadcast %scan3A_1412 : f32 to vector<16xf32>
      %mul3A_1781 = arith.mulf %get3A_1779, %mul3A_1780 : vector<16xf32>
      %add3A_1782 = arith.constant 4 : i32
      %add3A_1783 = arith.addi %mul3A_1422, %add3A_1782 : i32
      %swap3A_1784 = arith.index_cast %add3A_1783 : i32 to index
      %swap3A_1785 = arith.constant 0 : index
      %swap3A_1786 = tpu.vector_load %arg12[%swap3A_1784, %swap3A_1785] {strides = array<i32>} : memref<128x128xf32, #tpu.memory_space<vmem>>, vector<1x16xf32>,
      %swap3A_1787 = vector.shape_cast %swap3A_1786 : vector<1x16xf32> to vector<16xf32>
      %swap3A_1788 = vector.shape_cast %mul3A_1781 : vector<16xf32> to vector<1x16xf32>
      tpu.vector_store %arg12[%swap3A_1784, %swap3A_1785], %swap3A_1788 {strides = array<i32>} : memref<128x128xf32, #tpu.memory_space<vmem>>, vector<1x16xf32>,
      %add3A_1789 = arith.constant 4 : i32
      %add3A_1790 = arith.addi %mul3A_1422, %add3A_1789 : i32
      %swap3A_1791 = arith.index_cast %add3A_1790 : i32 to index
      %swap3A_1792 = arith.constant 64 : index
      %swap3A_1793 = tpu.vector_load %arg12[%swap3A_1791, %swap3A_1792] {strides = array<i32>} : memref<128x128xf32, #tpu.memory_space<vmem>>, vector<1x16xf32>,
      %swap3A_1794 = vector.shape_cast %swap3A_1793 : vector<1x16xf32> to vector<16xf32>
      %swap3A_1795 = vector.shape_cast %broadcast_in_dim3A_1423 : vector<16xf32> to vector<1x16xf32>
      tpu.vector_store %arg12[%swap3A_1791, %swap3A_1792], %swap3A_1795 {strides = array<i32>} : memref<128x128xf32, #tpu.memory_space<vmem>>, vector<1x16xf32>,
      %add3A_1796 = arith.constant 4 : i32
      %add3A_1797 = arith.addi %mul3A_1422, %add3A_1796 : i32
      %get3A_1798 = arith.index_cast %add3A_1797 : i32 to index
      %get3A_1799 = arith.constant 16 : index
      %get3A_1800 = tpu.vector_load %arg13[%get3A_1798, %get3A_1799] {strides = array<i32>} : memref<128x64xf32, #tpu.memory_space<vmem>>, vector<1x16xf32>,
      %get3A_1801 = vector.shape_cast %get3A_1800 : vector<1x16xf32> to vector<16xf32>
      %mul3A_1802 = vector.broadcast %scan3A_1412 : f32 to vector<16xf32>
      %mul3A_1803 = arith.mulf %get3A_1801, %mul3A_1802 : vector<16xf32>
      %add3A_1804 = arith.constant 4 : i32
      %add3A_1805 = arith.addi %mul3A_1422, %add3A_1804 : i32
      %swap3A_1806 = arith.index_cast %add3A_1805 : i32 to index
      %swap3A_1807 = arith.constant 16 : index
      %swap3A_1808 = tpu.vector_load %arg12[%swap3A_1806, %swap3A_1807] {strides = array<i32>} : memref<128x128xf32, #tpu.memory_space<vmem>>, vector<1x16xf32>,
      %swap3A_1809 = vector.shape_cast %swap3A_1808 : vector<1x16xf32> to vector<16xf32>
      %swap3A_1810 = vector.shape_cast %mul3A_1803 : vector<16xf32> to vector<1x16xf32>
      tpu.vector_store %arg12[%swap3A_1806, %swap3A_1807], %swap3A_1810 {strides = array<i32>} : memref<128x128xf32, #tpu.memory_space<vmem>>, vector<1x16xf32>,
      %add3A_1811 = arith.constant 4 : i32
      %add3A_1812 = arith.addi %mul3A_1422, %add3A_1811 : i32
      %swap3A_1813 = arith.index_cast %add3A_1812 : i32 to index
      %swap3A_1814 = arith.constant 80 : index
      %swap3A_1815 = tpu.vector_load %arg12[%swap3A_1813, %swap3A_1814] {strides = array<i32>} : memref<128x128xf32, #tpu.memory_space<vmem>>, vector<1x16xf32>,
      %swap3A_1816 = vector.shape_cast %swap3A_1815 : vector<1x16xf32> to vector<16xf32>
      %swap3A_1817 = vector.shape_cast %broadcast_in_dim3A_1423 : vector<16xf32> to vector<1x16xf32>
      tpu.vector_store %arg12[%swap3A_1813, %swap3A_1814], %swap3A_1817 {strides = array<i32>} : memref<128x128xf32, #tpu.memory_space<vmem>>, vector<1x16xf32>,
      %add3A_1818 = arith.constant 4 : i32
      %add3A_1819 = arith.addi %mul3A_1422, %add3A_1818 : i32
      %get3A_1820 = arith.index_cast %add3A_1819 : i32 to index
      %get3A_1821 = arith.constant 32 : index
      %get3A_1822 = tpu.vector_load %arg13[%get3A_1820, %get3A_1821] {strides = array<i32>} : memref<128x64xf32, #tpu.memory_space<vmem>>, vector<1x16xf32>,
      %get3A_1823 = vector.shape_cast %get3A_1822 : vector<1x16xf32> to vector<16xf32>
      %mul3A_1824 = vector.broadcast %scan3A_1412 : f32 to vector<16xf32>
      %mul3A_1825 = arith.mulf %get3A_1823, %mul3A_1824 : vector<16xf32>
      %add3A_1826 = arith.constant 4 : i32
      %add3A_1827 = arith.addi %mul3A_1422, %add3A_1826 : i32
      %swap3A_1828 = arith.index_cast %add3A_1827 : i32 to index
      %swap3A_1829 = arith.constant 32 : index
      %swap3A_1830 = tpu.vector_load %arg12[%swap3A_1828, %swap3A_1829] {strides = array<i32>} : memref<128x128xf32, #tpu.memory_space<vmem>>, vector<1x16xf32>,
      %swap3A_1831 = vector.shape_cast %swap3A_1830 : vector<1x16xf32> to vector<16xf32>
      %swap3A_1832 = vector.shape_cast %mul3A_1825 : vector<16xf32> to vector<1x16xf32>
      tpu.vector_store %arg12[%swap3A_1828, %swap3A_1829], %swap3A_1832 {strides = array<i32>} : memref<128x128xf32, #tpu.memory_space<vmem>>, vector<1x16xf32>,
      %add3A_1833 = arith.constant 4 : i32
      %add3A_1834 = arith.addi %mul3A_1422, %add3A_1833 : i32
      %swap3A_1835 = arith.index_cast %add3A_1834 : i32 to index
      %swap3A_1836 = arith.constant 96 : index
      %swap3A_1837 = tpu.vector_load %arg12[%swap3A_1835, %swap3A_1836] {strides = array<i32>} : memref<128x128xf32, #tpu.memory_space<vmem>>, vector<1x16xf32>,
      %swap3A_1838 = vector.shape_cast %swap3A_1837 : vector<1x16xf32> to vector<16xf32>
      %swap3A_1839 = vector.shape_cast %broadcast_in_dim3A_1423 : vector<16xf32> to vector<1x16xf32>
      tpu.vector_store %arg12[%swap3A_1835, %swap3A_1836], %swap3A_1839 {strides = array<i32>} : memref<128x128xf32, #tpu.memory_space<vmem>>, vector<1x16xf32>,
      %add3A_1840 = arith.constant 4 : i32
      %add3A_1841 = arith.addi %mul3A_1422, %add3A_1840 : i32
      %get3A_1842 = arith.index_cast %add3A_1841 : i32 to index
      %get3A_1843 = arith.constant 48 : index
      %get3A_1844 = tpu.vector_load %arg13[%get3A_1842, %get3A_1843] {strides = array<i32>} : memref<128x64xf32, #tpu.memory_space<vmem>>, vector<1x16xf32>,
      %get3A_1845 = vector.shape_cast %get3A_1844 : vector<1x16xf32> to vector<16xf32>
      %mul3A_1846 = vector.broadcast %scan3A_1412 : f32 to vector<16xf32>
      %mul3A_1847 = arith.mulf %get3A_1845, %mul3A_1846 : vector<16xf32>
      %add3A_1848 = arith.constant 4 : i32
      %add3A_1849 = arith.addi %mul3A_1422, %add3A_1848 : i32
      %swap3A_1850 = arith.index_cast %add3A_1849 : i32 to index
      %swap3A_1851 = arith.constant 48 : index
      %swap3A_1852 = tpu.vector_load %arg12[%swap3A_1850, %swap3A_1851] {strides = array<i32>} : memref<128x128xf32, #tpu.memory_space<vmem>>, vector<1x16xf32>,
      %swap3A_1853 = vector.shape_cast %swap3A_1852 : vector<1x16xf32> to vector<16xf32>
      %swap3A_1854 = vector.shape_cast %mul3A_1847 : vector<16xf32> to vector<1x16xf32>
      tpu.vector_store %arg12[%swap3A_1850, %swap3A_1851], %swap3A_1854 {strides = array<i32>} : memref<128x128xf32, #tpu.memory_space<vmem>>, vector<1x16xf32>,
      %add3A_1855 = arith.constant 4 : i32
      %add3A_1856 = arith.addi %mul3A_1422, %add3A_1855 : i32
      %swap3A_1857 = arith.index_cast %add3A_1856 : i32 to index
      %swap3A_1858 = arith.constant 112 : index
      %swap3A_1859 = tpu.vector_load %arg12[%swap3A_1857, %swap3A_1858] {strides = array<i32>} : memref<128x128xf32, #tpu.memory_space<vmem>>, vector<1x16xf32>,
      %swap3A_1860 = vector.shape_cast %swap3A_1859 : vector<1x16xf32> to vector<16xf32>
      %swap3A_1861 = vector.shape_cast %broadcast_in_dim3A_1423 : vector<16xf32> to vector<1x16xf32>
      tpu.vector_store %arg12[%swap3A_1857, %swap3A_1858], %swap3A_1861 {strides = array<i32>} : memref<128x128xf32, #tpu.memory_space<vmem>>, vector<1x16xf32>,
      %add3A_1862 = arith.constant 5 : i32
      %add3A_1863 = arith.addi %mul3A_1422, %add3A_1862 : i32
      %get3A_1864 = arith.index_cast %add3A_1863 : i32 to index
      %get3A_1865 = arith.constant 0 : index
      %get3A_1866 = tpu.vector_load %arg13[%get3A_1864, %get3A_1865] {strides = array<i32>} : memref<128x64xf32, #tpu.memory_space<vmem>>, vector<1x16xf32>,
      %get3A_1867 = vector.shape_cast %get3A_1866 : vector<1x16xf32> to vector<16xf32>
      %mul3A_1868 = vector.broadcast %scan3A_1412 : f32 to vector<16xf32>
      %mul3A_1869 = arith.mulf %get3A_1867, %mul3A_1868 : vector<16xf32>
      %add3A_1870 = arith.constant 5 : i32
      %add3A_1871 = arith.addi %mul3A_1422, %add3A_1870 : i32
      %swap3A_1872 = arith.index_cast %add3A_1871 : i32 to index
      %swap3A_1873 = arith.constant 0 : index
      %swap3A_1874 = tpu.vector_load %arg12[%swap3A_1872, %swap3A_1873] {strides = array<i32>} : memref<128x128xf32, #tpu.memory_space<vmem>>, vector<1x16xf32>,
      %swap3A_1875 = vector.shape_cast %swap3A_1874 : vector<1x16xf32> to vector<16xf32>
      %swap3A_1876 = vector.shape_cast %mul3A_1869 : vector<16xf32> to vector<1x16xf32>
      tpu.vector_store %arg12[%swap3A_1872, %swap3A_1873], %swap3A_1876 {strides = array<i32>} : memref<128x128xf32, #tpu.memory_space<vmem>>, vector<1x16xf32>,
      %add3A_1877 = arith.constant 5 : i32
      %add3A_1878 = arith.addi %mul3A_1422, %add3A_1877 : i32
      %swap3A_1879 = arith.index_cast %add3A_1878 : i32 to index
      %swap3A_1880 = arith.constant 64 : index
      %swap3A_1881 = tpu.vector_load %arg12[%swap3A_1879, %swap3A_1880] {strides = array<i32>} : memref<128x128xf32, #tpu.memory_space<vmem>>, vector<1x16xf32>,
      %swap3A_1882 = vector.shape_cast %swap3A_1881 : vector<1x16xf32> to vector<16xf32>
      %swap3A_1883 = vector.shape_cast %broadcast_in_dim3A_1423 : vector<16xf32> to vector<1x16xf32>
      tpu.vector_store %arg12[%swap3A_1879, %swap3A_1880], %swap3A_1883 {strides = array<i32>} : memref<128x128xf32, #tpu.memory_space<vmem>>, vector<1x16xf32>,
      %add3A_1884 = arith.constant 5 : i32
      %add3A_1885 = arith.addi %mul3A_1422, %add3A_1884 : i32
      %get3A_1886 = arith.index_cast %add3A_1885 : i32 to index
      %get3A_1887 = arith.constant 16 : index
      %get3A_1888 = tpu.vector_load %arg13[%get3A_1886, %get3A_1887] {strides = array<i32>} : memref<128x64xf32, #tpu.memory_space<vmem>>, vector<1x16xf32>,
      %get3A_1889 = vector.shape_cast %get3A_1888 : vector<1x16xf32> to vector<16xf32>
      %mul3A_1890 = vector.broadcast %scan3A_1412 : f32 to vector<16xf32>
      %mul3A_1891 = arith.mulf %get3A_1889, %mul3A_1890 : vector<16xf32>
      %add3A_1892 = arith.constant 5 : i32
      %add3A_1893 = arith.addi %mul3A_1422, %add3A_1892 : i32
      %swap3A_1894 = arith.index_cast %add3A_1893 : i32 to index
      %swap3A_1895 = arith.constant 16 : index
      %swap3A_1896 = tpu.vector_load %arg12[%swap3A_1894, %swap3A_1895] {strides = array<i32>} : memref<128x128xf32, #tpu.memory_space<vmem>>, vector<1x16xf32>,
      %swap3A_1897 = vector.shape_cast %swap3A_1896 : vector<1x16xf32> to vector<16xf32>
      %swap3A_1898 = vector.shape_cast %mul3A_1891 : vector<16xf32> to vector<1x16xf32>
      tpu.vector_store %arg12[%swap3A_1894, %swap3A_1895], %swap3A_1898 {strides = array<i32>} : memref<128x128xf32, #tpu.memory_space<vmem>>, vector<1x16xf32>,
      %add3A_1899 = arith.constant 5 : i32
      %add3A_1900 = arith.addi %mul3A_1422, %add3A_1899 : i32
      %swap3A_1901 = arith.index_cast %add3A_1900 : i32 to index
      %swap3A_1902 = arith.constant 80 : index
      %swap3A_1903 = tpu.vector_load %arg12[%swap3A_1901, %swap3A_1902] {strides = array<i32>} : memref<128x128xf32, #tpu.memory_space<vmem>>, vector<1x16xf32>,
      %swap3A_1904 = vector.shape_cast %swap3A_1903 : vector<1x16xf32> to vector<16xf32>
      %swap3A_1905 = vector.shape_cast %broadcast_in_dim3A_1423 : vector<16xf32> to vector<1x16xf32>
      tpu.vector_store %arg12[%swap3A_1901, %swap3A_1902], %swap3A_1905 {strides = array<i32>} : memref<128x128xf32, #tpu.memory_space<vmem>>, vector<1x16xf32>,
      %add3A_1906 = arith.constant 5 : i32
      %add3A_1907 = arith.addi %mul3A_1422, %add3A_1906 : i32
      %get3A_1908 = arith.index_cast %add3A_1907 : i32 to index
      %get3A_1909 = arith.constant 32 : index
      %get3A_1910 = tpu.vector_load %arg13[%get3A_1908, %get3A_1909] {strides = array<i32>} : memref<128x64xf32, #tpu.memory_space<vmem>>, vector<1x16xf32>,
      %get3A_1911 = vector.shape_cast %get3A_1910 : vector<1x16xf32> to vector<16xf32>
      %mul3A_1912 = vector.broadcast %scan3A_1412 : f32 to vector<16xf32>
      %mul3A_1913 = arith.mulf %get3A_1911, %mul3A_1912 : vector<16xf32>
      %add3A_1914 = arith.constant 5 : i32
      %add3A_1915 = arith.addi %mul3A_1422, %add3A_1914 : i32
      %swap3A_1916 = arith.index_cast %add3A_1915 : i32 to index
      %swap3A_1917 = arith.constant 32 : index
      %swap3A_1918 = tpu.vector_load %arg12[%swap3A_1916, %swap3A_1917] {strides = array<i32>} : memref<128x128xf32, #tpu.memory_space<vmem>>, vector<1x16xf32>,
      %swap3A_1919 = vector.shape_cast %swap3A_1918 : vector<1x16xf32> to vector<16xf32>
      %swap3A_1920 = vector.shape_cast %mul3A_1913 : vector<16xf32> to vector<1x16xf32>
      tpu.vector_store %arg12[%swap3A_1916, %swap3A_1917], %swap3A_1920 {strides = array<i32>} : memref<128x128xf32, #tpu.memory_space<vmem>>, vector<1x16xf32>,
      %add3A_1921 = arith.constant 5 : i32
      %add3A_1922 = arith.addi %mul3A_1422, %add3A_1921 : i32
      %swap3A_1923 = arith.index_cast %add3A_1922 : i32 to index
      %swap3A_1924 = arith.constant 96 : index
      %swap3A_1925 = tpu.vector_load %arg12[%swap3A_1923, %swap3A_1924] {strides = array<i32>} : memref<128x128xf32, #tpu.memory_space<vmem>>, vector<1x16xf32>,
      %swap3A_1926 = vector.shape_cast %swap3A_1925 : vector<1x16xf32> to vector<16xf32>
      %swap3A_1927 = vector.shape_cast %broadcast_in_dim3A_1423 : vector<16xf32> to vector<1x16xf32>
      tpu.vector_store %arg12[%swap3A_1923, %swap3A_1924], %swap3A_1927 {strides = array<i32>} : memref<128x128xf32, #tpu.memory_space<vmem>>, vector<1x16xf32>,
      %add3A_1928 = arith.constant 5 : i32
      %add3A_1929 = arith.addi %mul3A_1422, %add3A_1928 : i32
      %get3A_1930 = arith.index_cast %add3A_1929 : i32 to index
      %get3A_1931 = arith.constant 48 : index
      %get3A_1932 = tpu.vector_load %arg13[%get3A_1930, %get3A_1931] {strides = array<i32>} : memref<128x64xf32, #tpu.memory_space<vmem>>, vector<1x16xf32>,
      %get3A_1933 = vector.shape_cast %get3A_1932 : vector<1x16xf32> to vector<16xf32>
      %mul3A_1934 = vector.broadcast %scan3A_1412 : f32 to vector<16xf32>
      %mul3A_1935 = arith.mulf %get3A_1933, %mul3A_1934 : vector<16xf32>
      %add3A_1936 = arith.constant 5 : i32
      %add3A_1937 = arith.addi %mul3A_1422, %add3A_1936 : i32
      %swap3A_1938 = arith.index_cast %add3A_1937 : i32 to index
      %swap3A_1939 = arith.constant 48 : index
      %swap3A_1940 = tpu.vector_load %arg12[%swap3A_1938, %swap3A_1939] {strides = array<i32>} : memref<128x128xf32, #tpu.memory_space<vmem>>, vector<1x16xf32>,
      %swap3A_1941 = vector.shape_cast %swap3A_1940 : vector<1x16xf32> to vector<16xf32>
      %swap3A_1942 = vector.shape_cast %mul3A_1935 : vector<16xf32> to vector<1x16xf32>
      tpu.vector_store %arg12[%swap3A_1938, %swap3A_1939], %swap3A_1942 {strides = array<i32>} : memref<128x128xf32, #tpu.memory_space<vmem>>, vector<1x16xf32>,
      %add3A_1943 = arith.constant 5 : i32
      %add3A_1944 = arith.addi %mul3A_1422, %add3A_1943 : i32
      %swap3A_1945 = arith.index_cast %add3A_1944 : i32 to index
      %swap3A_1946 = arith.constant 112 : index
      %swap3A_1947 = tpu.vector_load %arg12[%swap3A_1945, %swap3A_1946] {strides = array<i32>} : memref<128x128xf32, #tpu.memory_space<vmem>>, vector<1x16xf32>,
      %swap3A_1948 = vector.shape_cast %swap3A_1947 : vector<1x16xf32> to vector<16xf32>
      %swap3A_1949 = vector.shape_cast %broadcast_in_dim3A_1423 : vector<16xf32> to vector<1x16xf32>
      tpu.vector_store %arg12[%swap3A_1945, %swap3A_1946], %swap3A_1949 {strides = array<i32>} : memref<128x128xf32, #tpu.memory_space<vmem>>, vector<1x16xf32>,
      %add3A_1950 = arith.constant 6 : i32
      %add3A_1951 = arith.addi %mul3A_1422, %add3A_1950 : i32
      %get3A_1952 = arith.index_cast %add3A_1951 : i32 to index
      %get3A_1953 = arith.constant 0 : index
      %get3A_1954 = tpu.vector_load %arg13[%get3A_1952, %get3A_1953] {strides = array<i32>} : memref<128x64xf32, #tpu.memory_space<vmem>>, vector<1x16xf32>,
      %get3A_1955 = vector.shape_cast %get3A_1954 : vector<1x16xf32> to vector<16xf32>
      %mul3A_1956 = vector.broadcast %scan3A_1412 : f32 to vector<16xf32>
      %mul3A_1957 = arith.mulf %get3A_1955, %mul3A_1956 : vector<16xf32>
      %add3A_1958 = arith.constant 6 : i32
      %add3A_1959 = arith.addi %mul3A_1422, %add3A_1958 : i32
      %swap3A_1960 = arith.index_cast %add3A_1959 : i32 to index
      %swap3A_1961 = arith.constant 0 : index
      %swap3A_1962 = tpu.vector_load %arg12[%swap3A_1960, %swap3A_1961] {strides = array<i32>} : memref<128x128xf32, #tpu.memory_space<vmem>>, vector<1x16xf32>,
      %swap3A_1963 = vector.shape_cast %swap3A_1962 : vector<1x16xf32> to vector<16xf32>
      %swap3A_1964 = vector.shape_cast %mul3A_1957 : vector<16xf32> to vector<1x16xf32>
      tpu.vector_store %arg12[%swap3A_1960, %swap3A_1961], %swap3A_1964 {strides = array<i32>} : memref<128x128xf32, #tpu.memory_space<vmem>>, vector<1x16xf32>,
      %add3A_1965 = arith.constant 6 : i32
      %add3A_1966 = arith.addi %mul3A_1422, %add3A_1965 : i32
      %swap3A_1967 = arith.index_cast %add3A_1966 : i32 to index
      %swap3A_1968 = arith.constant 64 : index
      %swap3A_1969 = tpu.vector_load %arg12[%swap3A_1967, %swap3A_1968] {strides = array<i32>} : memref<128x128xf32, #tpu.memory_space<vmem>>, vector<1x16xf32>,
      %swap3A_1970 = vector.shape_cast %swap3A_1969 : vector<1x16xf32> to vector<16xf32>
      %swap3A_1971 = vector.shape_cast %broadcast_in_dim3A_1423 : vector<16xf32> to vector<1x16xf32>
      tpu.vector_store %arg12[%swap3A_1967, %swap3A_1968], %swap3A_1971 {strides = array<i32>} : memref<128x128xf32, #tpu.memory_space<vmem>>, vector<1x16xf32>,
      %add3A_1972 = arith.constant 6 : i32
      %add3A_1973 = arith.addi %mul3A_1422, %add3A_1972 : i32
      %get3A_1974 = arith.index_cast %add3A_1973 : i32 to index
      %get3A_1975 = arith.constant 16 : index
      %get3A_1976 = tpu.vector_load %arg13[%get3A_1974, %get3A_1975] {strides = array<i32>} : memref<128x64xf32, #tpu.memory_space<vmem>>, vector<1x16xf32>,
      %get3A_1977 = vector.shape_cast %get3A_1976 : vector<1x16xf32> to vector<16xf32>
      %mul3A_1978 = vector.broadcast %scan3A_1412 : f32 to vector<16xf32>
      %mul3A_1979 = arith.mulf %get3A_1977, %mul3A_1978 : vector<16xf32>
      %add3A_1980 = arith.constant 6 : i32
      %add3A_1981 = arith.addi %mul3A_1422, %add3A_1980 : i32
      %swap3A_1982 = arith.index_cast %add3A_1981 : i32 to index
      %swap3A_1983 = arith.constant 16 : index
      %swap3A_1984 = tpu.vector_load %arg12[%swap3A_1982, %swap3A_1983] {strides = array<i32>} : memref<128x128xf32, #tpu.memory_space<vmem>>, vector<1x16xf32>,
      %swap3A_1985 = vector.shape_cast %swap3A_1984 : vector<1x16xf32> to vector<16xf32>
      %swap3A_1986 = vector.shape_cast %mul3A_1979 : vector<16xf32> to vector<1x16xf32>
      tpu.vector_store %arg12[%swap3A_1982, %swap3A_1983], %swap3A_1986 {strides = array<i32>} : memref<128x128xf32, #tpu.memory_space<vmem>>, vector<1x16xf32>,
      %add3A_1987 = arith.constant 6 : i32
      %add3A_1988 = arith.addi %mul3A_1422, %add3A_1987 : i32
      %swap3A_1989 = arith.index_cast %add3A_1988 : i32 to index
      %swap3A_1990 = arith.constant 80 : index
      %swap3A_1991 = tpu.vector_load %arg12[%swap3A_1989, %swap3A_1990] {strides = array<i32>} : memref<128x128xf32, #tpu.memory_space<vmem>>, vector<1x16xf32>,
      %swap3A_1992 = vector.shape_cast %swap3A_1991 : vector<1x16xf32> to vector<16xf32>
      %swap3A_1993 = vector.shape_cast %broadcast_in_dim3A_1423 : vector<16xf32> to vector<1x16xf32>
      tpu.vector_store %arg12[%swap3A_1989, %swap3A_1990], %swap3A_1993 {strides = array<i32>} : memref<128x128xf32, #tpu.memory_space<vmem>>, vector<1x16xf32>,
      %add3A_1994 = arith.constant 6 : i32
      %add3A_1995 = arith.addi %mul3A_1422, %add3A_1994 : i32
      %get3A_1996 = arith.index_cast %add3A_1995 : i32 to index
      %get3A_1997 = arith.constant 32 : index
      %get3A_1998 = tpu.vector_load %arg13[%get3A_1996, %get3A_1997] {strides = array<i32>} : memref<128x64xf32, #tpu.memory_space<vmem>>, vector<1x16xf32>,
      %get3A_1999 = vector.shape_cast %get3A_1998 : vector<1x16xf32> to vector<16xf32>
      %mul3A_2000 = vector.broadcast %scan3A_1412 : f32 to vector<16xf32>
      %mul3A_2001 = arith.mulf %get3A_1999, %mul3A_2000 : vector<16xf32>
      %add3A_2002 = arith.constant 6 : i32
      %add3A_2003 = arith.addi %mul3A_1422, %add3A_2002 : i32
      %swap3A_2004 = arith.index_cast %add3A_2003 : i32 to index
      %swap3A_2005 = arith.constant 32 : index
      %swap3A_2006 = tpu.vector_load %arg12[%swap3A_2004, %swap3A_2005] {strides = array<i32>} : memref<128x128xf32, #tpu.memory_space<vmem>>, vector<1x16xf32>,
      %swap3A_2007 = vector.shape_cast %swap3A_2006 : vector<1x16xf32> to vector<16xf32>
      %swap3A_2008 = vector.shape_cast %mul3A_2001 : vector<16xf32> to vector<1x16xf32>
      tpu.vector_store %arg12[%swap3A_2004, %swap3A_2005], %swap3A_2008 {strides = array<i32>} : memref<128x128xf32, #tpu.memory_space<vmem>>, vector<1x16xf32>,
      %add3A_2009 = arith.constant 6 : i32
      %add3A_2010 = arith.addi %mul3A_1422, %add3A_2009 : i32
      %swap3A_2011 = arith.index_cast %add3A_2010 : i32 to index
      %swap3A_2012 = arith.constant 96 : index
      %swap3A_2013 = tpu.vector_load %arg12[%swap3A_2011, %swap3A_2012] {strides = array<i32>} : memref<128x128xf32, #tpu.memory_space<vmem>>, vector<1x16xf32>,
      %swap3A_2014 = vector.shape_cast %swap3A_2013 : vector<1x16xf32> to vector<16xf32>
      %swap3A_2015 = vector.shape_cast %broadcast_in_dim3A_1423 : vector<16xf32> to vector<1x16xf32>
      tpu.vector_store %arg12[%swap3A_2011, %swap3A_2012], %swap3A_2015 {strides = array<i32>} : memref<128x128xf32, #tpu.memory_space<vmem>>, vector<1x16xf32>,
      %add3A_2016 = arith.constant 6 : i32
      %add3A_2017 = arith.addi %mul3A_1422, %add3A_2016 : i32
      %get3A_2018 = arith.index_cast %add3A_2017 : i32 to index
      %get3A_2019 = arith.constant 48 : index
      %get3A_2020 = tpu.vector_load %arg13[%get3A_2018, %get3A_2019] {strides = array<i32>} : memref<128x64xf32, #tpu.memory_space<vmem>>, vector<1x16xf32>,
      %get3A_2021 = vector.shape_cast %get3A_2020 : vector<1x16xf32> to vector<16xf32>
      %mul3A_2022 = vector.broadcast %scan3A_1412 : f32 to vector<16xf32>
      %mul3A_2023 = arith.mulf %get3A_2021, %mul3A_2022 : vector<16xf32>
      %add3A_2024 = arith.constant 6 : i32
      %add3A_2025 = arith.addi %mul3A_1422, %add3A_2024 : i32
      %swap3A_2026 = arith.index_cast %add3A_2025 : i32 to index
      %swap3A_2027 = arith.constant 48 : index
      %swap3A_2028 = tpu.vector_load %arg12[%swap3A_2026, %swap3A_2027] {strides = array<i32>} : memref<128x128xf32, #tpu.memory_space<vmem>>, vector<1x16xf32>,
      %swap3A_2029 = vector.shape_cast %swap3A_2028 : vector<1x16xf32> to vector<16xf32>
      %swap3A_2030 = vector.shape_cast %mul3A_2023 : vector<16xf32> to vector<1x16xf32>
      tpu.vector_store %arg12[%swap3A_2026, %swap3A_2027], %swap3A_2030 {strides = array<i32>} : memref<128x128xf32, #tpu.memory_space<vmem>>, vector<1x16xf32>,
      %add3A_2031 = arith.constant 6 : i32
      %add3A_2032 = arith.addi %mul3A_1422, %add3A_2031 : i32
      %swap3A_2033 = arith.index_cast %add3A_2032 : i32 to index
      %swap3A_2034 = arith.constant 112 : index
      %swap3A_2035 = tpu.vector_load %arg12[%swap3A_2033, %swap3A_2034] {strides = array<i32>} : memref<128x128xf32, #tpu.memory_space<vmem>>, vector<1x16xf32>,
      %swap3A_2036 = vector.shape_cast %swap3A_2035 : vector<1x16xf32> to vector<16xf32>
      %swap3A_2037 = vector.shape_cast %broadcast_in_dim3A_1423 : vector<16xf32> to vector<1x16xf32>
      tpu.vector_store %arg12[%swap3A_2033, %swap3A_2034], %swap3A_2037 {strides = array<i32>} : memref<128x128xf32, #tpu.memory_space<vmem>>, vector<1x16xf32>,
      %add3A_2038 = arith.constant 7 : i32
      %add3A_2039 = arith.addi %mul3A_1422, %add3A_2038 : i32
      %get3A_2040 = arith.index_cast %add3A_2039 : i32 to index
      %get3A_2041 = arith.constant 0 : index
      %get3A_2042 = tpu.vector_load %arg13[%get3A_2040, %get3A_2041] {strides = array<i32>} : memref<128x64xf32, #tpu.memory_space<vmem>>, vector<1x16xf32>,
      %get3A_2043 = vector.shape_cast %get3A_2042 : vector<1x16xf32> to vector<16xf32>
      %mul3A_2044 = vector.broadcast %scan3A_1412 : f32 to vector<16xf32>
      %mul3A_2045 = arith.mulf %get3A_2043, %mul3A_2044 : vector<16xf32>
      %add3A_2046 = arith.constant 7 : i32
      %add3A_2047 = arith.addi %mul3A_1422, %add3A_2046 : i32
      %swap3A_2048 = arith.index_cast %add3A_2047 : i32 to index
      %swap3A_2049 = arith.constant 0 : index
      %swap3A_2050 = tpu.vector_load %arg12[%swap3A_2048, %swap3A_2049] {strides = array<i32>} : memref<128x128xf32, #tpu.memory_space<vmem>>, vector<1x16xf32>,
      %swap3A_2051 = vector.shape_cast %swap3A_2050 : vector<1x16xf32> to vector<16xf32>
      %swap3A_2052 = vector.shape_cast %mul3A_2045 : vector<16xf32> to vector<1x16xf32>
      tpu.vector_store %arg12[%swap3A_2048, %swap3A_2049], %swap3A_2052 {strides = array<i32>} : memref<128x128xf32, #tpu.memory_space<vmem>>, vector<1x16xf32>,
      %add3A_2053 = arith.constant 7 : i32
      %add3A_2054 = arith.addi %mul3A_1422, %add3A_2053 : i32
      %swap3A_2055 = arith.index_cast %add3A_2054 : i32 to index
      %swap3A_2056 = arith.constant 64 : index
      %swap3A_2057 = tpu.vector_load %arg12[%swap3A_2055, %swap3A_2056] {strides = array<i32>} : memref<128x128xf32, #tpu.memory_space<vmem>>, vector<1x16xf32>,
      %swap3A_2058 = vector.shape_cast %swap3A_2057 : vector<1x16xf32> to vector<16xf32>
      %swap3A_2059 = vector.shape_cast %broadcast_in_dim3A_1423 : vector<16xf32> to vector<1x16xf32>
      tpu.vector_store %arg12[%swap3A_2055, %swap3A_2056], %swap3A_2059 {strides = array<i32>} : memref<128x128xf32, #tpu.memory_space<vmem>>, vector<1x16xf32>,
      %add3A_2060 = arith.constant 7 : i32
      %add3A_2061 = arith.addi %mul3A_1422, %add3A_2060 : i32
      %get3A_2062 = arith.index_cast %add3A_2061 : i32 to index
      %get3A_2063 = arith.constant 16 : index
      %get3A_2064 = tpu.vector_load %arg13[%get3A_2062, %get3A_2063] {strides = array<i32>} : memref<128x64xf32, #tpu.memory_space<vmem>>, vector<1x16xf32>,
      %get3A_2065 = vector.shape_cast %get3A_2064 : vector<1x16xf32> to vector<16xf32>
      %mul3A_2066 = vector.broadcast %scan3A_1412 : f32 to vector<16xf32>
      %mul3A_2067 = arith.mulf %get3A_2065, %mul3A_2066 : vector<16xf32>
      %add3A_2068 = arith.constant 7 : i32
      %add3A_2069 = arith.addi %mul3A_1422, %add3A_2068 : i32
      %swap3A_2070 = arith.index_cast %add3A_2069 : i32 to index
      %swap3A_2071 = arith.constant 16 : index
      %swap3A_2072 = tpu.vector_load %arg12[%swap3A_2070, %swap3A_2071] {strides = array<i32>} : memref<128x128xf32, #tpu.memory_space<vmem>>, vector<1x16xf32>,
      %swap3A_2073 = vector.shape_cast %swap3A_2072 : vector<1x16xf32> to vector<16xf32>
      %swap3A_2074 = vector.shape_cast %mul3A_2067 : vector<16xf32> to vector<1x16xf32>
      tpu.vector_store %arg12[%swap3A_2070, %swap3A_2071], %swap3A_2074 {strides = array<i32>} : memref<128x128xf32, #tpu.memory_space<vmem>>, vector<1x16xf32>,
      %add3A_2075 = arith.constant 7 : i32
      %add3A_2076 = arith.addi %mul3A_1422, %add3A_2075 : i32
      %swap3A_2077 = arith.index_cast %add3A_2076 : i32 to index
      %swap3A_2078 = arith.constant 80 : index
      %swap3A_2079 = tpu.vector_load %arg12[%swap3A_2077, %swap3A_2078] {strides = array<i32>} : memref<128x128xf32, #tpu.memory_space<vmem>>, vector<1x16xf32>,
      %swap3A_2080 = vector.shape_cast %swap3A_2079 : vector<1x16xf32> to vector<16xf32>
      %swap3A_2081 = vector.shape_cast %broadcast_in_dim3A_1423 : vector<16xf32> to vector<1x16xf32>
      tpu.vector_store %arg12[%swap3A_2077, %swap3A_2078], %swap3A_2081 {strides = array<i32>} : memref<128x128xf32, #tpu.memory_space<vmem>>, vector<1x16xf32>,
      %add3A_2082 = arith.constant 7 : i32
      %add3A_2083 = arith.addi %mul3A_1422, %add3A_2082 : i32
      %get3A_2084 = arith.index_cast %add3A_2083 : i32 to index
      %get3A_2085 = arith.constant 32 : index
      %get3A_2086 = tpu.vector_load %arg13[%get3A_2084, %get3A_2085] {strides = array<i32>} : memref<128x64xf32, #tpu.memory_space<vmem>>, vector<1x16xf32>,
      %get3A_2087 = vector.shape_cast %get3A_2086 : vector<1x16xf32> to vector<16xf32>
      %mul3A_2088 = vector.broadcast %scan3A_1412 : f32 to vector<16xf32>
      %mul3A_2089 = arith.mulf %get3A_2087, %mul3A_2088 : vector<16xf32>
      %add3A_2090 = arith.constant 7 : i32
      %add3A_2091 = arith.addi %mul3A_1422, %add3A_2090 : i32
      %swap3A_2092 = arith.index_cast %add3A_2091 : i32 to index
      %swap3A_2093 = arith.constant 32 : index
      %swap3A_2094 = tpu.vector_load %arg12[%swap3A_2092, %swap3A_2093] {strides = array<i32>} : memref<128x128xf32, #tpu.memory_space<vmem>>, vector<1x16xf32>,
      %swap3A_2095 = vector.shape_cast %swap3A_2094 : vector<1x16xf32> to vector<16xf32>
      %swap3A_2096 = vector.shape_cast %mul3A_2089 : vector<16xf32> to vector<1x16xf32>
      tpu.vector_store %arg12[%swap3A_2092, %swap3A_2093], %swap3A_2096 {strides = array<i32>} : memref<128x128xf32, #tpu.memory_space<vmem>>, vector<1x16xf32>,
      %add3A_2097 = arith.constant 7 : i32
      %add3A_2098 = arith.addi %mul3A_1422, %add3A_2097 : i32
      %swap3A_2099 = arith.index_cast %add3A_2098 : i32 to index
      %swap3A_2100 = arith.constant 96 : index
      %swap3A_2101 = tpu.vector_load %arg12[%swap3A_2099, %swap3A_2100] {strides = array<i32>} : memref<128x128xf32, #tpu.memory_space<vmem>>, vector<1x16xf32>,
      %swap3A_2102 = vector.shape_cast %swap3A_2101 : vector<1x16xf32> to vector<16xf32>
      %swap3A_2103 = vector.shape_cast %broadcast_in_dim3A_1423 : vector<16xf32> to vector<1x16xf32>
      tpu.vector_store %arg12[%swap3A_2099, %swap3A_2100], %swap3A_2103 {strides = array<i32>} : memref<128x128xf32, #tpu.memory_space<vmem>>, vector<1x16xf32>,
      %add3A_2104 = arith.constant 7 : i32
      %add3A_2105 = arith.addi %mul3A_1422, %add3A_2104 : i32
      %get3A_2106 = arith.index_cast %add3A_2105 : i32 to index
      %get3A_2107 = arith.constant 48 : index
      %get3A_2108 = tpu.vector_load %arg13[%get3A_2106, %get3A_2107] {strides = array<i32>} : memref<128x64xf32, #tpu.memory_space<vmem>>, vector<1x16xf32>,
      %get3A_2109 = vector.shape_cast %get3A_2108 : vector<1x16xf32> to vector<16xf32>
      %mul3A_2110 = vector.broadcast %scan3A_1412 : f32 to vector<16xf32>
      %mul3A_2111 = arith.mulf %get3A_2109, %mul3A_2110 : vector<16xf32>
      %add3A_2112 = arith.constant 7 : i32
      %add3A_2113 = arith.addi %mul3A_1422, %add3A_2112 : i32
      %swap3A_2114 = arith.index_cast %add3A_2113 : i32 to index
      %swap3A_2115 = arith.constant 48 : index
      %swap3A_2116 = tpu.vector_load %arg12[%swap3A_2114, %swap3A_2115] {strides = array<i32>} : memref<128x128xf32, #tpu.memory_space<vmem>>, vector<1x16xf32>,
      %swap3A_2117 = vector.shape_cast %swap3A_2116 : vector<1x16xf32> to vector<16xf32>
      %swap3A_2118 = vector.shape_cast %mul3A_2111 : vector<16xf32> to vector<1x16xf32>
      tpu.vector_store %arg12[%swap3A_2114, %swap3A_2115], %swap3A_2118 {strides = array<i32>} : memref<128x128xf32, #tpu.memory_space<vmem>>, vector<1x16xf32>,
      %add3A_2119 = arith.constant 7 : i32
      %add3A_2120 = arith.addi %mul3A_1422, %add3A_2119 : i32
      %swap3A_2121 = arith.index_cast %add3A_2120 : i32 to index
      %swap3A_2122 = arith.constant 112 : index
      %swap3A_2123 = tpu.vector_load %arg12[%swap3A_2121, %swap3A_2122] {strides = array<i32>} : memref<128x128xf32, #tpu.memory_space<vmem>>, vector<1x16xf32>,
      %swap3A_2124 = vector.shape_cast %swap3A_2123 : vector<1x16xf32> to vector<16xf32>
      %swap3A_2125 = vector.shape_cast %broadcast_in_dim3A_1423 : vector<16xf32> to vector<1x16xf32>
      tpu.vector_store %arg12[%swap3A_2121, %swap3A_2122], %swap3A_2125 {strides = array<i32>} : memref<128x128xf32, #tpu.memory_space<vmem>>, vector<1x16xf32>,
    }
    %scan3A_1417 = arith.constant 16 : i32
    %mul3A_1418 = arith.constant 128 : i32
    %mul3A_1419 = arith.muli %add3A, %mul3A_1418 : i32
    "tpu.region"() ({
      %run_scoped3A = tpu.sem_alloc : memref<!tpu.dma_semaphore, #tpu.memory_space<semaphore_mem>>
      %dma_start3A_1420 = arith.constant 0 : i32
      %dma_start3A_1421 = tpu.memref_slice %arg5[%mul3A_1419, %dma_start3A_1420] : memref<4096x128xf32, #tpu.memory_space<hbm>> -> memref<128x128xf32, #tpu.memory_space<hbm>>
      %dma_start3A_1422 = arith.constant 0 : i32
      %dma_start3A_1423 = tpu.memref_slice %arg5[%mul3A_1419, %dma_start3A_1422] : memref<4096x128xf32, #tpu.memory_space<hbm>> -> memref<128x128xf32, #tpu.memory_space<hbm>>
      tpu.enqueue_dma source(%arg12 : memref<128x128xf32, #tpu.memory_space<vmem>>) target(%dma_start3A_1423 : memref<128x128xf32, #tpu.memory_space<hbm>>) target_semaphore(%run_scoped3A : memref<!tpu.dma_semaphore, #tpu.memory_space<semaphore_mem>>)
      %dma_wait3A_1424 = arith.constant 0 : i32
      %dma_wait3A_1425 = tpu.memref_slice %arg5[%mul3A_1419, %dma_wait3A_1424] : memref<4096x128xf32, #tpu.memory_space<hbm>> -> memref<128x128xf32, #tpu.memory_space<hbm>>
      %dma_wait3A_1426 = arith.constant 0 : i32
      %dma_wait3A_1427 = tpu.memref_slice %arg5[%mul3A_1419, %dma_wait3A_1426] : memref<4096x128xf32, #tpu.memory_space<hbm>> -> memref<128x128xf32, #tpu.memory_space<hbm>>
      tpu.wait_dma2 semaphore(%run_scoped3A : memref<!tpu.dma_semaphore, #tpu.memory_space<semaphore_mem>>) src(%arg12 : memref<128x128xf32, #tpu.memory_space<vmem>>) dst(%dma_wait3A_1427 : memref<128x128xf32, #tpu.memory_space<hbm>>)
      tpu.yield
    }) : () -> ()
    return
  }
}

</mosaic_0001>

<sc_bundles>
// kernel: kernel.3.cloned.1.call-start
scs
__scs_entry_jumppad:
0x0: {  	(pc) =	sbr.rel $0x88, $3  }
0x1: {  	(tag) =	ssettag $0x0;
	lr =	simm.s32 $0x1  }
0x2: {  	[smem:$0x3F9F] =	sst lr;
	_ =	strace $0xD0000000  }
0x3: {  	_ = 	snop  }
0x4: {  	_ = 	snop  }
0x5: {  	_ = 	snop  }
0x6: {  	_ = 	snop  }
0x7: {  	_ = 	snop  }
__scs_overlays_trampoline_lowered:
0x8: {  	[smem:$0x3FAE] =	sst s0  }
0x9: {  	[smem:$0x3FAF] =	sst s1  }
0xa: {  	[smem:$0x3FB0] =	sst s2  }
0xb: {  	[smem:$0x3FB1] =	sst s3  }
0xc: {  	[smem:$0x3FB2] =	sst s4  }
0xd: {  	[smem:$0x3FB3] =	sst s5  }
0xe: {  	[smem:$0x3FB4] =	sst s6  }
0xf: {  	[smem:$0x3FB5] =	sst s7  }
0x10: {  	[smem:$0x3FB6] =	sst s8  }
0x11: {  	[smem:$0x3FB7] =	sst s9;
	s0 =	simm.s32 @!p0 $0x0  }
0x12: {  	s1 =	sld [smem:$0x3F9D];
	s0 =	simm.s32 @p0 $0x1  }
0x13: {  	[smem:$0x3FB8] =	sst s0;
	s0 =	simm.s32 @!p1 $0x0  }
0x14: {  	s2 =	sld [smem:$0x3F9C];
	s0 =	simm.s32 @p1 $0x1  }
0x15: {  	[smem:$0x3FB9] =	sst s0;
	s0 =	simm.s32 @!p2 $0x0  }
0x16: {  	s3 =	sld [smem:$0x3FDB];
	s0 =	simm.s32 @p2 $0x1  }
0x17: {  	s4 =	simm.s32 $0x1BF5;
	[smem:$0x3FBB] =	sst s0  }
0x18: {  	s0 =	sld [smem:$0x3F9E];
	_ =	swait.ge [sflag:s4], $0x0  }
0x19: {  	s7 =	sld [smem:$0x3F9F]  }
0x1a: {  	s8 =	sadd.s32 $0xFFFFE003, lr  }
0x1b: {  	s9 =	sadd.s32 $0xFFFFFEF7, lr;
	s5 =	simm.s32 $0xFFFFFFFF;
	p2 =	slt.u32 s8, $0xFFFFF086  }
0x1c: {  	p1 =	slt.u32 s9, $0xF7A;
	s5 =	simm.s32 @!p2 $0x0  }
0x1d: {  	s5 =	simm.s32 @p1 $0x1;
	p0 =	seq.s32 s7, s2  }
0x1e: {  	s7 =	smul.u32 @!p0 $0xF7A, s2;
	p2 =	seq.s32 @!p0 s5, $0x0  }
0x1f: {  	s9 =	smul.u32 $0xF7A, s1;
	s8 =	simm.s32 @!p0 $0x1BF5;
	p2 =	por !p2, p0  }
0x20: {  	[sflag:s8] =	ssyncset.s32 @!p0 $0xFFFFF086;
	s6 =	sadd.s32 @!p0 s3, s7;
	s7 =	simm.s32 @!p0 $0x108  }
0x21: {  	s3 =	sadd.s32 s3, s9;
	s6 =	sadd.s32 @!p0 $0x88, s6;
	s7 =	simm.s32 @p2 $0x1082  }
0x22: {  	[simem:s7], [sflag:s8] =	dma.local @!p0 [hbm:s6], $0xF7A  }
0x23: {  	s9 =	sor.u32 $0xD0000000, s2;
	s6 =	simm.s32 $0x108;
	_ =	swait.ge @!p0 [sflag:s8], $0x0  }
0x24: {  	s3 =	sadd.s32 $0x88, s3;
	s6 =	simm.s32 @!p1 $0x1082;
	[sflag:s4] =	ssyncset.s32 $0xFFFFF086  }
0x25: {  	[simem:s6], [sflag:s4] =	dma.local [hbm:s3], $0xF7A  }
0x26: {  	[smem:$0x3F9F] =	sst s1;
	(tag) =	ssettag s2;
	_ =	strace s9  }
0x27: {  	s1 =	sld [smem:$0x3FAF]  }
0x28: {  	s2 =	sld [smem:$0x3FB0]  }
0x29: {  	s4 =	sld [smem:$0x3FB2]  }
0x2a: {  	p0 =	seq.s32 s5, $0x0;
	s5 =	sld [smem:$0x3FB3]  }
0x2b: {  	s6 =	sld [smem:$0x3FB4]  }
0x2c: {  	s7 =	sld [smem:$0x3FB5]  }
0x2d: {  	s3 =	simm.s32 $0x108;
	s8 =	sld [smem:$0x3FB6]  }
0x2e: {  	s3 =	simm.s32 @!p0 $0x1082;
	s9 =	sld [smem:$0x3FB7]  }
0x2f: {  	lr =	sadd.s32 s0, s3;
	s0 =	sld [smem:$0x3FAE]  }
0x30: {  	s3 =	sld [smem:$0x3FB1]  }
0x31: {  	[smem:$0x3FBA] =	sst s10  }
0x32: {  	s10 =	sld [smem:$0x3FB8];
	_ =	sdelay $0x3  }
0x33: {  	p0 =	seq.s32 s10, $0x1;
	s10 =	sld [smem:$0x3FBA];
	_ =	sdelay $0x3  }
0x34: {  	[smem:$0x3FBA] =	sst s10  }
0x35: {  	s10 =	sld [smem:$0x3FB9];
	_ =	sdelay $0x3  }
0x36: {  	p1 =	seq.s32 s10, $0x1;
	s10 =	sld [smem:$0x3FBA];
	_ =	sdelay $0x3  }
0x37: {  	[smem:$0x3FBA] =	sst s10  }
0x38: {  	s10 =	sld [smem:$0x3FBB]  }
0x39: {  	_ = 	snop;
	(pc) =	sbr.ind lr, $3  }
0x3a: {  	_ = 	snop  }
0x3b: {  	_ = 	snop  }
0x3c: {  	p2 =	seq.s32 s10, $0x1;
	s10 =	sld [smem:$0x3FBA]  }
0x3d: {  	_ =	shalt  }
0x3e: {  	_ =	shalt  }
0x3f: {  	_ =	shalt  }
0x40: {  	_ =	shalt  }
0x41: {  	_ =	shalt  }
0x42: {  	_ =	shalt  }
0x43: {  	_ =	shalt  }
0x44: {  	_ =	shalt  }
0x45: {  	_ =	shalt  }
0x46: {  	_ =	shalt  }
0x47: {  	_ =	shalt  }
0x48: {  	_ =	shalt  }
0x49: {  	_ =	shalt  }
0x4a: {  	_ =	shalt  }
0x4b: {  	_ =	shalt  }
0x4c: {  	_ =	shalt  }
0x4d: {  	_ =	shalt  }
0x4e: {  	_ =	shalt  }
0x4f: {  	_ =	shalt  }
0x50: {  	_ =	shalt  }
0x51: {  	_ =	shalt  }
0x52: {  	_ =	shalt  }
0x53: {  	_ =	shalt  }
0x54: {  	_ =	shalt  }
0x55: {  	_ =	shalt  }
0x56: {  	_ =	shalt  }
0x57: {  	_ =	shalt  }
0x58: {  	_ =	shalt  }
0x59: {  	_ =	shalt  }
0x5a: {  	_ =	shalt  }
0x5b: {  	_ =	shalt  }
0x5c: {  	_ =	shalt  }
0x5d: {  	_ =	shalt  }
0x5e: {  	_ =	shalt  }
0x5f: {  	_ =	shalt  }
0x60: {  	_ =	shalt  }
0x61: {  	_ =	shalt  }
0x62: {  	_ =	shalt  }
0x63: {  	_ =	shalt  }
0x64: {  	_ =	shalt  }
0x65: {  	_ =	shalt  }
0x66: {  	_ =	shalt  }
0x67: {  	_ =	shalt  }
0x68: {  	_ =	shalt  }
0x69: {  	_ =	shalt  }
0x6a: {  	_ =	shalt  }
0x6b: {  	_ =	shalt  }
0x6c: {  	_ =	shalt  }
0x6d: {  	_ =	shalt  }
0x6e: {  	_ =	shalt  }
0x6f: {  	_ =	shalt  }
0x70: {  	_ =	shalt  }
0x71: {  	_ =	shalt  }
0x72: {  	_ =	shalt  }
0x73: {  	_ =	shalt  }
0x74: {  	_ =	shalt  }
0x75: {  	_ =	shalt  }
0x76: {  	_ =	shalt  }
0x77: {  	_ =	shalt  }
0x78: {  	_ =	shalt  }
0x79: {  	_ =	shalt  }
0x7a: {  	_ =	shalt  }
0x7b: {  	_ =	shalt  }
0x7c: {  	_ =	shalt  }
0x7d: {  	_ =	shalt  }
0x7e: {  	_ =	shalt  }
0x7f: {  	_ =	shalt  }
0x80: {  	_ =	shalt  }
0x81: {  	_ =	shalt  }
0x82: {  	_ =	shalt  }
0x83: {  	_ =	shalt  }
0x84: {  	_ =	shalt  }
0x85: {  	_ =	shalt  }
0x86: {  	_ =	shalt  }
0x87: {  	_ =	shalt  }
.Lfunc_end0:
.L_simem_size_0:
called_computation_lowered:
.L_overlay_start_0:
0x88: {  	s2 =	sld [smem:$0x3FD9]  }
0x89: {  	s3 =	sld [smem:$0x3FFE];
	_ =	sdelay $0x1  }
0x8a: {  	s1 =	srdreg.scid  }
0x8b: {  	s0 =	sand.u32 $0x1, s1  }
0x8c: {  	s17 =	sshll.u32 s0, $0xA;
	s2 =	sadd.s32 s3, s2  }
0x8d: {  	s2 =	sadd.s32 s2, s17  }
0x8e: {  	[smem:$0x3FC6] =	sst s2  }
0x8f: {  	_ = 	snop  }
0x90: {  	s2 =	sld [smem:$0x3FD0];
	(tm) =	ssettm $0x1  }
0x91: {  	s18 =	sld [smem:$0x3FFB];
	_ =	sdelay $0x3  }
0x92: {  	_ =	strace s18  }
0x93: {  	s3 =	sld [smem:$0x3FFC];
	_ =	sdelay $0x3  }
0x94: {  	_ =	strace s3  }
0x95: {  	s3 =	sld [smem:$0x3FFD];
	_ =	sdelay $0x3  }
0x96: {  	_ =	strace s3  }
0x97: {  	_ =	strace $0x8FFFFFFF  }
0x98: {  	s19 =	sld [smem:$0x3FDB];
	_ =	sdelay $0x1  }
0x99: {  	s4 =	simm.s32 $_scs_section_size  }
0x9a: {  	s5 =	simm.s32 $_size__tile_overlayer_lowered;
	s6 =	simm.s32 $_tile_overlayer_lowered  }
0x9b: {  	s22 =	simm.s32 $0x1BFF;
	s21 =	sshll.u32 s6, $0x1;
	s3 =	sadd.s32 s4, s19  }
0x9c: {  	s7 =	simm.s32 $0x0;
	s20 =	sshll.u32 s5, $0x1;
	s5 =	sadd.s32 s21, s3  }
0x9d: {  	[timem:s7], [sflag:s22] =	dma.local [hbm:s5], s20  }
0x9e: {  	_ =	swait.ge [sflag:s22], s20  }
0x9f: {  	s4 =	ssub.s32 $0x0, s20;
	[sflag:s22] =	ssyncset.done $0x0  }
0xa0: {  	[sflag:s22] =	ssyncadd.s32 s4;
	_ =	sdelay $0x1  }
0xa1: {  	s23 =	simm.s32 $0x1B8B  }
0xa2: {  	_ =	swait.ge [sflag:s23], $0x1  }
0xa3: {  	[sflag:s23] =	ssyncset.done $0x0  }
0xa4: {  	s25 =	simm.s32 $0x1B8E;
	s24 =	sld [smem:$0x3FFE];
	[sflag:s23] =	ssyncadd.s32 $0xFFFFFFFF  }
0xa5: {  	s26 =	simm.s32 $execute0_lowered;
	[smem:$0x3FD2] =	sst s25  }
0xa6: {  	s5 =	sshll.u32 s26, $0x1;
	_ =	strace $0x80000046;
	[dreg:$0x1] =	wrdreg $0xFFFFFFFF  }
0xa7: {  	s28 =	simm.s32 $_size_execute0_lowered;
	s3 =	sadd.s32 s3, s5;
	[dreg:$0x0] =	wrdreg $0x0  }
0xa8: {  	s5 =	sshll.u32 s28, $0x1;
	[dreg:$0x2] =	wrdreg s3  }
0xa9: {  	[dreg:$0x3] =	wrdreg s5  }
0xaa: {  	[dreg:$0x4] =	wrdreg $0xC0  }
0xab: {  	_ =	task [dreg:s7], $0x5FFFF  }
0xac: {  	[dreg:$0x1] =	wrdreg $0xFFFFFFFF  }
0xad: {  	[dreg:$0x0] =	wrdreg $0x60  }
0xae: {  	[dreg:$0x2] =	wrdreg s2  }
0xaf: {  	[dreg:$0x3] =	wrdreg s24  }
0xb0: {  	[dreg:$0x4] =	wrdreg $0x112000  }
0xb1: {  	[dreg:$0x5] =	wrdreg $0x9  }
0xb2: {  	_ =	task.clear_ibuf [dreg:s7], $0x6FFFF;
	_ =	strace $0x90000046  }
0xb3: {  	s29 =	simm.s32 $0x9;
	_ =	strace $0x80000048  }
0xb4: {  	_ =	swait.ge [sflag:s29], $0x1  }
0xb5: {  	[sflag:s29] =	ssyncadd.s32 $0xFFFFFFFF  }
0xb6: {  	_ =	strace $0x90000048  }
0xb7: {  	_ =	sfence  }
0xb8: {  	s30 =	sld [smem:$0x0];
	_ =	sdelay $0x2  }
0xb9: {  	s31 =	sshll.u32 s1, $0xD;
	s1 =	sshrl.u32 s1, $0x2  }
0xba: {  	s3 =	sand.u32 $0x4000, s31;
	s1 =	sadd.s32 s1, s30  }
0xbb: {  	s0 =	sor.u32 s3, s0;
	s1 =	sshll.u32 s1, $0x11  }
0xbc: {  	s0 =	sor.u32 s1, s0  }
0xbd: {  	s0 =	sadd.s32 $0x8F2B, s0  }
0xbe: {  	[sflag:s0] =	ssyncadd.remote.s32 $0x1  }
0xbf: {  	_ =	sfence.sel $0xFFFF  }
0xc0: {  	[dreg:$0x0] =	wrdreg $0xFFFFFFFF;
	(pc) =	sbr.abs _section_cstart, $3  }
0xc1: {  	[dreg:$0x1] =	wrdreg $0xFFFFFFFF  }
0xc2: {  	_ =	task.clear_ibuf [dreg:s7], $0x2FFFF;
	_ =	strace $0x9FFFFFFF  }
0xc3: {  	(tm) =	ssettm $0x7FFFFFFF  }
tec
execute0_lowered:
.L_overlay_start_1:
0x0: {  	(tag) =	ssettag $0x1  }
0x1: {  	s0 =	rddreg [dreg:$0x0]  }
0x2: {  	s2 =	rddreg [dreg:$0x1]  }
0x3: {  	s1 =	rddreg [dreg:$0x2];
	s3 =	simm.s32 $0x0  }
0x4: {  	s5 =	srdreg.scid;
	s10 =	stileid.u32;
	s11 =	simm.s32 $0x80  }
0x5: {  	s12 =	simm.s32 $0x3200;
	s13 =	simm.s32 $0x5200;
	s15 =	simm.s32 $0x7200  }
0x6: {  	s17 =	simm.s32 $0x9200;
	s18 =	simm.s32 $0x1900;
	s19 =	simm.s32 $0xF200  }
0x7: {  	s20 =	simm.s32 $0x1;
	s21 =	simm.s32 $0x2;
	s22 =	simm.s32 $0x5  }
0x8: {  	s25 =	simm.s32 $0x3;
	s26 =	simm.s32 $0x6;
	s30 =	simm.s32 $0x4  }
0x9: {  	s31 =	simm.s32 $0x7;
	s14 =	simm.s32 $0x8;
	[smem:$0x7FF] =	sst s3  }
0xa: {  	s4 =	sadd.s32 $0x187400, s2;
	s6 =	sand.u32 $0x1, s5;
	s7 =	sshll.u32 s10, $0x1  }
0xb: {  	s5 =	sadd.s32 $0x600, s2;
	s28 =	sshll.u32 s10, $0xD;
	s29 =	sshll.u32 s10, $0x7  }
0xc: {  	s10 =	simm.s32 $0x9;
	s7 =	sor.u32 s6, s7;
	s6 =	ssub.s32 $0x2, s6  }
0xd: {  	s8 =	sshll.u32 s7, $0xB;
	s9 =	sshrl.u32 s6, $0x1;
	s7 =	smul.u32 $0x320, s7  }
0xe: {  	_ =	strace $0x80000047;
	s2 =	sadd.s32 s8, s2;
	s9 =	ssub.s32 s6, s9  }
0xf: {  	s6 =	sadd.s32 s0, s7;
	s7 =	sadd.s32 s28, s1;
	s8 =	sadd.s32 $0xA00, s2  }
0x10: {  	v1 =	vimm.f32 $0.0e+00;
	v0 =	vmov s29;
	s9 =	smax.u32 s9, $0x1;
	s0 =	simm.s32 $0xB200;
	s2 =	simm.s32 $0x0  }
.LBB2_1:
0x11: {  	[tilespmem:s3], [sflag:$0x9] =	stream.linear.gather [hbm4b:s6+s3], $0x1900, $0x38;
	[tilespmem:$0x13200] =	vst v63  }
0x12: {  	_ =	swait.ge [sflag:s10], $0x1900  }
0x13: {  	[sflag:s10] =	ssyncset.done $0x0  }
0x14: {  	[sflag:s10] =	ssyncadd.s32 $0xFFFFE700  }
0x15: {  	[tilespmem:s12], [sflag:$0x1] =	stream.indirect.gather [hbm4b:s4+s11], $0x40, s3, s11, $0xb8;
	[tilespmem:$0x13200] =	vst v63  }
0x16: {  	_ = 	snop  }
0x17: {  	[tilespmem:s13], [sflag:$0x2] =	stream.indirect.gather [hbm4b:s4+s11], $0x40, s11, s11, $0xb8;
	[tilespmem:$0x13200] =	vst v63  }
0x18: {  	s16 =	simm.s32 $0x100  }
0x19: {  	[tilespmem:s15], [sflag:$0x3] =	stream.indirect.gather [hbm4b:s4+s11], $0x40, s16, s11, $0xb8;
	[tilespmem:$0x13200] =	vst v63  }
0x1a: {  	s29 =	simm.s32 $0x180  }
0x1b: {  	[tilespmem:s17], [sflag:$0x4] =	stream.indirect.gather [hbm4b:s4+s11], $0x40, s29, s11, $0xb8;
	[tilespmem:$0x13200] =	vst v63  }
0x1c: {  	_ = 	snop  }
0x1d: {  	[tilespmem:s18], [sflag:$0x9] =	stream.linear.gather [hbm4b:s5+s3], $0x1900, $0x38;
	[tilespmem:$0x13200] =	vst v63  }
0x1e: {  	_ =	swait.ge [sflag:s10], $0x1900  }
0x1f: {  	[sflag:s10] =	ssyncset.done $0x0  }
0x20: {  	s16 =	simm.s32 $0x0;
	[sflag:s10] =	ssyncadd.s32 $0xFFFFE700  }
0x21: {  	v4 =	vld [tilespmem:s16+$0x1900]  }
0x22: {  	v6 =	vld [tilespmem:s16+$0x1910]  }
0x23: {  	v5 =	vld [tilespmem:s16+$0x1920]  }
0x24: {  	v3 =	vld [tilespmem:s16+$0x1930]  }
0x25: {  	v2 =	vld [tilespmem:s16+$0x1940]  }
0x26: {  	v7 =	vadd.s32 v0, v4;
	v4 =	vld [tilespmem:s16+$0x1950]  }
0x27: {  	s23 =	simm.s32 $0x200;
	[tilespmem:s16+$0x1900] =	vst v7;
	v7 =	vadd.s32 v0, v6;
	v6 =	vld [tilespmem:s16+$0x1960]  }
.LBB2_2:
0x28: {  	s24 =	sshra.s32 s23, $0x2;
	p0 =	sne.s32 s23, $0x6200;
	[tilespmem:s16+$0x1910] =	vst v7;
	v5 =	vadd.s32 v0, v5;
	v7 =	vld [tilespmem:s16+$0x1970]  }
0x29: {  	v8 =	vld [tilespmem:s24+$0x1900];
	[tilespmem:s16+$0x1920] =	vst v5;
	v3 =	vadd.s32 v0, v3  }
0x2a: {  	v9 =	vld [tilespmem:s24+$0x1910];
	[tilespmem:s16+$0x1930] =	vst v3;
	v2 =	vadd.s32 v0, v2  }
.Ltmp0:
0x2b: {  	v5 =	vld [tilespmem:s24+$0x1920];
	[tilespmem:s16+$0x1940] =	vst v2;
	v2 =	vadd.s32 v0, v4;
	(pc) =	sbr.rel @p0 .LBB2_2-.Ltmp0, $4  }
0x2c: {  	v3 =	vld [tilespmem:s24+$0x1930];
	[tilespmem:s16+$0x1950] =	vst v2;
	v4 =	vadd.s32 v0, v6  }
0x2d: {  	v2 =	vld [tilespmem:s24+$0x1940];
	[tilespmem:s16+$0x1960] =	vst v4;
	v6 =	vadd.s32 v0, v7  }
0x2e: {  	v7 =	vadd.s32 v0, v8;
	v4 =	vld [tilespmem:s24+$0x1950];
	[tilespmem:s16+$0x1970] =	vst v6;
	s16 =	smov.u32 s24  }
0x2f: {  	s23 =	sadd.s32 $0x200, s23;
	[tilespmem:s16+$0x1900] =	vst v7;
	v7 =	vadd.s32 v0, v9;
	v6 =	vld [tilespmem:s16+$0x1960]  }
0x30: {  	[tilespmem:s16+$0x1910] =	vst v7;
	v5 =	vadd.s32 v0, v5;
	v63 =	vld [tilespmem:s16+$0x1970]  }
0x31: {  	[tilespmem:s16+$0x1920] =	vst v5;
	v3 =	vadd.s32 v0, v3  }
0x32: {  	[tilespmem:s16+$0x1930] =	vst v3;
	v2 =	vadd.s32 v0, v2  }
0x33: {  	[tilespmem:s16+$0x1940] =	vst v2;
	v2 =	vadd.s32 v0, v4  }
0x34: {  	[tilespmem:s16+$0x1950] =	vst v2;
	v2 =	vadd.s32 v0, v6  }
0x35: {  	[tilespmem:s16+$0x1960] =	vst v2;
	v2 =	vadd.s32 v0, v63  }
0x36: {  	s23 =	simm.s32 $0x800;
	[tilespmem:s16+$0x1970] =	vst v2;
	s16 =	simm.s32 $0x0  }
.LBB2_4:
0x37: {  	p0 =	sne.s32 s23, $0x7800;
	[tilespmem:s16+$0xF3F0] =	vst v1  }
0x38: {  	[tilespmem:s16+$0xF200] =	vst v1  }
0x39: {  	[tilespmem:s16+$0xF210] =	vst v1  }
0x3a: {  	[tilespmem:s16+$0xF220] =	vst v1  }
0x3b: {  	[tilespmem:s16+$0xF230] =	vst v1  }
0x3c: {  	[tilespmem:s16+$0xF240] =	vst v1  }
0x3d: {  	[tilespmem:s16+$0xF250] =	vst v1  }
0x3e: {  	[tilespmem:s16+$0xF260] =	vst v1  }
0x3f: {  	[tilespmem:s16+$0xF270] =	vst v1  }
0x40: {  	[tilespmem:s16+$0xF280] =	vst v1  }
0x41: {  	[tilespmem:s16+$0xF290] =	vst v1  }
0x42: {  	[tilespmem:s16+$0xF2A0] =	vst v1  }
0x43: {  	[tilespmem:s16+$0xF2B0] =	vst v1  }
0x44: {  	[tilespmem:s16+$0xF2C0] =	vst v1  }
0x45: {  	[tilespmem:s16+$0xF2D0] =	vst v1  }
0x46: {  	[tilespmem:s16+$0xF2E0] =	vst v1  }
0x47: {  	[tilespmem:s16+$0xF2F0] =	vst v1  }
0x48: {  	[tilespmem:s16+$0xF300] =	vst v1  }
0x49: {  	[tilespmem:s16+$0xF310] =	vst v1  }
0x4a: {  	[tilespmem:s16+$0xF320] =	vst v1  }
0x4b: {  	[tilespmem:s16+$0xF330] =	vst v1  }
0x4c: {  	[tilespmem:s16+$0xF340] =	vst v1  }
0x4d: {  	[tilespmem:s16+$0xF350] =	vst v1  }
0x4e: {  	[tilespmem:s16+$0xF360] =	vst v1  }
0x4f: {  	[tilespmem:s16+$0xF370] =	vst v1  }
0x50: {  	[tilespmem:s16+$0xF380] =	vst v1  }
0x51: {  	[tilespmem:s16+$0xF390] =	vst v1  }
.Ltmp1:
0x52: {  	[tilespmem:s16+$0xF3A0] =	vst v1;
	(pc) =	sbr.rel @p0 .LBB2_4-.Ltmp1, $4  }
0x53: {  	[tilespmem:s16+$0xF3B0] =	vst v1  }
0x54: {  	[tilespmem:s16+$0xF3C0] =	vst v1  }
0x55: {  	[tilespmem:s16+$0xF3D0] =	vst v1  }
0x56: {  	[tilespmem:s16+$0xF3E0] =	vst v1;
	s16 =	sshra.s32 s23, $0x2;
	s23 =	sadd.s32 $0x800, s23  }
0x57: {  	[tilespmem:s16+$0xF3F0] =	vst v1  }
0x58: {  	[tilespmem:s16+$0xF200] =	vst v1  }
0x59: {  	[tilespmem:s16+$0xF210] =	vst v1  }
0x5a: {  	[tilespmem:s16+$0xF220] =	vst v1  }
0x5b: {  	[tilespmem:s16+$0xF230] =	vst v1  }
0x5c: {  	[tilespmem:s16+$0xF240] =	vst v1  }
0x5d: {  	[tilespmem:s16+$0xF250] =	vst v1  }
0x5e: {  	[tilespmem:s16+$0xF260] =	vst v1  }
0x5f: {  	[tilespmem:s16+$0xF270] =	vst v1  }
0x60: {  	[tilespmem:s16+$0xF280] =	vst v1  }
0x61: {  	[tilespmem:s16+$0xF290] =	vst v1  }
0x62: {  	[tilespmem:s16+$0xF2A0] =	vst v1  }
0x63: {  	[tilespmem:s16+$0xF2B0] =	vst v1  }
0x64: {  	[tilespmem:s16+$0xF2C0] =	vst v1  }
0x65: {  	[tilespmem:s16+$0xF2D0] =	vst v1  }
0x66: {  	[tilespmem:s16+$0xF2E0] =	vst v1  }
0x67: {  	[tilespmem:s16+$0xF2F0] =	vst v1  }
0x68: {  	[tilespmem:s16+$0xF300] =	vst v1  }
0x69: {  	[tilespmem:s16+$0xF310] =	vst v1  }
0x6a: {  	[tilespmem:s16+$0xF320] =	vst v1  }
0x6b: {  	[tilespmem:s16+$0xF330] =	vst v1  }
0x6c: {  	[tilespmem:s16+$0xF340] =	vst v1  }
0x6d: {  	[tilespmem:s16+$0xF350] =	vst v1  }
0x6e: {  	[tilespmem:s16+$0xF360] =	vst v1  }
0x6f: {  	[tilespmem:s16+$0xF370] =	vst v1  }
0x70: {  	[tilespmem:s16+$0xF380] =	vst v1  }
0x71: {  	[tilespmem:s16+$0xF390] =	vst v1  }
0x72: {  	[tilespmem:s16+$0xF3A0] =	vst v1  }
0x73: {  	[tilespmem:s16+$0xF3B0] =	vst v1  }
0x74: {  	[tilespmem:s16+$0xF3C0] =	vst v1  }
0x75: {  	[tilespmem:s16+$0xF3D0] =	vst v1  }
0x76: {  	[tilespmem:s16+$0xF3E0] =	vst v1  }
0x77: {  	[spmem:s7] =	stream.linear.scatter [tilespmem:s19], [sflag:$0x9], $0x2000, $0x38;
	[tilespmem:$0x13200] =	vst v63  }
0x78: {  	_ =	swait.ge [sflag:s10], $0x2000  }
0x79: {  	[sflag:s10] =	ssyncset.done $0x0  }
0x7a: {  	[sflag:s10] =	ssyncadd.s32 $0xFFFFE000  }
0x7b: {  	_ =	swait.ge [sflag:s20], $0x2000  }
0x7c: {  	[sflag:s20] =	ssyncset.done $0x0  }
0x7d: {  	[sflag:s20] =	ssyncadd.s32 $0xFFFFE000  }
0x7e: {  	[spmem:s1] =	stream.indirect.scatter.add.f32 [tilespmem:s12], [sflag:$0x5], $0x40, s18, s11, $0xb8;
	[tilespmem:$0x13200] =	vst v63  }
0x7f: {  	_ =	swait.ge [sflag:s21], $0x2000  }
0x80: {  	[sflag:s21] =	ssyncset.done $0x0  }
0x81: {  	[sflag:s21] =	ssyncadd.s32 $0xFFFFE000  }
0x82: {  	_ =	swait.ge [sflag:s22], $0x2000  }
0x83: {  	[sflag:s22] =	ssyncset.done $0x0  }
0x84: {  	s24 =	simm.s32 $0x200;
	[sflag:s22] =	ssyncadd.s32 $0xFFFFE000  }
0x85: {  	[tilespmem:s12], [sflag:$0x1] =	stream.indirect.gather [hbm4b:s4+s11], $0x40, s24, s11, $0xb8;
	[tilespmem:$0x13200] =	vst v63  }
0x86: {  	s28 =	simm.s32 $0x1980  }
0x87: {  	[spmem:s1] =	stream.indirect.scatter.add.f32 [tilespmem:s13], [sflag:$0x6], $0x40, s28, s11, $0xb8;
	[tilespmem:$0x13200] =	vst v63  }
0x88: {  	_ =	swait.ge [sflag:s25], $0x2000  }
0x89: {  	[sflag:s25] =	ssyncset.done $0x0  }
0x8a: {  	[sflag:s25] =	ssyncadd.s32 $0xFFFFE000  }
0x8b: {  	_ =	swait.ge [sflag:s26], $0x2000  }
0x8c: {  	[sflag:s26] =	ssyncset.done $0x0  }
0x8d: {  	s29 =	simm.s32 $0x280;
	[sflag:s26] =	ssyncadd.s32 $0xFFFFE000  }
0x8e: {  	[tilespmem:s13], [sflag:$0x2] =	stream.indirect.gather [hbm4b:s4+s11], $0x40, s29, s11, $0xb8;
	[tilespmem:$0x13200] =	vst v63  }
0x8f: {  	s23 =	simm.s32 $0x1A00  }
0x90: {  	[spmem:s1] =	stream.indirect.scatter.add.f32 [tilespmem:s15], [sflag:$0x7], $0x40, s23, s11, $0xb8;
	[tilespmem:$0x13200] =	vst v63  }
0x91: {  	_ =	swait.ge [sflag:s30], $0x2000  }
0x92: {  	[sflag:s30] =	ssyncset.done $0x0  }
0x93: {  	[sflag:s30] =	ssyncadd.s32 $0xFFFFE000  }
0x94: {  	_ =	swait.ge [sflag:s31], $0x2000  }
0x95: {  	[sflag:s31] =	ssyncset.done $0x0  }
0x96: {  	s24 =	simm.s32 $0x300;
	[sflag:s31] =	ssyncadd.s32 $0xFFFFE000  }
0x97: {  	[tilespmem:s15], [sflag:$0x3] =	stream.indirect.gather [hbm4b:s4+s11], $0x40, s24, s11, $0xb8;
	[tilespmem:$0x13200] =	vst v63  }
0x98: {  	s28 =	simm.s32 $0x1A80  }
0x99: {  	[spmem:s1] =	stream.indirect.scatter.add.f32 [tilespmem:s17], [sflag:$0x8], $0x40, s28, s11, $0xb8;
	[tilespmem:$0x13200] =	vst v63  }
0x9a: {  	_ =	swait.ge [sflag:s20], $0x2000  }
0x9b: {  	[sflag:s20] =	ssyncset.done $0x0  }
0x9c: {  	[sflag:s20] =	ssyncadd.s32 $0xFFFFE000  }
0x9d: {  	_ =	swait.ge [sflag:s14], $0x2000  }
0x9e: {  	[sflag:s14] =	ssyncset.done $0x0  }
0x9f: {  	s29 =	simm.s32 $0x380;
	[sflag:s14] =	ssyncadd.s32 $0xFFFFE000  }
0xa0: {  	[tilespmem:s17], [sflag:$0x4] =	stream.indirect.gather [hbm4b:s4+s11], $0x40, s29, s11, $0xb8;
	[tilespmem:$0x13200] =	vst v63  }
0xa1: {  	s23 =	simm.s32 $0x1B00  }
0xa2: {  	[spmem:s1] =	stream.indirect.scatter.add.f32 [tilespmem:s12], [sflag:$0x5], $0x40, s23, s11, $0xb8;
	[tilespmem:$0x13200] =	vst v63  }
0xa3: {  	_ =	swait.ge [sflag:s21], $0x2000  }
0xa4: {  	[sflag:s21] =	ssyncset.done $0x0  }
0xa5: {  	[sflag:s21] =	ssyncadd.s32 $0xFFFFE000  }
0xa6: {  	_ =	swait.ge [sflag:s22], $0x2000  }
0xa7: {  	[sflag:s22] =	ssyncset.done $0x0  }
0xa8: {  	s24 =	simm.s32 $0x400;
	[sflag:s22] =	ssyncadd.s32 $0xFFFFE000  }
0xa9: {  	[tilespmem:s12], [sflag:$0x1] =	stream.indirect.gather [hbm4b:s4+s11], $0x40, s24, s11, $0xb8;
	[tilespmem:$0x13200] =	vst v63  }
0xaa: {  	s28 =	simm.s32 $0x1B80  }
0xab: {  	[spmem:s1] =	stream.indirect.scatter.add.f32 [tilespmem:s13], [sflag:$0x6], $0x40, s28, s11, $0xb8;
	[tilespmem:$0x13200] =	vst v63  }
0xac: {  	_ =	swait.ge [sflag:s25], $0x2000  }
0xad: {  	[sflag:s25] =	ssyncset.done $0x0  }
0xae: {  	[sflag:s25] =	ssyncadd.s32 $0xFFFFE000  }
0xaf: {  	_ =	swait.ge [sflag:s26], $0x2000  }
0xb0: {  	[sflag:s26] =	ssyncset.done $0x0  }
0xb1: {  	s29 =	simm.s32 $0x480;
	[sflag:s26] =	ssyncadd.s32 $0xFFFFE000  }
0xb2: {  	[tilespmem:s13], [sflag:$0x2] =	stream.indirect.gather [hbm4b:s4+s11], $0x40, s29, s11, $0xb8;
	[tilespmem:$0x13200] =	vst v63  }
0xb3: {  	s23 =	simm.s32 $0x1C00  }
0xb4: {  	[spmem:s1] =	stream.indirect.scatter.add.f32 [tilespmem:s15], [sflag:$0x7], $0x40, s23, s11, $0xb8;
	[tilespmem:$0x13200] =	vst v63  }
0xb5: {  	_ =	swait.ge [sflag:s30], $0x2000  }
0xb6: {  	[sflag:s30] =	ssyncset.done $0x0  }
0xb7: {  	[sflag:s30] =	ssyncadd.s32 $0xFFFFE000  }
0xb8: {  	_ =	swait.ge [sflag:s31], $0x2000  }
0xb9: {  	[sflag:s31] =	ssyncset.done $0x0  }
0xba: {  	s24 =	simm.s32 $0x500;
	[sflag:s31] =	ssyncadd.s32 $0xFFFFE000  }
0xbb: {  	[tilespmem:s15], [sflag:$0x3] =	stream.indirect.gather [hbm4b:s4+s11], $0x40, s24, s11, $0xb8;
	[tilespmem:$0x13200] =	vst v63  }
0xbc: {  	s28 =	simm.s32 $0x1C80  }
0xbd: {  	[spmem:s1] =	stream.indirect.scatter.add.f32 [tilespmem:s17], [sflag:$0x8], $0x40, s28, s11, $0xb8;
	[tilespmem:$0x13200] =	vst v63  }
0xbe: {  	_ =	swait.ge [sflag:s20], $0x2000  }
0xbf: {  	[sflag:s20] =	ssyncset.done $0x0  }
0xc0: {  	[sflag:s20] =	ssyncadd.s32 $0xFFFFE000  }
0xc1: {  	_ =	swait.ge [sflag:s14], $0x2000  }
0xc2: {  	[sflag:s14] =	ssyncset.done $0x0  }
0xc3: {  	s29 =	simm.s32 $0x580;
	[sflag:s14] =	ssyncadd.s32 $0xFFFFE000  }
0xc4: {  	[tilespmem:s17], [sflag:$0x4] =	stream.indirect.gather [hbm4b:s4+s11], $0x40, s29, s11, $0xb8;
	[tilespmem:$0x13200] =	vst v63  }
0xc5: {  	s23 =	simm.s32 $0x1D00  }
0xc6: {  	[spmem:s1] =	stream.indirect.scatter.add.f32 [tilespmem:s12], [sflag:$0x5], $0x40, s23, s11, $0xb8;
	[tilespmem:$0x13200] =	vst v63  }
0xc7: {  	_ =	swait.ge [sflag:s21], $0x2000  }
0xc8: {  	[sflag:s21] =	ssyncset.done $0x0  }
0xc9: {  	[sflag:s21] =	ssyncadd.s32 $0xFFFFE000  }
0xca: {  	_ =	swait.ge [sflag:s22], $0x2000  }
0xcb: {  	[sflag:s22] =	ssyncset.done $0x0  }
0xcc: {  	s24 =	simm.s32 $0x600;
	[sflag:s22] =	ssyncadd.s32 $0xFFFFE000  }
0xcd: {  	[tilespmem:s12], [sflag:$0x1] =	stream.indirect.gather [hbm4b:s4+s11], $0x40, s24, s11, $0xb8;
	[tilespmem:$0x13200] =	vst v63  }
0xce: {  	s28 =	simm.s32 $0x1D80  }
0xcf: {  	[spmem:s1] =	stream.indirect.scatter.add.f32 [tilespmem:s13], [sflag:$0x6], $0x40, s28, s11, $0xb8;
	[tilespmem:$0x13200] =	vst v63  }
0xd0: {  	_ =	swait.ge [sflag:s25], $0x2000  }
0xd1: {  	[sflag:s25] =	ssyncset.done $0x0  }
0xd2: {  	[sflag:s25] =	ssyncadd.s32 $0xFFFFE000  }
0xd3: {  	_ =	swait.ge [sflag:s26], $0x2000  }
0xd4: {  	[sflag:s26] =	ssyncset.done $0x0  }
0xd5: {  	s29 =	simm.s32 $0x680;
	[sflag:s26] =	ssyncadd.s32 $0xFFFFE000  }
0xd6: {  	[tilespmem:s13], [sflag:$0x2] =	stream.indirect.gather [hbm4b:s4+s11], $0x40, s29, s11, $0xb8;
	[tilespmem:$0x13200] =	vst v63  }
0xd7: {  	s23 =	simm.s32 $0x1E00  }
0xd8: {  	[spmem:s1] =	stream.indirect.scatter.add.f32 [tilespmem:s15], [sflag:$0x7], $0x40, s23, s11, $0xb8;
	[tilespmem:$0x13200] =	vst v63  }
0xd9: {  	_ =	swait.ge [sflag:s30], $0x2000  }
0xda: {  	[sflag:s30] =	ssyncset.done $0x0  }
0xdb: {  	[sflag:s30] =	ssyncadd.s32 $0xFFFFE000  }
0xdc: {  	_ =	swait.ge [sflag:s31], $0x2000  }
0xdd: {  	[sflag:s31] =	ssyncset.done $0x0  }
0xde: {  	s24 =	simm.s32 $0x700;
	[sflag:s31] =	ssyncadd.s32 $0xFFFFE000  }
0xdf: {  	[tilespmem:s15], [sflag:$0x3] =	stream.indirect.gather [hbm4b:s4+s11], $0x40, s24, s11, $0xb8;
	[tilespmem:$0x13200] =	vst v63  }
0xe0: {  	s28 =	simm.s32 $0x1E80  }
0xe1: {  	[spmem:s1] =	stream.indirect.scatter.add.f32 [tilespmem:s17], [sflag:$0x8], $0x40, s28, s11, $0xb8;
	[tilespmem:$0x13200] =	vst v63  }
0xe2: {  	_ =	swait.ge [sflag:s20], $0x2000  }
0xe3: {  	[sflag:s20] =	ssyncset.done $0x0  }
0xe4: {  	[sflag:s20] =	ssyncadd.s32 $0xFFFFE000  }
0xe5: {  	_ =	swait.ge [sflag:s14], $0x2000  }
0xe6: {  	[sflag:s14] =	ssyncset.done $0x0  }
0xe7: {  	s29 =	simm.s32 $0x780;
	[sflag:s14] =	ssyncadd.s32 $0xFFFFE000  }
0xe8: {  	[tilespmem:s17], [sflag:$0x4] =	stream.indirect.gather [hbm4b:s4+s11], $0x40, s29, s11, $0xb8;
	[tilespmem:$0x13200] =	vst v63  }
0xe9: {  	s23 =	simm.s32 $0x1F00  }
0xea: {  	[spmem:s1] =	stream.indirect.scatter.add.f32 [tilespmem:s12], [sflag:$0x5], $0x40, s23, s11, $0xb8;
	[tilespmem:$0x13200] =	vst v63  }
0xeb: {  	_ =	swait.ge [sflag:s21], $0x2000  }
0xec: {  	[sflag:s21] =	ssyncset.done $0x0  }
0xed: {  	[sflag:s21] =	ssyncadd.s32 $0xFFFFE000  }
0xee: {  	_ =	swait.ge [sflag:s22], $0x2000  }
0xef: {  	[sflag:s22] =	ssyncset.done $0x0  }
0xf0: {  	s24 =	simm.s32 $0x800;
	[sflag:s22] =	ssyncadd.s32 $0xFFFFE000  }
0xf1: {  	[tilespmem:s12], [sflag:$0x1] =	stream.indirect.gather [hbm4b:s4+s11], $0x40, s24, s11, $0xb8;
	[tilespmem:$0x13200] =	vst v63  }
0xf2: {  	s28 =	simm.s32 $0x1F80  }
0xf3: {  	[spmem:s1] =	stream.indirect.scatter.add.f32 [tilespmem:s13], [sflag:$0x6], $0x40, s28, s11, $0xb8;
	[tilespmem:$0x13200] =	vst v63  }
0xf4: {  	_ =	swait.ge [sflag:s25], $0x2000  }
0xf5: {  	[sflag:s25] =	ssyncset.done $0x0  }
0xf6: {  	[sflag:s25] =	ssyncadd.s32 $0xFFFFE000  }
0xf7: {  	_ =	swait.ge [sflag:s26], $0x2000  }
0xf8: {  	[sflag:s26] =	ssyncset.done $0x0  }
0xf9: {  	s29 =	simm.s32 $0x880;
	[sflag:s26] =	ssyncadd.s32 $0xFFFFE000  }
0xfa: {  	[tilespmem:s13], [sflag:$0x2] =	stream.indirect.gather [hbm4b:s4+s11], $0x40, s29, s11, $0xb8;
	[tilespmem:$0x13200] =	vst v63  }
0xfb: {  	s23 =	simm.s32 $0x2000  }
0xfc: {  	[spmem:s1] =	stream.indirect.scatter.add.f32 [tilespmem:s15], [sflag:$0x7], $0x40, s23, s11, $0xb8;
	[tilespmem:$0x13200] =	vst v63  }
0xfd: {  	_ =	swait.ge [sflag:s30], $0x2000  }
0xfe: {  	[sflag:s30] =	ssyncset.done $0x0  }
0xff: {  	[sflag:s30] =	ssyncadd.s32 $0xFFFFE000  }
0x100: {  	_ =	swait.ge [sflag:s31], $0x2000  }
0x101: {  	[sflag:s31] =	ssyncset.done $0x0  }
0x102: {  	s24 =	simm.s32 $0x900;
	[sflag:s31] =	ssyncadd.s32 $0xFFFFE000  }
0x103: {  	[tilespmem:s15], [sflag:$0x3] =	stream.indirect.gather [hbm4b:s4+s11], $0x40, s24, s11, $0xb8;
	[tilespmem:$0x13200] =	vst v63  }
0x104: {  	s28 =	simm.s32 $0x2080  }
0x105: {  	[spmem:s1] =	stream.indirect.scatter.add.f32 [tilespmem:s17], [sflag:$0x8], $0x40, s28, s11, $0xb8;
	[tilespmem:$0x13200] =	vst v63  }
0x106: {  	_ =	swait.ge [sflag:s20], $0x2000  }
0x107: {  	[sflag:s20] =	ssyncset.done $0x0  }
0x108: {  	[sflag:s20] =	ssyncadd.s32 $0xFFFFE000  }
0x109: {  	_ =	swait.ge [sflag:s14], $0x2000  }
0x10a: {  	[sflag:s14] =	ssyncset.done $0x0  }
0x10b: {  	s29 =	simm.s32 $0x980;
	[sflag:s14] =	ssyncadd.s32 $0xFFFFE000  }
0x10c: {  	[tilespmem:s17], [sflag:$0x4] =	stream.indirect.gather [hbm4b:s4+s11], $0x40, s29, s11, $0xb8;
	[tilespmem:$0x13200] =	vst v63  }
0x10d: {  	s23 =	simm.s32 $0x2100  }
0x10e: {  	[spmem:s1] =	stream.indirect.scatter.add.f32 [tilespmem:s12], [sflag:$0x5], $0x40, s23, s11, $0xb8;
	[tilespmem:$0x13200] =	vst v63  }
0x10f: {  	_ =	swait.ge [sflag:s21], $0x2000  }
0x110: {  	[sflag:s21] =	ssyncset.done $0x0  }
0x111: {  	[sflag:s21] =	ssyncadd.s32 $0xFFFFE000  }
0x112: {  	_ =	swait.ge [sflag:s22], $0x2000  }
0x113: {  	[sflag:s22] =	ssyncset.done $0x0  }
0x114: {  	s24 =	simm.s32 $0xA00;
	[sflag:s22] =	ssyncadd.s32 $0xFFFFE000  }
0x115: {  	[tilespmem:s12], [sflag:$0x1] =	stream.indirect.gather [hbm4b:s4+s11], $0x40, s24, s11, $0xb8;
	[tilespmem:$0x13200] =	vst v63  }
0x116: {  	s28 =	simm.s32 $0x2180  }
0x117: {  	[spmem:s1] =	stream.indirect.scatter.add.f32 [tilespmem:s13], [sflag:$0x6], $0x40, s28, s11, $0xb8;
	[tilespmem:$0x13200] =	vst v63  }
0x118: {  	_ =	swait.ge [sflag:s25], $0x2000  }
0x119: {  	[sflag:s25] =	ssyncset.done $0x0  }
0x11a: {  	[sflag:s25] =	ssyncadd.s32 $0xFFFFE000  }
0x11b: {  	_ =	swait.ge [sflag:s26], $0x2000  }
0x11c: {  	[sflag:s26] =	ssyncset.done $0x0  }
0x11d: {  	s29 =	simm.s32 $0xA80;
	[sflag:s26] =	ssyncadd.s32 $0xFFFFE000  }
0x11e: {  	[tilespmem:s13], [sflag:$0x2] =	stream.indirect.gather [hbm4b:s4+s11], $0x40, s29, s11, $0xb8;
	[tilespmem:$0x13200] =	vst v63  }
0x11f: {  	s23 =	simm.s32 $0x2200  }
0x120: {  	[spmem:s1] =	stream.indirect.scatter.add.f32 [tilespmem:s15], [sflag:$0x7], $0x40, s23, s11, $0xb8;
	[tilespmem:$0x13200] =	vst v63  }
0x121: {  	_ =	swait.ge [sflag:s30], $0x2000  }
0x122: {  	[sflag:s30] =	ssyncset.done $0x0  }
0x123: {  	[sflag:s30] =	ssyncadd.s32 $0xFFFFE000  }
0x124: {  	_ =	swait.ge [sflag:s31], $0x2000  }
0x125: {  	[sflag:s31] =	ssyncset.done $0x0  }
0x126: {  	s24 =	simm.s32 $0xB00;
	[sflag:s31] =	ssyncadd.s32 $0xFFFFE000  }
0x127: {  	[tilespmem:s15], [sflag:$0x3] =	stream.indirect.gather [hbm4b:s4+s11], $0x40, s24, s11, $0xb8;
	[tilespmem:$0x13200] =	vst v63  }
0x128: {  	s28 =	simm.s32 $0x2280  }
0x129: {  	[spmem:s1] =	stream.indirect.scatter.add.f32 [tilespmem:s17], [sflag:$0x8], $0x40, s28, s11, $0xb8;
	[tilespmem:$0x13200] =	vst v63  }
0x12a: {  	_ =	swait.ge [sflag:s20], $0x2000  }
0x12b: {  	[sflag:s20] =	ssyncset.done $0x0  }
0x12c: {  	[sflag:s20] =	ssyncadd.s32 $0xFFFFE000  }
0x12d: {  	_ =	swait.ge [sflag:s14], $0x2000  }
0x12e: {  	[sflag:s14] =	ssyncset.done $0x0  }
0x12f: {  	s29 =	simm.s32 $0xB80;
	[sflag:s14] =	ssyncadd.s32 $0xFFFFE000  }
0x130: {  	[tilespmem:s17], [sflag:$0x4] =	stream.indirect.gather [hbm4b:s4+s11], $0x40, s29, s11, $0xb8;
	[tilespmem:$0x13200] =	vst v63  }
0x131: {  	s23 =	simm.s32 $0x2300  }
0x132: {  	[spmem:s1] =	stream.indirect.scatter.add.f32 [tilespmem:s12], [sflag:$0x5], $0x40, s23, s11, $0xb8;
	[tilespmem:$0x13200] =	vst v63  }
0x133: {  	_ =	swait.ge [sflag:s21], $0x2000  }
0x134: {  	[sflag:s21] =	ssyncset.done $0x0  }
0x135: {  	[sflag:s21] =	ssyncadd.s32 $0xFFFFE000  }
0x136: {  	_ =	swait.ge [sflag:s22], $0x2000  }
0x137: {  	[sflag:s22] =	ssyncset.done $0x0  }
0x138: {  	s24 =	simm.s32 $0xC00;
	[sflag:s22] =	ssyncadd.s32 $0xFFFFE000  }
0x139: {  	[tilespmem:s12], [sflag:$0x1] =	stream.indirect.gather [hbm4b:s4+s11], $0x40, s24, s11, $0xb8;
	[tilespmem:$0x13200] =	vst v63  }
0x13a: {  	s28 =	simm.s32 $0x2380  }
0x13b: {  	[spmem:s1] =	stream.indirect.scatter.add.f32 [tilespmem:s13], [sflag:$0x6], $0x40, s28, s11, $0xb8;
	[tilespmem:$0x13200] =	vst v63  }
0x13c: {  	_ =	swait.ge [sflag:s25], $0x2000  }
0x13d: {  	[sflag:s25] =	ssyncset.done $0x0  }
0x13e: {  	[sflag:s25] =	ssyncadd.s32 $0xFFFFE000  }
0x13f: {  	_ =	swait.ge [sflag:s26], $0x2000  }
0x140: {  	[sflag:s26] =	ssyncset.done $0x0  }
0x141: {  	s29 =	simm.s32 $0xC80;
	[sflag:s26] =	ssyncadd.s32 $0xFFFFE000  }
0x142: {  	[tilespmem:s13], [sflag:$0x2] =	stream.indirect.gather [hbm4b:s4+s11], $0x40, s29, s11, $0xb8;
	[tilespmem:$0x13200] =	vst v63  }
0x143: {  	s23 =	simm.s32 $0x2400  }
0x144: {  	[spmem:s1] =	stream.indirect.scatter.add.f32 [tilespmem:s15], [sflag:$0x7], $0x40, s23, s11, $0xb8;
	[tilespmem:$0x13200] =	vst v63  }
0x145: {  	_ =	swait.ge [sflag:s30], $0x2000  }
0x146: {  	[sflag:s30] =	ssyncset.done $0x0  }
0x147: {  	[sflag:s30] =	ssyncadd.s32 $0xFFFFE000  }
0x148: {  	_ =	swait.ge [sflag:s31], $0x2000  }
0x149: {  	[sflag:s31] =	ssyncset.done $0x0  }
0x14a: {  	s24 =	simm.s32 $0xD00;
	[sflag:s31] =	ssyncadd.s32 $0xFFFFE000  }
0x14b: {  	[tilespmem:s15], [sflag:$0x3] =	stream.indirect.gather [hbm4b:s4+s11], $0x40, s24, s11, $0xb8;
	[tilespmem:$0x13200] =	vst v63  }
0x14c: {  	s28 =	simm.s32 $0x2480  }
0x14d: {  	[spmem:s1] =	stream.indirect.scatter.add.f32 [tilespmem:s17], [sflag:$0x8], $0x40, s28, s11, $0xb8;
	[tilespmem:$0x13200] =	vst v63  }
0x14e: {  	_ =	swait.ge [sflag:s20], $0x2000  }
0x14f: {  	[sflag:s20] =	ssyncset.done $0x0  }
0x150: {  	[sflag:s20] =	ssyncadd.s32 $0xFFFFE000  }
0x151: {  	_ =	swait.ge [sflag:s14], $0x2000  }
0x152: {  	[sflag:s14] =	ssyncset.done $0x0  }
0x153: {  	s29 =	simm.s32 $0xD80;
	[sflag:s14] =	ssyncadd.s32 $0xFFFFE000  }
0x154: {  	[tilespmem:s17], [sflag:$0x4] =	stream.indirect.gather [hbm4b:s4+s11], $0x40, s29, s11, $0xb8;
	[tilespmem:$0x13200] =	vst v63  }
0x155: {  	s23 =	simm.s32 $0x2500  }
0x156: {  	[spmem:s1] =	stream.indirect.scatter.add.f32 [tilespmem:s12], [sflag:$0x5], $0x40, s23, s11, $0xb8;
	[tilespmem:$0x13200] =	vst v63  }
0x157: {  	_ =	swait.ge [sflag:s21], $0x2000  }
0x158: {  	[sflag:s21] =	ssyncset.done $0x0  }
0x159: {  	[sflag:s21] =	ssyncadd.s32 $0xFFFFE000  }
0x15a: {  	_ =	swait.ge [sflag:s22], $0x2000  }
0x15b: {  	[sflag:s22] =	ssyncset.done $0x0  }
0x15c: {  	s24 =	simm.s32 $0xE00;
	[sflag:s22] =	ssyncadd.s32 $0xFFFFE000  }
0x15d: {  	[tilespmem:s12], [sflag:$0x1] =	stream.indirect.gather [hbm4b:s4+s11], $0x40, s24, s11, $0xb8;
	[tilespmem:$0x13200] =	vst v63  }
0x15e: {  	s28 =	simm.s32 $0x2580  }
0x15f: {  	[spmem:s1] =	stream.indirect.scatter.add.f32 [tilespmem:s13], [sflag:$0x6], $0x40, s28, s11, $0xb8;
	[tilespmem:$0x13200] =	vst v63  }
0x160: {  	_ =	swait.ge [sflag:s25], $0x2000  }
0x161: {  	[sflag:s25] =	ssyncset.done $0x0  }
0x162: {  	[sflag:s25] =	ssyncadd.s32 $0xFFFFE000  }
0x163: {  	_ =	swait.ge [sflag:s26], $0x2000  }
0x164: {  	[sflag:s26] =	ssyncset.done $0x0  }
0x165: {  	s29 =	simm.s32 $0xE80;
	[sflag:s26] =	ssyncadd.s32 $0xFFFFE000  }
0x166: {  	[tilespmem:s13], [sflag:$0x2] =	stream.indirect.gather [hbm4b:s4+s11], $0x40, s29, s11, $0xb8;
	[tilespmem:$0x13200] =	vst v63  }
0x167: {  	s23 =	simm.s32 $0x2600  }
0x168: {  	[spmem:s1] =	stream.indirect.scatter.add.f32 [tilespmem:s15], [sflag:$0x7], $0x40, s23, s11, $0xb8;
	[tilespmem:$0x13200] =	vst v63  }
0x169: {  	_ =	swait.ge [sflag:s30], $0x2000  }
0x16a: {  	[sflag:s30] =	ssyncset.done $0x0  }
0x16b: {  	[sflag:s30] =	ssyncadd.s32 $0xFFFFE000  }
0x16c: {  	_ =	swait.ge [sflag:s31], $0x2000  }
0x16d: {  	[sflag:s31] =	ssyncset.done $0x0  }
0x16e: {  	s24 =	simm.s32 $0xF00;
	[sflag:s31] =	ssyncadd.s32 $0xFFFFE000  }
0x16f: {  	[tilespmem:s15], [sflag:$0x3] =	stream.indirect.gather [hbm4b:s4+s11], $0x40, s24, s11, $0xb8;
	[tilespmem:$0x13200] =	vst v63  }
0x170: {  	s28 =	simm.s32 $0x2680  }
0x171: {  	[spmem:s1] =	stream.indirect.scatter.add.f32 [tilespmem:s17], [sflag:$0x8], $0x40, s28, s11, $0xb8;
	[tilespmem:$0x13200] =	vst v63  }
0x172: {  	_ =	swait.ge [sflag:s20], $0x2000  }
0x173: {  	[sflag:s20] =	ssyncset.done $0x0  }
0x174: {  	[sflag:s20] =	ssyncadd.s32 $0xFFFFE000  }
0x175: {  	_ =	swait.ge [sflag:s14], $0x2000  }
0x176: {  	[sflag:s14] =	ssyncset.done $0x0  }
0x177: {  	s29 =	simm.s32 $0xF80;
	[sflag:s14] =	ssyncadd.s32 $0xFFFFE000  }
0x178: {  	[tilespmem:s17], [sflag:$0x4] =	stream.indirect.gather [hbm4b:s4+s11], $0x40, s29, s11, $0xb8;
	[tilespmem:$0x13200] =	vst v63  }
0x179: {  	s23 =	simm.s32 $0x2700  }
0x17a: {  	[spmem:s1] =	stream.indirect.scatter.add.f32 [tilespmem:s12], [sflag:$0x5], $0x40, s23, s11, $0xb8;
	[tilespmem:$0x13200] =	vst v63  }
0x17b: {  	_ =	swait.ge [sflag:s21], $0x2000  }
0x17c: {  	[sflag:s21] =	ssyncset.done $0x0  }
0x17d: {  	[sflag:s21] =	ssyncadd.s32 $0xFFFFE000  }
0x17e: {  	_ =	swait.ge [sflag:s22], $0x2000  }
0x17f: {  	[sflag:s22] =	ssyncset.done $0x0  }
0x180: {  	s24 =	simm.s32 $0x1000;
	[sflag:s22] =	ssyncadd.s32 $0xFFFFE000  }
0x181: {  	[tilespmem:s12], [sflag:$0x1] =	stream.indirect.gather [hbm4b:s4+s11], $0x40, s24, s11, $0xb8;
	[tilespmem:$0x13200] =	vst v63  }
0x182: {  	s28 =	simm.s32 $0x2780  }
0x183: {  	[spmem:s1] =	stream.indirect.scatter.add.f32 [tilespmem:s13], [sflag:$0x6], $0x40, s28, s11, $0xb8;
	[tilespmem:$0x13200] =	vst v63  }
0x184: {  	_ =	swait.ge [sflag:s25], $0x2000  }
0x185: {  	[sflag:s25] =	ssyncset.done $0x0  }
0x186: {  	[sflag:s25] =	ssyncadd.s32 $0xFFFFE000  }
0x187: {  	_ =	swait.ge [sflag:s26], $0x2000  }
0x188: {  	[sflag:s26] =	ssyncset.done $0x0  }
0x189: {  	s29 =	simm.s32 $0x1080;
	[sflag:s26] =	ssyncadd.s32 $0xFFFFE000  }
0x18a: {  	[tilespmem:s13], [sflag:$0x2] =	stream.indirect.gather [hbm4b:s4+s11], $0x40, s29, s11, $0xb8;
	[tilespmem:$0x13200] =	vst v63  }
0x18b: {  	s23 =	simm.s32 $0x2800  }
0x18c: {  	[spmem:s1] =	stream.indirect.scatter.add.f32 [tilespmem:s15], [sflag:$0x7], $0x40, s23, s11, $0xb8;
	[tilespmem:$0x13200] =	vst v63  }
0x18d: {  	_ =	swait.ge [sflag:s30], $0x2000  }
0x18e: {  	[sflag:s30] =	ssyncset.done $0x0  }
0x18f: {  	[sflag:s30] =	ssyncadd.s32 $0xFFFFE000  }
0x190: {  	_ =	swait.ge [sflag:s31], $0x2000  }
0x191: {  	[sflag:s31] =	ssyncset.done $0x0  }
0x192: {  	s24 =	simm.s32 $0x1100;
	[sflag:s31] =	ssyncadd.s32 $0xFFFFE000  }
0x193: {  	[tilespmem:s15], [sflag:$0x3] =	stream.indirect.gather [hbm4b:s4+s11], $0x40, s24, s11, $0xb8;
	[tilespmem:$0x13200] =	vst v63  }
0x194: {  	s28 =	simm.s32 $0x2880  }
0x195: {  	[spmem:s1] =	stream.indirect.scatter.add.f32 [tilespmem:s17], [sflag:$0x8], $0x40, s28, s11, $0xb8;
	[tilespmem:$0x13200] =	vst v63  }
0x196: {  	_ =	swait.ge [sflag:s20], $0x2000  }
0x197: {  	[sflag:s20] =	ssyncset.done $0x0  }
0x198: {  	[sflag:s20] =	ssyncadd.s32 $0xFFFFE000  }
0x199: {  	_ =	swait.ge [sflag:s14], $0x2000  }
0x19a: {  	[sflag:s14] =	ssyncset.done $0x0  }
0x19b: {  	s29 =	simm.s32 $0x1180;
	[sflag:s14] =	ssyncadd.s32 $0xFFFFE000  }
0x19c: {  	[tilespmem:s17], [sflag:$0x4] =	stream.indirect.gather [hbm4b:s4+s11], $0x40, s29, s11, $0xb8;
	[tilespmem:$0x13200] =	vst v63  }
0x19d: {  	s23 =	simm.s32 $0x2900  }
0x19e: {  	[spmem:s1] =	stream.indirect.scatter.add.f32 [tilespmem:s12], [sflag:$0x5], $0x40, s23, s11, $0xb8;
	[tilespmem:$0x13200] =	vst v63  }
0x19f: {  	_ =	swait.ge [sflag:s21], $0x2000  }
0x1a0: {  	[sflag:s21] =	ssyncset.done $0x0  }
0x1a1: {  	[sflag:s21] =	ssyncadd.s32 $0xFFFFE000  }
0x1a2: {  	_ =	swait.ge [sflag:s22], $0x2000  }
0x1a3: {  	[sflag:s22] =	ssyncset.done $0x0  }
0x1a4: {  	s24 =	simm.s32 $0x1200;
	[sflag:s22] =	ssyncadd.s32 $0xFFFFE000  }
0x1a5: {  	[tilespmem:s12], [sflag:$0x1] =	stream.indirect.gather [hbm4b:s4+s11], $0x40, s24, s11, $0xb8;
	[tilespmem:$0x13200] =	vst v63  }
0x1a6: {  	s28 =	simm.s32 $0x2980  }
0x1a7: {  	[spmem:s1] =	stream.indirect.scatter.add.f32 [tilespmem:s13], [sflag:$0x6], $0x40, s28, s11, $0xb8;
	[tilespmem:$0x13200] =	vst v63  }
0x1a8: {  	_ =	swait.ge [sflag:s25], $0x2000  }
0x1a9: {  	[sflag:s25] =	ssyncset.done $0x0  }
0x1aa: {  	[sflag:s25] =	ssyncadd.s32 $0xFFFFE000  }
0x1ab: {  	_ =	swait.ge [sflag:s26], $0x2000  }
0x1ac: {  	[sflag:s26] =	ssyncset.done $0x0  }
0x1ad: {  	s29 =	simm.s32 $0x1280;
	[sflag:s26] =	ssyncadd.s32 $0xFFFFE000  }
0x1ae: {  	[tilespmem:s13], [sflag:$0x2] =	stream.indirect.gather [hbm4b:s4+s11], $0x40, s29, s11, $0xb8;
	[tilespmem:$0x13200] =	vst v63  }
0x1af: {  	s23 =	simm.s32 $0x2A00  }
0x1b0: {  	[spmem:s1] =	stream.indirect.scatter.add.f32 [tilespmem:s15], [sflag:$0x7], $0x40, s23, s11, $0xb8;
	[tilespmem:$0x13200] =	vst v63  }
0x1b1: {  	_ =	swait.ge [sflag:s30], $0x2000  }
0x1b2: {  	[sflag:s30] =	ssyncset.done $0x0  }
0x1b3: {  	[sflag:s30] =	ssyncadd.s32 $0xFFFFE000  }
0x1b4: {  	_ =	swait.ge [sflag:s31], $0x2000  }
0x1b5: {  	[sflag:s31] =	ssyncset.done $0x0  }
0x1b6: {  	s24 =	simm.s32 $0x1300;
	[sflag:s31] =	ssyncadd.s32 $0xFFFFE000  }
0x1b7: {  	[tilespmem:s15], [sflag:$0x3] =	stream.indirect.gather [hbm4b:s4+s11], $0x40, s24, s11, $0xb8;
	[tilespmem:$0x13200] =	vst v63  }
0x1b8: {  	s28 =	simm.s32 $0x2A80  }
0x1b9: {  	[spmem:s1] =	stream.indirect.scatter.add.f32 [tilespmem:s17], [sflag:$0x8], $0x40, s28, s11, $0xb8;
	[tilespmem:$0x13200] =	vst v63  }
0x1ba: {  	_ =	swait.ge [sflag:s20], $0x2000  }
0x1bb: {  	[sflag:s20] =	ssyncset.done $0x0  }
0x1bc: {  	[sflag:s20] =	ssyncadd.s32 $0xFFFFE000  }
0x1bd: {  	_ =	swait.ge [sflag:s14], $0x2000  }
0x1be: {  	[sflag:s14] =	ssyncset.done $0x0  }
0x1bf: {  	s29 =	simm.s32 $0x1380;
	[sflag:s14] =	ssyncadd.s32 $0xFFFFE000  }
0x1c0: {  	[tilespmem:s17], [sflag:$0x4] =	stream.indirect.gather [hbm4b:s4+s11], $0x40, s29, s11, $0xb8;
	[tilespmem:$0x13200] =	vst v63  }
0x1c1: {  	s23 =	simm.s32 $0x2B00  }
0x1c2: {  	[spmem:s1] =	stream.indirect.scatter.add.f32 [tilespmem:s12], [sflag:$0x5], $0x40, s23, s11, $0xb8;
	[tilespmem:$0x13200] =	vst v63  }
0x1c3: {  	_ =	swait.ge [sflag:s21], $0x2000  }
0x1c4: {  	[sflag:s21] =	ssyncset.done $0x0  }
0x1c5: {  	[sflag:s21] =	ssyncadd.s32 $0xFFFFE000  }
0x1c6: {  	_ =	swait.ge [sflag:s22], $0x2000  }
0x1c7: {  	[sflag:s22] =	ssyncset.done $0x0  }
0x1c8: {  	s24 =	simm.s32 $0x1400;
	[sflag:s22] =	ssyncadd.s32 $0xFFFFE000  }
0x1c9: {  	[tilespmem:s12], [sflag:$0x1] =	stream.indirect.gather [hbm4b:s4+s11], $0x40, s24, s11, $0xb8;
	[tilespmem:$0x13200] =	vst v63  }
0x1ca: {  	s28 =	simm.s32 $0x2B80  }
0x1cb: {  	[spmem:s1] =	stream.indirect.scatter.add.f32 [tilespmem:s13], [sflag:$0x6], $0x40, s28, s11, $0xb8;
	[tilespmem:$0x13200] =	vst v63  }
0x1cc: {  	_ =	swait.ge [sflag:s25], $0x2000  }
0x1cd: {  	[sflag:s25] =	ssyncset.done $0x0  }
0x1ce: {  	[sflag:s25] =	ssyncadd.s32 $0xFFFFE000  }
0x1cf: {  	_ =	swait.ge [sflag:s26], $0x2000  }
0x1d0: {  	[sflag:s26] =	ssyncset.done $0x0  }
0x1d1: {  	s29 =	simm.s32 $0x1480;
	[sflag:s26] =	ssyncadd.s32 $0xFFFFE000  }
0x1d2: {  	[tilespmem:s13], [sflag:$0x2] =	stream.indirect.gather [hbm4b:s4+s11], $0x40, s29, s11, $0xb8;
	[tilespmem:$0x13200] =	vst v63  }
0x1d3: {  	s23 =	simm.s32 $0x2C00  }
0x1d4: {  	[spmem:s1] =	stream.indirect.scatter.add.f32 [tilespmem:s15], [sflag:$0x7], $0x40, s23, s11, $0xb8;
	[tilespmem:$0x13200] =	vst v63  }
0x1d5: {  	_ =	swait.ge [sflag:s30], $0x2000  }
0x1d6: {  	[sflag:s30] =	ssyncset.done $0x0  }
0x1d7: {  	[sflag:s30] =	ssyncadd.s32 $0xFFFFE000  }
0x1d8: {  	_ =	swait.ge [sflag:s31], $0x2000  }
0x1d9: {  	[sflag:s31] =	ssyncset.done $0x0  }
0x1da: {  	s24 =	simm.s32 $0x1500;
	[sflag:s31] =	ssyncadd.s32 $0xFFFFE000  }
0x1db: {  	[tilespmem:s15], [sflag:$0x3] =	stream.indirect.gather [hbm4b:s4+s11], $0x40, s24, s11, $0xb8;
	[tilespmem:$0x13200] =	vst v63  }
0x1dc: {  	s28 =	simm.s32 $0x2C80  }
0x1dd: {  	[spmem:s1] =	stream.indirect.scatter.add.f32 [tilespmem:s17], [sflag:$0x8], $0x40, s28, s11, $0xb8;
	[tilespmem:$0x13200] =	vst v63  }
0x1de: {  	_ =	swait.ge [sflag:s20], $0x2000  }
0x1df: {  	[sflag:s20] =	ssyncset.done $0x0  }
0x1e0: {  	[sflag:s20] =	ssyncadd.s32 $0xFFFFE000  }
0x1e1: {  	_ =	swait.ge [sflag:s14], $0x2000  }
0x1e2: {  	[sflag:s14] =	ssyncset.done $0x0  }
0x1e3: {  	s29 =	simm.s32 $0x1580;
	[sflag:s14] =	ssyncadd.s32 $0xFFFFE000  }
0x1e4: {  	[tilespmem:s17], [sflag:$0x4] =	stream.indirect.gather [hbm4b:s4+s11], $0x40, s29, s11, $0xb8;
	[tilespmem:$0x13200] =	vst v63  }
0x1e5: {  	s23 =	simm.s32 $0x2D00  }
0x1e6: {  	[spmem:s1] =	stream.indirect.scatter.add.f32 [tilespmem:s12], [sflag:$0x5], $0x40, s23, s11, $0xb8;
	[tilespmem:$0x13200] =	vst v63  }
0x1e7: {  	_ =	swait.ge [sflag:s21], $0x2000  }
0x1e8: {  	[sflag:s21] =	ssyncset.done $0x0  }
0x1e9: {  	[sflag:s21] =	ssyncadd.s32 $0xFFFFE000  }
0x1ea: {  	_ =	swait.ge [sflag:s22], $0x2000  }
0x1eb: {  	[sflag:s22] =	ssyncset.done $0x0  }
0x1ec: {  	s24 =	simm.s32 $0x1600;
	[sflag:s22] =	ssyncadd.s32 $0xFFFFE000  }
0x1ed: {  	[tilespmem:s12], [sflag:$0x1] =	stream.indirect.gather [hbm4b:s4+s11], $0x40, s24, s11, $0xb8;
	[tilespmem:$0x13200] =	vst v63  }
0x1ee: {  	s28 =	simm.s32 $0x2D80  }
0x1ef: {  	[spmem:s1] =	stream.indirect.scatter.add.f32 [tilespmem:s13], [sflag:$0x6], $0x40, s28, s11, $0xb8;
	[tilespmem:$0x13200] =	vst v63  }
0x1f0: {  	_ =	swait.ge [sflag:s25], $0x2000  }
0x1f1: {  	[sflag:s25] =	ssyncset.done $0x0  }
0x1f2: {  	[sflag:s25] =	ssyncadd.s32 $0xFFFFE000  }
0x1f3: {  	_ =	swait.ge [sflag:s26], $0x2000  }
0x1f4: {  	[sflag:s26] =	ssyncset.done $0x0  }
0x1f5: {  	s29 =	simm.s32 $0x1680;
	[sflag:s26] =	ssyncadd.s32 $0xFFFFE000  }
0x1f6: {  	[tilespmem:s13], [sflag:$0x2] =	stream.indirect.gather [hbm4b:s4+s11], $0x40, s29, s11, $0xb8;
	[tilespmem:$0x13200] =	vst v63  }
0x1f7: {  	s23 =	simm.s32 $0x2E00  }
0x1f8: {  	[spmem:s1] =	stream.indirect.scatter.add.f32 [tilespmem:s15], [sflag:$0x7], $0x40, s23, s11, $0xb8;
	[tilespmem:$0x13200] =	vst v63  }
0x1f9: {  	_ =	swait.ge [sflag:s30], $0x2000  }
0x1fa: {  	[sflag:s30] =	ssyncset.done $0x0  }
0x1fb: {  	[sflag:s30] =	ssyncadd.s32 $0xFFFFE000  }
0x1fc: {  	_ =	swait.ge [sflag:s31], $0x2000  }
0x1fd: {  	[sflag:s31] =	ssyncset.done $0x0  }
0x1fe: {  	s24 =	simm.s32 $0x1700;
	[sflag:s31] =	ssyncadd.s32 $0xFFFFE000  }
0x1ff: {  	[tilespmem:s15], [sflag:$0x3] =	stream.indirect.gather [hbm4b:s4+s11], $0x40, s24, s11, $0xb8;
	[tilespmem:$0x13200] =	vst v63  }
0x200: {  	s28 =	simm.s32 $0x2E80  }
0x201: {  	[spmem:s1] =	stream.indirect.scatter.add.f32 [tilespmem:s17], [sflag:$0x8], $0x40, s28, s11, $0xb8;
	[tilespmem:$0x13200] =	vst v63  }
0x202: {  	_ =	swait.ge [sflag:s20], $0x2000  }
0x203: {  	[sflag:s20] =	ssyncset.done $0x0  }
0x204: {  	[sflag:s20] =	ssyncadd.s32 $0xFFFFE000  }
0x205: {  	_ =	swait.ge [sflag:s14], $0x2000  }
0x206: {  	[sflag:s14] =	ssyncset.done $0x0  }
0x207: {  	s29 =	simm.s32 $0x1780;
	[sflag:s14] =	ssyncadd.s32 $0xFFFFE000  }
0x208: {  	[tilespmem:s17], [sflag:$0x4] =	stream.indirect.gather [hbm4b:s4+s11], $0x40, s29, s11, $0xb8;
	[tilespmem:$0x13200] =	vst v63  }
0x209: {  	s23 =	simm.s32 $0x2F00  }
0x20a: {  	[spmem:s1] =	stream.indirect.scatter.add.f32 [tilespmem:s12], [sflag:$0x5], $0x40, s23, s11, $0xb8;
	[tilespmem:$0x13200] =	vst v63  }
0x20b: {  	_ =	swait.ge [sflag:s21], $0x2000  }
0x20c: {  	[sflag:s21] =	ssyncset.done $0x0  }
0x20d: {  	[sflag:s21] =	ssyncadd.s32 $0xFFFFE000  }
0x20e: {  	_ =	swait.ge [sflag:s22], $0x2000  }
0x20f: {  	[sflag:s22] =	ssyncset.done $0x0  }
0x210: {  	s24 =	simm.s32 $0x1800;
	[sflag:s22] =	ssyncadd.s32 $0xFFFFE000  }
0x211: {  	[tilespmem:s12], [sflag:$0x1] =	stream.indirect.gather [hbm4b:s4+s11], $0x40, s24, s11, $0xb8;
	[tilespmem:$0x13200] =	vst v63  }
0x212: {  	s28 =	simm.s32 $0x2F80  }
0x213: {  	[spmem:s1] =	stream.indirect.scatter.add.f32 [tilespmem:s13], [sflag:$0x6], $0x40, s28, s11, $0xb8;
	[tilespmem:$0x13200] =	vst v63  }
0x214: {  	_ =	swait.ge [sflag:s25], $0x2000  }
0x215: {  	[sflag:s25] =	ssyncset.done $0x0  }
0x216: {  	[sflag:s25] =	ssyncadd.s32 $0xFFFFE000  }
0x217: {  	_ =	swait.ge [sflag:s26], $0x2000  }
0x218: {  	[sflag:s26] =	ssyncset.done $0x0  }
0x219: {  	s29 =	simm.s32 $0x1880;
	[sflag:s26] =	ssyncadd.s32 $0xFFFFE000  }
0x21a: {  	[tilespmem:s13], [sflag:$0x2] =	stream.indirect.gather [hbm4b:s4+s11], $0x40, s29, s11, $0xb8;
	[tilespmem:$0x13200] =	vst v63  }
0x21b: {  	s23 =	simm.s32 $0x3000  }
0x21c: {  	[spmem:s1] =	stream.indirect.scatter.add.f32 [tilespmem:s15], [sflag:$0x7], $0x40, s23, s11, $0xb8;
	[tilespmem:$0x13200] =	vst v63  }
0x21d: {  	_ =	swait.ge [sflag:s30], $0x2000  }
0x21e: {  	[sflag:s30] =	ssyncset.done $0x0  }
0x21f: {  	s24 =	simm.s32 $0x3080;
	[sflag:s30] =	ssyncadd.s32 $0xFFFFE000  }
0x220: {  	[spmem:s1] =	stream.indirect.scatter.add.f32 [tilespmem:s17], [sflag:$0x8], $0x40, s24, s11, $0xb8;
	[tilespmem:$0x13200] =	vst v63  }
0x221: {  	_ =	swait.ge [sflag:s20], $0x2000  }
0x222: {  	[sflag:s20] =	ssyncset.done $0x0  }
0x223: {  	s28 =	simm.s32 $0x3100;
	[sflag:s20] =	ssyncadd.s32 $0xFFFFE000  }
0x224: {  	[spmem:s1] =	stream.indirect.scatter.add.f32 [tilespmem:s12], [sflag:$0x5], $0x40, s28, s11, $0xb8;
	[tilespmem:$0x13200] =	vst v63  }
0x225: {  	_ =	swait.ge [sflag:s21], $0x2000  }
0x226: {  	[sflag:s21] =	ssyncset.done $0x0  }
0x227: {  	s29 =	simm.s32 $0x3180;
	[sflag:s21] =	ssyncadd.s32 $0xFFFFE000  }
0x228: {  	[spmem:s1] =	stream.indirect.scatter.add.f32 [tilespmem:s13], [sflag:$0x6], $0x40, s29, s11, $0xb8;
	[tilespmem:$0x13200] =	vst v63  }
0x229: {  	_ =	swait.ge [sflag:s22], $0x2000  }
0x22a: {  	[sflag:s22] =	ssyncset.done $0x0  }
0x22b: {  	[sflag:s22] =	ssyncadd.s32 $0xFFFFE000  }
0x22c: {  	_ =	swait.ge [sflag:s26], $0x2000  }
0x22d: {  	[sflag:s26] =	ssyncset.done $0x0  }
0x22e: {  	[sflag:s26] =	ssyncadd.s32 $0xFFFFE000  }
0x22f: {  	_ =	swait.ge [sflag:s31], $0x2000  }
0x230: {  	[sflag:s31] =	ssyncset.done $0x0  }
0x231: {  	[sflag:s31] =	ssyncadd.s32 $0xFFFFE000  }
0x232: {  	_ =	swait.ge [sflag:s14], $0x2000  }
0x233: {  	[sflag:s14] =	ssyncset.done $0x0  }
0x234: {  	[sflag:s14] =	ssyncadd.s32 $0xFFFFE000  }
0x235: {  	[tilespmem:s19], [sflag:$0x9] =	stream.linear.gather [spmem:s7], $0x2000, $0x38;
	[tilespmem:$0x13200] =	vst v63  }
0x236: {  	_ =	swait.ge [sflag:s10], $0x2000  }
0x237: {  	[sflag:s10] =	ssyncset.done $0x0  }
0x238: {  	s23 =	simm.s32 $0x0;
	[sflag:s10] =	ssyncadd.s32 $0xFFFFE000  }
0x239: {  	v2 =	vld [tilespmem:s23+$0xF200];
	_ =	sdelay $0x4  }
0x23a: {  	s16 =	simm.s32 $0xB400;
	v2 =	vmul.f32 $1.999999960e-02, v2  }
0x23b: {  	[tilespmem:s16+$0xFFFFFE40] =	vst v1  }
0x23c: {  	[tilespmem:s16+$0xFFFFFE00] =	vst v2  }
0x23d: {  	v2 =	vld [tilespmem:s23+$0xF210];
	_ =	sdelay $0x4  }
0x23e: {  	v2 =	vmul.f32 $1.999999960e-02, v2  }
0x23f: {  	[tilespmem:s16+$0xFFFFFE50] =	vst v1  }
0x240: {  	[tilespmem:s16+$0xFFFFFE10] =	vst v2  }
0x241: {  	v2 =	vld [tilespmem:s23+$0xF220];
	_ =	sdelay $0x4  }
0x242: {  	v2 =	vmul.f32 $1.999999960e-02, v2  }
0x243: {  	[tilespmem:s16+$0xFFFFFE60] =	vst v1  }
0x244: {  	[tilespmem:s16+$0xFFFFFE20] =	vst v2  }
0x245: {  	v2 =	vld [tilespmem:s23+$0xF230];
	_ =	sdelay $0x4  }
0x246: {  	v2 =	vmul.f32 $1.999999960e-02, v2  }
0x247: {  	[tilespmem:s16+$0xFFFFFE70] =	vst v1  }
0x248: {  	[tilespmem:s16+$0xFFFFFE30] =	vst v2  }
0x249: {  	v2 =	vld [tilespmem:s23+$0xF240];
	_ =	sdelay $0x4  }
0x24a: {  	v2 =	vmul.f32 $1.999999960e-02, v2  }
0x24b: {  	[tilespmem:s16+$0xFFFFFEC0] =	vst v1  }
0x24c: {  	[tilespmem:s16+$0xFFFFFE80] =	vst v2  }
0x24d: {  	v2 =	vld [tilespmem:s23+$0xF250];
	_ =	sdelay $0x4  }
0x24e: {  	v2 =	vmul.f32 $1.999999960e-02, v2  }
0x24f: {  	[tilespmem:s16+$0xFFFFFED0] =	vst v1  }
0x250: {  	[tilespmem:s16+$0xFFFFFE90] =	vst v2  }
0x251: {  	v2 =	vld [tilespmem:s23+$0xF260];
	_ =	sdelay $0x4  }
0x252: {  	v2 =	vmul.f32 $1.999999960e-02, v2  }
0x253: {  	[tilespmem:s16+$0xFFFFFEE0] =	vst v1  }
0x254: {  	[tilespmem:s16+$0xFFFFFEA0] =	vst v2  }
0x255: {  	v2 =	vld [tilespmem:s23+$0xF270];
	_ =	sdelay $0x4  }
0x256: {  	v2 =	vmul.f32 $1.999999960e-02, v2  }
0x257: {  	[tilespmem:s16+$0xFFFFFEF0] =	vst v1  }
0x258: {  	[tilespmem:s16+$0xFFFFFEB0] =	vst v2  }
0x259: {  	v2 =	vld [tilespmem:s23+$0xF280];
	_ =	sdelay $0x4  }
0x25a: {  	v2 =	vmul.f32 $1.999999960e-02, v2  }
0x25b: {  	[tilespmem:s16+$0xFFFFFF40] =	vst v1  }
0x25c: {  	[tilespmem:s16+$0xFFFFFF00] =	vst v2  }
0x25d: {  	v2 =	vld [tilespmem:s23+$0xF290];
	_ =	sdelay $0x4  }
0x25e: {  	v2 =	vmul.f32 $1.999999960e-02, v2  }
0x25f: {  	[tilespmem:s16+$0xFFFFFF50] =	vst v1  }
0x260: {  	[tilespmem:s16+$0xFFFFFF10] =	vst v2  }
0x261: {  	v2 =	vld [tilespmem:s23+$0xF2A0];
	_ =	sdelay $0x4  }
0x262: {  	v2 =	vmul.f32 $1.999999960e-02, v2  }
0x263: {  	[tilespmem:s16+$0xFFFFFF60] =	vst v1  }
0x264: {  	[tilespmem:s16+$0xFFFFFF20] =	vst v2  }
0x265: {  	v2 =	vld [tilespmem:s23+$0xF2B0];
	_ =	sdelay $0x4  }
0x266: {  	v2 =	vmul.f32 $1.999999960e-02, v2  }
0x267: {  	[tilespmem:s16+$0xFFFFFF70] =	vst v1  }
0x268: {  	[tilespmem:s16+$0xFFFFFF30] =	vst v2  }
0x269: {  	v2 =	vld [tilespmem:s23+$0xF2C0];
	_ =	sdelay $0x4  }
0x26a: {  	v2 =	vmul.f32 $1.999999960e-02, v2  }
0x26b: {  	[tilespmem:s16+$0xFFFFFFC0] =	vst v1  }
0x26c: {  	[tilespmem:s16+$0xFFFFFF80] =	vst v2  }
0x26d: {  	v2 =	vld [tilespmem:s23+$0xF2D0];
	_ =	sdelay $0x4  }
0x26e: {  	v2 =	vmul.f32 $1.999999960e-02, v2  }
0x26f: {  	[tilespmem:s16+$0xFFFFFFD0] =	vst v1  }
0x270: {  	[tilespmem:s16+$0xFFFFFF90] =	vst v2  }
0x271: {  	v2 =	vld [tilespmem:s23+$0xF2E0];
	_ =	sdelay $0x4  }
0x272: {  	v2 =	vmul.f32 $1.999999960e-02, v2  }
0x273: {  	[tilespmem:s16+$0xFFFFFFE0] =	vst v1  }
0x274: {  	[tilespmem:s16+$0xFFFFFFA0] =	vst v2  }
0x275: {  	v2 =	vld [tilespmem:s23+$0xF2F0];
	_ =	sdelay $0x4  }
0x276: {  	v2 =	vmul.f32 $1.999999960e-02, v2  }
0x277: {  	[tilespmem:s16+$0xFFFFFFF0] =	vst v1  }
0x278: {  	[tilespmem:s16+$0xFFFFFFB0] =	vst v2  }
0x279: {  	v2 =	vld [tilespmem:s23+$0xF300];
	_ =	sdelay $0x4  }
0x27a: {  	v2 =	vmul.f32 $1.999999960e-02, v2  }
0x27b: {  	[tilespmem:s16+$0x40] =	vst v1  }
0x27c: {  	[tilespmem:s16+$0x0] =	vst v2  }
0x27d: {  	v2 =	vld [tilespmem:s23+$0xF310];
	_ =	sdelay $0x4  }
0x27e: {  	v2 =	vmul.f32 $1.999999960e-02, v2  }
0x27f: {  	[tilespmem:s16+$0x50] =	vst v1  }
0x280: {  	[tilespmem:s16+$0x10] =	vst v2  }
0x281: {  	v2 =	vld [tilespmem:s23+$0xF320];
	_ =	sdelay $0x4  }
0x282: {  	v2 =	vmul.f32 $1.999999960e-02, v2  }
0x283: {  	[tilespmem:s16+$0x60] =	vst v1  }
0x284: {  	[tilespmem:s16+$0x20] =	vst v2  }
0x285: {  	v2 =	vld [tilespmem:s23+$0xF330];
	_ =	sdelay $0x4  }
0x286: {  	v2 =	vmul.f32 $1.999999960e-02, v2  }
0x287: {  	[tilespmem:s16+$0x70] =	vst v1  }
0x288: {  	[tilespmem:s16+$0x30] =	vst v2  }
0x289: {  	v2 =	vld [tilespmem:s23+$0xF340];
	_ =	sdelay $0x4  }
0x28a: {  	v2 =	vmul.f32 $1.999999960e-02, v2  }
0x28b: {  	[tilespmem:s16+$0xC0] =	vst v1  }
0x28c: {  	[tilespmem:s16+$0x80] =	vst v2  }
0x28d: {  	v2 =	vld [tilespmem:s23+$0xF350];
	_ =	sdelay $0x4  }
0x28e: {  	v2 =	vmul.f32 $1.999999960e-02, v2  }
0x28f: {  	[tilespmem:s16+$0xD0] =	vst v1  }
0x290: {  	[tilespmem:s16+$0x90] =	vst v2  }
0x291: {  	v2 =	vld [tilespmem:s23+$0xF360];
	_ =	sdelay $0x4  }
0x292: {  	v2 =	vmul.f32 $1.999999960e-02, v2  }
0x293: {  	[tilespmem:s16+$0xE0] =	vst v1  }
0x294: {  	[tilespmem:s16+$0xA0] =	vst v2  }
0x295: {  	v2 =	vld [tilespmem:s23+$0xF370];
	_ =	sdelay $0x4  }
0x296: {  	v2 =	vmul.f32 $1.999999960e-02, v2  }
0x297: {  	[tilespmem:s16+$0xF0] =	vst v1  }
0x298: {  	[tilespmem:s16+$0xB0] =	vst v2  }
0x299: {  	v2 =	vld [tilespmem:s23+$0xF380];
	_ =	sdelay $0x4  }
0x29a: {  	v2 =	vmul.f32 $1.999999960e-02, v2  }
0x29b: {  	[tilespmem:s16+$0x140] =	vst v1  }
0x29c: {  	[tilespmem:s16+$0x100] =	vst v2  }
0x29d: {  	v2 =	vld [tilespmem:s23+$0xF390];
	_ =	sdelay $0x4  }
0x29e: {  	v2 =	vmul.f32 $1.999999960e-02, v2  }
0x29f: {  	[tilespmem:s16+$0x150] =	vst v1  }
0x2a0: {  	[tilespmem:s16+$0x110] =	vst v2  }
0x2a1: {  	v2 =	vld [tilespmem:s23+$0xF3A0];
	_ =	sdelay $0x4  }
0x2a2: {  	v2 =	vmul.f32 $1.999999960e-02, v2  }
0x2a3: {  	[tilespmem:s16+$0x160] =	vst v1  }
0x2a4: {  	[tilespmem:s16+$0x120] =	vst v2  }
0x2a5: {  	v2 =	vld [tilespmem:s23+$0xF3B0];
	_ =	sdelay $0x4  }
0x2a6: {  	v2 =	vmul.f32 $1.999999960e-02, v2  }
0x2a7: {  	[tilespmem:s16+$0x170] =	vst v1  }
0x2a8: {  	[tilespmem:s16+$0x130] =	vst v2  }
0x2a9: {  	v2 =	vld [tilespmem:s23+$0xF3C0];
	_ =	sdelay $0x4  }
0x2aa: {  	v2 =	vmul.f32 $1.999999960e-02, v2  }
0x2ab: {  	[tilespmem:s16+$0x1C0] =	vst v1  }
0x2ac: {  	[tilespmem:s16+$0x180] =	vst v2  }
0x2ad: {  	v2 =	vld [tilespmem:s23+$0xF3D0];
	_ =	sdelay $0x4  }
0x2ae: {  	v2 =	vmul.f32 $1.999999960e-02, v2  }
0x2af: {  	[tilespmem:s16+$0x1D0] =	vst v1  }
0x2b0: {  	[tilespmem:s16+$0x190] =	vst v2  }
0x2b1: {  	v2 =	vld [tilespmem:s23+$0xF3E0];
	_ =	sdelay $0x4  }
0x2b2: {  	v2 =	vmul.f32 $1.999999960e-02, v2  }
0x2b3: {  	[tilespmem:s16+$0x1E0] =	vst v1  }
0x2b4: {  	[tilespmem:s16+$0x1A0] =	vst v2  }
0x2b5: {  	v2 =	vld [tilespmem:s23+$0xF3F0];
	_ =	sdelay $0x4  }
0x2b6: {  	s24 =	simm.s32 $0x1000;
	s23 =	simm.s32 $0x800;
	[tilespmem:s16+$0x1F0] =	vst v1;
	v2 =	vmul.f32 $1.999999960e-02, v2  }
.LBB2_6:
0x2b7: {  	s28 =	sshra.s32 s23, $0x2  }
0x2b8: {  	s23 =	smov.u32 s24;
	s29 =	sadd.s32 $0x800, s24;
	[tilespmem:s16+$0x1B0] =	vst v2;
	s16 =	sadd.s32 $0x400, s16  }
0x2b9: {  	p0 =	sne.s32 s24, $0x7800;
	v2 =	vld [tilespmem:s28+$0xF200];
	_ =	sdelay $0x4  }
0x2ba: {  	v2 =	vmul.f32 $1.999999960e-02, v2  }
0x2bb: {  	[tilespmem:s16+$0xFFFFFE40] =	vst v1  }
0x2bc: {  	[tilespmem:s16+$0xFFFFFE00] =	vst v2  }
0x2bd: {  	v2 =	vld [tilespmem:s28+$0xF210];
	_ =	sdelay $0x4  }
0x2be: {  	v2 =	vmul.f32 $1.999999960e-02, v2  }
0x2bf: {  	[tilespmem:s16+$0xFFFFFE50] =	vst v1  }
0x2c0: {  	[tilespmem:s16+$0xFFFFFE10] =	vst v2  }
0x2c1: {  	v2 =	vld [tilespmem:s28+$0xF220];
	_ =	sdelay $0x4  }
0x2c2: {  	v2 =	vmul.f32 $1.999999960e-02, v2  }
0x2c3: {  	[tilespmem:s16+$0xFFFFFE60] =	vst v1  }
0x2c4: {  	[tilespmem:s16+$0xFFFFFE20] =	vst v2  }
0x2c5: {  	v2 =	vld [tilespmem:s28+$0xF230];
	_ =	sdelay $0x4  }
0x2c6: {  	v2 =	vmul.f32 $1.999999960e-02, v2  }
0x2c7: {  	[tilespmem:s16+$0xFFFFFE70] =	vst v1  }
0x2c8: {  	[tilespmem:s16+$0xFFFFFE30] =	vst v2  }
0x2c9: {  	v2 =	vld [tilespmem:s28+$0xF240];
	_ =	sdelay $0x4  }
0x2ca: {  	v2 =	vmul.f32 $1.999999960e-02, v2  }
0x2cb: {  	[tilespmem:s16+$0xFFFFFEC0] =	vst v1  }
0x2cc: {  	[tilespmem:s16+$0xFFFFFE80] =	vst v2  }
0x2cd: {  	v2 =	vld [tilespmem:s28+$0xF250];
	_ =	sdelay $0x4  }
0x2ce: {  	v2 =	vmul.f32 $1.999999960e-02, v2  }
0x2cf: {  	[tilespmem:s16+$0xFFFFFED0] =	vst v1  }
0x2d0: {  	[tilespmem:s16+$0xFFFFFE90] =	vst v2  }
0x2d1: {  	v2 =	vld [tilespmem:s28+$0xF260];
	_ =	sdelay $0x4  }
0x2d2: {  	v2 =	vmul.f32 $1.999999960e-02, v2  }
0x2d3: {  	[tilespmem:s16+$0xFFFFFEE0] =	vst v1  }
0x2d4: {  	[tilespmem:s16+$0xFFFFFEA0] =	vst v2  }
0x2d5: {  	v2 =	vld [tilespmem:s28+$0xF270];
	_ =	sdelay $0x4  }
0x2d6: {  	v2 =	vmul.f32 $1.999999960e-02, v2  }
0x2d7: {  	[tilespmem:s16+$0xFFFFFEF0] =	vst v1  }
0x2d8: {  	[tilespmem:s16+$0xFFFFFEB0] =	vst v2  }
0x2d9: {  	v2 =	vld [tilespmem:s28+$0xF280];
	_ =	sdelay $0x4  }
0x2da: {  	v2 =	vmul.f32 $1.999999960e-02, v2  }
0x2db: {  	[tilespmem:s16+$0xFFFFFF40] =	vst v1  }
0x2dc: {  	[tilespmem:s16+$0xFFFFFF00] =	vst v2  }
0x2dd: {  	v2 =	vld [tilespmem:s28+$0xF290];
	_ =	sdelay $0x4  }
0x2de: {  	v2 =	vmul.f32 $1.999999960e-02, v2  }
0x2df: {  	[tilespmem:s16+$0xFFFFFF50] =	vst v1  }
0x2e0: {  	[tilespmem:s16+$0xFFFFFF10] =	vst v2  }
0x2e1: {  	v2 =	vld [tilespmem:s28+$0xF2A0];
	_ =	sdelay $0x4  }
0x2e2: {  	v2 =	vmul.f32 $1.999999960e-02, v2  }
0x2e3: {  	[tilespmem:s16+$0xFFFFFF60] =	vst v1  }
0x2e4: {  	[tilespmem:s16+$0xFFFFFF20] =	vst v2  }
0x2e5: {  	v2 =	vld [tilespmem:s28+$0xF2B0];
	_ =	sdelay $0x4  }
0x2e6: {  	v2 =	vmul.f32 $1.999999960e-02, v2  }
0x2e7: {  	[tilespmem:s16+$0xFFFFFF70] =	vst v1  }
0x2e8: {  	[tilespmem:s16+$0xFFFFFF30] =	vst v2  }
0x2e9: {  	v2 =	vld [tilespmem:s28+$0xF2C0];
	_ =	sdelay $0x4  }
0x2ea: {  	v2 =	vmul.f32 $1.999999960e-02, v2  }
0x2eb: {  	[tilespmem:s16+$0xFFFFFFC0] =	vst v1  }
0x2ec: {  	[tilespmem:s16+$0xFFFFFF80] =	vst v2  }
0x2ed: {  	v2 =	vld [tilespmem:s28+$0xF2D0];
	_ =	sdelay $0x4  }
0x2ee: {  	v2 =	vmul.f32 $1.999999960e-02, v2  }
0x2ef: {  	[tilespmem:s16+$0xFFFFFFD0] =	vst v1  }
0x2f0: {  	[tilespmem:s16+$0xFFFFFF90] =	vst v2  }
0x2f1: {  	v2 =	vld [tilespmem:s28+$0xF2E0];
	_ =	sdelay $0x4  }
0x2f2: {  	v2 =	vmul.f32 $1.999999960e-02, v2  }
0x2f3: {  	[tilespmem:s16+$0xFFFFFFE0] =	vst v1  }
0x2f4: {  	[tilespmem:s16+$0xFFFFFFA0] =	vst v2  }
0x2f5: {  	v2 =	vld [tilespmem:s28+$0xF2F0];
	_ =	sdelay $0x4  }
0x2f6: {  	v2 =	vmul.f32 $1.999999960e-02, v2  }
0x2f7: {  	[tilespmem:s16+$0xFFFFFFF0] =	vst v1  }
0x2f8: {  	[tilespmem:s16+$0xFFFFFFB0] =	vst v2  }
0x2f9: {  	v2 =	vld [tilespmem:s28+$0xF300]  }
0x2fa: {  	[tilespmem:s16+$0x40] =	vst v1;
	_ =	sdelay $0x3  }
0x2fb: {  	v2 =	vmul.f32 $1.999999960e-02, v2;
	_ =	sdelay $0x1  }
0x2fc: {  	[tilespmem:s16+$0x0] =	vst v2  }
0x2fd: {  	v2 =	vld [tilespmem:s28+$0xF310]  }
0x2fe: {  	[tilespmem:s16+$0x50] =	vst v1;
	_ =	sdelay $0x3  }
0x2ff: {  	v2 =	vmul.f32 $1.999999960e-02, v2;
	_ =	sdelay $0x1  }
0x300: {  	[tilespmem:s16+$0x10] =	vst v2  }
0x301: {  	v2 =	vld [tilespmem:s28+$0xF320]  }
0x302: {  	[tilespmem:s16+$0x60] =	vst v1;
	_ =	sdelay $0x3  }
0x303: {  	v2 =	vmul.f32 $1.999999960e-02, v2;
	_ =	sdelay $0x1  }
0x304: {  	[tilespmem:s16+$0x20] =	vst v2  }
0x305: {  	v2 =	vld [tilespmem:s28+$0xF330]  }
0x306: {  	[tilespmem:s16+$0x70] =	vst v1;
	_ =	sdelay $0x3  }
0x307: {  	v2 =	vmul.f32 $1.999999960e-02, v2;
	_ =	sdelay $0x1  }
0x308: {  	[tilespmem:s16+$0x30] =	vst v2  }
0x309: {  	v2 =	vld [tilespmem:s28+$0xF340]  }
0x30a: {  	[tilespmem:s16+$0xC0] =	vst v1;
	_ =	sdelay $0x3  }
0x30b: {  	v2 =	vmul.f32 $1.999999960e-02, v2;
	_ =	sdelay $0x1  }
0x30c: {  	[tilespmem:s16+$0x80] =	vst v2  }
0x30d: {  	v2 =	vld [tilespmem:s28+$0xF350]  }
0x30e: {  	[tilespmem:s16+$0xD0] =	vst v1;
	_ =	sdelay $0x3  }
0x30f: {  	v2 =	vmul.f32 $1.999999960e-02, v2;
	_ =	sdelay $0x1  }
0x310: {  	[tilespmem:s16+$0x90] =	vst v2  }
0x311: {  	v2 =	vld [tilespmem:s28+$0xF360]  }
0x312: {  	[tilespmem:s16+$0xE0] =	vst v1;
	_ =	sdelay $0x3  }
0x313: {  	v2 =	vmul.f32 $1.999999960e-02, v2;
	_ =	sdelay $0x1  }
0x314: {  	[tilespmem:s16+$0xA0] =	vst v2  }
0x315: {  	v2 =	vld [tilespmem:s28+$0xF370]  }
0x316: {  	[tilespmem:s16+$0xF0] =	vst v1;
	_ =	sdelay $0x3  }
0x317: {  	v2 =	vmul.f32 $1.999999960e-02, v2;
	_ =	sdelay $0x1  }
0x318: {  	[tilespmem:s16+$0xB0] =	vst v2  }
0x319: {  	v2 =	vld [tilespmem:s28+$0xF380]  }
0x31a: {  	[tilespmem:s16+$0x140] =	vst v1;
	_ =	sdelay $0x3  }
0x31b: {  	v2 =	vmul.f32 $1.999999960e-02, v2;
	_ =	sdelay $0x1  }
0x31c: {  	[tilespmem:s16+$0x100] =	vst v2  }
0x31d: {  	v2 =	vld [tilespmem:s28+$0xF390]  }
0x31e: {  	[tilespmem:s16+$0x150] =	vst v1;
	_ =	sdelay $0x3  }
0x31f: {  	v2 =	vmul.f32 $1.999999960e-02, v2;
	_ =	sdelay $0x1  }
0x320: {  	[tilespmem:s16+$0x110] =	vst v2  }
0x321: {  	v2 =	vld [tilespmem:s28+$0xF3A0]  }
0x322: {  	[tilespmem:s16+$0x160] =	vst v1;
	_ =	sdelay $0x3  }
0x323: {  	v2 =	vmul.f32 $1.999999960e-02, v2;
	_ =	sdelay $0x1  }
0x324: {  	[tilespmem:s16+$0x120] =	vst v2  }
0x325: {  	v2 =	vld [tilespmem:s28+$0xF3B0]  }
0x326: {  	[tilespmem:s16+$0x170] =	vst v1;
	_ =	sdelay $0x3  }
0x327: {  	v2 =	vmul.f32 $1.999999960e-02, v2;
	_ =	sdelay $0x1  }
0x328: {  	[tilespmem:s16+$0x130] =	vst v2  }
0x329: {  	v2 =	vld [tilespmem:s28+$0xF3C0]  }
0x32a: {  	[tilespmem:s16+$0x1C0] =	vst v1;
	_ =	sdelay $0x3  }
0x32b: {  	v2 =	vmul.f32 $1.999999960e-02, v2;
	_ =	sdelay $0x1  }
0x32c: {  	[tilespmem:s16+$0x180] =	vst v2  }
0x32d: {  	v2 =	vld [tilespmem:s28+$0xF3D0]  }
0x32e: {  	[tilespmem:s16+$0x1D0] =	vst v1;
	_ =	sdelay $0x3  }
0x32f: {  	v2 =	vmul.f32 $1.999999960e-02, v2;
	_ =	sdelay $0x1  }
0x330: {  	[tilespmem:s16+$0x190] =	vst v2  }
0x331: {  	v2 =	vld [tilespmem:s28+$0xF3E0]  }
0x332: {  	[tilespmem:s16+$0x1E0] =	vst v1;
	_ =	sdelay $0x3  }
0x333: {  	v2 =	vmul.f32 $1.999999960e-02, v2;
	_ =	sdelay $0x1  }
0x334: {  	[tilespmem:s16+$0x1A0] =	vst v2  }
0x335: {  	v2 =	vld [tilespmem:s28+$0xF3F0]  }
.Ltmp2:
0x336: {  	[tilespmem:s16+$0x1F0] =	vst v1;
	(pc) =	sbr.rel @p0 .LBB2_6-.Ltmp2, $2  }
0x337: {  	_ =	sdelay $0x2  }
0x338: {  	s24 =	smov.u32 s29;
	v2 =	vmul.f32 $1.999999960e-02, v2  }
0x339: {  	_ = 	snop  }
0x33a: {  	s23 =	sshra.s32 s23, $0x2;
	[tilespmem:s16+$0x1B0] =	vst v2  }
0x33b: {  	v2 =	vld [tilespmem:s23+$0xF200];
	_ =	sdelay $0x4  }
0x33c: {  	s29 =	sadd.s32 $0x400, s16;
	v2 =	vmul.f32 $1.999999960e-02, v2  }
0x33d: {  	[tilespmem:s29+$0xFFFFFE40] =	vst v1  }
0x33e: {  	[tilespmem:s29+$0xFFFFFE00] =	vst v2  }
0x33f: {  	v2 =	vld [tilespmem:s23+$0xF210];
	_ =	sdelay $0x4  }
0x340: {  	v2 =	vmul.f32 $1.999999960e-02, v2  }
0x341: {  	[tilespmem:s29+$0xFFFFFE50] =	vst v1  }
0x342: {  	[tilespmem:s29+$0xFFFFFE10] =	vst v2  }
0x343: {  	v2 =	vld [tilespmem:s23+$0xF220];
	_ =	sdelay $0x4  }
0x344: {  	v2 =	vmul.f32 $1.999999960e-02, v2  }
0x345: {  	[tilespmem:s29+$0xFFFFFE60] =	vst v1  }
0x346: {  	[tilespmem:s29+$0xFFFFFE20] =	vst v2  }
0x347: {  	v2 =	vld [tilespmem:s23+$0xF230];
	_ =	sdelay $0x4  }
0x348: {  	v2 =	vmul.f32 $1.999999960e-02, v2  }
0x349: {  	[tilespmem:s29+$0xFFFFFE70] =	vst v1  }
0x34a: {  	[tilespmem:s29+$0xFFFFFE30] =	vst v2  }
0x34b: {  	v2 =	vld [tilespmem:s23+$0xF240];
	_ =	sdelay $0x4  }
0x34c: {  	v2 =	vmul.f32 $1.999999960e-02, v2  }
0x34d: {  	[tilespmem:s29+$0xFFFFFEC0] =	vst v1  }
0x34e: {  	[tilespmem:s29+$0xFFFFFE80] =	vst v2  }
0x34f: {  	v2 =	vld [tilespmem:s23+$0xF250];
	_ =	sdelay $0x4  }
0x350: {  	v2 =	vmul.f32 $1.999999960e-02, v2  }
0x351: {  	[tilespmem:s29+$0xFFFFFED0] =	vst v1  }
0x352: {  	[tilespmem:s29+$0xFFFFFE90] =	vst v2  }
0x353: {  	v2 =	vld [tilespmem:s23+$0xF260];
	_ =	sdelay $0x4  }
0x354: {  	v2 =	vmul.f32 $1.999999960e-02, v2  }
0x355: {  	[tilespmem:s29+$0xFFFFFEE0] =	vst v1  }
0x356: {  	[tilespmem:s29+$0xFFFFFEA0] =	vst v2  }
0x357: {  	v2 =	vld [tilespmem:s23+$0xF270];
	_ =	sdelay $0x4  }
0x358: {  	v2 =	vmul.f32 $1.999999960e-02, v2  }
0x359: {  	[tilespmem:s29+$0xFFFFFEF0] =	vst v1  }
0x35a: {  	[tilespmem:s29+$0xFFFFFEB0] =	vst v2  }
0x35b: {  	v2 =	vld [tilespmem:s23+$0xF280];
	_ =	sdelay $0x4  }
0x35c: {  	v2 =	vmul.f32 $1.999999960e-02, v2  }
0x35d: {  	[tilespmem:s29+$0xFFFFFF40] =	vst v1  }
0x35e: {  	[tilespmem:s29+$0xFFFFFF00] =	vst v2  }
0x35f: {  	v2 =	vld [tilespmem:s23+$0xF290];
	_ =	sdelay $0x4  }
0x360: {  	v2 =	vmul.f32 $1.999999960e-02, v2  }
0x361: {  	[tilespmem:s29+$0xFFFFFF50] =	vst v1  }
0x362: {  	[tilespmem:s29+$0xFFFFFF10] =	vst v2  }
0x363: {  	v2 =	vld [tilespmem:s23+$0xF2A0];
	_ =	sdelay $0x4  }
0x364: {  	v2 =	vmul.f32 $1.999999960e-02, v2  }
0x365: {  	[tilespmem:s29+$0xFFFFFF60] =	vst v1  }
0x366: {  	[tilespmem:s29+$0xFFFFFF20] =	vst v2  }
0x367: {  	v2 =	vld [tilespmem:s23+$0xF2B0];
	_ =	sdelay $0x4  }
0x368: {  	v2 =	vmul.f32 $1.999999960e-02, v2  }
0x369: {  	[tilespmem:s29+$0xFFFFFF70] =	vst v1  }
0x36a: {  	[tilespmem:s29+$0xFFFFFF30] =	vst v2  }
0x36b: {  	v2 =	vld [tilespmem:s23+$0xF2C0];
	_ =	sdelay $0x4  }
0x36c: {  	v2 =	vmul.f32 $1.999999960e-02, v2  }
0x36d: {  	[tilespmem:s29+$0xFFFFFFC0] =	vst v1  }
0x36e: {  	[tilespmem:s29+$0xFFFFFF80] =	vst v2  }
0x36f: {  	v2 =	vld [tilespmem:s23+$0xF2D0];
	_ =	sdelay $0x4  }
0x370: {  	v2 =	vmul.f32 $1.999999960e-02, v2  }
0x371: {  	[tilespmem:s29+$0xFFFFFFD0] =	vst v1  }
0x372: {  	[tilespmem:s29+$0xFFFFFF90] =	vst v2  }
0x373: {  	v2 =	vld [tilespmem:s23+$0xF2E0];
	_ =	sdelay $0x4  }
0x374: {  	v2 =	vmul.f32 $1.999999960e-02, v2  }
0x375: {  	[tilespmem:s29+$0xFFFFFFE0] =	vst v1  }
0x376: {  	[tilespmem:s29+$0xFFFFFFA0] =	vst v2  }
0x377: {  	v2 =	vld [tilespmem:s23+$0xF2F0];
	_ =	sdelay $0x4  }
0x378: {  	v2 =	vmul.f32 $1.999999960e-02, v2  }
0x379: {  	[tilespmem:s29+$0xFFFFFFF0] =	vst v1  }
0x37a: {  	[tilespmem:s29+$0xFFFFFFB0] =	vst v2  }
0x37b: {  	v2 =	vld [tilespmem:s23+$0xF300];
	_ =	sdelay $0x4  }
0x37c: {  	v2 =	vmul.f32 $1.999999960e-02, v2  }
0x37d: {  	[tilespmem:s29+$0x40] =	vst v1  }
0x37e: {  	[tilespmem:s29+$0x0] =	vst v2  }
0x37f: {  	v2 =	vld [tilespmem:s23+$0xF310];
	_ =	sdelay $0x4  }
0x380: {  	v2 =	vmul.f32 $1.999999960e-02, v2  }
0x381: {  	[tilespmem:s29+$0x50] =	vst v1  }
0x382: {  	[tilespmem:s29+$0x10] =	vst v2  }
0x383: {  	v2 =	vld [tilespmem:s23+$0xF320];
	_ =	sdelay $0x4  }
0x384: {  	v2 =	vmul.f32 $1.999999960e-02, v2  }
0x385: {  	[tilespmem:s29+$0x60] =	vst v1  }
0x386: {  	[tilespmem:s29+$0x20] =	vst v2  }
0x387: {  	v2 =	vld [tilespmem:s23+$0xF330];
	_ =	sdelay $0x4  }
0x388: {  	v2 =	vmul.f32 $1.999999960e-02, v2  }
0x389: {  	[tilespmem:s29+$0x70] =	vst v1  }
0x38a: {  	[tilespmem:s29+$0x30] =	vst v2  }
0x38b: {  	v2 =	vld [tilespmem:s23+$0xF340];
	_ =	sdelay $0x4  }
0x38c: {  	v2 =	vmul.f32 $1.999999960e-02, v2  }
0x38d: {  	[tilespmem:s29+$0xC0] =	vst v1  }
0x38e: {  	[tilespmem:s29+$0x80] =	vst v2  }
0x38f: {  	v2 =	vld [tilespmem:s23+$0xF350];
	_ =	sdelay $0x4  }
0x390: {  	v2 =	vmul.f32 $1.999999960e-02, v2  }
0x391: {  	[tilespmem:s29+$0xD0] =	vst v1  }
0x392: {  	[tilespmem:s29+$0x90] =	vst v2  }
0x393: {  	v2 =	vld [tilespmem:s23+$0xF360];
	_ =	sdelay $0x4  }
0x394: {  	v2 =	vmul.f32 $1.999999960e-02, v2  }
0x395: {  	[tilespmem:s29+$0xE0] =	vst v1  }
0x396: {  	[tilespmem:s29+$0xA0] =	vst v2  }
0x397: {  	v2 =	vld [tilespmem:s23+$0xF370];
	_ =	sdelay $0x4  }
0x398: {  	v2 =	vmul.f32 $1.999999960e-02, v2  }
0x399: {  	[tilespmem:s29+$0xF0] =	vst v1  }
0x39a: {  	[tilespmem:s29+$0xB0] =	vst v2  }
0x39b: {  	v2 =	vld [tilespmem:s23+$0xF380];
	_ =	sdelay $0x4  }
0x39c: {  	v2 =	vmul.f32 $1.999999960e-02, v2  }
0x39d: {  	[tilespmem:s29+$0x140] =	vst v1  }
0x39e: {  	[tilespmem:s29+$0x100] =	vst v2  }
0x39f: {  	v2 =	vld [tilespmem:s23+$0xF390];
	_ =	sdelay $0x4  }
0x3a0: {  	v2 =	vmul.f32 $1.999999960e-02, v2  }
0x3a1: {  	[tilespmem:s29+$0x150] =	vst v1  }
0x3a2: {  	[tilespmem:s29+$0x110] =	vst v2  }
0x3a3: {  	v2 =	vld [tilespmem:s23+$0xF3A0];
	_ =	sdelay $0x4  }
0x3a4: {  	v2 =	vmul.f32 $1.999999960e-02, v2  }
0x3a5: {  	[tilespmem:s29+$0x160] =	vst v1  }
0x3a6: {  	[tilespmem:s29+$0x120] =	vst v2  }
0x3a7: {  	v2 =	vld [tilespmem:s23+$0xF3B0];
	_ =	sdelay $0x4  }
0x3a8: {  	v2 =	vmul.f32 $1.999999960e-02, v2  }
0x3a9: {  	[tilespmem:s29+$0x170] =	vst v1  }
0x3aa: {  	[tilespmem:s29+$0x130] =	vst v2  }
0x3ab: {  	v2 =	vld [tilespmem:s23+$0xF3C0];
	_ =	sdelay $0x4  }
0x3ac: {  	v2 =	vmul.f32 $1.999999960e-02, v2  }
0x3ad: {  	[tilespmem:s29+$0x1C0] =	vst v1  }
0x3ae: {  	[tilespmem:s29+$0x180] =	vst v2  }
0x3af: {  	v2 =	vld [tilespmem:s23+$0xF3D0];
	_ =	sdelay $0x4  }
0x3b0: {  	v2 =	vmul.f32 $1.999999960e-02, v2  }
0x3b1: {  	[tilespmem:s29+$0x1D0] =	vst v1  }
0x3b2: {  	[tilespmem:s29+$0x190] =	vst v2  }
0x3b3: {  	v2 =	vld [tilespmem:s23+$0xF3E0];
	_ =	sdelay $0x4  }
0x3b4: {  	v2 =	vmul.f32 $1.999999960e-02, v2  }
0x3b5: {  	[tilespmem:s29+$0x1E0] =	vst v1  }
0x3b6: {  	[tilespmem:s29+$0x1A0] =	vst v2  }
0x3b7: {  	v2 =	vld [tilespmem:s23+$0xF3F0];
	_ =	sdelay $0x4  }
0x3b8: {  	s2 =	sadd.s32 $0x1, s2;
	v2 =	vmul.f32 $1.999999960e-02, v2  }
0x3b9: {  	p0 =	sne.s32 s2, s9;
	[tilespmem:s29+$0x1F0] =	vst v1  }
.Ltmp3:
0x3ba: {  	[tilespmem:s29+$0x1B0] =	vst v2;
	(pc) =	sbr.rel @p0 .LBB2_1-.Ltmp3, $4  }
0x3bb: {  	[hbm4b:s8+s3] =	stream.linear.scatter [tilespmem:s0], [sflag:$0x9], $0x4000, $0x38;
	[tilespmem:$0x13200] =	vst v63  }
0x3bc: {  	_ =	swait.ge [sflag:s10], $0x4000  }
0x3bd: {  	[sflag:s10] =	ssyncset.done $0x0  }
0x3be: {  	[sflag:s10] =	ssyncadd.s32 $0xFFFFC000  }
0x3bf: {  	_ =	sfence.sel $0x180000  }
0x3c0: {  	[bflag:$0x0] =	sbarrier.arrive $0xFFFF  }
0x3c1: {  	_ =	strace $0x90000047  }
0x3c2: {  	s0 =	stileid.u32;
	[bflag:$0x2] =	sbarrier.arrive $0xFFFF  }
0x3c3: {  	p0 =	sne.s32 s0, $0x0;
	s0 =	rddreg [dreg:$0x3]  }
0x3c4: {  	s0 =	sadd.s32 @!p0 $0x100000, s0  }
0x3c5: {  	[sflag:s0] =	ssyncadd.tile.s32 @!p0 $0x1;
	_ =	shalt  }
.Lfunc_end2:
_tile_overlayer_lowered:
.L_overlay_start_2:
0x3c6: {  	(tag) =	ssettag $0x2  }
0x3c7: {  	s0 =	rddreg [dreg:$0x0];
	s2 =	stileid.u32  }
0x3c8: {  	s1 =	rddreg [dreg:$0x1];
	p0 =	sne.s32 s2, $0x0  }
0x3c9: {  	s3 =	rddreg [dreg:$0x2];
	[bflag:$0x3] =	sbarrier.arrive $0xFFFF;
	s2 =	simm.s32 @!p0 $0x1C09  }
0x3ca: {  	[timem:s3], [sflag:s2] =	dma.local @!p0 [hbm:s0], s1  }
0x3cb: {  	s0 =	simm.s32 @!p0 $0x9  }
0x3cc: {  	_ =	swait.ge @!p0 [sflag:s0], s1  }
0x3cd: {  	s1 =	ssub.s32 @!p0 $0x0, s1;
	[sflag:s0] =	ssyncset.done @!p0 $0x0  }
0x3ce: {  	[sflag:s0] =	ssyncadd.s32 @!p0 s1  }
0x3cf: {  	[bflag:$0x3] =	sbarrier.arrive $0xFFFF  }
0x3d0: {  	_ =	shalt  }

</sc_bundles>
